<compile_context>
chip_gen: v7x
topology: tpu7x:2x2x1
jax: 0.10.2.dev20260603
libtpu: 0.0.44.dev20260713+nightly
codegen_flags: <defaults>
</compile_context>

<pallas_src>
import functools

import jax
import jax.numpy as jnp
from jax import lax
from jax.experimental import pallas as pl
from jax.experimental.pallas import tpu as pltpu
from jax.experimental.pallas import tpu_sc as plsc

_NC = 2
_NS = 16
_C = 120
_RB = 1000

_THETA_G = ((3.0, -3.0, 0.75), (0.0, 3.0, -1.5), (0.0, 0.0, 0.75))
_THETA_K = ((1.0, 1.0, 1.0), (1.0, 1.0, 1.0), (1.0, 1.0, 1.0))

_f32 = jnp.float32
_i32 = jnp.int32



def _build_scatter(npad, d, e, mode, interpret=False):
  nsplit = _NC * _NS if mode == "edge" else _NS
  et = e // nsplit
  nch, rem = divmod(et, _C)
  nchp = ((nch + 7) // 8) * 8
  rrem = rem if rem else 8
  rpt = npad // _NS
  G = 8
  nout, nleft = divmod(nch, G)
  mesh = plsc.VectorSubcoreMesh(core_axis_name="c", subcore_axis_name="s")

  def body(x3, src_f, dst_f, src_r, dst_r, z, out,
           sidx, didx, src_rv, dst_rv, rows_a, rows_b, rows_c, agg,
           sga, sgb, sgc, ssa, ssb, ssc):
    c = lax.axis_index("c")
    s = lax.axis_index("s")
    w = s * _NC + c if mode == "edge" else s
    xi = 0 if mode == "edge" else c
    bufs = (rows_a, rows_b, rows_c)
    gsem = (sga, sgb, sgc)
    ssem = (ssa, ssb, ssc)
    if rem:
      pltpu.sync_copy(src_r.at[w], src_rv)
      pltpu.sync_copy(dst_r.at[w], dst_rv)
    r0 = pl.multiple_of(s * rpt, 8)
    pltpu.sync_copy(z.at[pl.ds(r0, rpt)], agg.at[pl.ds(r0, rpt)])
    plsc.subcore_barrier()

    @pl.loop(0, nout)
    def _(o):
      row = pl.multiple_of(w * nchp + o * G, 8)
      pltpu.sync_copy(src_f.at[pl.ds(row, G)], sidx)
      pltpu.sync_copy(dst_f.at[pl.ds(row, G)], didx)
      pg = [None] * 3
      ps = [None] * 3
      for t in range(G + 2):
        if t < G:
          b = t % 3
          if ps[b] is not None:
            ps[b].wait()
          pg[b] = pltpu.async_copy(x3.at[xi].at[sidx.at[t]], bufs[b],
                                   gsem[b])
        if t >= 2:
          tb = (t - 2) % 3
          pg[tb].wait()
          ps[tb] = pltpu.async_copy(bufs[tb], agg.at[didx.at[t - 2]],
                                    ssem[tb], add=True)
      for b in range(3):
        if ps[b] is not None:
          ps[b].wait()

    if nleft:
      row = pl.multiple_of(w * nchp + nout * G, 8)
      pltpu.sync_copy(src_f.at[pl.ds(row, G)], sidx)
      pltpu.sync_copy(dst_f.at[pl.ds(row, G)], didx)
      for k in range(nleft):
        pltpu.async_copy(x3.at[xi].at[sidx.at[k]], rows_a, sga).wait()
        pltpu.sync_copy(rows_a, agg.at[didx.at[k]], add=True)

    if rem:
      pltpu.async_copy(x3.at[xi].at[src_rv], rows_a.at[pl.ds(0, rem)],
                       sga).wait()
      pltpu.sync_copy(rows_a.at[pl.ds(0, rem)], agg.at[dst_rv], add=True)

    plsc.subcore_barrier()
    pltpu.sync_copy(agg.at[pl.ds(r0, rpt)], out.at[c].at[pl.ds(r0, rpt)])

  return pl.kernel(
      body,
      out_type=jax.ShapeDtypeStruct((_NC, npad, d), _f32),
      mesh=mesh,
      scratch_types=[
          pltpu.VMEM((G, _C), _i32),
          pltpu.VMEM((G, _C), _i32),
          pltpu.VMEM((rrem,), _i32),
          pltpu.VMEM((rrem,), _i32),
          pltpu.VMEM((_C, d), _f32),
          pltpu.VMEM((_C, d), _f32),
          pltpu.VMEM((_C, d), _f32),
          pltpu.VMEM_SHARED((npad, d), _f32),
          pltpu.SemaphoreType.DMA,
          pltpu.SemaphoreType.DMA,
          pltpu.SemaphoreType.DMA,
          pltpu.SemaphoreType.DMA,
          pltpu.SemaphoreType.DMA,
          pltpu.SemaphoreType.DMA,
      ],
      interpret=interpret,
  )


def _build_degree(n, e1, e2, interpret=False):
  nt = _NC * _NS
  et1, et2 = e1 // nt, e2 // nt
  mesh = plsc.VectorSubcoreMesh(core_axis_name="c", subcore_axis_name="s")

  def body(dg2, dk2, outg, outk, dstg_v, dstk_v, hist_v):
    ones = jnp.ones((16,), _f32)
    zeros = jnp.zeros((16,), _f32)
    c = lax.axis_index("c")
    s = lax.axis_index("s")
    w = s * _NC + c

    for et, dst2, dst_v, out in ((et1, dg2, dstg_v, outg),
                                 (et2, dk2, dstk_v, outk)):
      full, rem = divmod(et, 16)

      @pl.loop(0, n // 16)
      def _(i):
        hist_v[pl.ds(pl.multiple_of(i * 16, 16), 16)] = zeros

      pltpu.sync_copy(dst2.at[w], dst_v)

      @pl.loop(0, full)
      def _(i):
        idx = dst_v[pl.ds(pl.multiple_of(i * 16, 16), 16)]
        plsc.addupdate_scatter(hist_v, [idx], ones)

      if rem:
        idx = dst_v[pl.ds(et - 16, 16)]
        msk = lax.iota(_i32, 16) >= (16 - rem)
        plsc.addupdate_scatter(hist_v, [idx], ones, mask=msk)

      pltpu.sync_copy(hist_v, out.at[w])

  return pl.kernel(
      body,
      out_type=(jax.ShapeDtypeStruct((nt, n), _f32),
                jax.ShapeDtypeStruct((nt, n), _f32)),
      mesh=mesh,
      scratch_types=[
          pltpu.VMEM((et1,), _i32),
          pltpu.VMEM((et2,), _i32),
          pltpu.VMEM((n,), _f32),
      ],
      compiler_params=pltpu.CompilerParams(needs_layout_passes=False),
      interpret=interpret,
  )



def _rows(b, k):
  return pl.BlockSpec((b, k), lambda i: (i, 0))


def _whole(r, k):
  return pl.BlockSpec((r, k), lambda i: (0, 0))


def _build_prep(n, d, b, interpret=False):
  nt = _NC * _NS

  def body(x, w1, b1, w2, b2, hg, hk, h_o, xg_o, xk_o, dvg_o, dvk_o):
    h1 = jnp.maximum(
        jnp.dot(x[...], w1[...], preferred_element_type=_f32) + b1[...], 0.0)
    h = jnp.maximum(
        jnp.dot(h1, w2[...], preferred_element_type=_f32) + b2[...], 0.0)
    h_o[...] = h
    for hh, dv_o, x_o in ((hg, dvg_o, xg_o), (hk, dvk_o, xk_o)):
      deg = jnp.sum(hh[...], axis=1)[:, None]
      dv = lax.rsqrt(jnp.maximum(deg, 1.0))
      x_o[...] = h * dv
      dv_o[...] = jnp.broadcast_to(dv, (b, 8))

  return pl.pallas_call(
      body,
      grid=(n // b,),
      in_specs=[_rows(b, d), _whole(d, d), _whole(1, d), _whole(d, d),
                _whole(1, d),
                pl.BlockSpec((b, nt), lambda i: (i, 0)),
                pl.BlockSpec((b, nt), lambda i: (i, 0))],
      out_specs=(_rows(b, d), _rows(b, d), _rows(b, d), _rows(b, 8),
                 _rows(b, 8)),
      out_shape=(jax.ShapeDtypeStruct((n, d), _f32),
                 jax.ShapeDtypeStruct((n, d), _f32),
                 jax.ShapeDtypeStruct((n, d), _f32),
                 jax.ShapeDtypeStruct((n, 8), _f32),
                 jax.ShapeDtypeStruct((n, 8), _f32)),
      interpret=interpret,
  )


def _build_mid(n, d, b, interpret=False):

  def body(a0, a1, dv, w_o):
    dv1 = dv[...][:, :1]
    w_o[...] = (a0[...] + a1[...]) * (dv1 * dv1)

  return pl.pallas_call(
      body,
      grid=(n // b,),
      in_specs=[_rows(b, d), _rows(b, d), _rows(b, 8)],
      out_specs=_rows(b, d),
      out_shape=jax.ShapeDtypeStruct((n, d), _f32),
      interpret=interpret,
  )


def _build_fin(n, d, b, th, interpret=False):

  def body(h, a0, a1, t0, t1, dv, dd1, dd2, m, bb,
           w3a, w3b, w3c, out_o):
    dv1 = dv[...][:, :1]
    hh = h[...]
    asum = a0[...] + a1[...]
    tsum = t0[...] + t1[...]
    g1 = asum * dv1
    d1 = dd1[...]
    d2 = dd2[...]
    acc = jnp.dot(hh, m[...], preferred_element_type=_f32) + bb[...]
    for p, w3 in enumerate((w3a, w3b, w3c)):
      f1 = hh - g1 * d1[p:p + 1, :]
      g2 = (asum - tsum * d1[p:p + 1, :]) * dv1
      f2 = f1 - g2 * d2[p:p + 1, :]
      up = th[p][1] * f1 + th[p][2] * f2
      acc = acc + jnp.dot(up, w3[...], preferred_element_type=_f32)
    out_o[...] = jnp.maximum(acc, 0.0)

  return pl.pallas_call(
      body,
      grid=(n // b,),
      in_specs=[_rows(b, d), _rows(b, d), _rows(b, d), _rows(b, d),
                _rows(b, d), _rows(b, 8),
                _whole(8, d), _whole(8, d), _whole(d, d), _whole(1, d),
                _whole(d, d), _whole(d, d), _whole(d, d)],
      out_specs=_rows(b, d),
      out_shape=jax.ShapeDtypeStruct((n, d), _f32),
      interpret=interpret,
  )


def _build_attw(n, d, b, interpret=False):

  def body(ho, hk, aw1, ab1, aw2, w_o):
    i = pl.program_id(0)
    parts = []
    for xr in (ho, hk):
      t = jnp.tanh(
          jnp.dot(xr[...], aw1[...], preferred_element_type=_f32) + ab1[...])
      tt = jnp.dot(t, aw2[...], preferred_element_type=_f32)
      parts.append(jnp.sum(tt[:, :1]))
    blk = jnp.concatenate([jnp.full((4, d), parts[0], _f32),
                           jnp.full((4, d), parts[1], _f32)], axis=0)

    @pl.when(i == 0)
    def _():
      w_o[...] = jnp.zeros((8, d), _f32)

    w_o[...] += blk

  return pl.pallas_call(
      body,
      grid=(n // b,),
      in_specs=[_rows(b, d), _rows(b, d), _whole(d, d), _whole(1, d),
                _whole(d, d)],
      out_specs=_whole(8, d),
      out_shape=jax.ShapeDtypeStruct((8, d), _f32),
      interpret=interpret,
  )


def _build_emb(n, d, b, interpret=False):

  def body(ho, hk, wv, w4, b4, emb_o, lg_o):
    w = wv[...]
    inv_n = jnp.asarray(1.0 / n, _f32)
    w0 = jnp.sum(w[0:1, 0:1]) * inv_n
    w1 = jnp.sum(w[4:5, 0:1]) * inv_n
    m = jnp.maximum(w0, w1)
    e0 = jnp.exp(w0 - m)
    e1 = jnp.exp(w1 - m)
    s = e0 + e1
    e = (e0 / s) * ho[...] + (e1 / s) * hk[...]
    emb_o[...] = e
    lg_o[...] = jnp.dot(e, w4[...], preferred_element_type=_f32) + b4[...]

  return pl.pallas_call(
      body,
      grid=(n // b,),
      in_specs=[_rows(b, d), _rows(b, d), _whole(8, d), _whole(d, d),
                _whole(1, d)],
      out_specs=(_rows(b, d), _rows(b, d)),
      out_shape=(jax.ShapeDtypeStruct((n, d), _f32),
                 jax.ShapeDtypeStruct((n, d), _f32)),
      interpret=interpret,
  )



def _lay(a, e, nsplit):
  et = e // nsplit
  nch, rem = divmod(et, _C)
  nchp = ((nch + 7) // 8) * 8
  a2 = a.reshape(nsplit, et)
  a_a = a2[:, :nch * _C].reshape(nsplit, nch, _C)
  a_a = jnp.pad(a_a, ((0, 0), (0, nchp - nch), (0, 0))).reshape(
      nsplit * nchp, _C)
  a_r = a2[:, nch * _C:] if rem else jnp.zeros((nsplit, 8), _i32)
  return a_a, a_r


def _pad8(x):
  return jnp.concatenate([x, jnp.zeros((8 - x.shape[0], x.shape[1]), _f32)],
                         axis=0)


def kernel(in_feat, edge_index, knn_edge_index, W1, b1, W2, b2, W3, b3,
           Wk, bk, W4, b4, dg0, Wg0, bg0, dg1, Wg1, bg1, dg2, Wg2, bg2,
           dk0, Wk0, bk0, dk1, Wk1, bk1, dk2, Wk2, bk2, aW1, ab1, aW2):
  n, d = in_feat.shape
  e = edge_index.shape[1]
  ek = knn_edge_index.shape[1]
  npad = ((n + 127) // 128) * 128
  nt = _NC * _NS

  src = edge_index[0].astype(_i32)
  dst = edge_index[1].astype(_i32)
  ksrc = knn_edge_index[0].astype(_i32)
  kdst = knn_edge_index[1].astype(_i32)

  z128 = jnp.zeros((npad, d), _f32)

  hg2, hk2 = _build_degree(n, e, ek)(dst.reshape(nt, e // nt),
                                     kdst.reshape(nt, ek // nt))
  hg, hk = hg2.T, hk2.T

  prep = _build_prep(n, d, _RB)
  h, xg, xk, dvg, dvk = prep(in_feat, W1, b1.reshape(1, d), W2,
                             b2.reshape(1, d), hg, hk)

  def scat(x, idx32, ecount):
    sa32, da32, sr32, dr32 = idx32
    agg = _build_scatter(npad, d, ecount, "edge")(
        x[None], sa32, da32, sr32, dr32, z128)
    return agg[0], agg[1]

  def fin_path(a, t, dv, diags, weights, biases, wcat, bcat, th):
    dd1 = _pad8(jnp.stack([diags[0][1], diags[1][1], diags[2][1]]))
    dd2 = _pad8(jnp.stack([diags[0][2], diags[1][2], diags[2][2]]))
    w3s = [wcat[p * d:(p + 1) * d] for p in range(3)]
    m = jnp.zeros((d, d), _f32)
    bbar = bcat
    for p in range(3):
      if th[p][0] != 0.0:
        m = m + th[p][0] * ((diags[p][0][:, None] * weights[p]) @ w3s[p])
      bbar = bbar + biases[p] @ w3s[p]
    return _build_fin(n, d, _RB, th)(
        h, a[0], a[1], t[0], t[1], dv, dd1, dd2, m, bbar.reshape(1, d),
        w3s[0], w3s[1], w3s[2])

  sg = _lay(src, e, nt)
  dgl = _lay(dst, e, nt)
  idx32_g = (sg[0], dgl[0], sg[1], dgl[1])
  sk = _lay(ksrc, ek, nt)
  dkl = _lay(kdst, ek, nt)
  idx32_k = (sk[0], dkl[0], sk[1], dkl[1])

  a_g = scat(xg, idx32_g, e)
  a_k = scat(xk, idx32_k, ek)
  w_g = _build_mid(n, d, _RB)(a_g[0], a_g[1], dvg)
  w_k = _build_mid(n, d, _RB)(a_k[0], a_k[1], dvk)
  t_g = scat(w_g, idx32_g, e)
  t_k = scat(w_k, idx32_k, ek)
  h_o = fin_path(a_g, t_g, dvg, (dg0, dg1, dg2), (Wg0, Wg1, Wg2),
                 (bg0, bg1, bg2), W3, b3, _THETA_G)
  h_knn = fin_path(a_k, t_k, dvk, (dk0, dk1, dk2), (Wk0, Wk1, Wk2),
                   (bk0, bk1, bk2), Wk, bk, _THETA_K)

  wacc = _build_attw(n, d, _RB)(h_o, h_knn, aW1, ab1.reshape(1, d),
                                jnp.concatenate(
                                    [aW2, jnp.zeros((d, d - 1), _f32)],
                                    axis=1))
  w4p = jnp.concatenate([W4, jnp.zeros((d, d - W4.shape[1]), _f32)], axis=1)
  b4p = jnp.concatenate([b4, jnp.zeros((d - b4.shape[0],), _f32)]).reshape(
      1, d)
  emb, lg = _build_emb(n, d, _RB)(h_o, h_knn, wacc, w4p, b4p)
  logits = lg[:, :W4.shape[1]]
  return (logits, emb)

# --- scband reference (transcript-rebuilt; emitter-appended) ---
"""Pipeline reference for scband-mgepc-15453292331335 (READ-ONLY COPY).

The authoritative reference and input builder live on the scoring server;
editing this copy changes nothing except your own understanding.
"""

import jax, jax.numpy as jnp
import numpy as np

N = 10000
E = 320000
EK = 160000
D = 128
NC = 2
THETAS = [[3.0, -3.0, 0.75], [0.0, 3.0, -1.5], [0.0, 0.0, 0.75]]
KTHETA = [1.0, 1.0, 1.0]


def setup_inputs(seed: int = 0):
    key = jax.random.key(seed)
    ks = jax.random.split(key, 40)
    it = iter(range(40))

    def nrm(shape):
        return 0.05 * jax.random.normal(ks[next(it)], shape, jnp.float32)

    def uni(shape):
        return jax.random.uniform(ks[next(it)], shape, dtype=jnp.float32)

    inp = {}
    inp['in_feat'] = jax.random.normal(ks[next(it)], (N, D), jnp.float32)
    inp['edge_index'] = jax.random.randint(ks[next(it)], (2, E), 0, N)
    inp['knn_edge_index'] = jax.random.randint(ks[next(it)], (2, EK), 0, N)
    inp['W1'] = nrm((D, D)); inp['b1'] = jnp.zeros((D,), jnp.float32)
    inp['W2'] = nrm((D, D)); inp['b2'] = jnp.zeros((D,), jnp.float32)
    inp['W3'] = nrm((3 * D, D)); inp['b3'] = jnp.zeros((D,), jnp.float32)
    inp['Wk'] = nrm((3 * D, D)); inp['bk'] = jnp.zeros((D,), jnp.float32)
    inp['W4'] = nrm((D, NC)); inp['b4'] = jnp.zeros((NC,), jnp.float32)
    for tag in ['g0', 'g1', 'g2', 'k0', 'k1', 'k2']:
        inp['d' + tag] = uni((3, D))
        inp['W' + tag] = nrm((D, D))
        inp['b' + tag] = jnp.zeros((D,), jnp.float32)
    inp['aW1'] = nrm((D, D)); inp['ab1'] = jnp.zeros((D,), jnp.float32)
    inp['aW2'] = nrm((D, 1))
    return inp


def _poly(feat, src, dst, dinv, theta, ldiag, Wc, bc):
    # PolyConv.forward: h = linear(theta[0]*feat * ldiag[0]); then k-1 Laplacian steps
    h = theta[0] * feat
    h = h * ldiag[0]
    h = h @ Wc + bc
    f = feat
    for k in range(1, len(theta)):
        hh = f * dinv
        agg = jnp.zeros_like(f).at[dst].add(hh[src])
        f = f - (agg * dinv) * ldiag[k]
        h = h + theta[k] * f
    return h


def reference(in_feat, edge_index, knn_edge_index, W1, b1, W2, b2, W3, b3, Wk, bk, W4, b4, dg0, Wg0, bg0, dg1, Wg1, bg1, dg2, Wg2, bg2, dk0, Wk0, bk0, dk1, Wk1, bk1, dk2, Wk2, bk2, aW1, ab1, aW2):
    n = in_feat.shape[0]
    src, dst = edge_index[0], edge_index[1]
    ksrc, kdst = knn_edge_index[0], knn_edge_index[1]
    dinv_g = jnp.power(jnp.maximum(jnp.bincount(dst, length=n).astype(jnp.float32), 1.0), -0.5)[:, None]
    dinv_k = jnp.power(jnp.maximum(jnp.bincount(kdst, length=n).astype(jnp.float32), 1.0), -0.5)[:, None]
    # eval mode: dropout = identity, nopc path
    h = jax.nn.relu(in_feat @ W1 + b1)
    h = jax.nn.relu(h @ W2 + b2)
    hg = jnp.concatenate([
        _poly(h, src, dst, dinv_g, THETAS[0], dg0, Wg0, bg0),
        _poly(h, src, dst, dinv_g, THETAS[1], dg1, Wg1, bg1),
        _poly(h, src, dst, dinv_g, THETAS[2], dg2, Wg2, bg2)], axis=-1)
    h_o = jax.nn.relu(hg @ W3 + b3)
    hk = jnp.concatenate([
        _poly(h, ksrc, kdst, dinv_k, KTHETA, dk0, Wk0, bk0),
        _poly(h, ksrc, kdst, dinv_k, KTHETA, dk1, Wk1, bk1),
        _poly(h, ksrc, kdst, dinv_k, KTHETA, dk2, Wk2, bk2)], axis=-1)
    h_knn = jax.nn.relu(hk @ Wk + bk)
    z = jnp.stack([h_o, h_knn], axis=1)
    w = (jnp.tanh(z @ aW1 + ab1) @ aW2).mean(0)
    beta = jax.nn.softmax(w, axis=0)
    emb = (beta[None, :, :] * z).sum(1)
    logits = emb @ W4 + b4
    return (logits, emb)

if __name__ == "__main__":
    import jax
    _d = setup_inputs()
    print(jax.jit(kernel)(*tuple(_d.values())))

</pallas_src>

<mosaic_0001>
#map = affine_map<(d0, d1) -> (0, 0)>
module attributes {stable_mosaic.version = 14 : i64} {
  func.func @body(%arg0: i32, %arg1: i32, %arg2: memref<32x10000xi32, #tpu.memory_space<hbm>>, %arg3: memref<32x5000xi32, #tpu.memory_space<hbm>>, %arg4: memref<32x10000xf32, #tpu.memory_space<hbm>>, %arg5: memref<32x10000xf32, #tpu.memory_space<hbm>>, %arg6: memref<10000xi32, #tpu.memory_space<vmem>>, %arg7: memref<5000xi32, #tpu.memory_space<vmem>>, %arg8: memref<10000xf32, #tpu.memory_space<vmem>>) attributes {dimension_semantics = [#tpu.dimension_semantics<core_parallel>, #tpu.dimension_semantics<subcore_parallel>], iteration_bounds = array<i64: 2, 16>, scalar_prefetch = 0 : i64, scratch_operands = 3 : i64, tpu.core_type = #tpu.core_type<sc_vector_subcore>, window_params = [{transform_indices = #map}, {transform_indices = #map}, {transform_indices = #map}, {transform_indices = #map}]} {
    %broadcast_in_dim3A = arith.constant 1.000000e+00 : f32
    %broadcast_in_dim3A_0 = vector.broadcast %broadcast_in_dim3A : f32 to vector<16xf32>
    %broadcast_in_dim3A_1 = arith.constant 0.000000e+00 : f32
    %broadcast_in_dim3A_2 = vector.broadcast %broadcast_in_dim3A_1 : f32 to vector<16xf32>
    %mul3A = arith.constant 2 : i32
    %mul3A_3 = arith.muli %arg1, %mul3A : i32
    %add3A = arith.addi %mul3A_3, %arg0 : i32
    %scan3A = arith.constant 0 : i32
    %scan3A_4 = arith.constant 625 : i32
    %scan3A_5 = arith.addi %scan3A, %scan3A_4 : i32
    %scan3A_6 = arith.constant 1 : i32
    scf.for %scan3A_26 = %scan3A to %scan3A_5 step %scan3A_6  : i32 {
      %mul3A_27 = arith.constant 1 : i32
      %mul3A_28 = arith.muli %scan3A_26, %mul3A_27 : i32
      %add3A_29 = arith.constant 0 : i32
      %add3A_30 = arith.addi %add3A_29, %mul3A_28 : i32
      %mul3A_31 = arith.constant 16 : i32
      %mul3A_32 = arith.muli %add3A_30, %mul3A_31 : i32
      %multiple_of3A = tpu.assume_multiple %mul3A_32, 16 : i32
      %swap3A = arith.index_cast %multiple_of3A : i32 to index
      %swap3A_33 = tpu.vector_load %arg8[%swap3A] {strides = array<i32>} : memref<10000xf32, #tpu.memory_space<vmem>>, vector<16xf32>,
      tpu.vector_store %arg8[%swap3A], %broadcast_in_dim3A_2 {strides = array<i32>} : memref<10000xf32, #tpu.memory_space<vmem>>, vector<16xf32>,
    }
    %scan3A_7 = arith.constant 625 : i32
    "tpu.region"() ({
      %run_scoped3A = tpu.sem_alloc : memref<!tpu.dma_semaphore, #tpu.memory_space<semaphore_mem>>
      %dma_start3A = arith.constant 0 : i32
      %dma_start3A_26 = tpu.memref_slice %arg2[%add3A, %dma_start3A] : memref<32x10000xi32, #tpu.memory_space<hbm>> -> memref<1x10000xi32, #tpu.memory_space<hbm>>
      %dma_start3A_27 = tpu.memref_squeeze %dma_start3A_26 : memref<1x10000xi32, #tpu.memory_space<hbm>> -> memref<10000xi32, #tpu.memory_space<hbm>>
      %dma_start3A_28 = arith.constant 0 : i32
      %dma_start3A_29 = tpu.memref_slice %arg2[%add3A, %dma_start3A_28] : memref<32x10000xi32, #tpu.memory_space<hbm>> -> memref<1x10000xi32, #tpu.memory_space<hbm>>
      %dma_start3A_30 = tpu.memref_squeeze %dma_start3A_29 : memref<1x10000xi32, #tpu.memory_space<hbm>> -> memref<10000xi32, #tpu.memory_space<hbm>>
      tpu.enqueue_dma source(%dma_start3A_30 : memref<10000xi32, #tpu.memory_space<hbm>>) target(%arg6 : memref<10000xi32, #tpu.memory_space<vmem>>) target_semaphore(%run_scoped3A : memref<!tpu.dma_semaphore, #tpu.memory_space<semaphore_mem>>)
      %dma_wait3A = arith.constant 0 : i32
      %dma_wait3A_31 = tpu.memref_slice %arg2[%add3A, %dma_wait3A] : memref<32x10000xi32, #tpu.memory_space<hbm>> -> memref<1x10000xi32, #tpu.memory_space<hbm>>
      %dma_wait3A_32 = tpu.memref_squeeze %dma_wait3A_31 : memref<1x10000xi32, #tpu.memory_space<hbm>> -> memref<10000xi32, #tpu.memory_space<hbm>>
      %dma_wait3A_33 = arith.constant 0 : i32
      %dma_wait3A_34 = tpu.memref_slice %arg2[%add3A, %dma_wait3A_33] : memref<32x10000xi32, #tpu.memory_space<hbm>> -> memref<1x10000xi32, #tpu.memory_space<hbm>>
      %dma_wait3A_35 = tpu.memref_squeeze %dma_wait3A_34 : memref<1x10000xi32, #tpu.memory_space<hbm>> -> memref<10000xi32, #tpu.memory_space<hbm>>
      tpu.wait_dma2 semaphore(%run_scoped3A : memref<!tpu.dma_semaphore, #tpu.memory_space<semaphore_mem>>) src(%dma_wait3A_35 : memref<10000xi32, #tpu.memory_space<hbm>>) dst(%arg6 : memref<10000xi32, #tpu.memory_space<vmem>>)
      tpu.yield
    }) : () -> ()
    %scan3A_8 = arith.constant 0 : i32
    %scan3A_9 = arith.constant 625 : i32
    %scan3A_10 = arith.addi %scan3A_8, %scan3A_9 : i32
    %scan3A_11 = arith.constant 1 : i32
    scf.for %scan3A_26 = %scan3A_8 to %scan3A_10 step %scan3A_11  : i32 {
      %mul3A_27 = arith.constant 1 : i32
      %mul3A_28 = arith.muli %scan3A_26, %mul3A_27 : i32
      %add3A_29 = arith.constant 0 : i32
      %add3A_30 = arith.addi %add3A_29, %mul3A_28 : i32
      %mul3A_31 = arith.constant 16 : i32
      %mul3A_32 = arith.muli %add3A_30, %mul3A_31 : i32
      %multiple_of3A = tpu.assume_multiple %mul3A_32, 16 : i32
      %get3A_33 = arith.index_cast %multiple_of3A : i32 to index
      %get3A_34 = tpu.vector_load %arg6[%get3A_33] {strides = array<i32>} : memref<10000xi32, #tpu.memory_space<vmem>>, vector<16xi32>,
      tpu.vector_store_idx %arg8[%get3A_34], %broadcast_in_dim3A_0 {add = true} : memref<10000xf32, #tpu.memory_space<vmem>>[vector<16xi32>], vector<16xf32>,
    }
    %scan3A_12 = arith.constant 625 : i32
    "tpu.region"() ({
      %run_scoped3A = tpu.sem_alloc : memref<!tpu.dma_semaphore, #tpu.memory_space<semaphore_mem>>
      %dma_start3A = arith.constant 0 : i32
      %dma_start3A_26 = tpu.memref_slice %arg4[%add3A, %dma_start3A] : memref<32x10000xf32, #tpu.memory_space<hbm>> -> memref<1x10000xf32, #tpu.memory_space<hbm>>
      %dma_start3A_27 = tpu.memref_squeeze %dma_start3A_26 : memref<1x10000xf32, #tpu.memory_space<hbm>> -> memref<10000xf32, #tpu.memory_space<hbm>>
      %dma_start3A_28 = arith.constant 0 : i32
      %dma_start3A_29 = tpu.memref_slice %arg4[%add3A, %dma_start3A_28] : memref<32x10000xf32, #tpu.memory_space<hbm>> -> memref<1x10000xf32, #tpu.memory_space<hbm>>
      %dma_start3A_30 = tpu.memref_squeeze %dma_start3A_29 : memref<1x10000xf32, #tpu.memory_space<hbm>> -> memref<10000xf32, #tpu.memory_space<hbm>>
      tpu.enqueue_dma source(%arg8 : memref<10000xf32, #tpu.memory_space<vmem>>) target(%dma_start3A_30 : memref<10000xf32, #tpu.memory_space<hbm>>) target_semaphore(%run_scoped3A : memref<!tpu.dma_semaphore, #tpu.memory_space<semaphore_mem>>)
      %dma_wait3A = arith.constant 0 : i32
      %dma_wait3A_31 = tpu.memref_slice %arg4[%add3A, %dma_wait3A] : memref<32x10000xf32, #tpu.memory_space<hbm>> -> memref<1x10000xf32, #tpu.memory_space<hbm>>
      %dma_wait3A_32 = tpu.memref_squeeze %dma_wait3A_31 : memref<1x10000xf32, #tpu.memory_space<hbm>> -> memref<10000xf32, #tpu.memory_space<hbm>>
      %dma_wait3A_33 = arith.constant 0 : i32
      %dma_wait3A_34 = tpu.memref_slice %arg4[%add3A, %dma_wait3A_33] : memref<32x10000xf32, #tpu.memory_space<hbm>> -> memref<1x10000xf32, #tpu.memory_space<hbm>>
      %dma_wait3A_35 = tpu.memref_squeeze %dma_wait3A_34 : memref<1x10000xf32, #tpu.memory_space<hbm>> -> memref<10000xf32, #tpu.memory_space<hbm>>
      tpu.wait_dma2 semaphore(%run_scoped3A : memref<!tpu.dma_semaphore, #tpu.memory_space<semaphore_mem>>) src(%arg8 : memref<10000xf32, #tpu.memory_space<vmem>>) dst(%dma_wait3A_35 : memref<10000xf32, #tpu.memory_space<hbm>>)
      tpu.yield
    }) : () -> ()
    %scan3A_13 = arith.constant 0 : i32
    %scan3A_14 = arith.constant 625 : i32
    %scan3A_15 = arith.addi %scan3A_13, %scan3A_14 : i32
    %scan3A_16 = arith.constant 1 : i32
    scf.for %scan3A_26 = %scan3A_13 to %scan3A_15 step %scan3A_16  : i32 {
      %mul3A_27 = arith.constant 1 : i32
      %mul3A_28 = arith.muli %scan3A_26, %mul3A_27 : i32
      %add3A_29 = arith.constant 0 : i32
      %add3A_30 = arith.addi %add3A_29, %mul3A_28 : i32
      %mul3A_31 = arith.constant 16 : i32
      %mul3A_32 = arith.muli %add3A_30, %mul3A_31 : i32
      %multiple_of3A = tpu.assume_multiple %mul3A_32, 16 : i32
      %swap3A = arith.index_cast %multiple_of3A : i32 to index
      %swap3A_33 = tpu.vector_load %arg8[%swap3A] {strides = array<i32>} : memref<10000xf32, #tpu.memory_space<vmem>>, vector<16xf32>,
      tpu.vector_store %arg8[%swap3A], %broadcast_in_dim3A_2 {strides = array<i32>} : memref<10000xf32, #tpu.memory_space<vmem>>, vector<16xf32>,
    }
    %scan3A_17 = arith.constant 625 : i32
    "tpu.region"() ({
      %run_scoped3A = tpu.sem_alloc : memref<!tpu.dma_semaphore, #tpu.memory_space<semaphore_mem>>
      %dma_start3A = arith.constant 0 : i32
      %dma_start3A_26 = tpu.memref_slice %arg3[%add3A, %dma_start3A] : memref<32x5000xi32, #tpu.memory_space<hbm>> -> memref<1x5000xi32, #tpu.memory_space<hbm>>
      %dma_start3A_27 = tpu.memref_squeeze %dma_start3A_26 : memref<1x5000xi32, #tpu.memory_space<hbm>> -> memref<5000xi32, #tpu.memory_space<hbm>>
      %dma_start3A_28 = arith.constant 0 : i32
      %dma_start3A_29 = tpu.memref_slice %arg3[%add3A, %dma_start3A_28] : memref<32x5000xi32, #tpu.memory_space<hbm>> -> memref<1x5000xi32, #tpu.memory_space<hbm>>
      %dma_start3A_30 = tpu.memref_squeeze %dma_start3A_29 : memref<1x5000xi32, #tpu.memory_space<hbm>> -> memref<5000xi32, #tpu.memory_space<hbm>>
      tpu.enqueue_dma source(%dma_start3A_30 : memref<5000xi32, #tpu.memory_space<hbm>>) target(%arg7 : memref<5000xi32, #tpu.memory_space<vmem>>) target_semaphore(%run_scoped3A : memref<!tpu.dma_semaphore, #tpu.memory_space<semaphore_mem>>)
      %dma_wait3A = arith.constant 0 : i32
      %dma_wait3A_31 = tpu.memref_slice %arg3[%add3A, %dma_wait3A] : memref<32x5000xi32, #tpu.memory_space<hbm>> -> memref<1x5000xi32, #tpu.memory_space<hbm>>
      %dma_wait3A_32 = tpu.memref_squeeze %dma_wait3A_31 : memref<1x5000xi32, #tpu.memory_space<hbm>> -> memref<5000xi32, #tpu.memory_space<hbm>>
      %dma_wait3A_33 = arith.constant 0 : i32
      %dma_wait3A_34 = tpu.memref_slice %arg3[%add3A, %dma_wait3A_33] : memref<32x5000xi32, #tpu.memory_space<hbm>> -> memref<1x5000xi32, #tpu.memory_space<hbm>>
      %dma_wait3A_35 = tpu.memref_squeeze %dma_wait3A_34 : memref<1x5000xi32, #tpu.memory_space<hbm>> -> memref<5000xi32, #tpu.memory_space<hbm>>
      tpu.wait_dma2 semaphore(%run_scoped3A : memref<!tpu.dma_semaphore, #tpu.memory_space<semaphore_mem>>) src(%dma_wait3A_35 : memref<5000xi32, #tpu.memory_space<hbm>>) dst(%arg7 : memref<5000xi32, #tpu.memory_space<vmem>>)
      tpu.yield
    }) : () -> ()
    %scan3A_18 = arith.constant 0 : i32
    %scan3A_19 = arith.constant 312 : i32
    %scan3A_20 = arith.addi %scan3A_18, %scan3A_19 : i32
    %scan3A_21 = arith.constant 1 : i32
    scf.for %scan3A_26 = %scan3A_18 to %scan3A_20 step %scan3A_21  : i32 {
      %mul3A_27 = arith.constant 1 : i32
      %mul3A_28 = arith.muli %scan3A_26, %mul3A_27 : i32
      %add3A_29 = arith.constant 0 : i32
      %add3A_30 = arith.addi %add3A_29, %mul3A_28 : i32
      %mul3A_31 = arith.constant 16 : i32
      %mul3A_32 = arith.muli %add3A_30, %mul3A_31 : i32
      %multiple_of3A = tpu.assume_multiple %mul3A_32, 16 : i32
      %get3A_33 = arith.index_cast %multiple_of3A : i32 to index
      %get3A_34 = tpu.vector_load %arg7[%get3A_33] {strides = array<i32>} : memref<5000xi32, #tpu.memory_space<vmem>>, vector<16xi32>,
      tpu.vector_store_idx %arg8[%get3A_34], %broadcast_in_dim3A_0 {add = true} : memref<10000xf32, #tpu.memory_space<vmem>>[vector<16xi32>], vector<16xf32>,
    }
    %scan3A_22 = arith.constant 312 : i32
    %get3A = arith.constant 4984 : index
    %get3A_23 = tpu.vector_load %arg7[%get3A] {strides = array<i32>} : memref<5000xi32, #tpu.memory_space<vmem>>, vector<16xi32>,
    %iota3A = tpu.iota {dimensions = array<i32: 0>} : vector<16xi32>
    %ge3A = arith.constant 8 : i32
    %ge3A_24 = vector.broadcast %ge3A : i32 to vector<16xi32>
    %ge3A_25 = arith.cmpi sge, %iota3A, %ge3A_24 : vector<16xi32>
    tpu.vector_store_idx %arg8[%get3A_23], %broadcast_in_dim3A_0 masked %ge3A_25 {add = true} : memref<10000xf32, #tpu.memory_space<vmem>>[vector<16xi32>], vector<16xf32>, vector<16xi1>
    "tpu.region"() ({
      %run_scoped3A = tpu.sem_alloc : memref<!tpu.dma_semaphore, #tpu.memory_space<semaphore_mem>>
      %dma_start3A = arith.constant 0 : i32
      %dma_start3A_26 = tpu.memref_slice %arg5[%add3A, %dma_start3A] : memref<32x10000xf32, #tpu.memory_space<hbm>> -> memref<1x10000xf32, #tpu.memory_space<hbm>>
      %dma_start3A_27 = tpu.memref_squeeze %dma_start3A_26 : memref<1x10000xf32, #tpu.memory_space<hbm>> -> memref<10000xf32, #tpu.memory_space<hbm>>
      %dma_start3A_28 = arith.constant 0 : i32
      %dma_start3A_29 = tpu.memref_slice %arg5[%add3A, %dma_start3A_28] : memref<32x10000xf32, #tpu.memory_space<hbm>> -> memref<1x10000xf32, #tpu.memory_space<hbm>>
      %dma_start3A_30 = tpu.memref_squeeze %dma_start3A_29 : memref<1x10000xf32, #tpu.memory_space<hbm>> -> memref<10000xf32, #tpu.memory_space<hbm>>
      tpu.enqueue_dma source(%arg8 : memref<10000xf32, #tpu.memory_space<vmem>>) target(%dma_start3A_30 : memref<10000xf32, #tpu.memory_space<hbm>>) target_semaphore(%run_scoped3A : memref<!tpu.dma_semaphore, #tpu.memory_space<semaphore_mem>>)
      %dma_wait3A = arith.constant 0 : i32
      %dma_wait3A_31 = tpu.memref_slice %arg5[%add3A, %dma_wait3A] : memref<32x10000xf32, #tpu.memory_space<hbm>> -> memref<1x10000xf32, #tpu.memory_space<hbm>>
      %dma_wait3A_32 = tpu.memref_squeeze %dma_wait3A_31 : memref<1x10000xf32, #tpu.memory_space<hbm>> -> memref<10000xf32, #tpu.memory_space<hbm>>
      %dma_wait3A_33 = arith.constant 0 : i32
      %dma_wait3A_34 = tpu.memref_slice %arg5[%add3A, %dma_wait3A_33] : memref<32x10000xf32, #tpu.memory_space<hbm>> -> memref<1x10000xf32, #tpu.memory_space<hbm>>
      %dma_wait3A_35 = tpu.memref_squeeze %dma_wait3A_34 : memref<1x10000xf32, #tpu.memory_space<hbm>> -> memref<10000xf32, #tpu.memory_space<hbm>>
      tpu.wait_dma2 semaphore(%run_scoped3A : memref<!tpu.dma_semaphore, #tpu.memory_space<semaphore_mem>>) src(%arg8 : memref<10000xf32, #tpu.memory_space<vmem>>) dst(%dma_wait3A_35 : memref<10000xf32, #tpu.memory_space<hbm>>)
      tpu.yield
    }) : () -> ()
    return
  }
}

#map = affine_map<(d0, d1) -> (0, 0, 0)>
#map1 = affine_map<(d0, d1) -> (0, 0)>
module attributes {stable_mosaic.version = 14 : i64} {
  func.func @body(%arg0: i32, %arg1: i32, %arg2: memref<1x10000x128xf32, #tpu.memory_space<hbm>>, %arg3: memref<2816x120xi32, #tpu.memory_space<hbm>>, %arg4: memref<2816x120xi32, #tpu.memory_space<hbm>>, %arg5: memref<32x40xi32, #tpu.memory_space<hbm>>, %arg6: memref<32x40xi32, #tpu.memory_space<hbm>>, %arg7: memref<10112x128xf32, #tpu.memory_space<hbm>>, %arg8: memref<2x10112x128xf32, #tpu.memory_space<hbm>>, %arg9: memref<8x120xi32, #tpu.memory_space<vmem>>, %arg10: memref<8x120xi32, #tpu.memory_space<vmem>>, %arg11: memref<40xi32, #tpu.memory_space<vmem>>, %arg12: memref<40xi32, #tpu.memory_space<vmem>>, %arg13: memref<120x128xf32, #tpu.memory_space<vmem>>, %arg14: memref<120x128xf32, #tpu.memory_space<vmem>>, %arg15: memref<120x128xf32, #tpu.memory_space<vmem>>, %arg16: memref<10112x128xf32, #tpu.memory_space<vmem_shared>>, %arg17: memref<!tpu.dma_semaphore, #tpu.memory_space<semaphore_mem>>, %arg18: memref<!tpu.dma_semaphore, #tpu.memory_space<semaphore_mem>>, %arg19: memref<!tpu.dma_semaphore, #tpu.memory_space<semaphore_mem>>, %arg20: memref<!tpu.dma_semaphore, #tpu.memory_space<semaphore_mem>>, %arg21: memref<!tpu.dma_semaphore, #tpu.memory_space<semaphore_mem>>, %arg22: memref<!tpu.dma_semaphore, #tpu.memory_space<semaphore_mem>>) attributes {dimension_semantics = [#tpu.dimension_semantics<core_parallel>, #tpu.dimension_semantics<subcore_parallel>], iteration_bounds = array<i64: 2, 16>, scalar_prefetch = 0 : i64, scratch_operands = 14 : i64, tpu.core_type = #tpu.core_type<sc_vector_subcore>, window_params = [{transform_indices = #map}, {transform_indices = #map1}, {transform_indices = #map1}, {transform_indices = #map1}, {transform_indices = #map1}, {transform_indices = #map1}, {transform_indices = #map}]} {
    %mul3A = arith.constant 2 : i32
    %mul3A_0 = arith.muli %arg1, %mul3A : i32
    %add3A = arith.addi %mul3A_0, %arg0 : i32
    "tpu.region"() ({
      %run_scoped3A_107 = tpu.sem_alloc : memref<!tpu.dma_semaphore, #tpu.memory_space<semaphore_mem>>
      %dma_start3A_108 = arith.constant 0 : i32
      %dma_start3A_109 = tpu.memref_slice %arg5[%add3A, %dma_start3A_108] : memref<32x40xi32, #tpu.memory_space<hbm>> -> memref<1x40xi32, #tpu.memory_space<hbm>>
      %dma_start3A_110 = tpu.memref_squeeze %dma_start3A_109 : memref<1x40xi32, #tpu.memory_space<hbm>> -> memref<40xi32, #tpu.memory_space<hbm>>
      %dma_start3A_111 = arith.constant 0 : i32
      %dma_start3A_112 = tpu.memref_slice %arg5[%add3A, %dma_start3A_111] : memref<32x40xi32, #tpu.memory_space<hbm>> -> memref<1x40xi32, #tpu.memory_space<hbm>>
      %dma_start3A_113 = tpu.memref_squeeze %dma_start3A_112 : memref<1x40xi32, #tpu.memory_space<hbm>> -> memref<40xi32, #tpu.memory_space<hbm>>
      tpu.enqueue_dma source(%dma_start3A_113 : memref<40xi32, #tpu.memory_space<hbm>>) target(%arg11 : memref<40xi32, #tpu.memory_space<vmem>>) target_semaphore(%run_scoped3A_107 : memref<!tpu.dma_semaphore, #tpu.memory_space<semaphore_mem>>)
      %dma_wait3A_114 = arith.constant 0 : i32
      %dma_wait3A_115 = tpu.memref_slice %arg5[%add3A, %dma_wait3A_114] : memref<32x40xi32, #tpu.memory_space<hbm>> -> memref<1x40xi32, #tpu.memory_space<hbm>>
      %dma_wait3A_116 = tpu.memref_squeeze %dma_wait3A_115 : memref<1x40xi32, #tpu.memory_space<hbm>> -> memref<40xi32, #tpu.memory_space<hbm>>
      %dma_wait3A_117 = arith.constant 0 : i32
      %dma_wait3A_118 = tpu.memref_slice %arg5[%add3A, %dma_wait3A_117] : memref<32x40xi32, #tpu.memory_space<hbm>> -> memref<1x40xi32, #tpu.memory_space<hbm>>
      %dma_wait3A_119 = tpu.memref_squeeze %dma_wait3A_118 : memref<1x40xi32, #tpu.memory_space<hbm>> -> memref<40xi32, #tpu.memory_space<hbm>>
      tpu.wait_dma2 semaphore(%run_scoped3A_107 : memref<!tpu.dma_semaphore, #tpu.memory_space<semaphore_mem>>) src(%dma_wait3A_119 : memref<40xi32, #tpu.memory_space<hbm>>) dst(%arg11 : memref<40xi32, #tpu.memory_space<vmem>>)
      tpu.yield
    }) : () -> ()
    "tpu.region"() ({
      %run_scoped3A_107 = tpu.sem_alloc : memref<!tpu.dma_semaphore, #tpu.memory_space<semaphore_mem>>
      %dma_start3A_108 = arith.constant 0 : i32
      %dma_start3A_109 = tpu.memref_slice %arg6[%add3A, %dma_start3A_108] : memref<32x40xi32, #tpu.memory_space<hbm>> -> memref<1x40xi32, #tpu.memory_space<hbm>>
      %dma_start3A_110 = tpu.memref_squeeze %dma_start3A_109 : memref<1x40xi32, #tpu.memory_space<hbm>> -> memref<40xi32, #tpu.memory_space<hbm>>
      %dma_start3A_111 = arith.constant 0 : i32
      %dma_start3A_112 = tpu.memref_slice %arg6[%add3A, %dma_start3A_111] : memref<32x40xi32, #tpu.memory_space<hbm>> -> memref<1x40xi32, #tpu.memory_space<hbm>>
      %dma_start3A_113 = tpu.memref_squeeze %dma_start3A_112 : memref<1x40xi32, #tpu.memory_space<hbm>> -> memref<40xi32, #tpu.memory_space<hbm>>
      tpu.enqueue_dma source(%dma_start3A_113 : memref<40xi32, #tpu.memory_space<hbm>>) target(%arg12 : memref<40xi32, #tpu.memory_space<vmem>>) target_semaphore(%run_scoped3A_107 : memref<!tpu.dma_semaphore, #tpu.memory_space<semaphore_mem>>)
      %dma_wait3A_114 = arith.constant 0 : i32
      %dma_wait3A_115 = tpu.memref_slice %arg6[%add3A, %dma_wait3A_114] : memref<32x40xi32, #tpu.memory_space<hbm>> -> memref<1x40xi32, #tpu.memory_space<hbm>>
      %dma_wait3A_116 = tpu.memref_squeeze %dma_wait3A_115 : memref<1x40xi32, #tpu.memory_space<hbm>> -> memref<40xi32, #tpu.memory_space<hbm>>
      %dma_wait3A_117 = arith.constant 0 : i32
      %dma_wait3A_118 = tpu.memref_slice %arg6[%add3A, %dma_wait3A_117] : memref<32x40xi32, #tpu.memory_space<hbm>> -> memref<1x40xi32, #tpu.memory_space<hbm>>
      %dma_wait3A_119 = tpu.memref_squeeze %dma_wait3A_118 : memref<1x40xi32, #tpu.memory_space<hbm>> -> memref<40xi32, #tpu.memory_space<hbm>>
      tpu.wait_dma2 semaphore(%run_scoped3A_107 : memref<!tpu.dma_semaphore, #tpu.memory_space<semaphore_mem>>) src(%dma_wait3A_119 : memref<40xi32, #tpu.memory_space<hbm>>) dst(%arg12 : memref<40xi32, #tpu.memory_space<vmem>>)
      tpu.yield
    }) : () -> ()
    %mul3A_1 = arith.constant 632 : i32
    %mul3A_2 = arith.muli %arg1, %mul3A_1 : i32
    %multiple_of3A = tpu.assume_multiple %mul3A_2, 8 : i32
    "tpu.region"() ({
      %run_scoped3A_107 = tpu.sem_alloc : memref<!tpu.dma_semaphore, #tpu.memory_space<semaphore_mem>>
      %dma_start3A_108 = arith.constant 0 : i32
      %dma_start3A_109 = tpu.memref_slice %arg16[%multiple_of3A, %dma_start3A_108] : memref<10112x128xf32, #tpu.memory_space<vmem_shared>> -> memref<632x128xf32, #tpu.memory_space<vmem_shared>>
      %dma_start3A_110 = arith.constant 0 : i32
      %dma_start3A_111 = tpu.memref_slice %arg7[%multiple_of3A, %dma_start3A_110] : memref<10112x128xf32, #tpu.memory_space<hbm>> -> memref<632x128xf32, #tpu.memory_space<hbm>>
      tpu.enqueue_dma source(%dma_start3A_111 : memref<632x128xf32, #tpu.memory_space<hbm>>) target(%dma_start3A_109 : memref<632x128xf32, #tpu.memory_space<vmem_shared>>) target_semaphore(%run_scoped3A_107 : memref<!tpu.dma_semaphore, #tpu.memory_space<semaphore_mem>>)
      %dma_wait3A_112 = arith.constant 0 : i32
      %dma_wait3A_113 = tpu.memref_slice %arg16[%multiple_of3A, %dma_wait3A_112] : memref<10112x128xf32, #tpu.memory_space<vmem_shared>> -> memref<632x128xf32, #tpu.memory_space<vmem_shared>>
      %dma_wait3A_114 = arith.constant 0 : i32
      %dma_wait3A_115 = tpu.memref_slice %arg7[%multiple_of3A, %dma_wait3A_114] : memref<10112x128xf32, #tpu.memory_space<hbm>> -> memref<632x128xf32, #tpu.memory_space<hbm>>
      tpu.wait_dma2 semaphore(%run_scoped3A_107 : memref<!tpu.dma_semaphore, #tpu.memory_space<semaphore_mem>>) src(%dma_wait3A_115 : memref<632x128xf32, #tpu.memory_space<hbm>>) dst(%dma_wait3A_113 : memref<632x128xf32, #tpu.memory_space<vmem_shared>>)
      tpu.yield
    }) : () -> ()
    %barrier3A = arith.constant 0 : index
    tpu.barrier barrier_id(%barrier3A)
    %scan3A = arith.constant 0 : i32
    %scan3A_3 = arith.constant 10 : i32
    %scan3A_4 = arith.addi %scan3A, %scan3A_3 : i32
    %scan3A_5 = arith.constant 1 : i32
    scf.for %scan3A_107 = %scan3A to %scan3A_4 step %scan3A_5  : i32 {
      %mul3A_108 = arith.constant 1 : i32
      %mul3A_109 = arith.muli %scan3A_107, %mul3A_108 : i32
      %add3A_110 = arith.constant 0 : i32
      %add3A_111 = arith.addi %add3A_110, %mul3A_109 : i32
      %mul3A_112 = arith.constant 88 : i32
      %mul3A_113 = arith.muli %add3A, %mul3A_112 : i32
      %mul3A_114 = arith.constant 8 : i32
      %mul3A_115 = arith.muli %add3A_111, %mul3A_114 : i32
      %add3A_116 = arith.addi %mul3A_113, %mul3A_115 : i32
      %multiple_of3A_117 = tpu.assume_multiple %add3A_116, 8 : i32
      "tpu.region"() ({
        %run_scoped3A_422 = tpu.sem_alloc : memref<!tpu.dma_semaphore, #tpu.memory_space<semaphore_mem>>
        %dma_start3A_423 = arith.constant 0 : i32
        %dma_start3A_424 = tpu.memref_slice %arg3[%multiple_of3A_117, %dma_start3A_423] : memref<2816x120xi32, #tpu.memory_space<hbm>> -> memref<8x120xi32, #tpu.memory_space<hbm>>
        %dma_start3A_425 = arith.constant 0 : i32
        %dma_start3A_426 = tpu.memref_slice %arg3[%multiple_of3A_117, %dma_start3A_425] : memref<2816x120xi32, #tpu.memory_space<hbm>> -> memref<8x120xi32, #tpu.memory_space<hbm>>
        tpu.enqueue_dma source(%dma_start3A_426 : memref<8x120xi32, #tpu.memory_space<hbm>>) target(%arg9 : memref<8x120xi32, #tpu.memory_space<vmem>>) target_semaphore(%run_scoped3A_422 : memref<!tpu.dma_semaphore, #tpu.memory_space<semaphore_mem>>)
        %dma_wait3A_427 = arith.constant 0 : i32
        %dma_wait3A_428 = tpu.memref_slice %arg3[%multiple_of3A_117, %dma_wait3A_427] : memref<2816x120xi32, #tpu.memory_space<hbm>> -> memref<8x120xi32, #tpu.memory_space<hbm>>
        %dma_wait3A_429 = arith.constant 0 : i32
        %dma_wait3A_430 = tpu.memref_slice %arg3[%multiple_of3A_117, %dma_wait3A_429] : memref<2816x120xi32, #tpu.memory_space<hbm>> -> memref<8x120xi32, #tpu.memory_space<hbm>>
        tpu.wait_dma2 semaphore(%run_scoped3A_422 : memref<!tpu.dma_semaphore, #tpu.memory_space<semaphore_mem>>) src(%dma_wait3A_430 : memref<8x120xi32, #tpu.memory_space<hbm>>) dst(%arg9 : memref<8x120xi32, #tpu.memory_space<vmem>>)
        tpu.yield
      }) : () -> ()
      "tpu.region"() ({
        %run_scoped3A_422 = tpu.sem_alloc : memref<!tpu.dma_semaphore, #tpu.memory_space<semaphore_mem>>
        %dma_start3A_423 = arith.constant 0 : i32
        %dma_start3A_424 = tpu.memref_slice %arg4[%multiple_of3A_117, %dma_start3A_423] : memref<2816x120xi32, #tpu.memory_space<hbm>> -> memref<8x120xi32, #tpu.memory_space<hbm>>
        %dma_start3A_425 = arith.constant 0 : i32
        %dma_start3A_426 = tpu.memref_slice %arg4[%multiple_of3A_117, %dma_start3A_425] : memref<2816x120xi32, #tpu.memory_space<hbm>> -> memref<8x120xi32, #tpu.memory_space<hbm>>
        tpu.enqueue_dma source(%dma_start3A_426 : memref<8x120xi32, #tpu.memory_space<hbm>>) target(%arg10 : memref<8x120xi32, #tpu.memory_space<vmem>>) target_semaphore(%run_scoped3A_422 : memref<!tpu.dma_semaphore, #tpu.memory_space<semaphore_mem>>)
        %dma_wait3A_427 = arith.constant 0 : i32
        %dma_wait3A_428 = tpu.memref_slice %arg4[%multiple_of3A_117, %dma_wait3A_427] : memref<2816x120xi32, #tpu.memory_space<hbm>> -> memref<8x120xi32, #tpu.memory_space<hbm>>
        %dma_wait3A_429 = arith.constant 0 : i32
        %dma_wait3A_430 = tpu.memref_slice %arg4[%multiple_of3A_117, %dma_wait3A_429] : memref<2816x120xi32, #tpu.memory_space<hbm>> -> memref<8x120xi32, #tpu.memory_space<hbm>>
        tpu.wait_dma2 semaphore(%run_scoped3A_422 : memref<!tpu.dma_semaphore, #tpu.memory_space<semaphore_mem>>) src(%dma_wait3A_430 : memref<8x120xi32, #tpu.memory_space<hbm>>) dst(%arg10 : memref<8x120xi32, #tpu.memory_space<vmem>>)
        tpu.yield
      }) : () -> ()
      %dma_start3A_118 = arith.constant 0 : i32
      %dma_start3A_119 = arith.constant 0 : i32
      %dma_start3A_120 = arith.constant 0 : i32
      %dma_start3A_121 = tpu.memref_slice %arg9[%dma_start3A_119, %dma_start3A_120] : memref<8x120xi32, #tpu.memory_space<vmem>> -> memref<1x120xi32, #tpu.memory_space<vmem>>
      %dma_start3A_122 = tpu.memref_squeeze %dma_start3A_121 : memref<1x120xi32, #tpu.memory_space<vmem>> -> memref<120xi32, #tpu.memory_space<vmem>>
      %dma_start3A_123 = arith.constant 0 : i32
      %dma_start3A_124 = arith.constant 0 : i32
      %dma_start3A_125 = tpu.memref_slice %arg2[%dma_start3A_118, %dma_start3A_123, %dma_start3A_124] : memref<1x10000x128xf32, #tpu.memory_space<hbm>> -> memref<1x10000x128xf32, #tpu.memory_space<hbm>>
      %dma_start3A_126 = tpu.memref_squeeze %dma_start3A_125 : memref<1x10000x128xf32, #tpu.memory_space<hbm>> -> memref<10000x128xf32, #tpu.memory_space<hbm>>
      %dma_start3A_127 = arith.constant 0 : i32
      %dma_start3A_128 = arith.constant 0 : i32
      %dma_start3A_129 = tpu.memref_slice %dma_start3A_126[%dma_start3A_127, %dma_start3A_128] : memref<10000x128xf32, #tpu.memory_space<hbm>> -> memref<10000x128xf32, #tpu.memory_space<hbm>>
      tpu.enqueue_indirect_dma source(%dma_start3A_129 : memref<10000x128xf32, #tpu.memory_space<hbm>>) target(%arg13 : memref<120x128xf32, #tpu.memory_space<vmem>>) offsets(%dma_start3A_122 : memref<120xi32, #tpu.memory_space<vmem>>) semaphore(%arg17 : memref<!tpu.dma_semaphore, #tpu.memory_space<semaphore_mem>>)
      %dma_start3A_130 = arith.constant 0 : i32
      %dma_start3A_131 = arith.constant 1 : i32
      %dma_start3A_132 = arith.constant 0 : i32
      %dma_start3A_133 = tpu.memref_slice %arg9[%dma_start3A_131, %dma_start3A_132] : memref<8x120xi32, #tpu.memory_space<vmem>> -> memref<1x120xi32, #tpu.memory_space<vmem>>
      %dma_start3A_134 = tpu.memref_squeeze %dma_start3A_133 : memref<1x120xi32, #tpu.memory_space<vmem>> -> memref<120xi32, #tpu.memory_space<vmem>>
      %dma_start3A_135 = arith.constant 0 : i32
      %dma_start3A_136 = arith.constant 0 : i32
      %dma_start3A_137 = tpu.memref_slice %arg2[%dma_start3A_130, %dma_start3A_135, %dma_start3A_136] : memref<1x10000x128xf32, #tpu.memory_space<hbm>> -> memref<1x10000x128xf32, #tpu.memory_space<hbm>>
      %dma_start3A_138 = tpu.memref_squeeze %dma_start3A_137 : memref<1x10000x128xf32, #tpu.memory_space<hbm>> -> memref<10000x128xf32, #tpu.memory_space<hbm>>
      %dma_start3A_139 = arith.constant 0 : i32
      %dma_start3A_140 = arith.constant 0 : i32
      %dma_start3A_141 = tpu.memref_slice %dma_start3A_138[%dma_start3A_139, %dma_start3A_140] : memref<10000x128xf32, #tpu.memory_space<hbm>> -> memref<10000x128xf32, #tpu.memory_space<hbm>>
      tpu.enqueue_indirect_dma source(%dma_start3A_141 : memref<10000x128xf32, #tpu.memory_space<hbm>>) target(%arg14 : memref<120x128xf32, #tpu.memory_space<vmem>>) offsets(%dma_start3A_134 : memref<120xi32, #tpu.memory_space<vmem>>) semaphore(%arg18 : memref<!tpu.dma_semaphore, #tpu.memory_space<semaphore_mem>>)
      %dma_start3A_142 = arith.constant 0 : i32
      %dma_start3A_143 = arith.constant 2 : i32
      %dma_start3A_144 = arith.constant 0 : i32
      %dma_start3A_145 = tpu.memref_slice %arg9[%dma_start3A_143, %dma_start3A_144] : memref<8x120xi32, #tpu.memory_space<vmem>> -> memref<1x120xi32, #tpu.memory_space<vmem>>
      %dma_start3A_146 = tpu.memref_squeeze %dma_start3A_145 : memref<1x120xi32, #tpu.memory_space<vmem>> -> memref<120xi32, #tpu.memory_space<vmem>>
      %dma_start3A_147 = arith.constant 0 : i32
      %dma_start3A_148 = arith.constant 0 : i32
      %dma_start3A_149 = tpu.memref_slice %arg2[%dma_start3A_142, %dma_start3A_147, %dma_start3A_148] : memref<1x10000x128xf32, #tpu.memory_space<hbm>> -> memref<1x10000x128xf32, #tpu.memory_space<hbm>>
      %dma_start3A_150 = tpu.memref_squeeze %dma_start3A_149 : memref<1x10000x128xf32, #tpu.memory_space<hbm>> -> memref<10000x128xf32, #tpu.memory_space<hbm>>
      %dma_start3A_151 = arith.constant 0 : i32
      %dma_start3A_152 = arith.constant 0 : i32
      %dma_start3A_153 = tpu.memref_slice %dma_start3A_150[%dma_start3A_151, %dma_start3A_152] : memref<10000x128xf32, #tpu.memory_space<hbm>> -> memref<10000x128xf32, #tpu.memory_space<hbm>>
      tpu.enqueue_indirect_dma source(%dma_start3A_153 : memref<10000x128xf32, #tpu.memory_space<hbm>>) target(%arg15 : memref<120x128xf32, #tpu.memory_space<vmem>>) offsets(%dma_start3A_146 : memref<120xi32, #tpu.memory_space<vmem>>) semaphore(%arg19 : memref<!tpu.dma_semaphore, #tpu.memory_space<semaphore_mem>>)
      %dma_wait3A_154 = arith.constant 0 : i32
      %dma_wait3A_155 = arith.constant 0 : i32
      %dma_wait3A_156 = arith.constant 0 : i32
      %dma_wait3A_157 = tpu.memref_slice %arg9[%dma_wait3A_155, %dma_wait3A_156] : memref<8x120xi32, #tpu.memory_space<vmem>> -> memref<1x120xi32, #tpu.memory_space<vmem>>
      %dma_wait3A_158 = tpu.memref_squeeze %dma_wait3A_157 : memref<1x120xi32, #tpu.memory_space<vmem>> -> memref<120xi32, #tpu.memory_space<vmem>>
      %dma_wait3A_159 = arith.constant 0 : i32
      %dma_wait3A_160 = arith.constant 0 : i32
      %dma_wait3A_161 = tpu.memref_slice %arg2[%dma_wait3A_154, %dma_wait3A_159, %dma_wait3A_160] : memref<1x10000x128xf32, #tpu.memory_space<hbm>> -> memref<1x10000x128xf32, #tpu.memory_space<hbm>>
      %dma_wait3A_162 = tpu.memref_squeeze %dma_wait3A_161 : memref<1x10000x128xf32, #tpu.memory_space<hbm>> -> memref<10000x128xf32, #tpu.memory_space<hbm>>
      %dma_wait3A_163 = arith.constant 0 : i32
      %dma_wait3A_164 = arith.constant 0 : i32
      %dma_wait3A_165 = tpu.memref_slice %dma_wait3A_162[%dma_wait3A_163, %dma_wait3A_164] : memref<10000x128xf32, #tpu.memory_space<hbm>> -> memref<10000x128xf32, #tpu.memory_space<hbm>>
      tpu.wait_indirect_dma semaphore(%arg17 : memref<!tpu.dma_semaphore, #tpu.memory_space<semaphore_mem>>) src(%dma_wait3A_165 : memref<10000x128xf32, #tpu.memory_space<hbm>>) dst(%arg13 : memref<120x128xf32, #tpu.memory_space<vmem>>)
      %dma_start3A_166 = arith.constant 0 : i32
      %dma_start3A_167 = arith.constant 0 : i32
      %dma_start3A_168 = tpu.memref_slice %arg10[%dma_start3A_166, %dma_start3A_167] : memref<8x120xi32, #tpu.memory_space<vmem>> -> memref<1x120xi32, #tpu.memory_space<vmem>>
      %dma_start3A_169 = tpu.memref_squeeze %dma_start3A_168 : memref<1x120xi32, #tpu.memory_space<vmem>> -> memref<120xi32, #tpu.memory_space<vmem>>
      %dma_start3A_170 = arith.constant 0 : i32
      %dma_start3A_171 = arith.constant 0 : i32
      %dma_start3A_172 = tpu.memref_slice %arg16[%dma_start3A_170, %dma_start3A_171] : memref<10112x128xf32, #tpu.memory_space<vmem_shared>> -> memref<10112x128xf32, #tpu.memory_space<vmem_shared>>
      tpu.enqueue_indirect_dma source(%arg13 : memref<120x128xf32, #tpu.memory_space<vmem>>) target(%dma_start3A_172 : memref<10112x128xf32, #tpu.memory_space<vmem_shared>>) offsets(%dma_start3A_169 : memref<120xi32, #tpu.memory_space<vmem>>) semaphore(%arg20 : memref<!tpu.dma_semaphore, #tpu.memory_space<semaphore_mem>>) {add = true}
      %dma_wait3A_173 = arith.constant 0 : i32
      %dma_wait3A_174 = arith.constant 0 : i32
      %dma_wait3A_175 = tpu.memref_slice %arg10[%dma_wait3A_173, %dma_wait3A_174] : memref<8x120xi32, #tpu.memory_space<vmem>> -> memref<1x120xi32, #tpu.memory_space<vmem>>
      %dma_wait3A_176 = tpu.memref_squeeze %dma_wait3A_175 : memref<1x120xi32, #tpu.memory_space<vmem>> -> memref<120xi32, #tpu.memory_space<vmem>>
      %dma_wait3A_177 = arith.constant 0 : i32
      %dma_wait3A_178 = arith.constant 0 : i32
      %dma_wait3A_179 = tpu.memref_slice %arg16[%dma_wait3A_177, %dma_wait3A_178] : memref<10112x128xf32, #tpu.memory_space<vmem_shared>> -> memref<10112x128xf32, #tpu.memory_space<vmem_shared>>
      tpu.wait_indirect_dma semaphore(%arg20 : memref<!tpu.dma_semaphore, #tpu.memory_space<semaphore_mem>>) src(%arg13 : memref<120x128xf32, #tpu.memory_space<vmem>>) dst(%dma_wait3A_179 : memref<10112x128xf32, #tpu.memory_space<vmem_shared>>)
      %dma_start3A_180 = arith.constant 0 : i32
      %dma_start3A_181 = arith.constant 3 : i32
      %dma_start3A_182 = arith.constant 0 : i32
      %dma_start3A_183 = tpu.memref_slice %arg9[%dma_start3A_181, %dma_start3A_182] : memref<8x120xi32, #tpu.memory_space<vmem>> -> memref<1x120xi32, #tpu.memory_space<vmem>>
      %dma_start3A_184 = tpu.memref_squeeze %dma_start3A_183 : memref<1x120xi32, #tpu.memory_space<vmem>> -> memref<120xi32, #tpu.memory_space<vmem>>
      %dma_start3A_185 = arith.constant 0 : i32
      %dma_start3A_186 = arith.constant 0 : i32
      %dma_start3A_187 = tpu.memref_slice %arg2[%dma_start3A_180, %dma_start3A_185, %dma_start3A_186] : memref<1x10000x128xf32, #tpu.memory_space<hbm>> -> memref<1x10000x128xf32, #tpu.memory_space<hbm>>
      %dma_start3A_188 = tpu.memref_squeeze %dma_start3A_187 : memref<1x10000x128xf32, #tpu.memory_space<hbm>> -> memref<10000x128xf32, #tpu.memory_space<hbm>>
      %dma_start3A_189 = arith.constant 0 : i32
      %dma_start3A_190 = arith.constant 0 : i32
      %dma_start3A_191 = tpu.memref_slice %dma_start3A_188[%dma_start3A_189, %dma_start3A_190] : memref<10000x128xf32, #tpu.memory_space<hbm>> -> memref<10000x128xf32, #tpu.memory_space<hbm>>
      tpu.enqueue_indirect_dma source(%dma_start3A_191 : memref<10000x128xf32, #tpu.memory_space<hbm>>) target(%arg13 : memref<120x128xf32, #tpu.memory_space<vmem>>) offsets(%dma_start3A_184 : memref<120xi32, #tpu.memory_space<vmem>>) semaphore(%arg17 : memref<!tpu.dma_semaphore, #tpu.memory_space<semaphore_mem>>)
      %dma_wait3A_192 = arith.constant 0 : i32
      %dma_wait3A_193 = arith.constant 1 : i32
      %dma_wait3A_194 = arith.constant 0 : i32
      %dma_wait3A_195 = tpu.memref_slice %arg9[%dma_wait3A_193, %dma_wait3A_194] : memref<8x120xi32, #tpu.memory_space<vmem>> -> memref<1x120xi32, #tpu.memory_space<vmem>>
      %dma_wait3A_196 = tpu.memref_squeeze %dma_wait3A_195 : memref<1x120xi32, #tpu.memory_space<vmem>> -> memref<120xi32, #tpu.memory_space<vmem>>
      %dma_wait3A_197 = arith.constant 0 : i32
      %dma_wait3A_198 = arith.constant 0 : i32
      %dma_wait3A_199 = tpu.memref_slice %arg2[%dma_wait3A_192, %dma_wait3A_197, %dma_wait3A_198] : memref<1x10000x128xf32, #tpu.memory_space<hbm>> -> memref<1x10000x128xf32, #tpu.memory_space<hbm>>
      %dma_wait3A_200 = tpu.memref_squeeze %dma_wait3A_199 : memref<1x10000x128xf32, #tpu.memory_space<hbm>> -> memref<10000x128xf32, #tpu.memory_space<hbm>>
      %dma_wait3A_201 = arith.constant 0 : i32
      %dma_wait3A_202 = arith.constant 0 : i32
      %dma_wait3A_203 = tpu.memref_slice %dma_wait3A_200[%dma_wait3A_201, %dma_wait3A_202] : memref<10000x128xf32, #tpu.memory_space<hbm>> -> memref<10000x128xf32, #tpu.memory_space<hbm>>
      tpu.wait_indirect_dma semaphore(%arg18 : memref<!tpu.dma_semaphore, #tpu.memory_space<semaphore_mem>>) src(%dma_wait3A_203 : memref<10000x128xf32, #tpu.memory_space<hbm>>) dst(%arg14 : memref<120x128xf32, #tpu.memory_space<vmem>>)
      %dma_start3A_204 = arith.constant 1 : i32
      %dma_start3A_205 = arith.constant 0 : i32
      %dma_start3A_206 = tpu.memref_slice %arg10[%dma_start3A_204, %dma_start3A_205] : memref<8x120xi32, #tpu.memory_space<vmem>> -> memref<1x120xi32, #tpu.memory_space<vmem>>
      %dma_start3A_207 = tpu.memref_squeeze %dma_start3A_206 : memref<1x120xi32, #tpu.memory_space<vmem>> -> memref<120xi32, #tpu.memory_space<vmem>>
      %dma_start3A_208 = arith.constant 0 : i32
      %dma_start3A_209 = arith.constant 0 : i32
      %dma_start3A_210 = tpu.memref_slice %arg16[%dma_start3A_208, %dma_start3A_209] : memref<10112x128xf32, #tpu.memory_space<vmem_shared>> -> memref<10112x128xf32, #tpu.memory_space<vmem_shared>>
      tpu.enqueue_indirect_dma source(%arg14 : memref<120x128xf32, #tpu.memory_space<vmem>>) target(%dma_start3A_210 : memref<10112x128xf32, #tpu.memory_space<vmem_shared>>) offsets(%dma_start3A_207 : memref<120xi32, #tpu.memory_space<vmem>>) semaphore(%arg21 : memref<!tpu.dma_semaphore, #tpu.memory_space<semaphore_mem>>) {add = true}
      %dma_wait3A_211 = arith.constant 1 : i32
      %dma_wait3A_212 = arith.constant 0 : i32
      %dma_wait3A_213 = tpu.memref_slice %arg10[%dma_wait3A_211, %dma_wait3A_212] : memref<8x120xi32, #tpu.memory_space<vmem>> -> memref<1x120xi32, #tpu.memory_space<vmem>>
      %dma_wait3A_214 = tpu.memref_squeeze %dma_wait3A_213 : memref<1x120xi32, #tpu.memory_space<vmem>> -> memref<120xi32, #tpu.memory_space<vmem>>
      %dma_wait3A_215 = arith.constant 0 : i32
      %dma_wait3A_216 = arith.constant 0 : i32
      %dma_wait3A_217 = tpu.memref_slice %arg16[%dma_wait3A_215, %dma_wait3A_216] : memref<10112x128xf32, #tpu.memory_space<vmem_shared>> -> memref<10112x128xf32, #tpu.memory_space<vmem_shared>>
      tpu.wait_indirect_dma semaphore(%arg21 : memref<!tpu.dma_semaphore, #tpu.memory_space<semaphore_mem>>) src(%arg14 : memref<120x128xf32, #tpu.memory_space<vmem>>) dst(%dma_wait3A_217 : memref<10112x128xf32, #tpu.memory_space<vmem_shared>>)
      %dma_start3A_218 = arith.constant 0 : i32
      %dma_start3A_219 = arith.constant 4 : i32
      %dma_start3A_220 = arith.constant 0 : i32
      %dma_start3A_221 = tpu.memref_slice %arg9[%dma_start3A_219, %dma_start3A_220] : memref<8x120xi32, #tpu.memory_space<vmem>> -> memref<1x120xi32, #tpu.memory_space<vmem>>
      %dma_start3A_222 = tpu.memref_squeeze %dma_start3A_221 : memref<1x120xi32, #tpu.memory_space<vmem>> -> memref<120xi32, #tpu.memory_space<vmem>>
      %dma_start3A_223 = arith.constant 0 : i32
      %dma_start3A_224 = arith.constant 0 : i32
      %dma_start3A_225 = tpu.memref_slice %arg2[%dma_start3A_218, %dma_start3A_223, %dma_start3A_224] : memref<1x10000x128xf32, #tpu.memory_space<hbm>> -> memref<1x10000x128xf32, #tpu.memory_space<hbm>>
      %dma_start3A_226 = tpu.memref_squeeze %dma_start3A_225 : memref<1x10000x128xf32, #tpu.memory_space<hbm>> -> memref<10000x128xf32, #tpu.memory_space<hbm>>
      %dma_start3A_227 = arith.constant 0 : i32
      %dma_start3A_228 = arith.constant 0 : i32
      %dma_start3A_229 = tpu.memref_slice %dma_start3A_226[%dma_start3A_227, %dma_start3A_228] : memref<10000x128xf32, #tpu.memory_space<hbm>> -> memref<10000x128xf32, #tpu.memory_space<hbm>>
      tpu.enqueue_indirect_dma source(%dma_start3A_229 : memref<10000x128xf32, #tpu.memory_space<hbm>>) target(%arg14 : memref<120x128xf32, #tpu.memory_space<vmem>>) offsets(%dma_start3A_222 : memref<120xi32, #tpu.memory_space<vmem>>) semaphore(%arg18 : memref<!tpu.dma_semaphore, #tpu.memory_space<semaphore_mem>>)
      %dma_wait3A_230 = arith.constant 0 : i32
      %dma_wait3A_231 = arith.constant 2 : i32
      %dma_wait3A_232 = arith.constant 0 : i32
      %dma_wait3A_233 = tpu.memref_slice %arg9[%dma_wait3A_231, %dma_wait3A_232] : memref<8x120xi32, #tpu.memory_space<vmem>> -> memref<1x120xi32, #tpu.memory_space<vmem>>
      %dma_wait3A_234 = tpu.memref_squeeze %dma_wait3A_233 : memref<1x120xi32, #tpu.memory_space<vmem>> -> memref<120xi32, #tpu.memory_space<vmem>>
      %dma_wait3A_235 = arith.constant 0 : i32
      %dma_wait3A_236 = arith.constant 0 : i32
      %dma_wait3A_237 = tpu.memref_slice %arg2[%dma_wait3A_230, %dma_wait3A_235, %dma_wait3A_236] : memref<1x10000x128xf32, #tpu.memory_space<hbm>> -> memref<1x10000x128xf32, #tpu.memory_space<hbm>>
      %dma_wait3A_238 = tpu.memref_squeeze %dma_wait3A_237 : memref<1x10000x128xf32, #tpu.memory_space<hbm>> -> memref<10000x128xf32, #tpu.memory_space<hbm>>
      %dma_wait3A_239 = arith.constant 0 : i32
      %dma_wait3A_240 = arith.constant 0 : i32
      %dma_wait3A_241 = tpu.memref_slice %dma_wait3A_238[%dma_wait3A_239, %dma_wait3A_240] : memref<10000x128xf32, #tpu.memory_space<hbm>> -> memref<10000x128xf32, #tpu.memory_space<hbm>>
      tpu.wait_indirect_dma semaphore(%arg19 : memref<!tpu.dma_semaphore, #tpu.memory_space<semaphore_mem>>) src(%dma_wait3A_241 : memref<10000x128xf32, #tpu.memory_space<hbm>>) dst(%arg15 : memref<120x128xf32, #tpu.memory_space<vmem>>)
      %dma_start3A_242 = arith.constant 2 : i32
      %dma_start3A_243 = arith.constant 0 : i32
      %dma_start3A_244 = tpu.memref_slice %arg10[%dma_start3A_242, %dma_start3A_243] : memref<8x120xi32, #tpu.memory_space<vmem>> -> memref<1x120xi32, #tpu.memory_space<vmem>>
      %dma_start3A_245 = tpu.memref_squeeze %dma_start3A_244 : memref<1x120xi32, #tpu.memory_space<vmem>> -> memref<120xi32, #tpu.memory_space<vmem>>
      %dma_start3A_246 = arith.constant 0 : i32
      %dma_start3A_247 = arith.constant 0 : i32
      %dma_start3A_248 = tpu.memref_slice %arg16[%dma_start3A_246, %dma_start3A_247] : memref<10112x128xf32, #tpu.memory_space<vmem_shared>> -> memref<10112x128xf32, #tpu.memory_space<vmem_shared>>
      tpu.enqueue_indirect_dma source(%arg15 : memref<120x128xf32, #tpu.memory_space<vmem>>) target(%dma_start3A_248 : memref<10112x128xf32, #tpu.memory_space<vmem_shared>>) offsets(%dma_start3A_245 : memref<120xi32, #tpu.memory_space<vmem>>) semaphore(%arg22 : memref<!tpu.dma_semaphore, #tpu.memory_space<semaphore_mem>>) {add = true}
      %dma_wait3A_249 = arith.constant 2 : i32
      %dma_wait3A_250 = arith.constant 0 : i32
      %dma_wait3A_251 = tpu.memref_slice %arg10[%dma_wait3A_249, %dma_wait3A_250] : memref<8x120xi32, #tpu.memory_space<vmem>> -> memref<1x120xi32, #tpu.memory_space<vmem>>
      %dma_wait3A_252 = tpu.memref_squeeze %dma_wait3A_251 : memref<1x120xi32, #tpu.memory_space<vmem>> -> memref<120xi32, #tpu.memory_space<vmem>>
      %dma_wait3A_253 = arith.constant 0 : i32
      %dma_wait3A_254 = arith.constant 0 : i32
      %dma_wait3A_255 = tpu.memref_slice %arg16[%dma_wait3A_253, %dma_wait3A_254] : memref<10112x128xf32, #tpu.memory_space<vmem_shared>> -> memref<10112x128xf32, #tpu.memory_space<vmem_shared>>
      tpu.wait_indirect_dma semaphore(%arg22 : memref<!tpu.dma_semaphore, #tpu.memory_space<semaphore_mem>>) src(%arg15 : memref<120x128xf32, #tpu.memory_space<vmem>>) dst(%dma_wait3A_255 : memref<10112x128xf32, #tpu.memory_space<vmem_shared>>)
      %dma_start3A_256 = arith.constant 0 : i32
      %dma_start3A_257 = arith.constant 5 : i32
      %dma_start3A_258 = arith.constant 0 : i32
      %dma_start3A_259 = tpu.memref_slice %arg9[%dma_start3A_257, %dma_start3A_258] : memref<8x120xi32, #tpu.memory_space<vmem>> -> memref<1x120xi32, #tpu.memory_space<vmem>>
      %dma_start3A_260 = tpu.memref_squeeze %dma_start3A_259 : memref<1x120xi32, #tpu.memory_space<vmem>> -> memref<120xi32, #tpu.memory_space<vmem>>
      %dma_start3A_261 = arith.constant 0 : i32
      %dma_start3A_262 = arith.constant 0 : i32
      %dma_start3A_263 = tpu.memref_slice %arg2[%dma_start3A_256, %dma_start3A_261, %dma_start3A_262] : memref<1x10000x128xf32, #tpu.memory_space<hbm>> -> memref<1x10000x128xf32, #tpu.memory_space<hbm>>
      %dma_start3A_264 = tpu.memref_squeeze %dma_start3A_263 : memref<1x10000x128xf32, #tpu.memory_space<hbm>> -> memref<10000x128xf32, #tpu.memory_space<hbm>>
      %dma_start3A_265 = arith.constant 0 : i32
      %dma_start3A_266 = arith.constant 0 : i32
      %dma_start3A_267 = tpu.memref_slice %dma_start3A_264[%dma_start3A_265, %dma_start3A_266] : memref<10000x128xf32, #tpu.memory_space<hbm>> -> memref<10000x128xf32, #tpu.memory_space<hbm>>
      tpu.enqueue_indirect_dma source(%dma_start3A_267 : memref<10000x128xf32, #tpu.memory_space<hbm>>) target(%arg15 : memref<120x128xf32, #tpu.memory_space<vmem>>) offsets(%dma_start3A_260 : memref<120xi32, #tpu.memory_space<vmem>>) semaphore(%arg19 : memref<!tpu.dma_semaphore, #tpu.memory_space<semaphore_mem>>)
      %dma_wait3A_268 = arith.constant 0 : i32
      %dma_wait3A_269 = arith.constant 3 : i32
      %dma_wait3A_270 = arith.constant 0 : i32
      %dma_wait3A_271 = tpu.memref_slice %arg9[%dma_wait3A_269, %dma_wait3A_270] : memref<8x120xi32, #tpu.memory_space<vmem>> -> memref<1x120xi32, #tpu.memory_space<vmem>>
      %dma_wait3A_272 = tpu.memref_squeeze %dma_wait3A_271 : memref<1x120xi32, #tpu.memory_space<vmem>> -> memref<120xi32, #tpu.memory_space<vmem>>
      %dma_wait3A_273 = arith.constant 0 : i32
      %dma_wait3A_274 = arith.constant 0 : i32
      %dma_wait3A_275 = tpu.memref_slice %arg2[%dma_wait3A_268, %dma_wait3A_273, %dma_wait3A_274] : memref<1x10000x128xf32, #tpu.memory_space<hbm>> -> memref<1x10000x128xf32, #tpu.memory_space<hbm>>
      %dma_wait3A_276 = tpu.memref_squeeze %dma_wait3A_275 : memref<1x10000x128xf32, #tpu.memory_space<hbm>> -> memref<10000x128xf32, #tpu.memory_space<hbm>>
      %dma_wait3A_277 = arith.constant 0 : i32
      %dma_wait3A_278 = arith.constant 0 : i32
      %dma_wait3A_279 = tpu.memref_slice %dma_wait3A_276[%dma_wait3A_277, %dma_wait3A_278] : memref<10000x128xf32, #tpu.memory_space<hbm>> -> memref<10000x128xf32, #tpu.memory_space<hbm>>
      tpu.wait_indirect_dma semaphore(%arg17 : memref<!tpu.dma_semaphore, #tpu.memory_space<semaphore_mem>>) src(%dma_wait3A_279 : memref<10000x128xf32, #tpu.memory_space<hbm>>) dst(%arg13 : memref<120x128xf32, #tpu.memory_space<vmem>>)
      %dma_start3A_280 = arith.constant 3 : i32
      %dma_start3A_281 = arith.constant 0 : i32
      %dma_start3A_282 = tpu.memref_slice %arg10[%dma_start3A_280, %dma_start3A_281] : memref<8x120xi32, #tpu.memory_space<vmem>> -> memref<1x120xi32, #tpu.memory_space<vmem>>
      %dma_start3A_283 = tpu.memref_squeeze %dma_start3A_282 : memref<1x120xi32, #tpu.memory_space<vmem>> -> memref<120xi32, #tpu.memory_space<vmem>>
      %dma_start3A_284 = arith.constant 0 : i32
      %dma_start3A_285 = arith.constant 0 : i32
      %dma_start3A_286 = tpu.memref_slice %arg16[%dma_start3A_284, %dma_start3A_285] : memref<10112x128xf32, #tpu.memory_space<vmem_shared>> -> memref<10112x128xf32, #tpu.memory_space<vmem_shared>>
      tpu.enqueue_indirect_dma source(%arg13 : memref<120x128xf32, #tpu.memory_space<vmem>>) target(%dma_start3A_286 : memref<10112x128xf32, #tpu.memory_space<vmem_shared>>) offsets(%dma_start3A_283 : memref<120xi32, #tpu.memory_space<vmem>>) semaphore(%arg20 : memref<!tpu.dma_semaphore, #tpu.memory_space<semaphore_mem>>) {add = true}
      %dma_wait3A_287 = arith.constant 3 : i32
      %dma_wait3A_288 = arith.constant 0 : i32
      %dma_wait3A_289 = tpu.memref_slice %arg10[%dma_wait3A_287, %dma_wait3A_288] : memref<8x120xi32, #tpu.memory_space<vmem>> -> memref<1x120xi32, #tpu.memory_space<vmem>>
      %dma_wait3A_290 = tpu.memref_squeeze %dma_wait3A_289 : memref<1x120xi32, #tpu.memory_space<vmem>> -> memref<120xi32, #tpu.memory_space<vmem>>
      %dma_wait3A_291 = arith.constant 0 : i32
      %dma_wait3A_292 = arith.constant 0 : i32
      %dma_wait3A_293 = tpu.memref_slice %arg16[%dma_wait3A_291, %dma_wait3A_292] : memref<10112x128xf32, #tpu.memory_space<vmem_shared>> -> memref<10112x128xf32, #tpu.memory_space<vmem_shared>>
      tpu.wait_indirect_dma semaphore(%arg20 : memref<!tpu.dma_semaphore, #tpu.memory_space<semaphore_mem>>) src(%arg13 : memref<120x128xf32, #tpu.memory_space<vmem>>) dst(%dma_wait3A_293 : memref<10112x128xf32, #tpu.memory_space<vmem_shared>>)
      %dma_start3A_294 = arith.constant 0 : i32
      %dma_start3A_295 = arith.constant 6 : i32
      %dma_start3A_296 = arith.constant 0 : i32
      %dma_start3A_297 = tpu.memref_slice %arg9[%dma_start3A_295, %dma_start3A_296] : memref<8x120xi32, #tpu.memory_space<vmem>> -> memref<1x120xi32, #tpu.memory_space<vmem>>
      %dma_start3A_298 = tpu.memref_squeeze %dma_start3A_297 : memref<1x120xi32, #tpu.memory_space<vmem>> -> memref<120xi32, #tpu.memory_space<vmem>>
      %dma_start3A_299 = arith.constant 0 : i32
      %dma_start3A_300 = arith.constant 0 : i32
      %dma_start3A_301 = tpu.memref_slice %arg2[%dma_start3A_294, %dma_start3A_299, %dma_start3A_300] : memref<1x10000x128xf32, #tpu.memory_space<hbm>> -> memref<1x10000x128xf32, #tpu.memory_space<hbm>>
      %dma_start3A_302 = tpu.memref_squeeze %dma_start3A_301 : memref<1x10000x128xf32, #tpu.memory_space<hbm>> -> memref<10000x128xf32, #tpu.memory_space<hbm>>
      %dma_start3A_303 = arith.constant 0 : i32
      %dma_start3A_304 = arith.constant 0 : i32
      %dma_start3A_305 = tpu.memref_slice %dma_start3A_302[%dma_start3A_303, %dma_start3A_304] : memref<10000x128xf32, #tpu.memory_space<hbm>> -> memref<10000x128xf32, #tpu.memory_space<hbm>>
      tpu.enqueue_indirect_dma source(%dma_start3A_305 : memref<10000x128xf32, #tpu.memory_space<hbm>>) target(%arg13 : memref<120x128xf32, #tpu.memory_space<vmem>>) offsets(%dma_start3A_298 : memref<120xi32, #tpu.memory_space<vmem>>) semaphore(%arg17 : memref<!tpu.dma_semaphore, #tpu.memory_space<semaphore_mem>>)
      %dma_wait3A_306 = arith.constant 0 : i32
      %dma_wait3A_307 = arith.constant 4 : i32
      %dma_wait3A_308 = arith.constant 0 : i32
      %dma_wait3A_309 = tpu.memref_slice %arg9[%dma_wait3A_307, %dma_wait3A_308] : memref<8x120xi32, #tpu.memory_space<vmem>> -> memref<1x120xi32, #tpu.memory_space<vmem>>
      %dma_wait3A_310 = tpu.memref_squeeze %dma_wait3A_309 : memref<1x120xi32, #tpu.memory_space<vmem>> -> memref<120xi32, #tpu.memory_space<vmem>>
      %dma_wait3A_311 = arith.constant 0 : i32
      %dma_wait3A_312 = arith.constant 0 : i32
      %dma_wait3A_313 = tpu.memref_slice %arg2[%dma_wait3A_306, %dma_wait3A_311, %dma_wait3A_312] : memref<1x10000x128xf32, #tpu.memory_space<hbm>> -> memref<1x10000x128xf32, #tpu.memory_space<hbm>>
      %dma_wait3A_314 = tpu.memref_squeeze %dma_wait3A_313 : memref<1x10000x128xf32, #tpu.memory_space<hbm>> -> memref<10000x128xf32, #tpu.memory_space<hbm>>
      %dma_wait3A_315 = arith.constant 0 : i32
      %dma_wait3A_316 = arith.constant 0 : i32
      %dma_wait3A_317 = tpu.memref_slice %dma_wait3A_314[%dma_wait3A_315, %dma_wait3A_316] : memref<10000x128xf32, #tpu.memory_space<hbm>> -> memref<10000x128xf32, #tpu.memory_space<hbm>>
      tpu.wait_indirect_dma semaphore(%arg18 : memref<!tpu.dma_semaphore, #tpu.memory_space<semaphore_mem>>) src(%dma_wait3A_317 : memref<10000x128xf32, #tpu.memory_space<hbm>>) dst(%arg14 : memref<120x128xf32, #tpu.memory_space<vmem>>)
      %dma_start3A_318 = arith.constant 4 : i32
      %dma_start3A_319 = arith.constant 0 : i32
      %dma_start3A_320 = tpu.memref_slice %arg10[%dma_start3A_318, %dma_start3A_319] : memref<8x120xi32, #tpu.memory_space<vmem>> -> memref<1x120xi32, #tpu.memory_space<vmem>>
      %dma_start3A_321 = tpu.memref_squeeze %dma_start3A_320 : memref<1x120xi32, #tpu.memory_space<vmem>> -> memref<120xi32, #tpu.memory_space<vmem>>
      %dma_start3A_322 = arith.constant 0 : i32
      %dma_start3A_323 = arith.constant 0 : i32
      %dma_start3A_324 = tpu.memref_slice %arg16[%dma_start3A_322, %dma_start3A_323] : memref<10112x128xf32, #tpu.memory_space<vmem_shared>> -> memref<10112x128xf32, #tpu.memory_space<vmem_shared>>
      tpu.enqueue_indirect_dma source(%arg14 : memref<120x128xf32, #tpu.memory_space<vmem>>) target(%dma_start3A_324 : memref<10112x128xf32, #tpu.memory_space<vmem_shared>>) offsets(%dma_start3A_321 : memref<120xi32, #tpu.memory_space<vmem>>) semaphore(%arg21 : memref<!tpu.dma_semaphore, #tpu.memory_space<semaphore_mem>>) {add = true}
      %dma_wait3A_325 = arith.constant 4 : i32
      %dma_wait3A_326 = arith.constant 0 : i32
      %dma_wait3A_327 = tpu.memref_slice %arg10[%dma_wait3A_325, %dma_wait3A_326] : memref<8x120xi32, #tpu.memory_space<vmem>> -> memref<1x120xi32, #tpu.memory_space<vmem>>
      %dma_wait3A_328 = tpu.memref_squeeze %dma_wait3A_327 : memref<1x120xi32, #tpu.memory_space<vmem>> -> memref<120xi32, #tpu.memory_space<vmem>>
      %dma_wait3A_329 = arith.constant 0 : i32
      %dma_wait3A_330 = arith.constant 0 : i32
      %dma_wait3A_331 = tpu.memref_slice %arg16[%dma_wait3A_329, %dma_wait3A_330] : memref<10112x128xf32, #tpu.memory_space<vmem_shared>> -> memref<10112x128xf32, #tpu.memory_space<vmem_shared>>
      tpu.wait_indirect_dma semaphore(%arg21 : memref<!tpu.dma_semaphore, #tpu.memory_space<semaphore_mem>>) src(%arg14 : memref<120x128xf32, #tpu.memory_space<vmem>>) dst(%dma_wait3A_331 : memref<10112x128xf32, #tpu.memory_space<vmem_shared>>)
      %dma_start3A_332 = arith.constant 0 : i32
      %dma_start3A_333 = arith.constant 7 : i32
      %dma_start3A_334 = arith.constant 0 : i32
      %dma_start3A_335 = tpu.memref_slice %arg9[%dma_start3A_333, %dma_start3A_334] : memref<8x120xi32, #tpu.memory_space<vmem>> -> memref<1x120xi32, #tpu.memory_space<vmem>>
      %dma_start3A_336 = tpu.memref_squeeze %dma_start3A_335 : memref<1x120xi32, #tpu.memory_space<vmem>> -> memref<120xi32, #tpu.memory_space<vmem>>
      %dma_start3A_337 = arith.constant 0 : i32
      %dma_start3A_338 = arith.constant 0 : i32
      %dma_start3A_339 = tpu.memref_slice %arg2[%dma_start3A_332, %dma_start3A_337, %dma_start3A_338] : memref<1x10000x128xf32, #tpu.memory_space<hbm>> -> memref<1x10000x128xf32, #tpu.memory_space<hbm>>
      %dma_start3A_340 = tpu.memref_squeeze %dma_start3A_339 : memref<1x10000x128xf32, #tpu.memory_space<hbm>> -> memref<10000x128xf32, #tpu.memory_space<hbm>>
      %dma_start3A_341 = arith.constant 0 : i32
      %dma_start3A_342 = arith.constant 0 : i32
      %dma_start3A_343 = tpu.memref_slice %dma_start3A_340[%dma_start3A_341, %dma_start3A_342] : memref<10000x128xf32, #tpu.memory_space<hbm>> -> memref<10000x128xf32, #tpu.memory_space<hbm>>
      tpu.enqueue_indirect_dma source(%dma_start3A_343 : memref<10000x128xf32, #tpu.memory_space<hbm>>) target(%arg14 : memref<120x128xf32, #tpu.memory_space<vmem>>) offsets(%dma_start3A_336 : memref<120xi32, #tpu.memory_space<vmem>>) semaphore(%arg18 : memref<!tpu.dma_semaphore, #tpu.memory_space<semaphore_mem>>)
      %dma_wait3A_344 = arith.constant 0 : i32
      %dma_wait3A_345 = arith.constant 5 : i32
      %dma_wait3A_346 = arith.constant 0 : i32
      %dma_wait3A_347 = tpu.memref_slice %arg9[%dma_wait3A_345, %dma_wait3A_346] : memref<8x120xi32, #tpu.memory_space<vmem>> -> memref<1x120xi32, #tpu.memory_space<vmem>>
      %dma_wait3A_348 = tpu.memref_squeeze %dma_wait3A_347 : memref<1x120xi32, #tpu.memory_space<vmem>> -> memref<120xi32, #tpu.memory_space<vmem>>
      %dma_wait3A_349 = arith.constant 0 : i32
      %dma_wait3A_350 = arith.constant 0 : i32
      %dma_wait3A_351 = tpu.memref_slice %arg2[%dma_wait3A_344, %dma_wait3A_349, %dma_wait3A_350] : memref<1x10000x128xf32, #tpu.memory_space<hbm>> -> memref<1x10000x128xf32, #tpu.memory_space<hbm>>
      %dma_wait3A_352 = tpu.memref_squeeze %dma_wait3A_351 : memref<1x10000x128xf32, #tpu.memory_space<hbm>> -> memref<10000x128xf32, #tpu.memory_space<hbm>>
      %dma_wait3A_353 = arith.constant 0 : i32
      %dma_wait3A_354 = arith.constant 0 : i32
      %dma_wait3A_355 = tpu.memref_slice %dma_wait3A_352[%dma_wait3A_353, %dma_wait3A_354] : memref<10000x128xf32, #tpu.memory_space<hbm>> -> memref<10000x128xf32, #tpu.memory_space<hbm>>
      tpu.wait_indirect_dma semaphore(%arg19 : memref<!tpu.dma_semaphore, #tpu.memory_space<semaphore_mem>>) src(%dma_wait3A_355 : memref<10000x128xf32, #tpu.memory_space<hbm>>) dst(%arg15 : memref<120x128xf32, #tpu.memory_space<vmem>>)
      %dma_start3A_356 = arith.constant 5 : i32
      %dma_start3A_357 = arith.constant 0 : i32
      %dma_start3A_358 = tpu.memref_slice %arg10[%dma_start3A_356, %dma_start3A_357] : memref<8x120xi32, #tpu.memory_space<vmem>> -> memref<1x120xi32, #tpu.memory_space<vmem>>
      %dma_start3A_359 = tpu.memref_squeeze %dma_start3A_358 : memref<1x120xi32, #tpu.memory_space<vmem>> -> memref<120xi32, #tpu.memory_space<vmem>>
      %dma_start3A_360 = arith.constant 0 : i32
      %dma_start3A_361 = arith.constant 0 : i32
      %dma_start3A_362 = tpu.memref_slice %arg16[%dma_start3A_360, %dma_start3A_361] : memref<10112x128xf32, #tpu.memory_space<vmem_shared>> -> memref<10112x128xf32, #tpu.memory_space<vmem_shared>>
      tpu.enqueue_indirect_dma source(%arg15 : memref<120x128xf32, #tpu.memory_space<vmem>>) target(%dma_start3A_362 : memref<10112x128xf32, #tpu.memory_space<vmem_shared>>) offsets(%dma_start3A_359 : memref<120xi32, #tpu.memory_space<vmem>>) semaphore(%arg22 : memref<!tpu.dma_semaphore, #tpu.memory_space<semaphore_mem>>) {add = true}
      %dma_wait3A_363 = arith.constant 0 : i32
      %dma_wait3A_364 = arith.constant 6 : i32
      %dma_wait3A_365 = arith.constant 0 : i32
      %dma_wait3A_366 = tpu.memref_slice %arg9[%dma_wait3A_364, %dma_wait3A_365] : memref<8x120xi32, #tpu.memory_space<vmem>> -> memref<1x120xi32, #tpu.memory_space<vmem>>
      %dma_wait3A_367 = tpu.memref_squeeze %dma_wait3A_366 : memref<1x120xi32, #tpu.memory_space<vmem>> -> memref<120xi32, #tpu.memory_space<vmem>>
      %dma_wait3A_368 = arith.constant 0 : i32
      %dma_wait3A_369 = arith.constant 0 : i32
      %dma_wait3A_370 = tpu.memref_slice %arg2[%dma_wait3A_363, %dma_wait3A_368, %dma_wait3A_369] : memref<1x10000x128xf32, #tpu.memory_space<hbm>> -> memref<1x10000x128xf32, #tpu.memory_space<hbm>>
      %dma_wait3A_371 = tpu.memref_squeeze %dma_wait3A_370 : memref<1x10000x128xf32, #tpu.memory_space<hbm>> -> memref<10000x128xf32, #tpu.memory_space<hbm>>
      %dma_wait3A_372 = arith.constant 0 : i32
      %dma_wait3A_373 = arith.constant 0 : i32
      %dma_wait3A_374 = tpu.memref_slice %dma_wait3A_371[%dma_wait3A_372, %dma_wait3A_373] : memref<10000x128xf32, #tpu.memory_space<hbm>> -> memref<10000x128xf32, #tpu.memory_space<hbm>>
      tpu.wait_indirect_dma semaphore(%arg17 : memref<!tpu.dma_semaphore, #tpu.memory_space<semaphore_mem>>) src(%dma_wait3A_374 : memref<10000x128xf32, #tpu.memory_space<hbm>>) dst(%arg13 : memref<120x128xf32, #tpu.memory_space<vmem>>)
      %dma_start3A_375 = arith.constant 6 : i32
      %dma_start3A_376 = arith.constant 0 : i32
      %dma_start3A_377 = tpu.memref_slice %arg10[%dma_start3A_375, %dma_start3A_376] : memref<8x120xi32, #tpu.memory_space<vmem>> -> memref<1x120xi32, #tpu.memory_space<vmem>>
      %dma_start3A_378 = tpu.memref_squeeze %dma_start3A_377 : memref<1x120xi32, #tpu.memory_space<vmem>> -> memref<120xi32, #tpu.memory_space<vmem>>
      %dma_start3A_379 = arith.constant 0 : i32
      %dma_start3A_380 = arith.constant 0 : i32
      %dma_start3A_381 = tpu.memref_slice %arg16[%dma_start3A_379, %dma_start3A_380] : memref<10112x128xf32, #tpu.memory_space<vmem_shared>> -> memref<10112x128xf32, #tpu.memory_space<vmem_shared>>
      tpu.enqueue_indirect_dma source(%arg13 : memref<120x128xf32, #tpu.memory_space<vmem>>) target(%dma_start3A_381 : memref<10112x128xf32, #tpu.memory_space<vmem_shared>>) offsets(%dma_start3A_378 : memref<120xi32, #tpu.memory_space<vmem>>) semaphore(%arg20 : memref<!tpu.dma_semaphore, #tpu.memory_space<semaphore_mem>>) {add = true}
      %dma_wait3A_382 = arith.constant 0 : i32
      %dma_wait3A_383 = arith.constant 7 : i32
      %dma_wait3A_384 = arith.constant 0 : i32
      %dma_wait3A_385 = tpu.memref_slice %arg9[%dma_wait3A_383, %dma_wait3A_384] : memref<8x120xi32, #tpu.memory_space<vmem>> -> memref<1x120xi32, #tpu.memory_space<vmem>>
      %dma_wait3A_386 = tpu.memref_squeeze %dma_wait3A_385 : memref<1x120xi32, #tpu.memory_space<vmem>> -> memref<120xi32, #tpu.memory_space<vmem>>
      %dma_wait3A_387 = arith.constant 0 : i32
      %dma_wait3A_388 = arith.constant 0 : i32
      %dma_wait3A_389 = tpu.memref_slice %arg2[%dma_wait3A_382, %dma_wait3A_387, %dma_wait3A_388] : memref<1x10000x128xf32, #tpu.memory_space<hbm>> -> memref<1x10000x128xf32, #tpu.memory_space<hbm>>
      %dma_wait3A_390 = tpu.memref_squeeze %dma_wait3A_389 : memref<1x10000x128xf32, #tpu.memory_space<hbm>> -> memref<10000x128xf32, #tpu.memory_space<hbm>>
      %dma_wait3A_391 = arith.constant 0 : i32
      %dma_wait3A_392 = arith.constant 0 : i32
      %dma_wait3A_393 = tpu.memref_slice %dma_wait3A_390[%dma_wait3A_391, %dma_wait3A_392] : memref<10000x128xf32, #tpu.memory_space<hbm>> -> memref<10000x128xf32, #tpu.memory_space<hbm>>
      tpu.wait_indirect_dma semaphore(%arg18 : memref<!tpu.dma_semaphore, #tpu.memory_space<semaphore_mem>>) src(%dma_wait3A_393 : memref<10000x128xf32, #tpu.memory_space<hbm>>) dst(%arg14 : memref<120x128xf32, #tpu.memory_space<vmem>>)
      %dma_start3A_394 = arith.constant 7 : i32
      %dma_start3A_395 = arith.constant 0 : i32
      %dma_start3A_396 = tpu.memref_slice %arg10[%dma_start3A_394, %dma_start3A_395] : memref<8x120xi32, #tpu.memory_space<vmem>> -> memref<1x120xi32, #tpu.memory_space<vmem>>
      %dma_start3A_397 = tpu.memref_squeeze %dma_start3A_396 : memref<1x120xi32, #tpu.memory_space<vmem>> -> memref<120xi32, #tpu.memory_space<vmem>>
      %dma_start3A_398 = arith.constant 0 : i32
      %dma_start3A_399 = arith.constant 0 : i32
      %dma_start3A_400 = tpu.memref_slice %arg16[%dma_start3A_398, %dma_start3A_399] : memref<10112x128xf32, #tpu.memory_space<vmem_shared>> -> memref<10112x128xf32, #tpu.memory_space<vmem_shared>>
      tpu.enqueue_indirect_dma source(%arg14 : memref<120x128xf32, #tpu.memory_space<vmem>>) target(%dma_start3A_400 : memref<10112x128xf32, #tpu.memory_space<vmem_shared>>) offsets(%dma_start3A_397 : memref<120xi32, #tpu.memory_space<vmem>>) semaphore(%arg21 : memref<!tpu.dma_semaphore, #tpu.memory_space<semaphore_mem>>) {add = true}
      %dma_wait3A_401 = arith.constant 6 : i32
      %dma_wait3A_402 = arith.constant 0 : i32
      %dma_wait3A_403 = tpu.memref_slice %arg10[%dma_wait3A_401, %dma_wait3A_402] : memref<8x120xi32, #tpu.memory_space<vmem>> -> memref<1x120xi32, #tpu.memory_space<vmem>>
      %dma_wait3A_404 = tpu.memref_squeeze %dma_wait3A_403 : memref<1x120xi32, #tpu.memory_space<vmem>> -> memref<120xi32, #tpu.memory_space<vmem>>
      %dma_wait3A_405 = arith.constant 0 : i32
      %dma_wait3A_406 = arith.constant 0 : i32
      %dma_wait3A_407 = tpu.memref_slice %arg16[%dma_wait3A_405, %dma_wait3A_406] : memref<10112x128xf32, #tpu.memory_space<vmem_shared>> -> memref<10112x128xf32, #tpu.memory_space<vmem_shared>>
      tpu.wait_indirect_dma semaphore(%arg20 : memref<!tpu.dma_semaphore, #tpu.memory_space<semaphore_mem>>) src(%arg13 : memref<120x128xf32, #tpu.memory_space<vmem>>) dst(%dma_wait3A_407 : memref<10112x128xf32, #tpu.memory_space<vmem_shared>>)
      %dma_wait3A_408 = arith.constant 7 : i32
      %dma_wait3A_409 = arith.constant 0 : i32
      %dma_wait3A_410 = tpu.memref_slice %arg10[%dma_wait3A_408, %dma_wait3A_409] : memref<8x120xi32, #tpu.memory_space<vmem>> -> memref<1x120xi32, #tpu.memory_space<vmem>>
      %dma_wait3A_411 = tpu.memref_squeeze %dma_wait3A_410 : memref<1x120xi32, #tpu.memory_space<vmem>> -> memref<120xi32, #tpu.memory_space<vmem>>
      %dma_wait3A_412 = arith.constant 0 : i32
      %dma_wait3A_413 = arith.constant 0 : i32
      %dma_wait3A_414 = tpu.memref_slice %arg16[%dma_wait3A_412, %dma_wait3A_413] : memref<10112x128xf32, #tpu.memory_space<vmem_shared>> -> memref<10112x128xf32, #tpu.memory_space<vmem_shared>>
      tpu.wait_indirect_dma semaphore(%arg21 : memref<!tpu.dma_semaphore, #tpu.memory_space<semaphore_mem>>) src(%arg14 : memref<120x128xf32, #tpu.memory_space<vmem>>) dst(%dma_wait3A_414 : memref<10112x128xf32, #tpu.memory_space<vmem_shared>>)
      %dma_wait3A_415 = arith.constant 5 : i32
      %dma_wait3A_416 = arith.constant 0 : i32
      %dma_wait3A_417 = tpu.memref_slice %arg10[%dma_wait3A_415, %dma_wait3A_416] : memref<8x120xi32, #tpu.memory_space<vmem>> -> memref<1x120xi32, #tpu.memory_space<vmem>>
      %dma_wait3A_418 = tpu.memref_squeeze %dma_wait3A_417 : memref<1x120xi32, #tpu.memory_space<vmem>> -> memref<120xi32, #tpu.memory_space<vmem>>
      %dma_wait3A_419 = arith.constant 0 : i32
      %dma_wait3A_420 = arith.constant 0 : i32
      %dma_wait3A_421 = tpu.memref_slice %arg16[%dma_wait3A_419, %dma_wait3A_420] : memref<10112x128xf32, #tpu.memory_space<vmem_shared>> -> memref<10112x128xf32, #tpu.memory_space<vmem_shared>>
      tpu.wait_indirect_dma semaphore(%arg22 : memref<!tpu.dma_semaphore, #tpu.memory_space<semaphore_mem>>) src(%arg15 : memref<120x128xf32, #tpu.memory_space<vmem>>) dst(%dma_wait3A_421 : memref<10112x128xf32, #tpu.memory_space<vmem_shared>>)
    }
    %scan3A_6 = arith.constant 10 : i32
    %mul3A_7 = arith.constant 88 : i32
    %mul3A_8 = arith.muli %add3A, %mul3A_7 : i32
    %add3A_9 = arith.constant 80 : i32
    %add3A_10 = arith.addi %mul3A_8, %add3A_9 : i32
    %multiple_of3A_11 = tpu.assume_multiple %add3A_10, 8 : i32
    "tpu.region"() ({
      %run_scoped3A_107 = tpu.sem_alloc : memref<!tpu.dma_semaphore, #tpu.memory_space<semaphore_mem>>
      %dma_start3A_108 = arith.constant 0 : i32
      %dma_start3A_109 = tpu.memref_slice %arg3[%multiple_of3A_11, %dma_start3A_108] : memref<2816x120xi32, #tpu.memory_space<hbm>> -> memref<8x120xi32, #tpu.memory_space<hbm>>
      %dma_start3A_110 = arith.constant 0 : i32
      %dma_start3A_111 = tpu.memref_slice %arg3[%multiple_of3A_11, %dma_start3A_110] : memref<2816x120xi32, #tpu.memory_space<hbm>> -> memref<8x120xi32, #tpu.memory_space<hbm>>
      tpu.enqueue_dma source(%dma_start3A_111 : memref<8x120xi32, #tpu.memory_space<hbm>>) target(%arg9 : memref<8x120xi32, #tpu.memory_space<vmem>>) target_semaphore(%run_scoped3A_107 : memref<!tpu.dma_semaphore, #tpu.memory_space<semaphore_mem>>)
      %dma_wait3A_112 = arith.constant 0 : i32
      %dma_wait3A_113 = tpu.memref_slice %arg3[%multiple_of3A_11, %dma_wait3A_112] : memref<2816x120xi32, #tpu.memory_space<hbm>> -> memref<8x120xi32, #tpu.memory_space<hbm>>
      %dma_wait3A_114 = arith.constant 0 : i32
      %dma_wait3A_115 = tpu.memref_slice %arg3[%multiple_of3A_11, %dma_wait3A_114] : memref<2816x120xi32, #tpu.memory_space<hbm>> -> memref<8x120xi32, #tpu.memory_space<hbm>>
      tpu.wait_dma2 semaphore(%run_scoped3A_107 : memref<!tpu.dma_semaphore, #tpu.memory_space<semaphore_mem>>) src(%dma_wait3A_115 : memref<8x120xi32, #tpu.memory_space<hbm>>) dst(%arg9 : memref<8x120xi32, #tpu.memory_space<vmem>>)
      tpu.yield
    }) : () -> ()
    "tpu.region"() ({
      %run_scoped3A_107 = tpu.sem_alloc : memref<!tpu.dma_semaphore, #tpu.memory_space<semaphore_mem>>
      %dma_start3A_108 = arith.constant 0 : i32
      %dma_start3A_109 = tpu.memref_slice %arg4[%multiple_of3A_11, %dma_start3A_108] : memref<2816x120xi32, #tpu.memory_space<hbm>> -> memref<8x120xi32, #tpu.memory_space<hbm>>
      %dma_start3A_110 = arith.constant 0 : i32
      %dma_start3A_111 = tpu.memref_slice %arg4[%multiple_of3A_11, %dma_start3A_110] : memref<2816x120xi32, #tpu.memory_space<hbm>> -> memref<8x120xi32, #tpu.memory_space<hbm>>
      tpu.enqueue_dma source(%dma_start3A_111 : memref<8x120xi32, #tpu.memory_space<hbm>>) target(%arg10 : memref<8x120xi32, #tpu.memory_space<vmem>>) target_semaphore(%run_scoped3A_107 : memref<!tpu.dma_semaphore, #tpu.memory_space<semaphore_mem>>)
      %dma_wait3A_112 = arith.constant 0 : i32
      %dma_wait3A_113 = tpu.memref_slice %arg4[%multiple_of3A_11, %dma_wait3A_112] : memref<2816x120xi32, #tpu.memory_space<hbm>> -> memref<8x120xi32, #tpu.memory_space<hbm>>
      %dma_wait3A_114 = arith.constant 0 : i32
      %dma_wait3A_115 = tpu.memref_slice %arg4[%multiple_of3A_11, %dma_wait3A_114] : memref<2816x120xi32, #tpu.memory_space<hbm>> -> memref<8x120xi32, #tpu.memory_space<hbm>>
      tpu.wait_dma2 semaphore(%run_scoped3A_107 : memref<!tpu.dma_semaphore, #tpu.memory_space<semaphore_mem>>) src(%dma_wait3A_115 : memref<8x120xi32, #tpu.memory_space<hbm>>) dst(%arg10 : memref<8x120xi32, #tpu.memory_space<vmem>>)
      tpu.yield
    }) : () -> ()
    %dma_start3A = arith.constant 0 : i32
    %dma_start3A_12 = arith.constant 0 : i32
    %dma_start3A_13 = arith.constant 0 : i32
    %dma_start3A_14 = tpu.memref_slice %arg9[%dma_start3A_12, %dma_start3A_13] : memref<8x120xi32, #tpu.memory_space<vmem>> -> memref<1x120xi32, #tpu.memory_space<vmem>>
    %dma_start3A_15 = tpu.memref_squeeze %dma_start3A_14 : memref<1x120xi32, #tpu.memory_space<vmem>> -> memref<120xi32, #tpu.memory_space<vmem>>
    %dma_start3A_16 = arith.constant 0 : i32
    %dma_start3A_17 = arith.constant 0 : i32
    %dma_start3A_18 = tpu.memref_slice %arg2[%dma_start3A, %dma_start3A_16, %dma_start3A_17] : memref<1x10000x128xf32, #tpu.memory_space<hbm>> -> memref<1x10000x128xf32, #tpu.memory_space<hbm>>
    %dma_start3A_19 = tpu.memref_squeeze %dma_start3A_18 : memref<1x10000x128xf32, #tpu.memory_space<hbm>> -> memref<10000x128xf32, #tpu.memory_space<hbm>>
    %dma_start3A_20 = arith.constant 0 : i32
    %dma_start3A_21 = arith.constant 0 : i32
    %dma_start3A_22 = tpu.memref_slice %dma_start3A_19[%dma_start3A_20, %dma_start3A_21] : memref<10000x128xf32, #tpu.memory_space<hbm>> -> memref<10000x128xf32, #tpu.memory_space<hbm>>
    tpu.enqueue_indirect_dma source(%dma_start3A_22 : memref<10000x128xf32, #tpu.memory_space<hbm>>) target(%arg13 : memref<120x128xf32, #tpu.memory_space<vmem>>) offsets(%dma_start3A_15 : memref<120xi32, #tpu.memory_space<vmem>>) semaphore(%arg17 : memref<!tpu.dma_semaphore, #tpu.memory_space<semaphore_mem>>)
    %dma_wait3A = arith.constant 0 : i32
    %dma_wait3A_23 = arith.constant 0 : i32
    %dma_wait3A_24 = arith.constant 0 : i32
    %dma_wait3A_25 = tpu.memref_slice %arg9[%dma_wait3A_23, %dma_wait3A_24] : memref<8x120xi32, #tpu.memory_space<vmem>> -> memref<1x120xi32, #tpu.memory_space<vmem>>
    %dma_wait3A_26 = tpu.memref_squeeze %dma_wait3A_25 : memref<1x120xi32, #tpu.memory_space<vmem>> -> memref<120xi32, #tpu.memory_space<vmem>>
    %dma_wait3A_27 = arith.constant 0 : i32
    %dma_wait3A_28 = arith.constant 0 : i32
    %dma_wait3A_29 = tpu.memref_slice %arg2[%dma_wait3A, %dma_wait3A_27, %dma_wait3A_28] : memref<1x10000x128xf32, #tpu.memory_space<hbm>> -> memref<1x10000x128xf32, #tpu.memory_space<hbm>>
    %dma_wait3A_30 = tpu.memref_squeeze %dma_wait3A_29 : memref<1x10000x128xf32, #tpu.memory_space<hbm>> -> memref<10000x128xf32, #tpu.memory_space<hbm>>
    %dma_wait3A_31 = arith.constant 0 : i32
    %dma_wait3A_32 = arith.constant 0 : i32
    %dma_wait3A_33 = tpu.memref_slice %dma_wait3A_30[%dma_wait3A_31, %dma_wait3A_32] : memref<10000x128xf32, #tpu.memory_space<hbm>> -> memref<10000x128xf32, #tpu.memory_space<hbm>>
    tpu.wait_indirect_dma semaphore(%arg17 : memref<!tpu.dma_semaphore, #tpu.memory_space<semaphore_mem>>) src(%dma_wait3A_33 : memref<10000x128xf32, #tpu.memory_space<hbm>>) dst(%arg13 : memref<120x128xf32, #tpu.memory_space<vmem>>)
    %run_scoped3A = arith.constant 0 : i32
    "tpu.region"() ({
      %run_scoped3A_107 = tpu.sem_alloc : memref<!tpu.dma_semaphore, #tpu.memory_space<semaphore_mem>>
      %dma_start3A_108 = arith.constant 0 : i32
      %dma_start3A_109 = tpu.memref_slice %arg10[%run_scoped3A, %dma_start3A_108] : memref<8x120xi32, #tpu.memory_space<vmem>> -> memref<1x120xi32, #tpu.memory_space<vmem>>
      %dma_start3A_110 = tpu.memref_squeeze %dma_start3A_109 : memref<1x120xi32, #tpu.memory_space<vmem>> -> memref<120xi32, #tpu.memory_space<vmem>>
      %dma_start3A_111 = arith.constant 0 : i32
      %dma_start3A_112 = arith.constant 0 : i32
      %dma_start3A_113 = tpu.memref_slice %arg16[%dma_start3A_111, %dma_start3A_112] : memref<10112x128xf32, #tpu.memory_space<vmem_shared>> -> memref<10112x128xf32, #tpu.memory_space<vmem_shared>>
      tpu.enqueue_indirect_dma source(%arg13 : memref<120x128xf32, #tpu.memory_space<vmem>>) target(%dma_start3A_113 : memref<10112x128xf32, #tpu.memory_space<vmem_shared>>) offsets(%dma_start3A_110 : memref<120xi32, #tpu.memory_space<vmem>>) semaphore(%run_scoped3A_107 : memref<!tpu.dma_semaphore, #tpu.memory_space<semaphore_mem>>) {add = true}
      %dma_wait3A_114 = arith.constant 0 : i32
      %dma_wait3A_115 = tpu.memref_slice %arg10[%run_scoped3A, %dma_wait3A_114] : memref<8x120xi32, #tpu.memory_space<vmem>> -> memref<1x120xi32, #tpu.memory_space<vmem>>
      %dma_wait3A_116 = tpu.memref_squeeze %dma_wait3A_115 : memref<1x120xi32, #tpu.memory_space<vmem>> -> memref<120xi32, #tpu.memory_space<vmem>>
      %dma_wait3A_117 = arith.constant 0 : i32
      %dma_wait3A_118 = arith.constant 0 : i32
      %dma_wait3A_119 = tpu.memref_slice %arg16[%dma_wait3A_117, %dma_wait3A_118] : memref<10112x128xf32, #tpu.memory_space<vmem_shared>> -> memref<10112x128xf32, #tpu.memory_space<vmem_shared>>
      tpu.wait_indirect_dma semaphore(%run_scoped3A_107 : memref<!tpu.dma_semaphore, #tpu.memory_space<semaphore_mem>>) src(%arg13 : memref<120x128xf32, #tpu.memory_space<vmem>>) dst(%dma_wait3A_119 : memref<10112x128xf32, #tpu.memory_space<vmem_shared>>)
      tpu.yield
    }) : () -> ()
    %dma_start3A_34 = arith.constant 0 : i32
    %dma_start3A_35 = arith.constant 1 : i32
    %dma_start3A_36 = arith.constant 0 : i32
    %dma_start3A_37 = tpu.memref_slice %arg9[%dma_start3A_35, %dma_start3A_36] : memref<8x120xi32, #tpu.memory_space<vmem>> -> memref<1x120xi32, #tpu.memory_space<vmem>>
    %dma_start3A_38 = tpu.memref_squeeze %dma_start3A_37 : memref<1x120xi32, #tpu.memory_space<vmem>> -> memref<120xi32, #tpu.memory_space<vmem>>
    %dma_start3A_39 = arith.constant 0 : i32
    %dma_start3A_40 = arith.constant 0 : i32
    %dma_start3A_41 = tpu.memref_slice %arg2[%dma_start3A_34, %dma_start3A_39, %dma_start3A_40] : memref<1x10000x128xf32, #tpu.memory_space<hbm>> -> memref<1x10000x128xf32, #tpu.memory_space<hbm>>
    %dma_start3A_42 = tpu.memref_squeeze %dma_start3A_41 : memref<1x10000x128xf32, #tpu.memory_space<hbm>> -> memref<10000x128xf32, #tpu.memory_space<hbm>>
    %dma_start3A_43 = arith.constant 0 : i32
    %dma_start3A_44 = arith.constant 0 : i32
    %dma_start3A_45 = tpu.memref_slice %dma_start3A_42[%dma_start3A_43, %dma_start3A_44] : memref<10000x128xf32, #tpu.memory_space<hbm>> -> memref<10000x128xf32, #tpu.memory_space<hbm>>
    tpu.enqueue_indirect_dma source(%dma_start3A_45 : memref<10000x128xf32, #tpu.memory_space<hbm>>) target(%arg13 : memref<120x128xf32, #tpu.memory_space<vmem>>) offsets(%dma_start3A_38 : memref<120xi32, #tpu.memory_space<vmem>>) semaphore(%arg17 : memref<!tpu.dma_semaphore, #tpu.memory_space<semaphore_mem>>)
    %dma_wait3A_46 = arith.constant 0 : i32
    %dma_wait3A_47 = arith.constant 1 : i32
    %dma_wait3A_48 = arith.constant 0 : i32
    %dma_wait3A_49 = tpu.memref_slice %arg9[%dma_wait3A_47, %dma_wait3A_48] : memref<8x120xi32, #tpu.memory_space<vmem>> -> memref<1x120xi32, #tpu.memory_space<vmem>>
    %dma_wait3A_50 = tpu.memref_squeeze %dma_wait3A_49 : memref<1x120xi32, #tpu.memory_space<vmem>> -> memref<120xi32, #tpu.memory_space<vmem>>
    %dma_wait3A_51 = arith.constant 0 : i32
    %dma_wait3A_52 = arith.constant 0 : i32
    %dma_wait3A_53 = tpu.memref_slice %arg2[%dma_wait3A_46, %dma_wait3A_51, %dma_wait3A_52] : memref<1x10000x128xf32, #tpu.memory_space<hbm>> -> memref<1x10000x128xf32, #tpu.memory_space<hbm>>
    %dma_wait3A_54 = tpu.memref_squeeze %dma_wait3A_53 : memref<1x10000x128xf32, #tpu.memory_space<hbm>> -> memref<10000x128xf32, #tpu.memory_space<hbm>>
    %dma_wait3A_55 = arith.constant 0 : i32
    %dma_wait3A_56 = arith.constant 0 : i32
    %dma_wait3A_57 = tpu.memref_slice %dma_wait3A_54[%dma_wait3A_55, %dma_wait3A_56] : memref<10000x128xf32, #tpu.memory_space<hbm>> -> memref<10000x128xf32, #tpu.memory_space<hbm>>
    tpu.wait_indirect_dma semaphore(%arg17 : memref<!tpu.dma_semaphore, #tpu.memory_space<semaphore_mem>>) src(%dma_wait3A_57 : memref<10000x128xf32, #tpu.memory_space<hbm>>) dst(%arg13 : memref<120x128xf32, #tpu.memory_space<vmem>>)
    %run_scoped3A_58 = arith.constant 1 : i32
    "tpu.region"() ({
      %run_scoped3A_107 = tpu.sem_alloc : memref<!tpu.dma_semaphore, #tpu.memory_space<semaphore_mem>>
      %dma_start3A_108 = arith.constant 0 : i32
      %dma_start3A_109 = tpu.memref_slice %arg10[%run_scoped3A_58, %dma_start3A_108] : memref<8x120xi32, #tpu.memory_space<vmem>> -> memref<1x120xi32, #tpu.memory_space<vmem>>
      %dma_start3A_110 = tpu.memref_squeeze %dma_start3A_109 : memref<1x120xi32, #tpu.memory_space<vmem>> -> memref<120xi32, #tpu.memory_space<vmem>>
      %dma_start3A_111 = arith.constant 0 : i32
      %dma_start3A_112 = arith.constant 0 : i32
      %dma_start3A_113 = tpu.memref_slice %arg16[%dma_start3A_111, %dma_start3A_112] : memref<10112x128xf32, #tpu.memory_space<vmem_shared>> -> memref<10112x128xf32, #tpu.memory_space<vmem_shared>>
      tpu.enqueue_indirect_dma source(%arg13 : memref<120x128xf32, #tpu.memory_space<vmem>>) target(%dma_start3A_113 : memref<10112x128xf32, #tpu.memory_space<vmem_shared>>) offsets(%dma_start3A_110 : memref<120xi32, #tpu.memory_space<vmem>>) semaphore(%run_scoped3A_107 : memref<!tpu.dma_semaphore, #tpu.memory_space<semaphore_mem>>) {add = true}
      %dma_wait3A_114 = arith.constant 0 : i32
      %dma_wait3A_115 = tpu.memref_slice %arg10[%run_scoped3A_58, %dma_wait3A_114] : memref<8x120xi32, #tpu.memory_space<vmem>> -> memref<1x120xi32, #tpu.memory_space<vmem>>
      %dma_wait3A_116 = tpu.memref_squeeze %dma_wait3A_115 : memref<1x120xi32, #tpu.memory_space<vmem>> -> memref<120xi32, #tpu.memory_space<vmem>>
      %dma_wait3A_117 = arith.constant 0 : i32
      %dma_wait3A_118 = arith.constant 0 : i32
      %dma_wait3A_119 = tpu.memref_slice %arg16[%dma_wait3A_117, %dma_wait3A_118] : memref<10112x128xf32, #tpu.memory_space<vmem_shared>> -> memref<10112x128xf32, #tpu.memory_space<vmem_shared>>
      tpu.wait_indirect_dma semaphore(%run_scoped3A_107 : memref<!tpu.dma_semaphore, #tpu.memory_space<semaphore_mem>>) src(%arg13 : memref<120x128xf32, #tpu.memory_space<vmem>>) dst(%dma_wait3A_119 : memref<10112x128xf32, #tpu.memory_space<vmem_shared>>)
      tpu.yield
    }) : () -> ()
    %dma_start3A_59 = arith.constant 0 : i32
    %dma_start3A_60 = arith.constant 2 : i32
    %dma_start3A_61 = arith.constant 0 : i32
    %dma_start3A_62 = tpu.memref_slice %arg9[%dma_start3A_60, %dma_start3A_61] : memref<8x120xi32, #tpu.memory_space<vmem>> -> memref<1x120xi32, #tpu.memory_space<vmem>>
    %dma_start3A_63 = tpu.memref_squeeze %dma_start3A_62 : memref<1x120xi32, #tpu.memory_space<vmem>> -> memref<120xi32, #tpu.memory_space<vmem>>
    %dma_start3A_64 = arith.constant 0 : i32
    %dma_start3A_65 = arith.constant 0 : i32
    %dma_start3A_66 = tpu.memref_slice %arg2[%dma_start3A_59, %dma_start3A_64, %dma_start3A_65] : memref<1x10000x128xf32, #tpu.memory_space<hbm>> -> memref<1x10000x128xf32, #tpu.memory_space<hbm>>
    %dma_start3A_67 = tpu.memref_squeeze %dma_start3A_66 : memref<1x10000x128xf32, #tpu.memory_space<hbm>> -> memref<10000x128xf32, #tpu.memory_space<hbm>>
    %dma_start3A_68 = arith.constant 0 : i32
    %dma_start3A_69 = arith.constant 0 : i32
    %dma_start3A_70 = tpu.memref_slice %dma_start3A_67[%dma_start3A_68, %dma_start3A_69] : memref<10000x128xf32, #tpu.memory_space<hbm>> -> memref<10000x128xf32, #tpu.memory_space<hbm>>
    tpu.enqueue_indirect_dma source(%dma_start3A_70 : memref<10000x128xf32, #tpu.memory_space<hbm>>) target(%arg13 : memref<120x128xf32, #tpu.memory_space<vmem>>) offsets(%dma_start3A_63 : memref<120xi32, #tpu.memory_space<vmem>>) semaphore(%arg17 : memref<!tpu.dma_semaphore, #tpu.memory_space<semaphore_mem>>)
    %dma_wait3A_71 = arith.constant 0 : i32
    %dma_wait3A_72 = arith.constant 2 : i32
    %dma_wait3A_73 = arith.constant 0 : i32
    %dma_wait3A_74 = tpu.memref_slice %arg9[%dma_wait3A_72, %dma_wait3A_73] : memref<8x120xi32, #tpu.memory_space<vmem>> -> memref<1x120xi32, #tpu.memory_space<vmem>>
    %dma_wait3A_75 = tpu.memref_squeeze %dma_wait3A_74 : memref<1x120xi32, #tpu.memory_space<vmem>> -> memref<120xi32, #tpu.memory_space<vmem>>
    %dma_wait3A_76 = arith.constant 0 : i32
    %dma_wait3A_77 = arith.constant 0 : i32
    %dma_wait3A_78 = tpu.memref_slice %arg2[%dma_wait3A_71, %dma_wait3A_76, %dma_wait3A_77] : memref<1x10000x128xf32, #tpu.memory_space<hbm>> -> memref<1x10000x128xf32, #tpu.memory_space<hbm>>
    %dma_wait3A_79 = tpu.memref_squeeze %dma_wait3A_78 : memref<1x10000x128xf32, #tpu.memory_space<hbm>> -> memref<10000x128xf32, #tpu.memory_space<hbm>>
    %dma_wait3A_80 = arith.constant 0 : i32
    %dma_wait3A_81 = arith.constant 0 : i32
    %dma_wait3A_82 = tpu.memref_slice %dma_wait3A_79[%dma_wait3A_80, %dma_wait3A_81] : memref<10000x128xf32, #tpu.memory_space<hbm>> -> memref<10000x128xf32, #tpu.memory_space<hbm>>
    tpu.wait_indirect_dma semaphore(%arg17 : memref<!tpu.dma_semaphore, #tpu.memory_space<semaphore_mem>>) src(%dma_wait3A_82 : memref<10000x128xf32, #tpu.memory_space<hbm>>) dst(%arg13 : memref<120x128xf32, #tpu.memory_space<vmem>>)
    %run_scoped3A_83 = arith.constant 2 : i32
    "tpu.region"() ({
      %run_scoped3A_107 = tpu.sem_alloc : memref<!tpu.dma_semaphore, #tpu.memory_space<semaphore_mem>>
      %dma_start3A_108 = arith.constant 0 : i32
      %dma_start3A_109 = tpu.memref_slice %arg10[%run_scoped3A_83, %dma_start3A_108] : memref<8x120xi32, #tpu.memory_space<vmem>> -> memref<1x120xi32, #tpu.memory_space<vmem>>
      %dma_start3A_110 = tpu.memref_squeeze %dma_start3A_109 : memref<1x120xi32, #tpu.memory_space<vmem>> -> memref<120xi32, #tpu.memory_space<vmem>>
      %dma_start3A_111 = arith.constant 0 : i32
      %dma_start3A_112 = arith.constant 0 : i32
      %dma_start3A_113 = tpu.memref_slice %arg16[%dma_start3A_111, %dma_start3A_112] : memref<10112x128xf32, #tpu.memory_space<vmem_shared>> -> memref<10112x128xf32, #tpu.memory_space<vmem_shared>>
      tpu.enqueue_indirect_dma source(%arg13 : memref<120x128xf32, #tpu.memory_space<vmem>>) target(%dma_start3A_113 : memref<10112x128xf32, #tpu.memory_space<vmem_shared>>) offsets(%dma_start3A_110 : memref<120xi32, #tpu.memory_space<vmem>>) semaphore(%run_scoped3A_107 : memref<!tpu.dma_semaphore, #tpu.memory_space<semaphore_mem>>) {add = true}
      %dma_wait3A_114 = arith.constant 0 : i32
      %dma_wait3A_115 = tpu.memref_slice %arg10[%run_scoped3A_83, %dma_wait3A_114] : memref<8x120xi32, #tpu.memory_space<vmem>> -> memref<1x120xi32, #tpu.memory_space<vmem>>
      %dma_wait3A_116 = tpu.memref_squeeze %dma_wait3A_115 : memref<1x120xi32, #tpu.memory_space<vmem>> -> memref<120xi32, #tpu.memory_space<vmem>>
      %dma_wait3A_117 = arith.constant 0 : i32
      %dma_wait3A_118 = arith.constant 0 : i32
      %dma_wait3A_119 = tpu.memref_slice %arg16[%dma_wait3A_117, %dma_wait3A_118] : memref<10112x128xf32, #tpu.memory_space<vmem_shared>> -> memref<10112x128xf32, #tpu.memory_space<vmem_shared>>
      tpu.wait_indirect_dma semaphore(%run_scoped3A_107 : memref<!tpu.dma_semaphore, #tpu.memory_space<semaphore_mem>>) src(%arg13 : memref<120x128xf32, #tpu.memory_space<vmem>>) dst(%dma_wait3A_119 : memref<10112x128xf32, #tpu.memory_space<vmem_shared>>)
      tpu.yield
    }) : () -> ()
    %dma_start3A_84 = arith.constant 0 : i32
    %dma_start3A_85 = arith.constant 0 : i32
    %dma_start3A_86 = arith.constant 0 : i32
    %dma_start3A_87 = tpu.memref_slice %arg13[%dma_start3A_85, %dma_start3A_86] : memref<120x128xf32, #tpu.memory_space<vmem>> -> memref<40x128xf32, #tpu.memory_space<vmem>>
    %dma_start3A_88 = arith.constant 0 : i32
    %dma_start3A_89 = arith.constant 0 : i32
    %dma_start3A_90 = tpu.memref_slice %arg2[%dma_start3A_84, %dma_start3A_88, %dma_start3A_89] : memref<1x10000x128xf32, #tpu.memory_space<hbm>> -> memref<1x10000x128xf32, #tpu.memory_space<hbm>>
    %dma_start3A_91 = tpu.memref_squeeze %dma_start3A_90 : memref<1x10000x128xf32, #tpu.memory_space<hbm>> -> memref<10000x128xf32, #tpu.memory_space<hbm>>
    %dma_start3A_92 = arith.constant 0 : i32
    %dma_start3A_93 = arith.constant 0 : i32
    %dma_start3A_94 = tpu.memref_slice %dma_start3A_91[%dma_start3A_92, %dma_start3A_93] : memref<10000x128xf32, #tpu.memory_space<hbm>> -> memref<10000x128xf32, #tpu.memory_space<hbm>>
    tpu.enqueue_indirect_dma source(%dma_start3A_94 : memref<10000x128xf32, #tpu.memory_space<hbm>>) target(%dma_start3A_87 : memref<40x128xf32, #tpu.memory_space<vmem>>) offsets(%arg11 : memref<40xi32, #tpu.memory_space<vmem>>) semaphore(%arg17 : memref<!tpu.dma_semaphore, #tpu.memory_space<semaphore_mem>>)
    %dma_wait3A_95 = arith.constant 0 : i32
    %dma_wait3A_96 = arith.constant 0 : i32
    %dma_wait3A_97 = arith.constant 0 : i32
    %dma_wait3A_98 = tpu.memref_slice %arg13[%dma_wait3A_96, %dma_wait3A_97] : memref<120x128xf32, #tpu.memory_space<vmem>> -> memref<40x128xf32, #tpu.memory_space<vmem>>
    %dma_wait3A_99 = arith.constant 0 : i32
    %dma_wait3A_100 = arith.constant 0 : i32
    %dma_wait3A_101 = tpu.memref_slice %arg2[%dma_wait3A_95, %dma_wait3A_99, %dma_wait3A_100] : memref<1x10000x128xf32, #tpu.memory_space<hbm>> -> memref<1x10000x128xf32, #tpu.memory_space<hbm>>
    %dma_wait3A_102 = tpu.memref_squeeze %dma_wait3A_101 : memref<1x10000x128xf32, #tpu.memory_space<hbm>> -> memref<10000x128xf32, #tpu.memory_space<hbm>>
    %dma_wait3A_103 = arith.constant 0 : i32
    %dma_wait3A_104 = arith.constant 0 : i32
    %dma_wait3A_105 = tpu.memref_slice %dma_wait3A_102[%dma_wait3A_103, %dma_wait3A_104] : memref<10000x128xf32, #tpu.memory_space<hbm>> -> memref<10000x128xf32, #tpu.memory_space<hbm>>
    tpu.wait_indirect_dma semaphore(%arg17 : memref<!tpu.dma_semaphore, #tpu.memory_space<semaphore_mem>>) src(%dma_wait3A_105 : memref<10000x128xf32, #tpu.memory_space<hbm>>) dst(%dma_wait3A_98 : memref<40x128xf32, #tpu.memory_space<vmem>>)
    "tpu.region"() ({
      %run_scoped3A_107 = tpu.sem_alloc : memref<!tpu.dma_semaphore, #tpu.memory_space<semaphore_mem>>
      %dma_start3A_108 = arith.constant 0 : i32
      %dma_start3A_109 = arith.constant 0 : i32
      %dma_start3A_110 = tpu.memref_slice %arg13[%dma_start3A_108, %dma_start3A_109] : memref<120x128xf32, #tpu.memory_space<vmem>> -> memref<40x128xf32, #tpu.memory_space<vmem>>
      %dma_start3A_111 = arith.constant 0 : i32
      %dma_start3A_112 = arith.constant 0 : i32
      %dma_start3A_113 = tpu.memref_slice %arg16[%dma_start3A_111, %dma_start3A_112] : memref<10112x128xf32, #tpu.memory_space<vmem_shared>> -> memref<10112x128xf32, #tpu.memory_space<vmem_shared>>
      tpu.enqueue_indirect_dma source(%dma_start3A_110 : memref<40x128xf32, #tpu.memory_space<vmem>>) target(%dma_start3A_113 : memref<10112x128xf32, #tpu.memory_space<vmem_shared>>) offsets(%arg12 : memref<40xi32, #tpu.memory_space<vmem>>) semaphore(%run_scoped3A_107 : memref<!tpu.dma_semaphore, #tpu.memory_space<semaphore_mem>>) {add = true}
      %dma_wait3A_114 = arith.constant 0 : i32
      %dma_wait3A_115 = arith.constant 0 : i32
      %dma_wait3A_116 = tpu.memref_slice %arg13[%dma_wait3A_114, %dma_wait3A_115] : memref<120x128xf32, #tpu.memory_space<vmem>> -> memref<40x128xf32, #tpu.memory_space<vmem>>
      %dma_wait3A_117 = arith.constant 0 : i32
      %dma_wait3A_118 = arith.constant 0 : i32
      %dma_wait3A_119 = tpu.memref_slice %arg16[%dma_wait3A_117, %dma_wait3A_118] : memref<10112x128xf32, #tpu.memory_space<vmem_shared>> -> memref<10112x128xf32, #tpu.memory_space<vmem_shared>>
      tpu.wait_indirect_dma semaphore(%run_scoped3A_107 : memref<!tpu.dma_semaphore, #tpu.memory_space<semaphore_mem>>) src(%dma_wait3A_116 : memref<40x128xf32, #tpu.memory_space<vmem>>) dst(%dma_wait3A_119 : memref<10112x128xf32, #tpu.memory_space<vmem_shared>>)
      tpu.yield
    }) : () -> ()
    %barrier3A_106 = arith.constant 0 : index
    tpu.barrier barrier_id(%barrier3A_106)
    "tpu.region"() ({
      %run_scoped3A_107 = tpu.sem_alloc : memref<!tpu.dma_semaphore, #tpu.memory_space<semaphore_mem>>
      %dma_start3A_108 = arith.constant 0 : i32
      %dma_start3A_109 = arith.constant 0 : i32
      %dma_start3A_110 = tpu.memref_slice %arg8[%arg0, %dma_start3A_108, %dma_start3A_109] : memref<2x10112x128xf32, #tpu.memory_space<hbm>> -> memref<1x10112x128xf32, #tpu.memory_space<hbm>>
      %dma_start3A_111 = tpu.memref_squeeze %dma_start3A_110 : memref<1x10112x128xf32, #tpu.memory_space<hbm>> -> memref<10112x128xf32, #tpu.memory_space<hbm>>
      %dma_start3A_112 = arith.constant 0 : i32
      %dma_start3A_113 = tpu.memref_slice %dma_start3A_111[%multiple_of3A, %dma_start3A_112] : memref<10112x128xf32, #tpu.memory_space<hbm>> -> memref<632x128xf32, #tpu.memory_space<hbm>>
      %dma_start3A_114 = arith.constant 0 : i32
      %dma_start3A_115 = tpu.memref_slice %arg16[%multiple_of3A, %dma_start3A_114] : memref<10112x128xf32, #tpu.memory_space<vmem_shared>> -> memref<632x128xf32, #tpu.memory_space<vmem_shared>>
      tpu.enqueue_dma source(%dma_start3A_115 : memref<632x128xf32, #tpu.memory_space<vmem_shared>>) target(%dma_start3A_113 : memref<632x128xf32, #tpu.memory_space<hbm>>) target_semaphore(%run_scoped3A_107 : memref<!tpu.dma_semaphore, #tpu.memory_space<semaphore_mem>>)
      %dma_wait3A_116 = arith.constant 0 : i32
      %dma_wait3A_117 = arith.constant 0 : i32
      %dma_wait3A_118 = tpu.memref_slice %arg8[%arg0, %dma_wait3A_116, %dma_wait3A_117] : memref<2x10112x128xf32, #tpu.memory_space<hbm>> -> memref<1x10112x128xf32, #tpu.memory_space<hbm>>
      %dma_wait3A_119 = tpu.memref_squeeze %dma_wait3A_118 : memref<1x10112x128xf32, #tpu.memory_space<hbm>> -> memref<10112x128xf32, #tpu.memory_space<hbm>>
      %dma_wait3A_120 = arith.constant 0 : i32
      %dma_wait3A_121 = tpu.memref_slice %dma_wait3A_119[%multiple_of3A, %dma_wait3A_120] : memref<10112x128xf32, #tpu.memory_space<hbm>> -> memref<632x128xf32, #tpu.memory_space<hbm>>
      %dma_wait3A_122 = arith.constant 0 : i32
      %dma_wait3A_123 = tpu.memref_slice %arg16[%multiple_of3A, %dma_wait3A_122] : memref<10112x128xf32, #tpu.memory_space<vmem_shared>> -> memref<632x128xf32, #tpu.memory_space<vmem_shared>>
      tpu.wait_dma2 semaphore(%run_scoped3A_107 : memref<!tpu.dma_semaphore, #tpu.memory_space<semaphore_mem>>) src(%dma_wait3A_123 : memref<632x128xf32, #tpu.memory_space<vmem_shared>>) dst(%dma_wait3A_121 : memref<632x128xf32, #tpu.memory_space<hbm>>)
      tpu.yield
    }) : () -> ()
    return
  }
}

#map = affine_map<(d0, d1) -> (0, 0, 0)>
#map1 = affine_map<(d0, d1) -> (0, 0)>
module attributes {stable_mosaic.version = 14 : i64} {
  func.func @body(%arg0: i32, %arg1: i32, %arg2: memref<1x10000x128xf32, #tpu.memory_space<hbm>>, %arg3: memref<2816x120xi32, #tpu.memory_space<hbm>>, %arg4: memref<2816x120xi32, #tpu.memory_space<hbm>>, %arg5: memref<32x40xi32, #tpu.memory_space<hbm>>, %arg6: memref<32x40xi32, #tpu.memory_space<hbm>>, %arg7: memref<10112x128xf32, #tpu.memory_space<hbm>>, %arg8: memref<2x10112x128xf32, #tpu.memory_space<hbm>>, %arg9: memref<8x120xi32, #tpu.memory_space<vmem>>, %arg10: memref<8x120xi32, #tpu.memory_space<vmem>>, %arg11: memref<40xi32, #tpu.memory_space<vmem>>, %arg12: memref<40xi32, #tpu.memory_space<vmem>>, %arg13: memref<120x128xf32, #tpu.memory_space<vmem>>, %arg14: memref<120x128xf32, #tpu.memory_space<vmem>>, %arg15: memref<120x128xf32, #tpu.memory_space<vmem>>, %arg16: memref<10112x128xf32, #tpu.memory_space<vmem_shared>>, %arg17: memref<!tpu.dma_semaphore, #tpu.memory_space<semaphore_mem>>, %arg18: memref<!tpu.dma_semaphore, #tpu.memory_space<semaphore_mem>>, %arg19: memref<!tpu.dma_semaphore, #tpu.memory_space<semaphore_mem>>, %arg20: memref<!tpu.dma_semaphore, #tpu.memory_space<semaphore_mem>>, %arg21: memref<!tpu.dma_semaphore, #tpu.memory_space<semaphore_mem>>, %arg22: memref<!tpu.dma_semaphore, #tpu.memory_space<semaphore_mem>>) attributes {dimension_semantics = [#tpu.dimension_semantics<core_parallel>, #tpu.dimension_semantics<subcore_parallel>], iteration_bounds = array<i64: 2, 16>, scalar_prefetch = 0 : i64, scratch_operands = 14 : i64, tpu.core_type = #tpu.core_type<sc_vector_subcore>, window_params = [{transform_indices = #map}, {transform_indices = #map1}, {transform_indices = #map1}, {transform_indices = #map1}, {transform_indices = #map1}, {transform_indices = #map1}, {transform_indices = #map}]} {
    %mul3A = arith.constant 2 : i32
    %mul3A_0 = arith.muli %arg1, %mul3A : i32
    %add3A = arith.addi %mul3A_0, %arg0 : i32
    "tpu.region"() ({
      %run_scoped3A_107 = tpu.sem_alloc : memref<!tpu.dma_semaphore, #tpu.memory_space<semaphore_mem>>
      %dma_start3A_108 = arith.constant 0 : i32
      %dma_start3A_109 = tpu.memref_slice %arg5[%add3A, %dma_start3A_108] : memref<32x40xi32, #tpu.memory_space<hbm>> -> memref<1x40xi32, #tpu.memory_space<hbm>>
      %dma_start3A_110 = tpu.memref_squeeze %dma_start3A_109 : memref<1x40xi32, #tpu.memory_space<hbm>> -> memref<40xi32, #tpu.memory_space<hbm>>
      %dma_start3A_111 = arith.constant 0 : i32
      %dma_start3A_112 = tpu.memref_slice %arg5[%add3A, %dma_start3A_111] : memref<32x40xi32, #tpu.memory_space<hbm>> -> memref<1x40xi32, #tpu.memory_space<hbm>>
      %dma_start3A_113 = tpu.memref_squeeze %dma_start3A_112 : memref<1x40xi32, #tpu.memory_space<hbm>> -> memref<40xi32, #tpu.memory_space<hbm>>
      tpu.enqueue_dma source(%dma_start3A_113 : memref<40xi32, #tpu.memory_space<hbm>>) target(%arg11 : memref<40xi32, #tpu.memory_space<vmem>>) target_semaphore(%run_scoped3A_107 : memref<!tpu.dma_semaphore, #tpu.memory_space<semaphore_mem>>)
      %dma_wait3A_114 = arith.constant 0 : i32
      %dma_wait3A_115 = tpu.memref_slice %arg5[%add3A, %dma_wait3A_114] : memref<32x40xi32, #tpu.memory_space<hbm>> -> memref<1x40xi32, #tpu.memory_space<hbm>>
      %dma_wait3A_116 = tpu.memref_squeeze %dma_wait3A_115 : memref<1x40xi32, #tpu.memory_space<hbm>> -> memref<40xi32, #tpu.memory_space<hbm>>
      %dma_wait3A_117 = arith.constant 0 : i32
      %dma_wait3A_118 = tpu.memref_slice %arg5[%add3A, %dma_wait3A_117] : memref<32x40xi32, #tpu.memory_space<hbm>> -> memref<1x40xi32, #tpu.memory_space<hbm>>
      %dma_wait3A_119 = tpu.memref_squeeze %dma_wait3A_118 : memref<1x40xi32, #tpu.memory_space<hbm>> -> memref<40xi32, #tpu.memory_space<hbm>>
      tpu.wait_dma2 semaphore(%run_scoped3A_107 : memref<!tpu.dma_semaphore, #tpu.memory_space<semaphore_mem>>) src(%dma_wait3A_119 : memref<40xi32, #tpu.memory_space<hbm>>) dst(%arg11 : memref<40xi32, #tpu.memory_space<vmem>>)
      tpu.yield
    }) : () -> ()
    "tpu.region"() ({
      %run_scoped3A_107 = tpu.sem_alloc : memref<!tpu.dma_semaphore, #tpu.memory_space<semaphore_mem>>
      %dma_start3A_108 = arith.constant 0 : i32
      %dma_start3A_109 = tpu.memref_slice %arg6[%add3A, %dma_start3A_108] : memref<32x40xi32, #tpu.memory_space<hbm>> -> memref<1x40xi32, #tpu.memory_space<hbm>>
      %dma_start3A_110 = tpu.memref_squeeze %dma_start3A_109 : memref<1x40xi32, #tpu.memory_space<hbm>> -> memref<40xi32, #tpu.memory_space<hbm>>
      %dma_start3A_111 = arith.constant 0 : i32
      %dma_start3A_112 = tpu.memref_slice %arg6[%add3A, %dma_start3A_111] : memref<32x40xi32, #tpu.memory_space<hbm>> -> memref<1x40xi32, #tpu.memory_space<hbm>>
      %dma_start3A_113 = tpu.memref_squeeze %dma_start3A_112 : memref<1x40xi32, #tpu.memory_space<hbm>> -> memref<40xi32, #tpu.memory_space<hbm>>
      tpu.enqueue_dma source(%dma_start3A_113 : memref<40xi32, #tpu.memory_space<hbm>>) target(%arg12 : memref<40xi32, #tpu.memory_space<vmem>>) target_semaphore(%run_scoped3A_107 : memref<!tpu.dma_semaphore, #tpu.memory_space<semaphore_mem>>)
      %dma_wait3A_114 = arith.constant 0 : i32
      %dma_wait3A_115 = tpu.memref_slice %arg6[%add3A, %dma_wait3A_114] : memref<32x40xi32, #tpu.memory_space<hbm>> -> memref<1x40xi32, #tpu.memory_space<hbm>>
      %dma_wait3A_116 = tpu.memref_squeeze %dma_wait3A_115 : memref<1x40xi32, #tpu.memory_space<hbm>> -> memref<40xi32, #tpu.memory_space<hbm>>
      %dma_wait3A_117 = arith.constant 0 : i32
      %dma_wait3A_118 = tpu.memref_slice %arg6[%add3A, %dma_wait3A_117] : memref<32x40xi32, #tpu.memory_space<hbm>> -> memref<1x40xi32, #tpu.memory_space<hbm>>
      %dma_wait3A_119 = tpu.memref_squeeze %dma_wait3A_118 : memref<1x40xi32, #tpu.memory_space<hbm>> -> memref<40xi32, #tpu.memory_space<hbm>>
      tpu.wait_dma2 semaphore(%run_scoped3A_107 : memref<!tpu.dma_semaphore, #tpu.memory_space<semaphore_mem>>) src(%dma_wait3A_119 : memref<40xi32, #tpu.memory_space<hbm>>) dst(%arg12 : memref<40xi32, #tpu.memory_space<vmem>>)
      tpu.yield
    }) : () -> ()
    %mul3A_1 = arith.constant 632 : i32
    %mul3A_2 = arith.muli %arg1, %mul3A_1 : i32
    %multiple_of3A = tpu.assume_multiple %mul3A_2, 8 : i32
    "tpu.region"() ({
      %run_scoped3A_107 = tpu.sem_alloc : memref<!tpu.dma_semaphore, #tpu.memory_space<semaphore_mem>>
      %dma_start3A_108 = arith.constant 0 : i32
      %dma_start3A_109 = tpu.memref_slice %arg16[%multiple_of3A, %dma_start3A_108] : memref<10112x128xf32, #tpu.memory_space<vmem_shared>> -> memref<632x128xf32, #tpu.memory_space<vmem_shared>>
      %dma_start3A_110 = arith.constant 0 : i32
      %dma_start3A_111 = tpu.memref_slice %arg7[%multiple_of3A, %dma_start3A_110] : memref<10112x128xf32, #tpu.memory_space<hbm>> -> memref<632x128xf32, #tpu.memory_space<hbm>>
      tpu.enqueue_dma source(%dma_start3A_111 : memref<632x128xf32, #tpu.memory_space<hbm>>) target(%dma_start3A_109 : memref<632x128xf32, #tpu.memory_space<vmem_shared>>) target_semaphore(%run_scoped3A_107 : memref<!tpu.dma_semaphore, #tpu.memory_space<semaphore_mem>>)
      %dma_wait3A_112 = arith.constant 0 : i32
      %dma_wait3A_113 = tpu.memref_slice %arg16[%multiple_of3A, %dma_wait3A_112] : memref<10112x128xf32, #tpu.memory_space<vmem_shared>> -> memref<632x128xf32, #tpu.memory_space<vmem_shared>>
      %dma_wait3A_114 = arith.constant 0 : i32
      %dma_wait3A_115 = tpu.memref_slice %arg7[%multiple_of3A, %dma_wait3A_114] : memref<10112x128xf32, #tpu.memory_space<hbm>> -> memref<632x128xf32, #tpu.memory_space<hbm>>
      tpu.wait_dma2 semaphore(%run_scoped3A_107 : memref<!tpu.dma_semaphore, #tpu.memory_space<semaphore_mem>>) src(%dma_wait3A_115 : memref<632x128xf32, #tpu.memory_space<hbm>>) dst(%dma_wait3A_113 : memref<632x128xf32, #tpu.memory_space<vmem_shared>>)
      tpu.yield
    }) : () -> ()
    %barrier3A = arith.constant 0 : index
    tpu.barrier barrier_id(%barrier3A)
    %scan3A = arith.constant 0 : i32
    %scan3A_3 = arith.constant 10 : i32
    %scan3A_4 = arith.addi %scan3A, %scan3A_3 : i32
    %scan3A_5 = arith.constant 1 : i32
    scf.for %scan3A_107 = %scan3A to %scan3A_4 step %scan3A_5  : i32 {
      %mul3A_108 = arith.constant 1 : i32
      %mul3A_109 = arith.muli %scan3A_107, %mul3A_108 : i32
      %add3A_110 = arith.constant 0 : i32
      %add3A_111 = arith.addi %add3A_110, %mul3A_109 : i32
      %mul3A_112 = arith.constant 88 : i32
      %mul3A_113 = arith.muli %add3A, %mul3A_112 : i32
      %mul3A_114 = arith.constant 8 : i32
      %mul3A_115 = arith.muli %add3A_111, %mul3A_114 : i32
      %add3A_116 = arith.addi %mul3A_113, %mul3A_115 : i32
      %multiple_of3A_117 = tpu.assume_multiple %add3A_116, 8 : i32
      "tpu.region"() ({
        %run_scoped3A_422 = tpu.sem_alloc : memref<!tpu.dma_semaphore, #tpu.memory_space<semaphore_mem>>
        %dma_start3A_423 = arith.constant 0 : i32
        %dma_start3A_424 = tpu.memref_slice %arg3[%multiple_of3A_117, %dma_start3A_423] : memref<2816x120xi32, #tpu.memory_space<hbm>> -> memref<8x120xi32, #tpu.memory_space<hbm>>
        %dma_start3A_425 = arith.constant 0 : i32
        %dma_start3A_426 = tpu.memref_slice %arg3[%multiple_of3A_117, %dma_start3A_425] : memref<2816x120xi32, #tpu.memory_space<hbm>> -> memref<8x120xi32, #tpu.memory_space<hbm>>
        tpu.enqueue_dma source(%dma_start3A_426 : memref<8x120xi32, #tpu.memory_space<hbm>>) target(%arg9 : memref<8x120xi32, #tpu.memory_space<vmem>>) target_semaphore(%run_scoped3A_422 : memref<!tpu.dma_semaphore, #tpu.memory_space<semaphore_mem>>)
        %dma_wait3A_427 = arith.constant 0 : i32
        %dma_wait3A_428 = tpu.memref_slice %arg3[%multiple_of3A_117, %dma_wait3A_427] : memref<2816x120xi32, #tpu.memory_space<hbm>> -> memref<8x120xi32, #tpu.memory_space<hbm>>
        %dma_wait3A_429 = arith.constant 0 : i32
        %dma_wait3A_430 = tpu.memref_slice %arg3[%multiple_of3A_117, %dma_wait3A_429] : memref<2816x120xi32, #tpu.memory_space<hbm>> -> memref<8x120xi32, #tpu.memory_space<hbm>>
        tpu.wait_dma2 semaphore(%run_scoped3A_422 : memref<!tpu.dma_semaphore, #tpu.memory_space<semaphore_mem>>) src(%dma_wait3A_430 : memref<8x120xi32, #tpu.memory_space<hbm>>) dst(%arg9 : memref<8x120xi32, #tpu.memory_space<vmem>>)
        tpu.yield
      }) : () -> ()
      "tpu.region"() ({
        %run_scoped3A_422 = tpu.sem_alloc : memref<!tpu.dma_semaphore, #tpu.memory_space<semaphore_mem>>
        %dma_start3A_423 = arith.constant 0 : i32
        %dma_start3A_424 = tpu.memref_slice %arg4[%multiple_of3A_117, %dma_start3A_423] : memref<2816x120xi32, #tpu.memory_space<hbm>> -> memref<8x120xi32, #tpu.memory_space<hbm>>
        %dma_start3A_425 = arith.constant 0 : i32
        %dma_start3A_426 = tpu.memref_slice %arg4[%multiple_of3A_117, %dma_start3A_425] : memref<2816x120xi32, #tpu.memory_space<hbm>> -> memref<8x120xi32, #tpu.memory_space<hbm>>
        tpu.enqueue_dma source(%dma_start3A_426 : memref<8x120xi32, #tpu.memory_space<hbm>>) target(%arg10 : memref<8x120xi32, #tpu.memory_space<vmem>>) target_semaphore(%run_scoped3A_422 : memref<!tpu.dma_semaphore, #tpu.memory_space<semaphore_mem>>)
        %dma_wait3A_427 = arith.constant 0 : i32
        %dma_wait3A_428 = tpu.memref_slice %arg4[%multiple_of3A_117, %dma_wait3A_427] : memref<2816x120xi32, #tpu.memory_space<hbm>> -> memref<8x120xi32, #tpu.memory_space<hbm>>
        %dma_wait3A_429 = arith.constant 0 : i32
        %dma_wait3A_430 = tpu.memref_slice %arg4[%multiple_of3A_117, %dma_wait3A_429] : memref<2816x120xi32, #tpu.memory_space<hbm>> -> memref<8x120xi32, #tpu.memory_space<hbm>>
        tpu.wait_dma2 semaphore(%run_scoped3A_422 : memref<!tpu.dma_semaphore, #tpu.memory_space<semaphore_mem>>) src(%dma_wait3A_430 : memref<8x120xi32, #tpu.memory_space<hbm>>) dst(%arg10 : memref<8x120xi32, #tpu.memory_space<vmem>>)
        tpu.yield
      }) : () -> ()
      %dma_start3A_118 = arith.constant 0 : i32
      %dma_start3A_119 = arith.constant 0 : i32
      %dma_start3A_120 = arith.constant 0 : i32
      %dma_start3A_121 = tpu.memref_slice %arg9[%dma_start3A_119, %dma_start3A_120] : memref<8x120xi32, #tpu.memory_space<vmem>> -> memref<1x120xi32, #tpu.memory_space<vmem>>
      %dma_start3A_122 = tpu.memref_squeeze %dma_start3A_121 : memref<1x120xi32, #tpu.memory_space<vmem>> -> memref<120xi32, #tpu.memory_space<vmem>>
      %dma_start3A_123 = arith.constant 0 : i32
      %dma_start3A_124 = arith.constant 0 : i32
      %dma_start3A_125 = tpu.memref_slice %arg2[%dma_start3A_118, %dma_start3A_123, %dma_start3A_124] : memref<1x10000x128xf32, #tpu.memory_space<hbm>> -> memref<1x10000x128xf32, #tpu.memory_space<hbm>>
      %dma_start3A_126 = tpu.memref_squeeze %dma_start3A_125 : memref<1x10000x128xf32, #tpu.memory_space<hbm>> -> memref<10000x128xf32, #tpu.memory_space<hbm>>
      %dma_start3A_127 = arith.constant 0 : i32
      %dma_start3A_128 = arith.constant 0 : i32
      %dma_start3A_129 = tpu.memref_slice %dma_start3A_126[%dma_start3A_127, %dma_start3A_128] : memref<10000x128xf32, #tpu.memory_space<hbm>> -> memref<10000x128xf32, #tpu.memory_space<hbm>>
      tpu.enqueue_indirect_dma source(%dma_start3A_129 : memref<10000x128xf32, #tpu.memory_space<hbm>>) target(%arg13 : memref<120x128xf32, #tpu.memory_space<vmem>>) offsets(%dma_start3A_122 : memref<120xi32, #tpu.memory_space<vmem>>) semaphore(%arg17 : memref<!tpu.dma_semaphore, #tpu.memory_space<semaphore_mem>>)
      %dma_start3A_130 = arith.constant 0 : i32
      %dma_start3A_131 = arith.constant 1 : i32
      %dma_start3A_132 = arith.constant 0 : i32
      %dma_start3A_133 = tpu.memref_slice %arg9[%dma_start3A_131, %dma_start3A_132] : memref<8x120xi32, #tpu.memory_space<vmem>> -> memref<1x120xi32, #tpu.memory_space<vmem>>
      %dma_start3A_134 = tpu.memref_squeeze %dma_start3A_133 : memref<1x120xi32, #tpu.memory_space<vmem>> -> memref<120xi32, #tpu.memory_space<vmem>>
      %dma_start3A_135 = arith.constant 0 : i32
      %dma_start3A_136 = arith.constant 0 : i32
      %dma_start3A_137 = tpu.memref_slice %arg2[%dma_start3A_130, %dma_start3A_135, %dma_start3A_136] : memref<1x10000x128xf32, #tpu.memory_space<hbm>> -> memref<1x10000x128xf32, #tpu.memory_space<hbm>>
      %dma_start3A_138 = tpu.memref_squeeze %dma_start3A_137 : memref<1x10000x128xf32, #tpu.memory_space<hbm>> -> memref<10000x128xf32, #tpu.memory_space<hbm>>
      %dma_start3A_139 = arith.constant 0 : i32
      %dma_start3A_140 = arith.constant 0 : i32
      %dma_start3A_141 = tpu.memref_slice %dma_start3A_138[%dma_start3A_139, %dma_start3A_140] : memref<10000x128xf32, #tpu.memory_space<hbm>> -> memref<10000x128xf32, #tpu.memory_space<hbm>>
      tpu.enqueue_indirect_dma source(%dma_start3A_141 : memref<10000x128xf32, #tpu.memory_space<hbm>>) target(%arg14 : memref<120x128xf32, #tpu.memory_space<vmem>>) offsets(%dma_start3A_134 : memref<120xi32, #tpu.memory_space<vmem>>) semaphore(%arg18 : memref<!tpu.dma_semaphore, #tpu.memory_space<semaphore_mem>>)
      %dma_start3A_142 = arith.constant 0 : i32
      %dma_start3A_143 = arith.constant 2 : i32
      %dma_start3A_144 = arith.constant 0 : i32
      %dma_start3A_145 = tpu.memref_slice %arg9[%dma_start3A_143, %dma_start3A_144] : memref<8x120xi32, #tpu.memory_space<vmem>> -> memref<1x120xi32, #tpu.memory_space<vmem>>
      %dma_start3A_146 = tpu.memref_squeeze %dma_start3A_145 : memref<1x120xi32, #tpu.memory_space<vmem>> -> memref<120xi32, #tpu.memory_space<vmem>>
      %dma_start3A_147 = arith.constant 0 : i32
      %dma_start3A_148 = arith.constant 0 : i32
      %dma_start3A_149 = tpu.memref_slice %arg2[%dma_start3A_142, %dma_start3A_147, %dma_start3A_148] : memref<1x10000x128xf32, #tpu.memory_space<hbm>> -> memref<1x10000x128xf32, #tpu.memory_space<hbm>>
      %dma_start3A_150 = tpu.memref_squeeze %dma_start3A_149 : memref<1x10000x128xf32, #tpu.memory_space<hbm>> -> memref<10000x128xf32, #tpu.memory_space<hbm>>
      %dma_start3A_151 = arith.constant 0 : i32
      %dma_start3A_152 = arith.constant 0 : i32
      %dma_start3A_153 = tpu.memref_slice %dma_start3A_150[%dma_start3A_151, %dma_start3A_152] : memref<10000x128xf32, #tpu.memory_space<hbm>> -> memref<10000x128xf32, #tpu.memory_space<hbm>>
      tpu.enqueue_indirect_dma source(%dma_start3A_153 : memref<10000x128xf32, #tpu.memory_space<hbm>>) target(%arg15 : memref<120x128xf32, #tpu.memory_space<vmem>>) offsets(%dma_start3A_146 : memref<120xi32, #tpu.memory_space<vmem>>) semaphore(%arg19 : memref<!tpu.dma_semaphore, #tpu.memory_space<semaphore_mem>>)
      %dma_wait3A_154 = arith.constant 0 : i32
      %dma_wait3A_155 = arith.constant 0 : i32
      %dma_wait3A_156 = arith.constant 0 : i32
      %dma_wait3A_157 = tpu.memref_slice %arg9[%dma_wait3A_155, %dma_wait3A_156] : memref<8x120xi32, #tpu.memory_space<vmem>> -> memref<1x120xi32, #tpu.memory_space<vmem>>
      %dma_wait3A_158 = tpu.memref_squeeze %dma_wait3A_157 : memref<1x120xi32, #tpu.memory_space<vmem>> -> memref<120xi32, #tpu.memory_space<vmem>>
      %dma_wait3A_159 = arith.constant 0 : i32
      %dma_wait3A_160 = arith.constant 0 : i32
      %dma_wait3A_161 = tpu.memref_slice %arg2[%dma_wait3A_154, %dma_wait3A_159, %dma_wait3A_160] : memref<1x10000x128xf32, #tpu.memory_space<hbm>> -> memref<1x10000x128xf32, #tpu.memory_space<hbm>>
      %dma_wait3A_162 = tpu.memref_squeeze %dma_wait3A_161 : memref<1x10000x128xf32, #tpu.memory_space<hbm>> -> memref<10000x128xf32, #tpu.memory_space<hbm>>
      %dma_wait3A_163 = arith.constant 0 : i32
      %dma_wait3A_164 = arith.constant 0 : i32
      %dma_wait3A_165 = tpu.memref_slice %dma_wait3A_162[%dma_wait3A_163, %dma_wait3A_164] : memref<10000x128xf32, #tpu.memory_space<hbm>> -> memref<10000x128xf32, #tpu.memory_space<hbm>>
      tpu.wait_indirect_dma semaphore(%arg17 : memref<!tpu.dma_semaphore, #tpu.memory_space<semaphore_mem>>) src(%dma_wait3A_165 : memref<10000x128xf32, #tpu.memory_space<hbm>>) dst(%arg13 : memref<120x128xf32, #tpu.memory_space<vmem>>)
      %dma_start3A_166 = arith.constant 0 : i32
      %dma_start3A_167 = arith.constant 0 : i32
      %dma_start3A_168 = tpu.memref_slice %arg10[%dma_start3A_166, %dma_start3A_167] : memref<8x120xi32, #tpu.memory_space<vmem>> -> memref<1x120xi32, #tpu.memory_space<vmem>>
      %dma_start3A_169 = tpu.memref_squeeze %dma_start3A_168 : memref<1x120xi32, #tpu.memory_space<vmem>> -> memref<120xi32, #tpu.memory_space<vmem>>
      %dma_start3A_170 = arith.constant 0 : i32
      %dma_start3A_171 = arith.constant 0 : i32
      %dma_start3A_172 = tpu.memref_slice %arg16[%dma_start3A_170, %dma_start3A_171] : memref<10112x128xf32, #tpu.memory_space<vmem_shared>> -> memref<10112x128xf32, #tpu.memory_space<vmem_shared>>
      tpu.enqueue_indirect_dma source(%arg13 : memref<120x128xf32, #tpu.memory_space<vmem>>) target(%dma_start3A_172 : memref<10112x128xf32, #tpu.memory_space<vmem_shared>>) offsets(%dma_start3A_169 : memref<120xi32, #tpu.memory_space<vmem>>) semaphore(%arg20 : memref<!tpu.dma_semaphore, #tpu.memory_space<semaphore_mem>>) {add = true}
      %dma_wait3A_173 = arith.constant 0 : i32
      %dma_wait3A_174 = arith.constant 0 : i32
      %dma_wait3A_175 = tpu.memref_slice %arg10[%dma_wait3A_173, %dma_wait3A_174] : memref<8x120xi32, #tpu.memory_space<vmem>> -> memref<1x120xi32, #tpu.memory_space<vmem>>
      %dma_wait3A_176 = tpu.memref_squeeze %dma_wait3A_175 : memref<1x120xi32, #tpu.memory_space<vmem>> -> memref<120xi32, #tpu.memory_space<vmem>>
      %dma_wait3A_177 = arith.constant 0 : i32
      %dma_wait3A_178 = arith.constant 0 : i32
      %dma_wait3A_179 = tpu.memref_slice %arg16[%dma_wait3A_177, %dma_wait3A_178] : memref<10112x128xf32, #tpu.memory_space<vmem_shared>> -> memref<10112x128xf32, #tpu.memory_space<vmem_shared>>
      tpu.wait_indirect_dma semaphore(%arg20 : memref<!tpu.dma_semaphore, #tpu.memory_space<semaphore_mem>>) src(%arg13 : memref<120x128xf32, #tpu.memory_space<vmem>>) dst(%dma_wait3A_179 : memref<10112x128xf32, #tpu.memory_space<vmem_shared>>)
      %dma_start3A_180 = arith.constant 0 : i32
      %dma_start3A_181 = arith.constant 3 : i32
      %dma_start3A_182 = arith.constant 0 : i32
      %dma_start3A_183 = tpu.memref_slice %arg9[%dma_start3A_181, %dma_start3A_182] : memref<8x120xi32, #tpu.memory_space<vmem>> -> memref<1x120xi32, #tpu.memory_space<vmem>>
      %dma_start3A_184 = tpu.memref_squeeze %dma_start3A_183 : memref<1x120xi32, #tpu.memory_space<vmem>> -> memref<120xi32, #tpu.memory_space<vmem>>
      %dma_start3A_185 = arith.constant 0 : i32
      %dma_start3A_186 = arith.constant 0 : i32
      %dma_start3A_187 = tpu.memref_slice %arg2[%dma_start3A_180, %dma_start3A_185, %dma_start3A_186] : memref<1x10000x128xf32, #tpu.memory_space<hbm>> -> memref<1x10000x128xf32, #tpu.memory_space<hbm>>
      %dma_start3A_188 = tpu.memref_squeeze %dma_start3A_187 : memref<1x10000x128xf32, #tpu.memory_space<hbm>> -> memref<10000x128xf32, #tpu.memory_space<hbm>>
      %dma_start3A_189 = arith.constant 0 : i32
      %dma_start3A_190 = arith.constant 0 : i32
      %dma_start3A_191 = tpu.memref_slice %dma_start3A_188[%dma_start3A_189, %dma_start3A_190] : memref<10000x128xf32, #tpu.memory_space<hbm>> -> memref<10000x128xf32, #tpu.memory_space<hbm>>
      tpu.enqueue_indirect_dma source(%dma_start3A_191 : memref<10000x128xf32, #tpu.memory_space<hbm>>) target(%arg13 : memref<120x128xf32, #tpu.memory_space<vmem>>) offsets(%dma_start3A_184 : memref<120xi32, #tpu.memory_space<vmem>>) semaphore(%arg17 : memref<!tpu.dma_semaphore, #tpu.memory_space<semaphore_mem>>)
      %dma_wait3A_192 = arith.constant 0 : i32
      %dma_wait3A_193 = arith.constant 1 : i32
      %dma_wait3A_194 = arith.constant 0 : i32
      %dma_wait3A_195 = tpu.memref_slice %arg9[%dma_wait3A_193, %dma_wait3A_194] : memref<8x120xi32, #tpu.memory_space<vmem>> -> memref<1x120xi32, #tpu.memory_space<vmem>>
      %dma_wait3A_196 = tpu.memref_squeeze %dma_wait3A_195 : memref<1x120xi32, #tpu.memory_space<vmem>> -> memref<120xi32, #tpu.memory_space<vmem>>
      %dma_wait3A_197 = arith.constant 0 : i32
      %dma_wait3A_198 = arith.constant 0 : i32
      %dma_wait3A_199 = tpu.memref_slice %arg2[%dma_wait3A_192, %dma_wait3A_197, %dma_wait3A_198] : memref<1x10000x128xf32, #tpu.memory_space<hbm>> -> memref<1x10000x128xf32, #tpu.memory_space<hbm>>
      %dma_wait3A_200 = tpu.memref_squeeze %dma_wait3A_199 : memref<1x10000x128xf32, #tpu.memory_space<hbm>> -> memref<10000x128xf32, #tpu.memory_space<hbm>>
      %dma_wait3A_201 = arith.constant 0 : i32
      %dma_wait3A_202 = arith.constant 0 : i32
      %dma_wait3A_203 = tpu.memref_slice %dma_wait3A_200[%dma_wait3A_201, %dma_wait3A_202] : memref<10000x128xf32, #tpu.memory_space<hbm>> -> memref<10000x128xf32, #tpu.memory_space<hbm>>
      tpu.wait_indirect_dma semaphore(%arg18 : memref<!tpu.dma_semaphore, #tpu.memory_space<semaphore_mem>>) src(%dma_wait3A_203 : memref<10000x128xf32, #tpu.memory_space<hbm>>) dst(%arg14 : memref<120x128xf32, #tpu.memory_space<vmem>>)
      %dma_start3A_204 = arith.constant 1 : i32
      %dma_start3A_205 = arith.constant 0 : i32
      %dma_start3A_206 = tpu.memref_slice %arg10[%dma_start3A_204, %dma_start3A_205] : memref<8x120xi32, #tpu.memory_space<vmem>> -> memref<1x120xi32, #tpu.memory_space<vmem>>
      %dma_start3A_207 = tpu.memref_squeeze %dma_start3A_206 : memref<1x120xi32, #tpu.memory_space<vmem>> -> memref<120xi32, #tpu.memory_space<vmem>>
      %dma_start3A_208 = arith.constant 0 : i32
      %dma_start3A_209 = arith.constant 0 : i32
      %dma_start3A_210 = tpu.memref_slice %arg16[%dma_start3A_208, %dma_start3A_209] : memref<10112x128xf32, #tpu.memory_space<vmem_shared>> -> memref<10112x128xf32, #tpu.memory_space<vmem_shared>>
      tpu.enqueue_indirect_dma source(%arg14 : memref<120x128xf32, #tpu.memory_space<vmem>>) target(%dma_start3A_210 : memref<10112x128xf32, #tpu.memory_space<vmem_shared>>) offsets(%dma_start3A_207 : memref<120xi32, #tpu.memory_space<vmem>>) semaphore(%arg21 : memref<!tpu.dma_semaphore, #tpu.memory_space<semaphore_mem>>) {add = true}
      %dma_wait3A_211 = arith.constant 1 : i32
      %dma_wait3A_212 = arith.constant 0 : i32
      %dma_wait3A_213 = tpu.memref_slice %arg10[%dma_wait3A_211, %dma_wait3A_212] : memref<8x120xi32, #tpu.memory_space<vmem>> -> memref<1x120xi32, #tpu.memory_space<vmem>>
      %dma_wait3A_214 = tpu.memref_squeeze %dma_wait3A_213 : memref<1x120xi32, #tpu.memory_space<vmem>> -> memref<120xi32, #tpu.memory_space<vmem>>
      %dma_wait3A_215 = arith.constant 0 : i32
      %dma_wait3A_216 = arith.constant 0 : i32
      %dma_wait3A_217 = tpu.memref_slice %arg16[%dma_wait3A_215, %dma_wait3A_216] : memref<10112x128xf32, #tpu.memory_space<vmem_shared>> -> memref<10112x128xf32, #tpu.memory_space<vmem_shared>>
      tpu.wait_indirect_dma semaphore(%arg21 : memref<!tpu.dma_semaphore, #tpu.memory_space<semaphore_mem>>) src(%arg14 : memref<120x128xf32, #tpu.memory_space<vmem>>) dst(%dma_wait3A_217 : memref<10112x128xf32, #tpu.memory_space<vmem_shared>>)
      %dma_start3A_218 = arith.constant 0 : i32
      %dma_start3A_219 = arith.constant 4 : i32
      %dma_start3A_220 = arith.constant 0 : i32
      %dma_start3A_221 = tpu.memref_slice %arg9[%dma_start3A_219, %dma_start3A_220] : memref<8x120xi32, #tpu.memory_space<vmem>> -> memref<1x120xi32, #tpu.memory_space<vmem>>
      %dma_start3A_222 = tpu.memref_squeeze %dma_start3A_221 : memref<1x120xi32, #tpu.memory_space<vmem>> -> memref<120xi32, #tpu.memory_space<vmem>>
      %dma_start3A_223 = arith.constant 0 : i32
      %dma_start3A_224 = arith.constant 0 : i32
      %dma_start3A_225 = tpu.memref_slice %arg2[%dma_start3A_218, %dma_start3A_223, %dma_start3A_224] : memref<1x10000x128xf32, #tpu.memory_space<hbm>> -> memref<1x10000x128xf32, #tpu.memory_space<hbm>>
      %dma_start3A_226 = tpu.memref_squeeze %dma_start3A_225 : memref<1x10000x128xf32, #tpu.memory_space<hbm>> -> memref<10000x128xf32, #tpu.memory_space<hbm>>
      %dma_start3A_227 = arith.constant 0 : i32
      %dma_start3A_228 = arith.constant 0 : i32
      %dma_start3A_229 = tpu.memref_slice %dma_start3A_226[%dma_start3A_227, %dma_start3A_228] : memref<10000x128xf32, #tpu.memory_space<hbm>> -> memref<10000x128xf32, #tpu.memory_space<hbm>>
      tpu.enqueue_indirect_dma source(%dma_start3A_229 : memref<10000x128xf32, #tpu.memory_space<hbm>>) target(%arg14 : memref<120x128xf32, #tpu.memory_space<vmem>>) offsets(%dma_start3A_222 : memref<120xi32, #tpu.memory_space<vmem>>) semaphore(%arg18 : memref<!tpu.dma_semaphore, #tpu.memory_space<semaphore_mem>>)
      %dma_wait3A_230 = arith.constant 0 : i32
      %dma_wait3A_231 = arith.constant 2 : i32
      %dma_wait3A_232 = arith.constant 0 : i32
      %dma_wait3A_233 = tpu.memref_slice %arg9[%dma_wait3A_231, %dma_wait3A_232] : memref<8x120xi32, #tpu.memory_space<vmem>> -> memref<1x120xi32, #tpu.memory_space<vmem>>
      %dma_wait3A_234 = tpu.memref_squeeze %dma_wait3A_233 : memref<1x120xi32, #tpu.memory_space<vmem>> -> memref<120xi32, #tpu.memory_space<vmem>>
      %dma_wait3A_235 = arith.constant 0 : i32
      %dma_wait3A_236 = arith.constant 0 : i32
      %dma_wait3A_237 = tpu.memref_slice %arg2[%dma_wait3A_230, %dma_wait3A_235, %dma_wait3A_236] : memref<1x10000x128xf32, #tpu.memory_space<hbm>> -> memref<1x10000x128xf32, #tpu.memory_space<hbm>>
      %dma_wait3A_238 = tpu.memref_squeeze %dma_wait3A_237 : memref<1x10000x128xf32, #tpu.memory_space<hbm>> -> memref<10000x128xf32, #tpu.memory_space<hbm>>
      %dma_wait3A_239 = arith.constant 0 : i32
      %dma_wait3A_240 = arith.constant 0 : i32
      %dma_wait3A_241 = tpu.memref_slice %dma_wait3A_238[%dma_wait3A_239, %dma_wait3A_240] : memref<10000x128xf32, #tpu.memory_space<hbm>> -> memref<10000x128xf32, #tpu.memory_space<hbm>>
      tpu.wait_indirect_dma semaphore(%arg19 : memref<!tpu.dma_semaphore, #tpu.memory_space<semaphore_mem>>) src(%dma_wait3A_241 : memref<10000x128xf32, #tpu.memory_space<hbm>>) dst(%arg15 : memref<120x128xf32, #tpu.memory_space<vmem>>)
      %dma_start3A_242 = arith.constant 2 : i32
      %dma_start3A_243 = arith.constant 0 : i32
      %dma_start3A_244 = tpu.memref_slice %arg10[%dma_start3A_242, %dma_start3A_243] : memref<8x120xi32, #tpu.memory_space<vmem>> -> memref<1x120xi32, #tpu.memory_space<vmem>>
      %dma_start3A_245 = tpu.memref_squeeze %dma_start3A_244 : memref<1x120xi32, #tpu.memory_space<vmem>> -> memref<120xi32, #tpu.memory_space<vmem>>
      %dma_start3A_246 = arith.constant 0 : i32
      %dma_start3A_247 = arith.constant 0 : i32
      %dma_start3A_248 = tpu.memref_slice %arg16[%dma_start3A_246, %dma_start3A_247] : memref<10112x128xf32, #tpu.memory_space<vmem_shared>> -> memref<10112x128xf32, #tpu.memory_space<vmem_shared>>
      tpu.enqueue_indirect_dma source(%arg15 : memref<120x128xf32, #tpu.memory_space<vmem>>) target(%dma_start3A_248 : memref<10112x128xf32, #tpu.memory_space<vmem_shared>>) offsets(%dma_start3A_245 : memref<120xi32, #tpu.memory_space<vmem>>) semaphore(%arg22 : memref<!tpu.dma_semaphore, #tpu.memory_space<semaphore_mem>>) {add = true}
      %dma_wait3A_249 = arith.constant 2 : i32
      %dma_wait3A_250 = arith.constant 0 : i32
      %dma_wait3A_251 = tpu.memref_slice %arg10[%dma_wait3A_249, %dma_wait3A_250] : memref<8x120xi32, #tpu.memory_space<vmem>> -> memref<1x120xi32, #tpu.memory_space<vmem>>
      %dma_wait3A_252 = tpu.memref_squeeze %dma_wait3A_251 : memref<1x120xi32, #tpu.memory_space<vmem>> -> memref<120xi32, #tpu.memory_space<vmem>>
      %dma_wait3A_253 = arith.constant 0 : i32
      %dma_wait3A_254 = arith.constant 0 : i32
      %dma_wait3A_255 = tpu.memref_slice %arg16[%dma_wait3A_253, %dma_wait3A_254] : memref<10112x128xf32, #tpu.memory_space<vmem_shared>> -> memref<10112x128xf32, #tpu.memory_space<vmem_shared>>
      tpu.wait_indirect_dma semaphore(%arg22 : memref<!tpu.dma_semaphore, #tpu.memory_space<semaphore_mem>>) src(%arg15 : memref<120x128xf32, #tpu.memory_space<vmem>>) dst(%dma_wait3A_255 : memref<10112x128xf32, #tpu.memory_space<vmem_shared>>)
      %dma_start3A_256 = arith.constant 0 : i32
      %dma_start3A_257 = arith.constant 5 : i32
      %dma_start3A_258 = arith.constant 0 : i32
      %dma_start3A_259 = tpu.memref_slice %arg9[%dma_start3A_257, %dma_start3A_258] : memref<8x120xi32, #tpu.memory_space<vmem>> -> memref<1x120xi32, #tpu.memory_space<vmem>>
      %dma_start3A_260 = tpu.memref_squeeze %dma_start3A_259 : memref<1x120xi32, #tpu.memory_space<vmem>> -> memref<120xi32, #tpu.memory_space<vmem>>
      %dma_start3A_261 = arith.constant 0 : i32
      %dma_start3A_262 = arith.constant 0 : i32
      %dma_start3A_263 = tpu.memref_slice %arg2[%dma_start3A_256, %dma_start3A_261, %dma_start3A_262] : memref<1x10000x128xf32, #tpu.memory_space<hbm>> -> memref<1x10000x128xf32, #tpu.memory_space<hbm>>
      %dma_start3A_264 = tpu.memref_squeeze %dma_start3A_263 : memref<1x10000x128xf32, #tpu.memory_space<hbm>> -> memref<10000x128xf32, #tpu.memory_space<hbm>>
      %dma_start3A_265 = arith.constant 0 : i32
      %dma_start3A_266 = arith.constant 0 : i32
      %dma_start3A_267 = tpu.memref_slice %dma_start3A_264[%dma_start3A_265, %dma_start3A_266] : memref<10000x128xf32, #tpu.memory_space<hbm>> -> memref<10000x128xf32, #tpu.memory_space<hbm>>
      tpu.enqueue_indirect_dma source(%dma_start3A_267 : memref<10000x128xf32, #tpu.memory_space<hbm>>) target(%arg15 : memref<120x128xf32, #tpu.memory_space<vmem>>) offsets(%dma_start3A_260 : memref<120xi32, #tpu.memory_space<vmem>>) semaphore(%arg19 : memref<!tpu.dma_semaphore, #tpu.memory_space<semaphore_mem>>)
      %dma_wait3A_268 = arith.constant 0 : i32
      %dma_wait3A_269 = arith.constant 3 : i32
      %dma_wait3A_270 = arith.constant 0 : i32
      %dma_wait3A_271 = tpu.memref_slice %arg9[%dma_wait3A_269, %dma_wait3A_270] : memref<8x120xi32, #tpu.memory_space<vmem>> -> memref<1x120xi32, #tpu.memory_space<vmem>>
      %dma_wait3A_272 = tpu.memref_squeeze %dma_wait3A_271 : memref<1x120xi32, #tpu.memory_space<vmem>> -> memref<120xi32, #tpu.memory_space<vmem>>
      %dma_wait3A_273 = arith.constant 0 : i32
      %dma_wait3A_274 = arith.constant 0 : i32
      %dma_wait3A_275 = tpu.memref_slice %arg2[%dma_wait3A_268, %dma_wait3A_273, %dma_wait3A_274] : memref<1x10000x128xf32, #tpu.memory_space<hbm>> -> memref<1x10000x128xf32, #tpu.memory_space<hbm>>
      %dma_wait3A_276 = tpu.memref_squeeze %dma_wait3A_275 : memref<1x10000x128xf32, #tpu.memory_space<hbm>> -> memref<10000x128xf32, #tpu.memory_space<hbm>>
      %dma_wait3A_277 = arith.constant 0 : i32
      %dma_wait3A_278 = arith.constant 0 : i32
      %dma_wait3A_279 = tpu.memref_slice %dma_wait3A_276[%dma_wait3A_277, %dma_wait3A_278] : memref<10000x128xf32, #tpu.memory_space<hbm>> -> memref<10000x128xf32, #tpu.memory_space<hbm>>
      tpu.wait_indirect_dma semaphore(%arg17 : memref<!tpu.dma_semaphore, #tpu.memory_space<semaphore_mem>>) src(%dma_wait3A_279 : memref<10000x128xf32, #tpu.memory_space<hbm>>) dst(%arg13 : memref<120x128xf32, #tpu.memory_space<vmem>>)
      %dma_start3A_280 = arith.constant 3 : i32
      %dma_start3A_281 = arith.constant 0 : i32
      %dma_start3A_282 = tpu.memref_slice %arg10[%dma_start3A_280, %dma_start3A_281] : memref<8x120xi32, #tpu.memory_space<vmem>> -> memref<1x120xi32, #tpu.memory_space<vmem>>
      %dma_start3A_283 = tpu.memref_squeeze %dma_start3A_282 : memref<1x120xi32, #tpu.memory_space<vmem>> -> memref<120xi32, #tpu.memory_space<vmem>>
      %dma_start3A_284 = arith.constant 0 : i32
      %dma_start3A_285 = arith.constant 0 : i32
      %dma_start3A_286 = tpu.memref_slice %arg16[%dma_start3A_284, %dma_start3A_285] : memref<10112x128xf32, #tpu.memory_space<vmem_shared>> -> memref<10112x128xf32, #tpu.memory_space<vmem_shared>>
      tpu.enqueue_indirect_dma source(%arg13 : memref<120x128xf32, #tpu.memory_space<vmem>>) target(%dma_start3A_286 : memref<10112x128xf32, #tpu.memory_space<vmem_shared>>) offsets(%dma_start3A_283 : memref<120xi32, #tpu.memory_space<vmem>>) semaphore(%arg20 : memref<!tpu.dma_semaphore, #tpu.memory_space<semaphore_mem>>) {add = true}
      %dma_wait3A_287 = arith.constant 3 : i32
      %dma_wait3A_288 = arith.constant 0 : i32
      %dma_wait3A_289 = tpu.memref_slice %arg10[%dma_wait3A_287, %dma_wait3A_288] : memref<8x120xi32, #tpu.memory_space<vmem>> -> memref<1x120xi32, #tpu.memory_space<vmem>>
      %dma_wait3A_290 = tpu.memref_squeeze %dma_wait3A_289 : memref<1x120xi32, #tpu.memory_space<vmem>> -> memref<120xi32, #tpu.memory_space<vmem>>
      %dma_wait3A_291 = arith.constant 0 : i32
      %dma_wait3A_292 = arith.constant 0 : i32
      %dma_wait3A_293 = tpu.memref_slice %arg16[%dma_wait3A_291, %dma_wait3A_292] : memref<10112x128xf32, #tpu.memory_space<vmem_shared>> -> memref<10112x128xf32, #tpu.memory_space<vmem_shared>>
      tpu.wait_indirect_dma semaphore(%arg20 : memref<!tpu.dma_semaphore, #tpu.memory_space<semaphore_mem>>) src(%arg13 : memref<120x128xf32, #tpu.memory_space<vmem>>) dst(%dma_wait3A_293 : memref<10112x128xf32, #tpu.memory_space<vmem_shared>>)
      %dma_start3A_294 = arith.constant 0 : i32
      %dma_start3A_295 = arith.constant 6 : i32
      %dma_start3A_296 = arith.constant 0 : i32
      %dma_start3A_297 = tpu.memref_slice %arg9[%dma_start3A_295, %dma_start3A_296] : memref<8x120xi32, #tpu.memory_space<vmem>> -> memref<1x120xi32, #tpu.memory_space<vmem>>
      %dma_start3A_298 = tpu.memref_squeeze %dma_start3A_297 : memref<1x120xi32, #tpu.memory_space<vmem>> -> memref<120xi32, #tpu.memory_space<vmem>>
      %dma_start3A_299 = arith.constant 0 : i32
      %dma_start3A_300 = arith.constant 0 : i32
      %dma_start3A_301 = tpu.memref_slice %arg2[%dma_start3A_294, %dma_start3A_299, %dma_start3A_300] : memref<1x10000x128xf32, #tpu.memory_space<hbm>> -> memref<1x10000x128xf32, #tpu.memory_space<hbm>>
      %dma_start3A_302 = tpu.memref_squeeze %dma_start3A_301 : memref<1x10000x128xf32, #tpu.memory_space<hbm>> -> memref<10000x128xf32, #tpu.memory_space<hbm>>
      %dma_start3A_303 = arith.constant 0 : i32
      %dma_start3A_304 = arith.constant 0 : i32
      %dma_start3A_305 = tpu.memref_slice %dma_start3A_302[%dma_start3A_303, %dma_start3A_304] : memref<10000x128xf32, #tpu.memory_space<hbm>> -> memref<10000x128xf32, #tpu.memory_space<hbm>>
      tpu.enqueue_indirect_dma source(%dma_start3A_305 : memref<10000x128xf32, #tpu.memory_space<hbm>>) target(%arg13 : memref<120x128xf32, #tpu.memory_space<vmem>>) offsets(%dma_start3A_298 : memref<120xi32, #tpu.memory_space<vmem>>) semaphore(%arg17 : memref<!tpu.dma_semaphore, #tpu.memory_space<semaphore_mem>>)
      %dma_wait3A_306 = arith.constant 0 : i32
      %dma_wait3A_307 = arith.constant 4 : i32
      %dma_wait3A_308 = arith.constant 0 : i32
      %dma_wait3A_309 = tpu.memref_slice %arg9[%dma_wait3A_307, %dma_wait3A_308] : memref<8x120xi32, #tpu.memory_space<vmem>> -> memref<1x120xi32, #tpu.memory_space<vmem>>
      %dma_wait3A_310 = tpu.memref_squeeze %dma_wait3A_309 : memref<1x120xi32, #tpu.memory_space<vmem>> -> memref<120xi32, #tpu.memory_space<vmem>>
      %dma_wait3A_311 = arith.constant 0 : i32
      %dma_wait3A_312 = arith.constant 0 : i32
      %dma_wait3A_313 = tpu.memref_slice %arg2[%dma_wait3A_306, %dma_wait3A_311, %dma_wait3A_312] : memref<1x10000x128xf32, #tpu.memory_space<hbm>> -> memref<1x10000x128xf32, #tpu.memory_space<hbm>>
      %dma_wait3A_314 = tpu.memref_squeeze %dma_wait3A_313 : memref<1x10000x128xf32, #tpu.memory_space<hbm>> -> memref<10000x128xf32, #tpu.memory_space<hbm>>
      %dma_wait3A_315 = arith.constant 0 : i32
      %dma_wait3A_316 = arith.constant 0 : i32
      %dma_wait3A_317 = tpu.memref_slice %dma_wait3A_314[%dma_wait3A_315, %dma_wait3A_316] : memref<10000x128xf32, #tpu.memory_space<hbm>> -> memref<10000x128xf32, #tpu.memory_space<hbm>>
      tpu.wait_indirect_dma semaphore(%arg18 : memref<!tpu.dma_semaphore, #tpu.memory_space<semaphore_mem>>) src(%dma_wait3A_317 : memref<10000x128xf32, #tpu.memory_space<hbm>>) dst(%arg14 : memref<120x128xf32, #tpu.memory_space<vmem>>)
      %dma_start3A_318 = arith.constant 4 : i32
      %dma_start3A_319 = arith.constant 0 : i32
      %dma_start3A_320 = tpu.memref_slice %arg10[%dma_start3A_318, %dma_start3A_319] : memref<8x120xi32, #tpu.memory_space<vmem>> -> memref<1x120xi32, #tpu.memory_space<vmem>>
      %dma_start3A_321 = tpu.memref_squeeze %dma_start3A_320 : memref<1x120xi32, #tpu.memory_space<vmem>> -> memref<120xi32, #tpu.memory_space<vmem>>
      %dma_start3A_322 = arith.constant 0 : i32
      %dma_start3A_323 = arith.constant 0 : i32
      %dma_start3A_324 = tpu.memref_slice %arg16[%dma_start3A_322, %dma_start3A_323] : memref<10112x128xf32, #tpu.memory_space<vmem_shared>> -> memref<10112x128xf32, #tpu.memory_space<vmem_shared>>
      tpu.enqueue_indirect_dma source(%arg14 : memref<120x128xf32, #tpu.memory_space<vmem>>) target(%dma_start3A_324 : memref<10112x128xf32, #tpu.memory_space<vmem_shared>>) offsets(%dma_start3A_321 : memref<120xi32, #tpu.memory_space<vmem>>) semaphore(%arg21 : memref<!tpu.dma_semaphore, #tpu.memory_space<semaphore_mem>>) {add = true}
      %dma_wait3A_325 = arith.constant 4 : i32
      %dma_wait3A_326 = arith.constant 0 : i32
      %dma_wait3A_327 = tpu.memref_slice %arg10[%dma_wait3A_325, %dma_wait3A_326] : memref<8x120xi32, #tpu.memory_space<vmem>> -> memref<1x120xi32, #tpu.memory_space<vmem>>
      %dma_wait3A_328 = tpu.memref_squeeze %dma_wait3A_327 : memref<1x120xi32, #tpu.memory_space<vmem>> -> memref<120xi32, #tpu.memory_space<vmem>>
      %dma_wait3A_329 = arith.constant 0 : i32
      %dma_wait3A_330 = arith.constant 0 : i32
      %dma_wait3A_331 = tpu.memref_slice %arg16[%dma_wait3A_329, %dma_wait3A_330] : memref<10112x128xf32, #tpu.memory_space<vmem_shared>> -> memref<10112x128xf32, #tpu.memory_space<vmem_shared>>
      tpu.wait_indirect_dma semaphore(%arg21 : memref<!tpu.dma_semaphore, #tpu.memory_space<semaphore_mem>>) src(%arg14 : memref<120x128xf32, #tpu.memory_space<vmem>>) dst(%dma_wait3A_331 : memref<10112x128xf32, #tpu.memory_space<vmem_shared>>)
      %dma_start3A_332 = arith.constant 0 : i32
      %dma_start3A_333 = arith.constant 7 : i32
      %dma_start3A_334 = arith.constant 0 : i32
      %dma_start3A_335 = tpu.memref_slice %arg9[%dma_start3A_333, %dma_start3A_334] : memref<8x120xi32, #tpu.memory_space<vmem>> -> memref<1x120xi32, #tpu.memory_space<vmem>>
      %dma_start3A_336 = tpu.memref_squeeze %dma_start3A_335 : memref<1x120xi32, #tpu.memory_space<vmem>> -> memref<120xi32, #tpu.memory_space<vmem>>
      %dma_start3A_337 = arith.constant 0 : i32
      %dma_start3A_338 = arith.constant 0 : i32
      %dma_start3A_339 = tpu.memref_slice %arg2[%dma_start3A_332, %dma_start3A_337, %dma_start3A_338] : memref<1x10000x128xf32, #tpu.memory_space<hbm>> -> memref<1x10000x128xf32, #tpu.memory_space<hbm>>
      %dma_start3A_340 = tpu.memref_squeeze %dma_start3A_339 : memref<1x10000x128xf32, #tpu.memory_space<hbm>> -> memref<10000x128xf32, #tpu.memory_space<hbm>>
      %dma_start3A_341 = arith.constant 0 : i32
      %dma_start3A_342 = arith.constant 0 : i32
      %dma_start3A_343 = tpu.memref_slice %dma_start3A_340[%dma_start3A_341, %dma_start3A_342] : memref<10000x128xf32, #tpu.memory_space<hbm>> -> memref<10000x128xf32, #tpu.memory_space<hbm>>
      tpu.enqueue_indirect_dma source(%dma_start3A_343 : memref<10000x128xf32, #tpu.memory_space<hbm>>) target(%arg14 : memref<120x128xf32, #tpu.memory_space<vmem>>) offsets(%dma_start3A_336 : memref<120xi32, #tpu.memory_space<vmem>>) semaphore(%arg18 : memref<!tpu.dma_semaphore, #tpu.memory_space<semaphore_mem>>)
      %dma_wait3A_344 = arith.constant 0 : i32
      %dma_wait3A_345 = arith.constant 5 : i32
      %dma_wait3A_346 = arith.constant 0 : i32
      %dma_wait3A_347 = tpu.memref_slice %arg9[%dma_wait3A_345, %dma_wait3A_346] : memref<8x120xi32, #tpu.memory_space<vmem>> -> memref<1x120xi32, #tpu.memory_space<vmem>>
      %dma_wait3A_348 = tpu.memref_squeeze %dma_wait3A_347 : memref<1x120xi32, #tpu.memory_space<vmem>> -> memref<120xi32, #tpu.memory_space<vmem>>
      %dma_wait3A_349 = arith.constant 0 : i32
      %dma_wait3A_350 = arith.constant 0 : i32
      %dma_wait3A_351 = tpu.memref_slice %arg2[%dma_wait3A_344, %dma_wait3A_349, %dma_wait3A_350] : memref<1x10000x128xf32, #tpu.memory_space<hbm>> -> memref<1x10000x128xf32, #tpu.memory_space<hbm>>
      %dma_wait3A_352 = tpu.memref_squeeze %dma_wait3A_351 : memref<1x10000x128xf32, #tpu.memory_space<hbm>> -> memref<10000x128xf32, #tpu.memory_space<hbm>>
      %dma_wait3A_353 = arith.constant 0 : i32
      %dma_wait3A_354 = arith.constant 0 : i32
      %dma_wait3A_355 = tpu.memref_slice %dma_wait3A_352[%dma_wait3A_353, %dma_wait3A_354] : memref<10000x128xf32, #tpu.memory_space<hbm>> -> memref<10000x128xf32, #tpu.memory_space<hbm>>
      tpu.wait_indirect_dma semaphore(%arg19 : memref<!tpu.dma_semaphore, #tpu.memory_space<semaphore_mem>>) src(%dma_wait3A_355 : memref<10000x128xf32, #tpu.memory_space<hbm>>) dst(%arg15 : memref<120x128xf32, #tpu.memory_space<vmem>>)
      %dma_start3A_356 = arith.constant 5 : i32
      %dma_start3A_357 = arith.constant 0 : i32
      %dma_start3A_358 = tpu.memref_slice %arg10[%dma_start3A_356, %dma_start3A_357] : memref<8x120xi32, #tpu.memory_space<vmem>> -> memref<1x120xi32, #tpu.memory_space<vmem>>
      %dma_start3A_359 = tpu.memref_squeeze %dma_start3A_358 : memref<1x120xi32, #tpu.memory_space<vmem>> -> memref<120xi32, #tpu.memory_space<vmem>>
      %dma_start3A_360 = arith.constant 0 : i32
      %dma_start3A_361 = arith.constant 0 : i32
      %dma_start3A_362 = tpu.memref_slice %arg16[%dma_start3A_360, %dma_start3A_361] : memref<10112x128xf32, #tpu.memory_space<vmem_shared>> -> memref<10112x128xf32, #tpu.memory_space<vmem_shared>>
      tpu.enqueue_indirect_dma source(%arg15 : memref<120x128xf32, #tpu.memory_space<vmem>>) target(%dma_start3A_362 : memref<10112x128xf32, #tpu.memory_space<vmem_shared>>) offsets(%dma_start3A_359 : memref<120xi32, #tpu.memory_space<vmem>>) semaphore(%arg22 : memref<!tpu.dma_semaphore, #tpu.memory_space<semaphore_mem>>) {add = true}
      %dma_wait3A_363 = arith.constant 0 : i32
      %dma_wait3A_364 = arith.constant 6 : i32
      %dma_wait3A_365 = arith.constant 0 : i32
      %dma_wait3A_366 = tpu.memref_slice %arg9[%dma_wait3A_364, %dma_wait3A_365] : memref<8x120xi32, #tpu.memory_space<vmem>> -> memref<1x120xi32, #tpu.memory_space<vmem>>
      %dma_wait3A_367 = tpu.memref_squeeze %dma_wait3A_366 : memref<1x120xi32, #tpu.memory_space<vmem>> -> memref<120xi32, #tpu.memory_space<vmem>>
      %dma_wait3A_368 = arith.constant 0 : i32
      %dma_wait3A_369 = arith.constant 0 : i32
      %dma_wait3A_370 = tpu.memref_slice %arg2[%dma_wait3A_363, %dma_wait3A_368, %dma_wait3A_369] : memref<1x10000x128xf32, #tpu.memory_space<hbm>> -> memref<1x10000x128xf32, #tpu.memory_space<hbm>>
      %dma_wait3A_371 = tpu.memref_squeeze %dma_wait3A_370 : memref<1x10000x128xf32, #tpu.memory_space<hbm>> -> memref<10000x128xf32, #tpu.memory_space<hbm>>
      %dma_wait3A_372 = arith.constant 0 : i32
      %dma_wait3A_373 = arith.constant 0 : i32
      %dma_wait3A_374 = tpu.memref_slice %dma_wait3A_371[%dma_wait3A_372, %dma_wait3A_373] : memref<10000x128xf32, #tpu.memory_space<hbm>> -> memref<10000x128xf32, #tpu.memory_space<hbm>>
      tpu.wait_indirect_dma semaphore(%arg17 : memref<!tpu.dma_semaphore, #tpu.memory_space<semaphore_mem>>) src(%dma_wait3A_374 : memref<10000x128xf32, #tpu.memory_space<hbm>>) dst(%arg13 : memref<120x128xf32, #tpu.memory_space<vmem>>)
      %dma_start3A_375 = arith.constant 6 : i32
      %dma_start3A_376 = arith.constant 0 : i32
      %dma_start3A_377 = tpu.memref_slice %arg10[%dma_start3A_375, %dma_start3A_376] : memref<8x120xi32, #tpu.memory_space<vmem>> -> memref<1x120xi32, #tpu.memory_space<vmem>>
      %dma_start3A_378 = tpu.memref_squeeze %dma_start3A_377 : memref<1x120xi32, #tpu.memory_space<vmem>> -> memref<120xi32, #tpu.memory_space<vmem>>
      %dma_start3A_379 = arith.constant 0 : i32
      %dma_start3A_380 = arith.constant 0 : i32
      %dma_start3A_381 = tpu.memref_slice %arg16[%dma_start3A_379, %dma_start3A_380] : memref<10112x128xf32, #tpu.memory_space<vmem_shared>> -> memref<10112x128xf32, #tpu.memory_space<vmem_shared>>
      tpu.enqueue_indirect_dma source(%arg13 : memref<120x128xf32, #tpu.memory_space<vmem>>) target(%dma_start3A_381 : memref<10112x128xf32, #tpu.memory_space<vmem_shared>>) offsets(%dma_start3A_378 : memref<120xi32, #tpu.memory_space<vmem>>) semaphore(%arg20 : memref<!tpu.dma_semaphore, #tpu.memory_space<semaphore_mem>>) {add = true}
      %dma_wait3A_382 = arith.constant 0 : i32
      %dma_wait3A_383 = arith.constant 7 : i32
      %dma_wait3A_384 = arith.constant 0 : i32
      %dma_wait3A_385 = tpu.memref_slice %arg9[%dma_wait3A_383, %dma_wait3A_384] : memref<8x120xi32, #tpu.memory_space<vmem>> -> memref<1x120xi32, #tpu.memory_space<vmem>>
      %dma_wait3A_386 = tpu.memref_squeeze %dma_wait3A_385 : memref<1x120xi32, #tpu.memory_space<vmem>> -> memref<120xi32, #tpu.memory_space<vmem>>
      %dma_wait3A_387 = arith.constant 0 : i32
      %dma_wait3A_388 = arith.constant 0 : i32
      %dma_wait3A_389 = tpu.memref_slice %arg2[%dma_wait3A_382, %dma_wait3A_387, %dma_wait3A_388] : memref<1x10000x128xf32, #tpu.memory_space<hbm>> -> memref<1x10000x128xf32, #tpu.memory_space<hbm>>
      %dma_wait3A_390 = tpu.memref_squeeze %dma_wait3A_389 : memref<1x10000x128xf32, #tpu.memory_space<hbm>> -> memref<10000x128xf32, #tpu.memory_space<hbm>>
      %dma_wait3A_391 = arith.constant 0 : i32
      %dma_wait3A_392 = arith.constant 0 : i32
      %dma_wait3A_393 = tpu.memref_slice %dma_wait3A_390[%dma_wait3A_391, %dma_wait3A_392] : memref<10000x128xf32, #tpu.memory_space<hbm>> -> memref<10000x128xf32, #tpu.memory_space<hbm>>
      tpu.wait_indirect_dma semaphore(%arg18 : memref<!tpu.dma_semaphore, #tpu.memory_space<semaphore_mem>>) src(%dma_wait3A_393 : memref<10000x128xf32, #tpu.memory_space<hbm>>) dst(%arg14 : memref<120x128xf32, #tpu.memory_space<vmem>>)
      %dma_start3A_394 = arith.constant 7 : i32
      %dma_start3A_395 = arith.constant 0 : i32
      %dma_start3A_396 = tpu.memref_slice %arg10[%dma_start3A_394, %dma_start3A_395] : memref<8x120xi32, #tpu.memory_space<vmem>> -> memref<1x120xi32, #tpu.memory_space<vmem>>
      %dma_start3A_397 = tpu.memref_squeeze %dma_start3A_396 : memref<1x120xi32, #tpu.memory_space<vmem>> -> memref<120xi32, #tpu.memory_space<vmem>>
      %dma_start3A_398 = arith.constant 0 : i32
      %dma_start3A_399 = arith.constant 0 : i32
      %dma_start3A_400 = tpu.memref_slice %arg16[%dma_start3A_398, %dma_start3A_399] : memref<10112x128xf32, #tpu.memory_space<vmem_shared>> -> memref<10112x128xf32, #tpu.memory_space<vmem_shared>>
      tpu.enqueue_indirect_dma source(%arg14 : memref<120x128xf32, #tpu.memory_space<vmem>>) target(%dma_start3A_400 : memref<10112x128xf32, #tpu.memory_space<vmem_shared>>) offsets(%dma_start3A_397 : memref<120xi32, #tpu.memory_space<vmem>>) semaphore(%arg21 : memref<!tpu.dma_semaphore, #tpu.memory_space<semaphore_mem>>) {add = true}
      %dma_wait3A_401 = arith.constant 6 : i32
      %dma_wait3A_402 = arith.constant 0 : i32
      %dma_wait3A_403 = tpu.memref_slice %arg10[%dma_wait3A_401, %dma_wait3A_402] : memref<8x120xi32, #tpu.memory_space<vmem>> -> memref<1x120xi32, #tpu.memory_space<vmem>>
      %dma_wait3A_404 = tpu.memref_squeeze %dma_wait3A_403 : memref<1x120xi32, #tpu.memory_space<vmem>> -> memref<120xi32, #tpu.memory_space<vmem>>
      %dma_wait3A_405 = arith.constant 0 : i32
      %dma_wait3A_406 = arith.constant 0 : i32
      %dma_wait3A_407 = tpu.memref_slice %arg16[%dma_wait3A_405, %dma_wait3A_406] : memref<10112x128xf32, #tpu.memory_space<vmem_shared>> -> memref<10112x128xf32, #tpu.memory_space<vmem_shared>>
      tpu.wait_indirect_dma semaphore(%arg20 : memref<!tpu.dma_semaphore, #tpu.memory_space<semaphore_mem>>) src(%arg13 : memref<120x128xf32, #tpu.memory_space<vmem>>) dst(%dma_wait3A_407 : memref<10112x128xf32, #tpu.memory_space<vmem_shared>>)
      %dma_wait3A_408 = arith.constant 7 : i32
      %dma_wait3A_409 = arith.constant 0 : i32
      %dma_wait3A_410 = tpu.memref_slice %arg10[%dma_wait3A_408, %dma_wait3A_409] : memref<8x120xi32, #tpu.memory_space<vmem>> -> memref<1x120xi32, #tpu.memory_space<vmem>>
      %dma_wait3A_411 = tpu.memref_squeeze %dma_wait3A_410 : memref<1x120xi32, #tpu.memory_space<vmem>> -> memref<120xi32, #tpu.memory_space<vmem>>
      %dma_wait3A_412 = arith.constant 0 : i32
      %dma_wait3A_413 = arith.constant 0 : i32
      %dma_wait3A_414 = tpu.memref_slice %arg16[%dma_wait3A_412, %dma_wait3A_413] : memref<10112x128xf32, #tpu.memory_space<vmem_shared>> -> memref<10112x128xf32, #tpu.memory_space<vmem_shared>>
      tpu.wait_indirect_dma semaphore(%arg21 : memref<!tpu.dma_semaphore, #tpu.memory_space<semaphore_mem>>) src(%arg14 : memref<120x128xf32, #tpu.memory_space<vmem>>) dst(%dma_wait3A_414 : memref<10112x128xf32, #tpu.memory_space<vmem_shared>>)
      %dma_wait3A_415 = arith.constant 5 : i32
      %dma_wait3A_416 = arith.constant 0 : i32
      %dma_wait3A_417 = tpu.memref_slice %arg10[%dma_wait3A_415, %dma_wait3A_416] : memref<8x120xi32, #tpu.memory_space<vmem>> -> memref<1x120xi32, #tpu.memory_space<vmem>>
      %dma_wait3A_418 = tpu.memref_squeeze %dma_wait3A_417 : memref<1x120xi32, #tpu.memory_space<vmem>> -> memref<120xi32, #tpu.memory_space<vmem>>
      %dma_wait3A_419 = arith.constant 0 : i32
      %dma_wait3A_420 = arith.constant 0 : i32
      %dma_wait3A_421 = tpu.memref_slice %arg16[%dma_wait3A_419, %dma_wait3A_420] : memref<10112x128xf32, #tpu.memory_space<vmem_shared>> -> memref<10112x128xf32, #tpu.memory_space<vmem_shared>>
      tpu.wait_indirect_dma semaphore(%arg22 : memref<!tpu.dma_semaphore, #tpu.memory_space<semaphore_mem>>) src(%arg15 : memref<120x128xf32, #tpu.memory_space<vmem>>) dst(%dma_wait3A_421 : memref<10112x128xf32, #tpu.memory_space<vmem_shared>>)
    }
    %scan3A_6 = arith.constant 10 : i32
    %mul3A_7 = arith.constant 88 : i32
    %mul3A_8 = arith.muli %add3A, %mul3A_7 : i32
    %add3A_9 = arith.constant 80 : i32
    %add3A_10 = arith.addi %mul3A_8, %add3A_9 : i32
    %multiple_of3A_11 = tpu.assume_multiple %add3A_10, 8 : i32
    "tpu.region"() ({
      %run_scoped3A_107 = tpu.sem_alloc : memref<!tpu.dma_semaphore, #tpu.memory_space<semaphore_mem>>
      %dma_start3A_108 = arith.constant 0 : i32
      %dma_start3A_109 = tpu.memref_slice %arg3[%multiple_of3A_11, %dma_start3A_108] : memref<2816x120xi32, #tpu.memory_space<hbm>> -> memref<8x120xi32, #tpu.memory_space<hbm>>
      %dma_start3A_110 = arith.constant 0 : i32
      %dma_start3A_111 = tpu.memref_slice %arg3[%multiple_of3A_11, %dma_start3A_110] : memref<2816x120xi32, #tpu.memory_space<hbm>> -> memref<8x120xi32, #tpu.memory_space<hbm>>
      tpu.enqueue_dma source(%dma_start3A_111 : memref<8x120xi32, #tpu.memory_space<hbm>>) target(%arg9 : memref<8x120xi32, #tpu.memory_space<vmem>>) target_semaphore(%run_scoped3A_107 : memref<!tpu.dma_semaphore, #tpu.memory_space<semaphore_mem>>)
      %dma_wait3A_112 = arith.constant 0 : i32
      %dma_wait3A_113 = tpu.memref_slice %arg3[%multiple_of3A_11, %dma_wait3A_112] : memref<2816x120xi32, #tpu.memory_space<hbm>> -> memref<8x120xi32, #tpu.memory_space<hbm>>
      %dma_wait3A_114 = arith.constant 0 : i32
      %dma_wait3A_115 = tpu.memref_slice %arg3[%multiple_of3A_11, %dma_wait3A_114] : memref<2816x120xi32, #tpu.memory_space<hbm>> -> memref<8x120xi32, #tpu.memory_space<hbm>>
      tpu.wait_dma2 semaphore(%run_scoped3A_107 : memref<!tpu.dma_semaphore, #tpu.memory_space<semaphore_mem>>) src(%dma_wait3A_115 : memref<8x120xi32, #tpu.memory_space<hbm>>) dst(%arg9 : memref<8x120xi32, #tpu.memory_space<vmem>>)
      tpu.yield
    }) : () -> ()
    "tpu.region"() ({
      %run_scoped3A_107 = tpu.sem_alloc : memref<!tpu.dma_semaphore, #tpu.memory_space<semaphore_mem>>
      %dma_start3A_108 = arith.constant 0 : i32
      %dma_start3A_109 = tpu.memref_slice %arg4[%multiple_of3A_11, %dma_start3A_108] : memref<2816x120xi32, #tpu.memory_space<hbm>> -> memref<8x120xi32, #tpu.memory_space<hbm>>
      %dma_start3A_110 = arith.constant 0 : i32
      %dma_start3A_111 = tpu.memref_slice %arg4[%multiple_of3A_11, %dma_start3A_110] : memref<2816x120xi32, #tpu.memory_space<hbm>> -> memref<8x120xi32, #tpu.memory_space<hbm>>
      tpu.enqueue_dma source(%dma_start3A_111 : memref<8x120xi32, #tpu.memory_space<hbm>>) target(%arg10 : memref<8x120xi32, #tpu.memory_space<vmem>>) target_semaphore(%run_scoped3A_107 : memref<!tpu.dma_semaphore, #tpu.memory_space<semaphore_mem>>)
      %dma_wait3A_112 = arith.constant 0 : i32
      %dma_wait3A_113 = tpu.memref_slice %arg4[%multiple_of3A_11, %dma_wait3A_112] : memref<2816x120xi32, #tpu.memory_space<hbm>> -> memref<8x120xi32, #tpu.memory_space<hbm>>
      %dma_wait3A_114 = arith.constant 0 : i32
      %dma_wait3A_115 = tpu.memref_slice %arg4[%multiple_of3A_11, %dma_wait3A_114] : memref<2816x120xi32, #tpu.memory_space<hbm>> -> memref<8x120xi32, #tpu.memory_space<hbm>>
      tpu.wait_dma2 semaphore(%run_scoped3A_107 : memref<!tpu.dma_semaphore, #tpu.memory_space<semaphore_mem>>) src(%dma_wait3A_115 : memref<8x120xi32, #tpu.memory_space<hbm>>) dst(%arg10 : memref<8x120xi32, #tpu.memory_space<vmem>>)
      tpu.yield
    }) : () -> ()
    %dma_start3A = arith.constant 0 : i32
    %dma_start3A_12 = arith.constant 0 : i32
    %dma_start3A_13 = arith.constant 0 : i32
    %dma_start3A_14 = tpu.memref_slice %arg9[%dma_start3A_12, %dma_start3A_13] : memref<8x120xi32, #tpu.memory_space<vmem>> -> memref<1x120xi32, #tpu.memory_space<vmem>>
    %dma_start3A_15 = tpu.memref_squeeze %dma_start3A_14 : memref<1x120xi32, #tpu.memory_space<vmem>> -> memref<120xi32, #tpu.memory_space<vmem>>
    %dma_start3A_16 = arith.constant 0 : i32
    %dma_start3A_17 = arith.constant 0 : i32
    %dma_start3A_18 = tpu.memref_slice %arg2[%dma_start3A, %dma_start3A_16, %dma_start3A_17] : memref<1x10000x128xf32, #tpu.memory_space<hbm>> -> memref<1x10000x128xf32, #tpu.memory_space<hbm>>
    %dma_start3A_19 = tpu.memref_squeeze %dma_start3A_18 : memref<1x10000x128xf32, #tpu.memory_space<hbm>> -> memref<10000x128xf32, #tpu.memory_space<hbm>>
    %dma_start3A_20 = arith.constant 0 : i32
    %dma_start3A_21 = arith.constant 0 : i32
    %dma_start3A_22 = tpu.memref_slice %dma_start3A_19[%dma_start3A_20, %dma_start3A_21] : memref<10000x128xf32, #tpu.memory_space<hbm>> -> memref<10000x128xf32, #tpu.memory_space<hbm>>
    tpu.enqueue_indirect_dma source(%dma_start3A_22 : memref<10000x128xf32, #tpu.memory_space<hbm>>) target(%arg13 : memref<120x128xf32, #tpu.memory_space<vmem>>) offsets(%dma_start3A_15 : memref<120xi32, #tpu.memory_space<vmem>>) semaphore(%arg17 : memref<!tpu.dma_semaphore, #tpu.memory_space<semaphore_mem>>)
    %dma_wait3A = arith.constant 0 : i32
    %dma_wait3A_23 = arith.constant 0 : i32
    %dma_wait3A_24 = arith.constant 0 : i32
    %dma_wait3A_25 = tpu.memref_slice %arg9[%dma_wait3A_23, %dma_wait3A_24] : memref<8x120xi32, #tpu.memory_space<vmem>> -> memref<1x120xi32, #tpu.memory_space<vmem>>
    %dma_wait3A_26 = tpu.memref_squeeze %dma_wait3A_25 : memref<1x120xi32, #tpu.memory_space<vmem>> -> memref<120xi32, #tpu.memory_space<vmem>>
    %dma_wait3A_27 = arith.constant 0 : i32
    %dma_wait3A_28 = arith.constant 0 : i32
    %dma_wait3A_29 = tpu.memref_slice %arg2[%dma_wait3A, %dma_wait3A_27, %dma_wait3A_28] : memref<1x10000x128xf32, #tpu.memory_space<hbm>> -> memref<1x10000x128xf32, #tpu.memory_space<hbm>>
    %dma_wait3A_30 = tpu.memref_squeeze %dma_wait3A_29 : memref<1x10000x128xf32, #tpu.memory_space<hbm>> -> memref<10000x128xf32, #tpu.memory_space<hbm>>
    %dma_wait3A_31 = arith.constant 0 : i32
    %dma_wait3A_32 = arith.constant 0 : i32
    %dma_wait3A_33 = tpu.memref_slice %dma_wait3A_30[%dma_wait3A_31, %dma_wait3A_32] : memref<10000x128xf32, #tpu.memory_space<hbm>> -> memref<10000x128xf32, #tpu.memory_space<hbm>>
    tpu.wait_indirect_dma semaphore(%arg17 : memref<!tpu.dma_semaphore, #tpu.memory_space<semaphore_mem>>) src(%dma_wait3A_33 : memref<10000x128xf32, #tpu.memory_space<hbm>>) dst(%arg13 : memref<120x128xf32, #tpu.memory_space<vmem>>)
    %run_scoped3A = arith.constant 0 : i32
    "tpu.region"() ({
      %run_scoped3A_107 = tpu.sem_alloc : memref<!tpu.dma_semaphore, #tpu.memory_space<semaphore_mem>>
      %dma_start3A_108 = arith.constant 0 : i32
      %dma_start3A_109 = tpu.memref_slice %arg10[%run_scoped3A, %dma_start3A_108] : memref<8x120xi32, #tpu.memory_space<vmem>> -> memref<1x120xi32, #tpu.memory_space<vmem>>
      %dma_start3A_110 = tpu.memref_squeeze %dma_start3A_109 : memref<1x120xi32, #tpu.memory_space<vmem>> -> memref<120xi32, #tpu.memory_space<vmem>>
      %dma_start3A_111 = arith.constant 0 : i32
      %dma_start3A_112 = arith.constant 0 : i32
      %dma_start3A_113 = tpu.memref_slice %arg16[%dma_start3A_111, %dma_start3A_112] : memref<10112x128xf32, #tpu.memory_space<vmem_shared>> -> memref<10112x128xf32, #tpu.memory_space<vmem_shared>>
      tpu.enqueue_indirect_dma source(%arg13 : memref<120x128xf32, #tpu.memory_space<vmem>>) target(%dma_start3A_113 : memref<10112x128xf32, #tpu.memory_space<vmem_shared>>) offsets(%dma_start3A_110 : memref<120xi32, #tpu.memory_space<vmem>>) semaphore(%run_scoped3A_107 : memref<!tpu.dma_semaphore, #tpu.memory_space<semaphore_mem>>) {add = true}
      %dma_wait3A_114 = arith.constant 0 : i32
      %dma_wait3A_115 = tpu.memref_slice %arg10[%run_scoped3A, %dma_wait3A_114] : memref<8x120xi32, #tpu.memory_space<vmem>> -> memref<1x120xi32, #tpu.memory_space<vmem>>
      %dma_wait3A_116 = tpu.memref_squeeze %dma_wait3A_115 : memref<1x120xi32, #tpu.memory_space<vmem>> -> memref<120xi32, #tpu.memory_space<vmem>>
      %dma_wait3A_117 = arith.constant 0 : i32
      %dma_wait3A_118 = arith.constant 0 : i32
      %dma_wait3A_119 = tpu.memref_slice %arg16[%dma_wait3A_117, %dma_wait3A_118] : memref<10112x128xf32, #tpu.memory_space<vmem_shared>> -> memref<10112x128xf32, #tpu.memory_space<vmem_shared>>
      tpu.wait_indirect_dma semaphore(%run_scoped3A_107 : memref<!tpu.dma_semaphore, #tpu.memory_space<semaphore_mem>>) src(%arg13 : memref<120x128xf32, #tpu.memory_space<vmem>>) dst(%dma_wait3A_119 : memref<10112x128xf32, #tpu.memory_space<vmem_shared>>)
      tpu.yield
    }) : () -> ()
    %dma_start3A_34 = arith.constant 0 : i32
    %dma_start3A_35 = arith.constant 1 : i32
    %dma_start3A_36 = arith.constant 0 : i32
    %dma_start3A_37 = tpu.memref_slice %arg9[%dma_start3A_35, %dma_start3A_36] : memref<8x120xi32, #tpu.memory_space<vmem>> -> memref<1x120xi32, #tpu.memory_space<vmem>>
    %dma_start3A_38 = tpu.memref_squeeze %dma_start3A_37 : memref<1x120xi32, #tpu.memory_space<vmem>> -> memref<120xi32, #tpu.memory_space<vmem>>
    %dma_start3A_39 = arith.constant 0 : i32
    %dma_start3A_40 = arith.constant 0 : i32
    %dma_start3A_41 = tpu.memref_slice %arg2[%dma_start3A_34, %dma_start3A_39, %dma_start3A_40] : memref<1x10000x128xf32, #tpu.memory_space<hbm>> -> memref<1x10000x128xf32, #tpu.memory_space<hbm>>
    %dma_start3A_42 = tpu.memref_squeeze %dma_start3A_41 : memref<1x10000x128xf32, #tpu.memory_space<hbm>> -> memref<10000x128xf32, #tpu.memory_space<hbm>>
    %dma_start3A_43 = arith.constant 0 : i32
    %dma_start3A_44 = arith.constant 0 : i32
    %dma_start3A_45 = tpu.memref_slice %dma_start3A_42[%dma_start3A_43, %dma_start3A_44] : memref<10000x128xf32, #tpu.memory_space<hbm>> -> memref<10000x128xf32, #tpu.memory_space<hbm>>
    tpu.enqueue_indirect_dma source(%dma_start3A_45 : memref<10000x128xf32, #tpu.memory_space<hbm>>) target(%arg13 : memref<120x128xf32, #tpu.memory_space<vmem>>) offsets(%dma_start3A_38 : memref<120xi32, #tpu.memory_space<vmem>>) semaphore(%arg17 : memref<!tpu.dma_semaphore, #tpu.memory_space<semaphore_mem>>)
    %dma_wait3A_46 = arith.constant 0 : i32
    %dma_wait3A_47 = arith.constant 1 : i32
    %dma_wait3A_48 = arith.constant 0 : i32
    %dma_wait3A_49 = tpu.memref_slice %arg9[%dma_wait3A_47, %dma_wait3A_48] : memref<8x120xi32, #tpu.memory_space<vmem>> -> memref<1x120xi32, #tpu.memory_space<vmem>>
    %dma_wait3A_50 = tpu.memref_squeeze %dma_wait3A_49 : memref<1x120xi32, #tpu.memory_space<vmem>> -> memref<120xi32, #tpu.memory_space<vmem>>
    %dma_wait3A_51 = arith.constant 0 : i32
    %dma_wait3A_52 = arith.constant 0 : i32
    %dma_wait3A_53 = tpu.memref_slice %arg2[%dma_wait3A_46, %dma_wait3A_51, %dma_wait3A_52] : memref<1x10000x128xf32, #tpu.memory_space<hbm>> -> memref<1x10000x128xf32, #tpu.memory_space<hbm>>
    %dma_wait3A_54 = tpu.memref_squeeze %dma_wait3A_53 : memref<1x10000x128xf32, #tpu.memory_space<hbm>> -> memref<10000x128xf32, #tpu.memory_space<hbm>>
    %dma_wait3A_55 = arith.constant 0 : i32
    %dma_wait3A_56 = arith.constant 0 : i32
    %dma_wait3A_57 = tpu.memref_slice %dma_wait3A_54[%dma_wait3A_55, %dma_wait3A_56] : memref<10000x128xf32, #tpu.memory_space<hbm>> -> memref<10000x128xf32, #tpu.memory_space<hbm>>
    tpu.wait_indirect_dma semaphore(%arg17 : memref<!tpu.dma_semaphore, #tpu.memory_space<semaphore_mem>>) src(%dma_wait3A_57 : memref<10000x128xf32, #tpu.memory_space<hbm>>) dst(%arg13 : memref<120x128xf32, #tpu.memory_space<vmem>>)
    %run_scoped3A_58 = arith.constant 1 : i32
    "tpu.region"() ({
      %run_scoped3A_107 = tpu.sem_alloc : memref<!tpu.dma_semaphore, #tpu.memory_space<semaphore_mem>>
      %dma_start3A_108 = arith.constant 0 : i32
      %dma_start3A_109 = tpu.memref_slice %arg10[%run_scoped3A_58, %dma_start3A_108] : memref<8x120xi32, #tpu.memory_space<vmem>> -> memref<1x120xi32, #tpu.memory_space<vmem>>
      %dma_start3A_110 = tpu.memref_squeeze %dma_start3A_109 : memref<1x120xi32, #tpu.memory_space<vmem>> -> memref<120xi32, #tpu.memory_space<vmem>>
      %dma_start3A_111 = arith.constant 0 : i32
      %dma_start3A_112 = arith.constant 0 : i32
      %dma_start3A_113 = tpu.memref_slice %arg16[%dma_start3A_111, %dma_start3A_112] : memref<10112x128xf32, #tpu.memory_space<vmem_shared>> -> memref<10112x128xf32, #tpu.memory_space<vmem_shared>>
      tpu.enqueue_indirect_dma source(%arg13 : memref<120x128xf32, #tpu.memory_space<vmem>>) target(%dma_start3A_113 : memref<10112x128xf32, #tpu.memory_space<vmem_shared>>) offsets(%dma_start3A_110 : memref<120xi32, #tpu.memory_space<vmem>>) semaphore(%run_scoped3A_107 : memref<!tpu.dma_semaphore, #tpu.memory_space<semaphore_mem>>) {add = true}
      %dma_wait3A_114 = arith.constant 0 : i32
      %dma_wait3A_115 = tpu.memref_slice %arg10[%run_scoped3A_58, %dma_wait3A_114] : memref<8x120xi32, #tpu.memory_space<vmem>> -> memref<1x120xi32, #tpu.memory_space<vmem>>
      %dma_wait3A_116 = tpu.memref_squeeze %dma_wait3A_115 : memref<1x120xi32, #tpu.memory_space<vmem>> -> memref<120xi32, #tpu.memory_space<vmem>>
      %dma_wait3A_117 = arith.constant 0 : i32
      %dma_wait3A_118 = arith.constant 0 : i32
      %dma_wait3A_119 = tpu.memref_slice %arg16[%dma_wait3A_117, %dma_wait3A_118] : memref<10112x128xf32, #tpu.memory_space<vmem_shared>> -> memref<10112x128xf32, #tpu.memory_space<vmem_shared>>
      tpu.wait_indirect_dma semaphore(%run_scoped3A_107 : memref<!tpu.dma_semaphore, #tpu.memory_space<semaphore_mem>>) src(%arg13 : memref<120x128xf32, #tpu.memory_space<vmem>>) dst(%dma_wait3A_119 : memref<10112x128xf32, #tpu.memory_space<vmem_shared>>)
      tpu.yield
    }) : () -> ()
    %dma_start3A_59 = arith.constant 0 : i32
    %dma_start3A_60 = arith.constant 2 : i32
    %dma_start3A_61 = arith.constant 0 : i32
    %dma_start3A_62 = tpu.memref_slice %arg9[%dma_start3A_60, %dma_start3A_61] : memref<8x120xi32, #tpu.memory_space<vmem>> -> memref<1x120xi32, #tpu.memory_space<vmem>>
    %dma_start3A_63 = tpu.memref_squeeze %dma_start3A_62 : memref<1x120xi32, #tpu.memory_space<vmem>> -> memref<120xi32, #tpu.memory_space<vmem>>
    %dma_start3A_64 = arith.constant 0 : i32
    %dma_start3A_65 = arith.constant 0 : i32
    %dma_start3A_66 = tpu.memref_slice %arg2[%dma_start3A_59, %dma_start3A_64, %dma_start3A_65] : memref<1x10000x128xf32, #tpu.memory_space<hbm>> -> memref<1x10000x128xf32, #tpu.memory_space<hbm>>
    %dma_start3A_67 = tpu.memref_squeeze %dma_start3A_66 : memref<1x10000x128xf32, #tpu.memory_space<hbm>> -> memref<10000x128xf32, #tpu.memory_space<hbm>>
    %dma_start3A_68 = arith.constant 0 : i32
    %dma_start3A_69 = arith.constant 0 : i32
    %dma_start3A_70 = tpu.memref_slice %dma_start3A_67[%dma_start3A_68, %dma_start3A_69] : memref<10000x128xf32, #tpu.memory_space<hbm>> -> memref<10000x128xf32, #tpu.memory_space<hbm>>
    tpu.enqueue_indirect_dma source(%dma_start3A_70 : memref<10000x128xf32, #tpu.memory_space<hbm>>) target(%arg13 : memref<120x128xf32, #tpu.memory_space<vmem>>) offsets(%dma_start3A_63 : memref<120xi32, #tpu.memory_space<vmem>>) semaphore(%arg17 : memref<!tpu.dma_semaphore, #tpu.memory_space<semaphore_mem>>)
    %dma_wait3A_71 = arith.constant 0 : i32
    %dma_wait3A_72 = arith.constant 2 : i32
    %dma_wait3A_73 = arith.constant 0 : i32
    %dma_wait3A_74 = tpu.memref_slice %arg9[%dma_wait3A_72, %dma_wait3A_73] : memref<8x120xi32, #tpu.memory_space<vmem>> -> memref<1x120xi32, #tpu.memory_space<vmem>>
    %dma_wait3A_75 = tpu.memref_squeeze %dma_wait3A_74 : memref<1x120xi32, #tpu.memory_space<vmem>> -> memref<120xi32, #tpu.memory_space<vmem>>
    %dma_wait3A_76 = arith.constant 0 : i32
    %dma_wait3A_77 = arith.constant 0 : i32
    %dma_wait3A_78 = tpu.memref_slice %arg2[%dma_wait3A_71, %dma_wait3A_76, %dma_wait3A_77] : memref<1x10000x128xf32, #tpu.memory_space<hbm>> -> memref<1x10000x128xf32, #tpu.memory_space<hbm>>
    %dma_wait3A_79 = tpu.memref_squeeze %dma_wait3A_78 : memref<1x10000x128xf32, #tpu.memory_space<hbm>> -> memref<10000x128xf32, #tpu.memory_space<hbm>>
    %dma_wait3A_80 = arith.constant 0 : i32
    %dma_wait3A_81 = arith.constant 0 : i32
    %dma_wait3A_82 = tpu.memref_slice %dma_wait3A_79[%dma_wait3A_80, %dma_wait3A_81] : memref<10000x128xf32, #tpu.memory_space<hbm>> -> memref<10000x128xf32, #tpu.memory_space<hbm>>
    tpu.wait_indirect_dma semaphore(%arg17 : memref<!tpu.dma_semaphore, #tpu.memory_space<semaphore_mem>>) src(%dma_wait3A_82 : memref<10000x128xf32, #tpu.memory_space<hbm>>) dst(%arg13 : memref<120x128xf32, #tpu.memory_space<vmem>>)
    %run_scoped3A_83 = arith.constant 2 : i32
    "tpu.region"() ({
      %run_scoped3A_107 = tpu.sem_alloc : memref<!tpu.dma_semaphore, #tpu.memory_space<semaphore_mem>>
      %dma_start3A_108 = arith.constant 0 : i32
      %dma_start3A_109 = tpu.memref_slice %arg10[%run_scoped3A_83, %dma_start3A_108] : memref<8x120xi32, #tpu.memory_space<vmem>> -> memref<1x120xi32, #tpu.memory_space<vmem>>
      %dma_start3A_110 = tpu.memref_squeeze %dma_start3A_109 : memref<1x120xi32, #tpu.memory_space<vmem>> -> memref<120xi32, #tpu.memory_space<vmem>>
      %dma_start3A_111 = arith.constant 0 : i32
      %dma_start3A_112 = arith.constant 0 : i32
      %dma_start3A_113 = tpu.memref_slice %arg16[%dma_start3A_111, %dma_start3A_112] : memref<10112x128xf32, #tpu.memory_space<vmem_shared>> -> memref<10112x128xf32, #tpu.memory_space<vmem_shared>>
      tpu.enqueue_indirect_dma source(%arg13 : memref<120x128xf32, #tpu.memory_space<vmem>>) target(%dma_start3A_113 : memref<10112x128xf32, #tpu.memory_space<vmem_shared>>) offsets(%dma_start3A_110 : memref<120xi32, #tpu.memory_space<vmem>>) semaphore(%run_scoped3A_107 : memref<!tpu.dma_semaphore, #tpu.memory_space<semaphore_mem>>) {add = true}
      %dma_wait3A_114 = arith.constant 0 : i32
      %dma_wait3A_115 = tpu.memref_slice %arg10[%run_scoped3A_83, %dma_wait3A_114] : memref<8x120xi32, #tpu.memory_space<vmem>> -> memref<1x120xi32, #tpu.memory_space<vmem>>
      %dma_wait3A_116 = tpu.memref_squeeze %dma_wait3A_115 : memref<1x120xi32, #tpu.memory_space<vmem>> -> memref<120xi32, #tpu.memory_space<vmem>>
      %dma_wait3A_117 = arith.constant 0 : i32
      %dma_wait3A_118 = arith.constant 0 : i32
      %dma_wait3A_119 = tpu.memref_slice %arg16[%dma_wait3A_117, %dma_wait3A_118] : memref<10112x128xf32, #tpu.memory_space<vmem_shared>> -> memref<10112x128xf32, #tpu.memory_space<vmem_shared>>
      tpu.wait_indirect_dma semaphore(%run_scoped3A_107 : memref<!tpu.dma_semaphore, #tpu.memory_space<semaphore_mem>>) src(%arg13 : memref<120x128xf32, #tpu.memory_space<vmem>>) dst(%dma_wait3A_119 : memref<10112x128xf32, #tpu.memory_space<vmem_shared>>)
      tpu.yield
    }) : () -> ()
    %dma_start3A_84 = arith.constant 0 : i32
    %dma_start3A_85 = arith.constant 0 : i32
    %dma_start3A_86 = arith.constant 0 : i32
    %dma_start3A_87 = tpu.memref_slice %arg13[%dma_start3A_85, %dma_start3A_86] : memref<120x128xf32, #tpu.memory_space<vmem>> -> memref<40x128xf32, #tpu.memory_space<vmem>>
    %dma_start3A_88 = arith.constant 0 : i32
    %dma_start3A_89 = arith.constant 0 : i32
    %dma_start3A_90 = tpu.memref_slice %arg2[%dma_start3A_84, %dma_start3A_88, %dma_start3A_89] : memref<1x10000x128xf32, #tpu.memory_space<hbm>> -> memref<1x10000x128xf32, #tpu.memory_space<hbm>>
    %dma_start3A_91 = tpu.memref_squeeze %dma_start3A_90 : memref<1x10000x128xf32, #tpu.memory_space<hbm>> -> memref<10000x128xf32, #tpu.memory_space<hbm>>
    %dma_start3A_92 = arith.constant 0 : i32
    %dma_start3A_93 = arith.constant 0 : i32
    %dma_start3A_94 = tpu.memref_slice %dma_start3A_91[%dma_start3A_92, %dma_start3A_93] : memref<10000x128xf32, #tpu.memory_space<hbm>> -> memref<10000x128xf32, #tpu.memory_space<hbm>>
    tpu.enqueue_indirect_dma source(%dma_start3A_94 : memref<10000x128xf32, #tpu.memory_space<hbm>>) target(%dma_start3A_87 : memref<40x128xf32, #tpu.memory_space<vmem>>) offsets(%arg11 : memref<40xi32, #tpu.memory_space<vmem>>) semaphore(%arg17 : memref<!tpu.dma_semaphore, #tpu.memory_space<semaphore_mem>>)
    %dma_wait3A_95 = arith.constant 0 : i32
    %dma_wait3A_96 = arith.constant 0 : i32
    %dma_wait3A_97 = arith.constant 0 : i32
    %dma_wait3A_98 = tpu.memref_slice %arg13[%dma_wait3A_96, %dma_wait3A_97] : memref<120x128xf32, #tpu.memory_space<vmem>> -> memref<40x128xf32, #tpu.memory_space<vmem>>
    %dma_wait3A_99 = arith.constant 0 : i32
    %dma_wait3A_100 = arith.constant 0 : i32
    %dma_wait3A_101 = tpu.memref_slice %arg2[%dma_wait3A_95, %dma_wait3A_99, %dma_wait3A_100] : memref<1x10000x128xf32, #tpu.memory_space<hbm>> -> memref<1x10000x128xf32, #tpu.memory_space<hbm>>
    %dma_wait3A_102 = tpu.memref_squeeze %dma_wait3A_101 : memref<1x10000x128xf32, #tpu.memory_space<hbm>> -> memref<10000x128xf32, #tpu.memory_space<hbm>>
    %dma_wait3A_103 = arith.constant 0 : i32
    %dma_wait3A_104 = arith.constant 0 : i32
    %dma_wait3A_105 = tpu.memref_slice %dma_wait3A_102[%dma_wait3A_103, %dma_wait3A_104] : memref<10000x128xf32, #tpu.memory_space<hbm>> -> memref<10000x128xf32, #tpu.memory_space<hbm>>
    tpu.wait_indirect_dma semaphore(%arg17 : memref<!tpu.dma_semaphore, #tpu.memory_space<semaphore_mem>>) src(%dma_wait3A_105 : memref<10000x128xf32, #tpu.memory_space<hbm>>) dst(%dma_wait3A_98 : memref<40x128xf32, #tpu.memory_space<vmem>>)
    "tpu.region"() ({
      %run_scoped3A_107 = tpu.sem_alloc : memref<!tpu.dma_semaphore, #tpu.memory_space<semaphore_mem>>
      %dma_start3A_108 = arith.constant 0 : i32
      %dma_start3A_109 = arith.constant 0 : i32
      %dma_start3A_110 = tpu.memref_slice %arg13[%dma_start3A_108, %dma_start3A_109] : memref<120x128xf32, #tpu.memory_space<vmem>> -> memref<40x128xf32, #tpu.memory_space<vmem>>
      %dma_start3A_111 = arith.constant 0 : i32
      %dma_start3A_112 = arith.constant 0 : i32
      %dma_start3A_113 = tpu.memref_slice %arg16[%dma_start3A_111, %dma_start3A_112] : memref<10112x128xf32, #tpu.memory_space<vmem_shared>> -> memref<10112x128xf32, #tpu.memory_space<vmem_shared>>
      tpu.enqueue_indirect_dma source(%dma_start3A_110 : memref<40x128xf32, #tpu.memory_space<vmem>>) target(%dma_start3A_113 : memref<10112x128xf32, #tpu.memory_space<vmem_shared>>) offsets(%arg12 : memref<40xi32, #tpu.memory_space<vmem>>) semaphore(%run_scoped3A_107 : memref<!tpu.dma_semaphore, #tpu.memory_space<semaphore_mem>>) {add = true}
      %dma_wait3A_114 = arith.constant 0 : i32
      %dma_wait3A_115 = arith.constant 0 : i32
      %dma_wait3A_116 = tpu.memref_slice %arg13[%dma_wait3A_114, %dma_wait3A_115] : memref<120x128xf32, #tpu.memory_space<vmem>> -> memref<40x128xf32, #tpu.memory_space<vmem>>
      %dma_wait3A_117 = arith.constant 0 : i32
      %dma_wait3A_118 = arith.constant 0 : i32
      %dma_wait3A_119 = tpu.memref_slice %arg16[%dma_wait3A_117, %dma_wait3A_118] : memref<10112x128xf32, #tpu.memory_space<vmem_shared>> -> memref<10112x128xf32, #tpu.memory_space<vmem_shared>>
      tpu.wait_indirect_dma semaphore(%run_scoped3A_107 : memref<!tpu.dma_semaphore, #tpu.memory_space<semaphore_mem>>) src(%dma_wait3A_116 : memref<40x128xf32, #tpu.memory_space<vmem>>) dst(%dma_wait3A_119 : memref<10112x128xf32, #tpu.memory_space<vmem_shared>>)
      tpu.yield
    }) : () -> ()
    %barrier3A_106 = arith.constant 0 : index
    tpu.barrier barrier_id(%barrier3A_106)
    "tpu.region"() ({
      %run_scoped3A_107 = tpu.sem_alloc : memref<!tpu.dma_semaphore, #tpu.memory_space<semaphore_mem>>
      %dma_start3A_108 = arith.constant 0 : i32
      %dma_start3A_109 = arith.constant 0 : i32
      %dma_start3A_110 = tpu.memref_slice %arg8[%arg0, %dma_start3A_108, %dma_start3A_109] : memref<2x10112x128xf32, #tpu.memory_space<hbm>> -> memref<1x10112x128xf32, #tpu.memory_space<hbm>>
      %dma_start3A_111 = tpu.memref_squeeze %dma_start3A_110 : memref<1x10112x128xf32, #tpu.memory_space<hbm>> -> memref<10112x128xf32, #tpu.memory_space<hbm>>
      %dma_start3A_112 = arith.constant 0 : i32
      %dma_start3A_113 = tpu.memref_slice %dma_start3A_111[%multiple_of3A, %dma_start3A_112] : memref<10112x128xf32, #tpu.memory_space<hbm>> -> memref<632x128xf32, #tpu.memory_space<hbm>>
      %dma_start3A_114 = arith.constant 0 : i32
      %dma_start3A_115 = tpu.memref_slice %arg16[%multiple_of3A, %dma_start3A_114] : memref<10112x128xf32, #tpu.memory_space<vmem_shared>> -> memref<632x128xf32, #tpu.memory_space<vmem_shared>>
      tpu.enqueue_dma source(%dma_start3A_115 : memref<632x128xf32, #tpu.memory_space<vmem_shared>>) target(%dma_start3A_113 : memref<632x128xf32, #tpu.memory_space<hbm>>) target_semaphore(%run_scoped3A_107 : memref<!tpu.dma_semaphore, #tpu.memory_space<semaphore_mem>>)
      %dma_wait3A_116 = arith.constant 0 : i32
      %dma_wait3A_117 = arith.constant 0 : i32
      %dma_wait3A_118 = tpu.memref_slice %arg8[%arg0, %dma_wait3A_116, %dma_wait3A_117] : memref<2x10112x128xf32, #tpu.memory_space<hbm>> -> memref<1x10112x128xf32, #tpu.memory_space<hbm>>
      %dma_wait3A_119 = tpu.memref_squeeze %dma_wait3A_118 : memref<1x10112x128xf32, #tpu.memory_space<hbm>> -> memref<10112x128xf32, #tpu.memory_space<hbm>>
      %dma_wait3A_120 = arith.constant 0 : i32
      %dma_wait3A_121 = tpu.memref_slice %dma_wait3A_119[%multiple_of3A, %dma_wait3A_120] : memref<10112x128xf32, #tpu.memory_space<hbm>> -> memref<632x128xf32, #tpu.memory_space<hbm>>
      %dma_wait3A_122 = arith.constant 0 : i32
      %dma_wait3A_123 = tpu.memref_slice %arg16[%multiple_of3A, %dma_wait3A_122] : memref<10112x128xf32, #tpu.memory_space<vmem_shared>> -> memref<632x128xf32, #tpu.memory_space<vmem_shared>>
      tpu.wait_dma2 semaphore(%run_scoped3A_107 : memref<!tpu.dma_semaphore, #tpu.memory_space<semaphore_mem>>) src(%dma_wait3A_123 : memref<632x128xf32, #tpu.memory_space<vmem_shared>>) dst(%dma_wait3A_121 : memref<632x128xf32, #tpu.memory_space<hbm>>)
      tpu.yield
    }) : () -> ()
    return
  }
}

#map = affine_map<(d0, d1) -> (0, 0, 0)>
#map1 = affine_map<(d0, d1) -> (0, 0)>
module attributes {stable_mosaic.version = 14 : i64} {
  func.func @body(%arg0: i32, %arg1: i32, %arg2: memref<1x10000x128xf32, #tpu.memory_space<hbm>>, %arg3: memref<1536x120xi32, #tpu.memory_space<hbm>>, %arg4: memref<1536x120xi32, #tpu.memory_space<hbm>>, %arg5: memref<32x80xi32, #tpu.memory_space<hbm>>, %arg6: memref<32x80xi32, #tpu.memory_space<hbm>>, %arg7: memref<10112x128xf32, #tpu.memory_space<hbm>>, %arg8: memref<2x10112x128xf32, #tpu.memory_space<hbm>>, %arg9: memref<8x120xi32, #tpu.memory_space<vmem>>, %arg10: memref<8x120xi32, #tpu.memory_space<vmem>>, %arg11: memref<80xi32, #tpu.memory_space<vmem>>, %arg12: memref<80xi32, #tpu.memory_space<vmem>>, %arg13: memref<120x128xf32, #tpu.memory_space<vmem>>, %arg14: memref<120x128xf32, #tpu.memory_space<vmem>>, %arg15: memref<120x128xf32, #tpu.memory_space<vmem>>, %arg16: memref<10112x128xf32, #tpu.memory_space<vmem_shared>>, %arg17: memref<!tpu.dma_semaphore, #tpu.memory_space<semaphore_mem>>, %arg18: memref<!tpu.dma_semaphore, #tpu.memory_space<semaphore_mem>>, %arg19: memref<!tpu.dma_semaphore, #tpu.memory_space<semaphore_mem>>, %arg20: memref<!tpu.dma_semaphore, #tpu.memory_space<semaphore_mem>>, %arg21: memref<!tpu.dma_semaphore, #tpu.memory_space<semaphore_mem>>, %arg22: memref<!tpu.dma_semaphore, #tpu.memory_space<semaphore_mem>>) attributes {dimension_semantics = [#tpu.dimension_semantics<core_parallel>, #tpu.dimension_semantics<subcore_parallel>], iteration_bounds = array<i64: 2, 16>, scalar_prefetch = 0 : i64, scratch_operands = 14 : i64, tpu.core_type = #tpu.core_type<sc_vector_subcore>, window_params = [{transform_indices = #map}, {transform_indices = #map1}, {transform_indices = #map1}, {transform_indices = #map1}, {transform_indices = #map1}, {transform_indices = #map1}, {transform_indices = #map}]} {
    %mul3A = arith.constant 2 : i32
    %mul3A_0 = arith.muli %arg1, %mul3A : i32
    %add3A = arith.addi %mul3A_0, %arg0 : i32
    "tpu.region"() ({
      %run_scoped3A_57 = tpu.sem_alloc : memref<!tpu.dma_semaphore, #tpu.memory_space<semaphore_mem>>
      %dma_start3A_58 = arith.constant 0 : i32
      %dma_start3A_59 = tpu.memref_slice %arg5[%add3A, %dma_start3A_58] : memref<32x80xi32, #tpu.memory_space<hbm>> -> memref<1x80xi32, #tpu.memory_space<hbm>>
      %dma_start3A_60 = tpu.memref_squeeze %dma_start3A_59 : memref<1x80xi32, #tpu.memory_space<hbm>> -> memref<80xi32, #tpu.memory_space<hbm>>
      %dma_start3A_61 = arith.constant 0 : i32
      %dma_start3A_62 = tpu.memref_slice %arg5[%add3A, %dma_start3A_61] : memref<32x80xi32, #tpu.memory_space<hbm>> -> memref<1x80xi32, #tpu.memory_space<hbm>>
      %dma_start3A_63 = tpu.memref_squeeze %dma_start3A_62 : memref<1x80xi32, #tpu.memory_space<hbm>> -> memref<80xi32, #tpu.memory_space<hbm>>
      tpu.enqueue_dma source(%dma_start3A_63 : memref<80xi32, #tpu.memory_space<hbm>>) target(%arg11 : memref<80xi32, #tpu.memory_space<vmem>>) target_semaphore(%run_scoped3A_57 : memref<!tpu.dma_semaphore, #tpu.memory_space<semaphore_mem>>)
      %dma_wait3A_64 = arith.constant 0 : i32
      %dma_wait3A_65 = tpu.memref_slice %arg5[%add3A, %dma_wait3A_64] : memref<32x80xi32, #tpu.memory_space<hbm>> -> memref<1x80xi32, #tpu.memory_space<hbm>>
      %dma_wait3A_66 = tpu.memref_squeeze %dma_wait3A_65 : memref<1x80xi32, #tpu.memory_space<hbm>> -> memref<80xi32, #tpu.memory_space<hbm>>
      %dma_wait3A_67 = arith.constant 0 : i32
      %dma_wait3A_68 = tpu.memref_slice %arg5[%add3A, %dma_wait3A_67] : memref<32x80xi32, #tpu.memory_space<hbm>> -> memref<1x80xi32, #tpu.memory_space<hbm>>
      %dma_wait3A_69 = tpu.memref_squeeze %dma_wait3A_68 : memref<1x80xi32, #tpu.memory_space<hbm>> -> memref<80xi32, #tpu.memory_space<hbm>>
      tpu.wait_dma2 semaphore(%run_scoped3A_57 : memref<!tpu.dma_semaphore, #tpu.memory_space<semaphore_mem>>) src(%dma_wait3A_69 : memref<80xi32, #tpu.memory_space<hbm>>) dst(%arg11 : memref<80xi32, #tpu.memory_space<vmem>>)
      tpu.yield
    }) : () -> ()
    "tpu.region"() ({
      %run_scoped3A_57 = tpu.sem_alloc : memref<!tpu.dma_semaphore, #tpu.memory_space<semaphore_mem>>
      %dma_start3A_58 = arith.constant 0 : i32
      %dma_start3A_59 = tpu.memref_slice %arg6[%add3A, %dma_start3A_58] : memref<32x80xi32, #tpu.memory_space<hbm>> -> memref<1x80xi32, #tpu.memory_space<hbm>>
      %dma_start3A_60 = tpu.memref_squeeze %dma_start3A_59 : memref<1x80xi32, #tpu.memory_space<hbm>> -> memref<80xi32, #tpu.memory_space<hbm>>
      %dma_start3A_61 = arith.constant 0 : i32
      %dma_start3A_62 = tpu.memref_slice %arg6[%add3A, %dma_start3A_61] : memref<32x80xi32, #tpu.memory_space<hbm>> -> memref<1x80xi32, #tpu.memory_space<hbm>>
      %dma_start3A_63 = tpu.memref_squeeze %dma_start3A_62 : memref<1x80xi32, #tpu.memory_space<hbm>> -> memref<80xi32, #tpu.memory_space<hbm>>
      tpu.enqueue_dma source(%dma_start3A_63 : memref<80xi32, #tpu.memory_space<hbm>>) target(%arg12 : memref<80xi32, #tpu.memory_space<vmem>>) target_semaphore(%run_scoped3A_57 : memref<!tpu.dma_semaphore, #tpu.memory_space<semaphore_mem>>)
      %dma_wait3A_64 = arith.constant 0 : i32
      %dma_wait3A_65 = tpu.memref_slice %arg6[%add3A, %dma_wait3A_64] : memref<32x80xi32, #tpu.memory_space<hbm>> -> memref<1x80xi32, #tpu.memory_space<hbm>>
      %dma_wait3A_66 = tpu.memref_squeeze %dma_wait3A_65 : memref<1x80xi32, #tpu.memory_space<hbm>> -> memref<80xi32, #tpu.memory_space<hbm>>
      %dma_wait3A_67 = arith.constant 0 : i32
      %dma_wait3A_68 = tpu.memref_slice %arg6[%add3A, %dma_wait3A_67] : memref<32x80xi32, #tpu.memory_space<hbm>> -> memref<1x80xi32, #tpu.memory_space<hbm>>
      %dma_wait3A_69 = tpu.memref_squeeze %dma_wait3A_68 : memref<1x80xi32, #tpu.memory_space<hbm>> -> memref<80xi32, #tpu.memory_space<hbm>>
      tpu.wait_dma2 semaphore(%run_scoped3A_57 : memref<!tpu.dma_semaphore, #tpu.memory_space<semaphore_mem>>) src(%dma_wait3A_69 : memref<80xi32, #tpu.memory_space<hbm>>) dst(%arg12 : memref<80xi32, #tpu.memory_space<vmem>>)
      tpu.yield
    }) : () -> ()
    %mul3A_1 = arith.constant 632 : i32
    %mul3A_2 = arith.muli %arg1, %mul3A_1 : i32
    %multiple_of3A = tpu.assume_multiple %mul3A_2, 8 : i32
    "tpu.region"() ({
      %run_scoped3A_57 = tpu.sem_alloc : memref<!tpu.dma_semaphore, #tpu.memory_space<semaphore_mem>>
      %dma_start3A_58 = arith.constant 0 : i32
      %dma_start3A_59 = tpu.memref_slice %arg16[%multiple_of3A, %dma_start3A_58] : memref<10112x128xf32, #tpu.memory_space<vmem_shared>> -> memref<632x128xf32, #tpu.memory_space<vmem_shared>>
      %dma_start3A_60 = arith.constant 0 : i32
      %dma_start3A_61 = tpu.memref_slice %arg7[%multiple_of3A, %dma_start3A_60] : memref<10112x128xf32, #tpu.memory_space<hbm>> -> memref<632x128xf32, #tpu.memory_space<hbm>>
      tpu.enqueue_dma source(%dma_start3A_61 : memref<632x128xf32, #tpu.memory_space<hbm>>) target(%dma_start3A_59 : memref<632x128xf32, #tpu.memory_space<vmem_shared>>) target_semaphore(%run_scoped3A_57 : memref<!tpu.dma_semaphore, #tpu.memory_space<semaphore_mem>>)
      %dma_wait3A_62 = arith.constant 0 : i32
      %dma_wait3A_63 = tpu.memref_slice %arg16[%multiple_of3A, %dma_wait3A_62] : memref<10112x128xf32, #tpu.memory_space<vmem_shared>> -> memref<632x128xf32, #tpu.memory_space<vmem_shared>>
      %dma_wait3A_64 = arith.constant 0 : i32
      %dma_wait3A_65 = tpu.memref_slice %arg7[%multiple_of3A, %dma_wait3A_64] : memref<10112x128xf32, #tpu.memory_space<hbm>> -> memref<632x128xf32, #tpu.memory_space<hbm>>
      tpu.wait_dma2 semaphore(%run_scoped3A_57 : memref<!tpu.dma_semaphore, #tpu.memory_space<semaphore_mem>>) src(%dma_wait3A_65 : memref<632x128xf32, #tpu.memory_space<hbm>>) dst(%dma_wait3A_63 : memref<632x128xf32, #tpu.memory_space<vmem_shared>>)
      tpu.yield
    }) : () -> ()
    %barrier3A = arith.constant 0 : index
    tpu.barrier barrier_id(%barrier3A)
    %scan3A = arith.constant 0 : i32
    %scan3A_3 = arith.constant 5 : i32
    %scan3A_4 = arith.addi %scan3A, %scan3A_3 : i32
    %scan3A_5 = arith.constant 1 : i32
    scf.for %scan3A_57 = %scan3A to %scan3A_4 step %scan3A_5  : i32 {
      %mul3A_58 = arith.constant 1 : i32
      %mul3A_59 = arith.muli %scan3A_57, %mul3A_58 : i32
      %add3A_60 = arith.constant 0 : i32
      %add3A_61 = arith.addi %add3A_60, %mul3A_59 : i32
      %mul3A_62 = arith.constant 48 : i32
      %mul3A_63 = arith.muli %add3A, %mul3A_62 : i32
      %mul3A_64 = arith.constant 8 : i32
      %mul3A_65 = arith.muli %add3A_61, %mul3A_64 : i32
      %add3A_66 = arith.addi %mul3A_63, %mul3A_65 : i32
      %multiple_of3A_67 = tpu.assume_multiple %add3A_66, 8 : i32
      "tpu.region"() ({
        %run_scoped3A_372 = tpu.sem_alloc : memref<!tpu.dma_semaphore, #tpu.memory_space<semaphore_mem>>
        %dma_start3A_373 = arith.constant 0 : i32
        %dma_start3A_374 = tpu.memref_slice %arg3[%multiple_of3A_67, %dma_start3A_373] : memref<1536x120xi32, #tpu.memory_space<hbm>> -> memref<8x120xi32, #tpu.memory_space<hbm>>
        %dma_start3A_375 = arith.constant 0 : i32
        %dma_start3A_376 = tpu.memref_slice %arg3[%multiple_of3A_67, %dma_start3A_375] : memref<1536x120xi32, #tpu.memory_space<hbm>> -> memref<8x120xi32, #tpu.memory_space<hbm>>
        tpu.enqueue_dma source(%dma_start3A_376 : memref<8x120xi32, #tpu.memory_space<hbm>>) target(%arg9 : memref<8x120xi32, #tpu.memory_space<vmem>>) target_semaphore(%run_scoped3A_372 : memref<!tpu.dma_semaphore, #tpu.memory_space<semaphore_mem>>)
        %dma_wait3A_377 = arith.constant 0 : i32
        %dma_wait3A_378 = tpu.memref_slice %arg3[%multiple_of3A_67, %dma_wait3A_377] : memref<1536x120xi32, #tpu.memory_space<hbm>> -> memref<8x120xi32, #tpu.memory_space<hbm>>
        %dma_wait3A_379 = arith.constant 0 : i32
        %dma_wait3A_380 = tpu.memref_slice %arg3[%multiple_of3A_67, %dma_wait3A_379] : memref<1536x120xi32, #tpu.memory_space<hbm>> -> memref<8x120xi32, #tpu.memory_space<hbm>>
        tpu.wait_dma2 semaphore(%run_scoped3A_372 : memref<!tpu.dma_semaphore, #tpu.memory_space<semaphore_mem>>) src(%dma_wait3A_380 : memref<8x120xi32, #tpu.memory_space<hbm>>) dst(%arg9 : memref<8x120xi32, #tpu.memory_space<vmem>>)
        tpu.yield
      }) : () -> ()
      "tpu.region"() ({
        %run_scoped3A_372 = tpu.sem_alloc : memref<!tpu.dma_semaphore, #tpu.memory_space<semaphore_mem>>
        %dma_start3A_373 = arith.constant 0 : i32
        %dma_start3A_374 = tpu.memref_slice %arg4[%multiple_of3A_67, %dma_start3A_373] : memref<1536x120xi32, #tpu.memory_space<hbm>> -> memref<8x120xi32, #tpu.memory_space<hbm>>
        %dma_start3A_375 = arith.constant 0 : i32
        %dma_start3A_376 = tpu.memref_slice %arg4[%multiple_of3A_67, %dma_start3A_375] : memref<1536x120xi32, #tpu.memory_space<hbm>> -> memref<8x120xi32, #tpu.memory_space<hbm>>
        tpu.enqueue_dma source(%dma_start3A_376 : memref<8x120xi32, #tpu.memory_space<hbm>>) target(%arg10 : memref<8x120xi32, #tpu.memory_space<vmem>>) target_semaphore(%run_scoped3A_372 : memref<!tpu.dma_semaphore, #tpu.memory_space<semaphore_mem>>)
        %dma_wait3A_377 = arith.constant 0 : i32
        %dma_wait3A_378 = tpu.memref_slice %arg4[%multiple_of3A_67, %dma_wait3A_377] : memref<1536x120xi32, #tpu.memory_space<hbm>> -> memref<8x120xi32, #tpu.memory_space<hbm>>
        %dma_wait3A_379 = arith.constant 0 : i32
        %dma_wait3A_380 = tpu.memref_slice %arg4[%multiple_of3A_67, %dma_wait3A_379] : memref<1536x120xi32, #tpu.memory_space<hbm>> -> memref<8x120xi32, #tpu.memory_space<hbm>>
        tpu.wait_dma2 semaphore(%run_scoped3A_372 : memref<!tpu.dma_semaphore, #tpu.memory_space<semaphore_mem>>) src(%dma_wait3A_380 : memref<8x120xi32, #tpu.memory_space<hbm>>) dst(%arg10 : memref<8x120xi32, #tpu.memory_space<vmem>>)
        tpu.yield
      }) : () -> ()
      %dma_start3A_68 = arith.constant 0 : i32
      %dma_start3A_69 = arith.constant 0 : i32
      %dma_start3A_70 = arith.constant 0 : i32
      %dma_start3A_71 = tpu.memref_slice %arg9[%dma_start3A_69, %dma_start3A_70] : memref<8x120xi32, #tpu.memory_space<vmem>> -> memref<1x120xi32, #tpu.memory_space<vmem>>
      %dma_start3A_72 = tpu.memref_squeeze %dma_start3A_71 : memref<1x120xi32, #tpu.memory_space<vmem>> -> memref<120xi32, #tpu.memory_space<vmem>>
      %dma_start3A_73 = arith.constant 0 : i32
      %dma_start3A_74 = arith.constant 0 : i32
      %dma_start3A_75 = tpu.memref_slice %arg2[%dma_start3A_68, %dma_start3A_73, %dma_start3A_74] : memref<1x10000x128xf32, #tpu.memory_space<hbm>> -> memref<1x10000x128xf32, #tpu.memory_space<hbm>>
      %dma_start3A_76 = tpu.memref_squeeze %dma_start3A_75 : memref<1x10000x128xf32, #tpu.memory_space<hbm>> -> memref<10000x128xf32, #tpu.memory_space<hbm>>
      %dma_start3A_77 = arith.constant 0 : i32
      %dma_start3A_78 = arith.constant 0 : i32
      %dma_start3A_79 = tpu.memref_slice %dma_start3A_76[%dma_start3A_77, %dma_start3A_78] : memref<10000x128xf32, #tpu.memory_space<hbm>> -> memref<10000x128xf32, #tpu.memory_space<hbm>>
      tpu.enqueue_indirect_dma source(%dma_start3A_79 : memref<10000x128xf32, #tpu.memory_space<hbm>>) target(%arg13 : memref<120x128xf32, #tpu.memory_space<vmem>>) offsets(%dma_start3A_72 : memref<120xi32, #tpu.memory_space<vmem>>) semaphore(%arg17 : memref<!tpu.dma_semaphore, #tpu.memory_space<semaphore_mem>>)
      %dma_start3A_80 = arith.constant 0 : i32
      %dma_start3A_81 = arith.constant 1 : i32
      %dma_start3A_82 = arith.constant 0 : i32
      %dma_start3A_83 = tpu.memref_slice %arg9[%dma_start3A_81, %dma_start3A_82] : memref<8x120xi32, #tpu.memory_space<vmem>> -> memref<1x120xi32, #tpu.memory_space<vmem>>
      %dma_start3A_84 = tpu.memref_squeeze %dma_start3A_83 : memref<1x120xi32, #tpu.memory_space<vmem>> -> memref<120xi32, #tpu.memory_space<vmem>>
      %dma_start3A_85 = arith.constant 0 : i32
      %dma_start3A_86 = arith.constant 0 : i32
      %dma_start3A_87 = tpu.memref_slice %arg2[%dma_start3A_80, %dma_start3A_85, %dma_start3A_86] : memref<1x10000x128xf32, #tpu.memory_space<hbm>> -> memref<1x10000x128xf32, #tpu.memory_space<hbm>>
      %dma_start3A_88 = tpu.memref_squeeze %dma_start3A_87 : memref<1x10000x128xf32, #tpu.memory_space<hbm>> -> memref<10000x128xf32, #tpu.memory_space<hbm>>
      %dma_start3A_89 = arith.constant 0 : i32
      %dma_start3A_90 = arith.constant 0 : i32
      %dma_start3A_91 = tpu.memref_slice %dma_start3A_88[%dma_start3A_89, %dma_start3A_90] : memref<10000x128xf32, #tpu.memory_space<hbm>> -> memref<10000x128xf32, #tpu.memory_space<hbm>>
      tpu.enqueue_indirect_dma source(%dma_start3A_91 : memref<10000x128xf32, #tpu.memory_space<hbm>>) target(%arg14 : memref<120x128xf32, #tpu.memory_space<vmem>>) offsets(%dma_start3A_84 : memref<120xi32, #tpu.memory_space<vmem>>) semaphore(%arg18 : memref<!tpu.dma_semaphore, #tpu.memory_space<semaphore_mem>>)
      %dma_start3A_92 = arith.constant 0 : i32
      %dma_start3A_93 = arith.constant 2 : i32
      %dma_start3A_94 = arith.constant 0 : i32
      %dma_start3A_95 = tpu.memref_slice %arg9[%dma_start3A_93, %dma_start3A_94] : memref<8x120xi32, #tpu.memory_space<vmem>> -> memref<1x120xi32, #tpu.memory_space<vmem>>
      %dma_start3A_96 = tpu.memref_squeeze %dma_start3A_95 : memref<1x120xi32, #tpu.memory_space<vmem>> -> memref<120xi32, #tpu.memory_space<vmem>>
      %dma_start3A_97 = arith.constant 0 : i32
      %dma_start3A_98 = arith.constant 0 : i32
      %dma_start3A_99 = tpu.memref_slice %arg2[%dma_start3A_92, %dma_start3A_97, %dma_start3A_98] : memref<1x10000x128xf32, #tpu.memory_space<hbm>> -> memref<1x10000x128xf32, #tpu.memory_space<hbm>>
      %dma_start3A_100 = tpu.memref_squeeze %dma_start3A_99 : memref<1x10000x128xf32, #tpu.memory_space<hbm>> -> memref<10000x128xf32, #tpu.memory_space<hbm>>
      %dma_start3A_101 = arith.constant 0 : i32
      %dma_start3A_102 = arith.constant 0 : i32
      %dma_start3A_103 = tpu.memref_slice %dma_start3A_100[%dma_start3A_101, %dma_start3A_102] : memref<10000x128xf32, #tpu.memory_space<hbm>> -> memref<10000x128xf32, #tpu.memory_space<hbm>>
      tpu.enqueue_indirect_dma source(%dma_start3A_103 : memref<10000x128xf32, #tpu.memory_space<hbm>>) target(%arg15 : memref<120x128xf32, #tpu.memory_space<vmem>>) offsets(%dma_start3A_96 : memref<120xi32, #tpu.memory_space<vmem>>) semaphore(%arg19 : memref<!tpu.dma_semaphore, #tpu.memory_space<semaphore_mem>>)
      %dma_wait3A_104 = arith.constant 0 : i32
      %dma_wait3A_105 = arith.constant 0 : i32
      %dma_wait3A_106 = arith.constant 0 : i32
      %dma_wait3A_107 = tpu.memref_slice %arg9[%dma_wait3A_105, %dma_wait3A_106] : memref<8x120xi32, #tpu.memory_space<vmem>> -> memref<1x120xi32, #tpu.memory_space<vmem>>
      %dma_wait3A_108 = tpu.memref_squeeze %dma_wait3A_107 : memref<1x120xi32, #tpu.memory_space<vmem>> -> memref<120xi32, #tpu.memory_space<vmem>>
      %dma_wait3A_109 = arith.constant 0 : i32
      %dma_wait3A_110 = arith.constant 0 : i32
      %dma_wait3A_111 = tpu.memref_slice %arg2[%dma_wait3A_104, %dma_wait3A_109, %dma_wait3A_110] : memref<1x10000x128xf32, #tpu.memory_space<hbm>> -> memref<1x10000x128xf32, #tpu.memory_space<hbm>>
      %dma_wait3A_112 = tpu.memref_squeeze %dma_wait3A_111 : memref<1x10000x128xf32, #tpu.memory_space<hbm>> -> memref<10000x128xf32, #tpu.memory_space<hbm>>
      %dma_wait3A_113 = arith.constant 0 : i32
      %dma_wait3A_114 = arith.constant 0 : i32
      %dma_wait3A_115 = tpu.memref_slice %dma_wait3A_112[%dma_wait3A_113, %dma_wait3A_114] : memref<10000x128xf32, #tpu.memory_space<hbm>> -> memref<10000x128xf32, #tpu.memory_space<hbm>>
      tpu.wait_indirect_dma semaphore(%arg17 : memref<!tpu.dma_semaphore, #tpu.memory_space<semaphore_mem>>) src(%dma_wait3A_115 : memref<10000x128xf32, #tpu.memory_space<hbm>>) dst(%arg13 : memref<120x128xf32, #tpu.memory_space<vmem>>)
      %dma_start3A_116 = arith.constant 0 : i32
      %dma_start3A_117 = arith.constant 0 : i32
      %dma_start3A_118 = tpu.memref_slice %arg10[%dma_start3A_116, %dma_start3A_117] : memref<8x120xi32, #tpu.memory_space<vmem>> -> memref<1x120xi32, #tpu.memory_space<vmem>>
      %dma_start3A_119 = tpu.memref_squeeze %dma_start3A_118 : memref<1x120xi32, #tpu.memory_space<vmem>> -> memref<120xi32, #tpu.memory_space<vmem>>
      %dma_start3A_120 = arith.constant 0 : i32
      %dma_start3A_121 = arith.constant 0 : i32
      %dma_start3A_122 = tpu.memref_slice %arg16[%dma_start3A_120, %dma_start3A_121] : memref<10112x128xf32, #tpu.memory_space<vmem_shared>> -> memref<10112x128xf32, #tpu.memory_space<vmem_shared>>
      tpu.enqueue_indirect_dma source(%arg13 : memref<120x128xf32, #tpu.memory_space<vmem>>) target(%dma_start3A_122 : memref<10112x128xf32, #tpu.memory_space<vmem_shared>>) offsets(%dma_start3A_119 : memref<120xi32, #tpu.memory_space<vmem>>) semaphore(%arg20 : memref<!tpu.dma_semaphore, #tpu.memory_space<semaphore_mem>>) {add = true}
      %dma_wait3A_123 = arith.constant 0 : i32
      %dma_wait3A_124 = arith.constant 0 : i32
      %dma_wait3A_125 = tpu.memref_slice %arg10[%dma_wait3A_123, %dma_wait3A_124] : memref<8x120xi32, #tpu.memory_space<vmem>> -> memref<1x120xi32, #tpu.memory_space<vmem>>
      %dma_wait3A_126 = tpu.memref_squeeze %dma_wait3A_125 : memref<1x120xi32, #tpu.memory_space<vmem>> -> memref<120xi32, #tpu.memory_space<vmem>>
      %dma_wait3A_127 = arith.constant 0 : i32
      %dma_wait3A_128 = arith.constant 0 : i32
      %dma_wait3A_129 = tpu.memref_slice %arg16[%dma_wait3A_127, %dma_wait3A_128] : memref<10112x128xf32, #tpu.memory_space<vmem_shared>> -> memref<10112x128xf32, #tpu.memory_space<vmem_shared>>
      tpu.wait_indirect_dma semaphore(%arg20 : memref<!tpu.dma_semaphore, #tpu.memory_space<semaphore_mem>>) src(%arg13 : memref<120x128xf32, #tpu.memory_space<vmem>>) dst(%dma_wait3A_129 : memref<10112x128xf32, #tpu.memory_space<vmem_shared>>)
      %dma_start3A_130 = arith.constant 0 : i32
      %dma_start3A_131 = arith.constant 3 : i32
      %dma_start3A_132 = arith.constant 0 : i32
      %dma_start3A_133 = tpu.memref_slice %arg9[%dma_start3A_131, %dma_start3A_132] : memref<8x120xi32, #tpu.memory_space<vmem>> -> memref<1x120xi32, #tpu.memory_space<vmem>>
      %dma_start3A_134 = tpu.memref_squeeze %dma_start3A_133 : memref<1x120xi32, #tpu.memory_space<vmem>> -> memref<120xi32, #tpu.memory_space<vmem>>
      %dma_start3A_135 = arith.constant 0 : i32
      %dma_start3A_136 = arith.constant 0 : i32
      %dma_start3A_137 = tpu.memref_slice %arg2[%dma_start3A_130, %dma_start3A_135, %dma_start3A_136] : memref<1x10000x128xf32, #tpu.memory_space<hbm>> -> memref<1x10000x128xf32, #tpu.memory_space<hbm>>
      %dma_start3A_138 = tpu.memref_squeeze %dma_start3A_137 : memref<1x10000x128xf32, #tpu.memory_space<hbm>> -> memref<10000x128xf32, #tpu.memory_space<hbm>>
      %dma_start3A_139 = arith.constant 0 : i32
      %dma_start3A_140 = arith.constant 0 : i32
      %dma_start3A_141 = tpu.memref_slice %dma_start3A_138[%dma_start3A_139, %dma_start3A_140] : memref<10000x128xf32, #tpu.memory_space<hbm>> -> memref<10000x128xf32, #tpu.memory_space<hbm>>
      tpu.enqueue_indirect_dma source(%dma_start3A_141 : memref<10000x128xf32, #tpu.memory_space<hbm>>) target(%arg13 : memref<120x128xf32, #tpu.memory_space<vmem>>) offsets(%dma_start3A_134 : memref<120xi32, #tpu.memory_space<vmem>>) semaphore(%arg17 : memref<!tpu.dma_semaphore, #tpu.memory_space<semaphore_mem>>)
      %dma_wait3A_142 = arith.constant 0 : i32
      %dma_wait3A_143 = arith.constant 1 : i32
      %dma_wait3A_144 = arith.constant 0 : i32
      %dma_wait3A_145 = tpu.memref_slice %arg9[%dma_wait3A_143, %dma_wait3A_144] : memref<8x120xi32, #tpu.memory_space<vmem>> -> memref<1x120xi32, #tpu.memory_space<vmem>>
      %dma_wait3A_146 = tpu.memref_squeeze %dma_wait3A_145 : memref<1x120xi32, #tpu.memory_space<vmem>> -> memref<120xi32, #tpu.memory_space<vmem>>
      %dma_wait3A_147 = arith.constant 0 : i32
      %dma_wait3A_148 = arith.constant 0 : i32
      %dma_wait3A_149 = tpu.memref_slice %arg2[%dma_wait3A_142, %dma_wait3A_147, %dma_wait3A_148] : memref<1x10000x128xf32, #tpu.memory_space<hbm>> -> memref<1x10000x128xf32, #tpu.memory_space<hbm>>
      %dma_wait3A_150 = tpu.memref_squeeze %dma_wait3A_149 : memref<1x10000x128xf32, #tpu.memory_space<hbm>> -> memref<10000x128xf32, #tpu.memory_space<hbm>>
      %dma_wait3A_151 = arith.constant 0 : i32
      %dma_wait3A_152 = arith.constant 0 : i32
      %dma_wait3A_153 = tpu.memref_slice %dma_wait3A_150[%dma_wait3A_151, %dma_wait3A_152] : memref<10000x128xf32, #tpu.memory_space<hbm>> -> memref<10000x128xf32, #tpu.memory_space<hbm>>
      tpu.wait_indirect_dma semaphore(%arg18 : memref<!tpu.dma_semaphore, #tpu.memory_space<semaphore_mem>>) src(%dma_wait3A_153 : memref<10000x128xf32, #tpu.memory_space<hbm>>) dst(%arg14 : memref<120x128xf32, #tpu.memory_space<vmem>>)
      %dma_start3A_154 = arith.constant 1 : i32
      %dma_start3A_155 = arith.constant 0 : i32
      %dma_start3A_156 = tpu.memref_slice %arg10[%dma_start3A_154, %dma_start3A_155] : memref<8x120xi32, #tpu.memory_space<vmem>> -> memref<1x120xi32, #tpu.memory_space<vmem>>
      %dma_start3A_157 = tpu.memref_squeeze %dma_start3A_156 : memref<1x120xi32, #tpu.memory_space<vmem>> -> memref<120xi32, #tpu.memory_space<vmem>>
      %dma_start3A_158 = arith.constant 0 : i32
      %dma_start3A_159 = arith.constant 0 : i32
      %dma_start3A_160 = tpu.memref_slice %arg16[%dma_start3A_158, %dma_start3A_159] : memref<10112x128xf32, #tpu.memory_space<vmem_shared>> -> memref<10112x128xf32, #tpu.memory_space<vmem_shared>>
      tpu.enqueue_indirect_dma source(%arg14 : memref<120x128xf32, #tpu.memory_space<vmem>>) target(%dma_start3A_160 : memref<10112x128xf32, #tpu.memory_space<vmem_shared>>) offsets(%dma_start3A_157 : memref<120xi32, #tpu.memory_space<vmem>>) semaphore(%arg21 : memref<!tpu.dma_semaphore, #tpu.memory_space<semaphore_mem>>) {add = true}
      %dma_wait3A_161 = arith.constant 1 : i32
      %dma_wait3A_162 = arith.constant 0 : i32
      %dma_wait3A_163 = tpu.memref_slice %arg10[%dma_wait3A_161, %dma_wait3A_162] : memref<8x120xi32, #tpu.memory_space<vmem>> -> memref<1x120xi32, #tpu.memory_space<vmem>>
      %dma_wait3A_164 = tpu.memref_squeeze %dma_wait3A_163 : memref<1x120xi32, #tpu.memory_space<vmem>> -> memref<120xi32, #tpu.memory_space<vmem>>
      %dma_wait3A_165 = arith.constant 0 : i32
      %dma_wait3A_166 = arith.constant 0 : i32
      %dma_wait3A_167 = tpu.memref_slice %arg16[%dma_wait3A_165, %dma_wait3A_166] : memref<10112x128xf32, #tpu.memory_space<vmem_shared>> -> memref<10112x128xf32, #tpu.memory_space<vmem_shared>>
      tpu.wait_indirect_dma semaphore(%arg21 : memref<!tpu.dma_semaphore, #tpu.memory_space<semaphore_mem>>) src(%arg14 : memref<120x128xf32, #tpu.memory_space<vmem>>) dst(%dma_wait3A_167 : memref<10112x128xf32, #tpu.memory_space<vmem_shared>>)
      %dma_start3A_168 = arith.constant 0 : i32
      %dma_start3A_169 = arith.constant 4 : i32
      %dma_start3A_170 = arith.constant 0 : i32
      %dma_start3A_171 = tpu.memref_slice %arg9[%dma_start3A_169, %dma_start3A_170] : memref<8x120xi32, #tpu.memory_space<vmem>> -> memref<1x120xi32, #tpu.memory_space<vmem>>
      %dma_start3A_172 = tpu.memref_squeeze %dma_start3A_171 : memref<1x120xi32, #tpu.memory_space<vmem>> -> memref<120xi32, #tpu.memory_space<vmem>>
      %dma_start3A_173 = arith.constant 0 : i32
      %dma_start3A_174 = arith.constant 0 : i32
      %dma_start3A_175 = tpu.memref_slice %arg2[%dma_start3A_168, %dma_start3A_173, %dma_start3A_174] : memref<1x10000x128xf32, #tpu.memory_space<hbm>> -> memref<1x10000x128xf32, #tpu.memory_space<hbm>>
      %dma_start3A_176 = tpu.memref_squeeze %dma_start3A_175 : memref<1x10000x128xf32, #tpu.memory_space<hbm>> -> memref<10000x128xf32, #tpu.memory_space<hbm>>
      %dma_start3A_177 = arith.constant 0 : i32
      %dma_start3A_178 = arith.constant 0 : i32
      %dma_start3A_179 = tpu.memref_slice %dma_start3A_176[%dma_start3A_177, %dma_start3A_178] : memref<10000x128xf32, #tpu.memory_space<hbm>> -> memref<10000x128xf32, #tpu.memory_space<hbm>>
      tpu.enqueue_indirect_dma source(%dma_start3A_179 : memref<10000x128xf32, #tpu.memory_space<hbm>>) target(%arg14 : memref<120x128xf32, #tpu.memory_space<vmem>>) offsets(%dma_start3A_172 : memref<120xi32, #tpu.memory_space<vmem>>) semaphore(%arg18 : memref<!tpu.dma_semaphore, #tpu.memory_space<semaphore_mem>>)
      %dma_wait3A_180 = arith.constant 0 : i32
      %dma_wait3A_181 = arith.constant 2 : i32
      %dma_wait3A_182 = arith.constant 0 : i32
      %dma_wait3A_183 = tpu.memref_slice %arg9[%dma_wait3A_181, %dma_wait3A_182] : memref<8x120xi32, #tpu.memory_space<vmem>> -> memref<1x120xi32, #tpu.memory_space<vmem>>
      %dma_wait3A_184 = tpu.memref_squeeze %dma_wait3A_183 : memref<1x120xi32, #tpu.memory_space<vmem>> -> memref<120xi32, #tpu.memory_space<vmem>>
      %dma_wait3A_185 = arith.constant 0 : i32
      %dma_wait3A_186 = arith.constant 0 : i32
      %dma_wait3A_187 = tpu.memref_slice %arg2[%dma_wait3A_180, %dma_wait3A_185, %dma_wait3A_186] : memref<1x10000x128xf32, #tpu.memory_space<hbm>> -> memref<1x10000x128xf32, #tpu.memory_space<hbm>>
      %dma_wait3A_188 = tpu.memref_squeeze %dma_wait3A_187 : memref<1x10000x128xf32, #tpu.memory_space<hbm>> -> memref<10000x128xf32, #tpu.memory_space<hbm>>
      %dma_wait3A_189 = arith.constant 0 : i32
      %dma_wait3A_190 = arith.constant 0 : i32
      %dma_wait3A_191 = tpu.memref_slice %dma_wait3A_188[%dma_wait3A_189, %dma_wait3A_190] : memref<10000x128xf32, #tpu.memory_space<hbm>> -> memref<10000x128xf32, #tpu.memory_space<hbm>>
      tpu.wait_indirect_dma semaphore(%arg19 : memref<!tpu.dma_semaphore, #tpu.memory_space<semaphore_mem>>) src(%dma_wait3A_191 : memref<10000x128xf32, #tpu.memory_space<hbm>>) dst(%arg15 : memref<120x128xf32, #tpu.memory_space<vmem>>)
      %dma_start3A_192 = arith.constant 2 : i32
      %dma_start3A_193 = arith.constant 0 : i32
      %dma_start3A_194 = tpu.memref_slice %arg10[%dma_start3A_192, %dma_start3A_193] : memref<8x120xi32, #tpu.memory_space<vmem>> -> memref<1x120xi32, #tpu.memory_space<vmem>>
      %dma_start3A_195 = tpu.memref_squeeze %dma_start3A_194 : memref<1x120xi32, #tpu.memory_space<vmem>> -> memref<120xi32, #tpu.memory_space<vmem>>
      %dma_start3A_196 = arith.constant 0 : i32
      %dma_start3A_197 = arith.constant 0 : i32
      %dma_start3A_198 = tpu.memref_slice %arg16[%dma_start3A_196, %dma_start3A_197] : memref<10112x128xf32, #tpu.memory_space<vmem_shared>> -> memref<10112x128xf32, #tpu.memory_space<vmem_shared>>
      tpu.enqueue_indirect_dma source(%arg15 : memref<120x128xf32, #tpu.memory_space<vmem>>) target(%dma_start3A_198 : memref<10112x128xf32, #tpu.memory_space<vmem_shared>>) offsets(%dma_start3A_195 : memref<120xi32, #tpu.memory_space<vmem>>) semaphore(%arg22 : memref<!tpu.dma_semaphore, #tpu.memory_space<semaphore_mem>>) {add = true}
      %dma_wait3A_199 = arith.constant 2 : i32
      %dma_wait3A_200 = arith.constant 0 : i32
      %dma_wait3A_201 = tpu.memref_slice %arg10[%dma_wait3A_199, %dma_wait3A_200] : memref<8x120xi32, #tpu.memory_space<vmem>> -> memref<1x120xi32, #tpu.memory_space<vmem>>
      %dma_wait3A_202 = tpu.memref_squeeze %dma_wait3A_201 : memref<1x120xi32, #tpu.memory_space<vmem>> -> memref<120xi32, #tpu.memory_space<vmem>>
      %dma_wait3A_203 = arith.constant 0 : i32
      %dma_wait3A_204 = arith.constant 0 : i32
      %dma_wait3A_205 = tpu.memref_slice %arg16[%dma_wait3A_203, %dma_wait3A_204] : memref<10112x128xf32, #tpu.memory_space<vmem_shared>> -> memref<10112x128xf32, #tpu.memory_space<vmem_shared>>
      tpu.wait_indirect_dma semaphore(%arg22 : memref<!tpu.dma_semaphore, #tpu.memory_space<semaphore_mem>>) src(%arg15 : memref<120x128xf32, #tpu.memory_space<vmem>>) dst(%dma_wait3A_205 : memref<10112x128xf32, #tpu.memory_space<vmem_shared>>)
      %dma_start3A_206 = arith.constant 0 : i32
      %dma_start3A_207 = arith.constant 5 : i32
      %dma_start3A_208 = arith.constant 0 : i32
      %dma_start3A_209 = tpu.memref_slice %arg9[%dma_start3A_207, %dma_start3A_208] : memref<8x120xi32, #tpu.memory_space<vmem>> -> memref<1x120xi32, #tpu.memory_space<vmem>>
      %dma_start3A_210 = tpu.memref_squeeze %dma_start3A_209 : memref<1x120xi32, #tpu.memory_space<vmem>> -> memref<120xi32, #tpu.memory_space<vmem>>
      %dma_start3A_211 = arith.constant 0 : i32
      %dma_start3A_212 = arith.constant 0 : i32
      %dma_start3A_213 = tpu.memref_slice %arg2[%dma_start3A_206, %dma_start3A_211, %dma_start3A_212] : memref<1x10000x128xf32, #tpu.memory_space<hbm>> -> memref<1x10000x128xf32, #tpu.memory_space<hbm>>
      %dma_start3A_214 = tpu.memref_squeeze %dma_start3A_213 : memref<1x10000x128xf32, #tpu.memory_space<hbm>> -> memref<10000x128xf32, #tpu.memory_space<hbm>>
      %dma_start3A_215 = arith.constant 0 : i32
      %dma_start3A_216 = arith.constant 0 : i32
      %dma_start3A_217 = tpu.memref_slice %dma_start3A_214[%dma_start3A_215, %dma_start3A_216] : memref<10000x128xf32, #tpu.memory_space<hbm>> -> memref<10000x128xf32, #tpu.memory_space<hbm>>
      tpu.enqueue_indirect_dma source(%dma_start3A_217 : memref<10000x128xf32, #tpu.memory_space<hbm>>) target(%arg15 : memref<120x128xf32, #tpu.memory_space<vmem>>) offsets(%dma_start3A_210 : memref<120xi32, #tpu.memory_space<vmem>>) semaphore(%arg19 : memref<!tpu.dma_semaphore, #tpu.memory_space<semaphore_mem>>)
      %dma_wait3A_218 = arith.constant 0 : i32
      %dma_wait3A_219 = arith.constant 3 : i32
      %dma_wait3A_220 = arith.constant 0 : i32
      %dma_wait3A_221 = tpu.memref_slice %arg9[%dma_wait3A_219, %dma_wait3A_220] : memref<8x120xi32, #tpu.memory_space<vmem>> -> memref<1x120xi32, #tpu.memory_space<vmem>>
      %dma_wait3A_222 = tpu.memref_squeeze %dma_wait3A_221 : memref<1x120xi32, #tpu.memory_space<vmem>> -> memref<120xi32, #tpu.memory_space<vmem>>
      %dma_wait3A_223 = arith.constant 0 : i32
      %dma_wait3A_224 = arith.constant 0 : i32
      %dma_wait3A_225 = tpu.memref_slice %arg2[%dma_wait3A_218, %dma_wait3A_223, %dma_wait3A_224] : memref<1x10000x128xf32, #tpu.memory_space<hbm>> -> memref<1x10000x128xf32, #tpu.memory_space<hbm>>
      %dma_wait3A_226 = tpu.memref_squeeze %dma_wait3A_225 : memref<1x10000x128xf32, #tpu.memory_space<hbm>> -> memref<10000x128xf32, #tpu.memory_space<hbm>>
      %dma_wait3A_227 = arith.constant 0 : i32
      %dma_wait3A_228 = arith.constant 0 : i32
      %dma_wait3A_229 = tpu.memref_slice %dma_wait3A_226[%dma_wait3A_227, %dma_wait3A_228] : memref<10000x128xf32, #tpu.memory_space<hbm>> -> memref<10000x128xf32, #tpu.memory_space<hbm>>
      tpu.wait_indirect_dma semaphore(%arg17 : memref<!tpu.dma_semaphore, #tpu.memory_space<semaphore_mem>>) src(%dma_wait3A_229 : memref<10000x128xf32, #tpu.memory_space<hbm>>) dst(%arg13 : memref<120x128xf32, #tpu.memory_space<vmem>>)
      %dma_start3A_230 = arith.constant 3 : i32
      %dma_start3A_231 = arith.constant 0 : i32
      %dma_start3A_232 = tpu.memref_slice %arg10[%dma_start3A_230, %dma_start3A_231] : memref<8x120xi32, #tpu.memory_space<vmem>> -> memref<1x120xi32, #tpu.memory_space<vmem>>
      %dma_start3A_233 = tpu.memref_squeeze %dma_start3A_232 : memref<1x120xi32, #tpu.memory_space<vmem>> -> memref<120xi32, #tpu.memory_space<vmem>>
      %dma_start3A_234 = arith.constant 0 : i32
      %dma_start3A_235 = arith.constant 0 : i32
      %dma_start3A_236 = tpu.memref_slice %arg16[%dma_start3A_234, %dma_start3A_235] : memref<10112x128xf32, #tpu.memory_space<vmem_shared>> -> memref<10112x128xf32, #tpu.memory_space<vmem_shared>>
      tpu.enqueue_indirect_dma source(%arg13 : memref<120x128xf32, #tpu.memory_space<vmem>>) target(%dma_start3A_236 : memref<10112x128xf32, #tpu.memory_space<vmem_shared>>) offsets(%dma_start3A_233 : memref<120xi32, #tpu.memory_space<vmem>>) semaphore(%arg20 : memref<!tpu.dma_semaphore, #tpu.memory_space<semaphore_mem>>) {add = true}
      %dma_wait3A_237 = arith.constant 3 : i32
      %dma_wait3A_238 = arith.constant 0 : i32
      %dma_wait3A_239 = tpu.memref_slice %arg10[%dma_wait3A_237, %dma_wait3A_238] : memref<8x120xi32, #tpu.memory_space<vmem>> -> memref<1x120xi32, #tpu.memory_space<vmem>>
      %dma_wait3A_240 = tpu.memref_squeeze %dma_wait3A_239 : memref<1x120xi32, #tpu.memory_space<vmem>> -> memref<120xi32, #tpu.memory_space<vmem>>
      %dma_wait3A_241 = arith.constant 0 : i32
      %dma_wait3A_242 = arith.constant 0 : i32
      %dma_wait3A_243 = tpu.memref_slice %arg16[%dma_wait3A_241, %dma_wait3A_242] : memref<10112x128xf32, #tpu.memory_space<vmem_shared>> -> memref<10112x128xf32, #tpu.memory_space<vmem_shared>>
      tpu.wait_indirect_dma semaphore(%arg20 : memref<!tpu.dma_semaphore, #tpu.memory_space<semaphore_mem>>) src(%arg13 : memref<120x128xf32, #tpu.memory_space<vmem>>) dst(%dma_wait3A_243 : memref<10112x128xf32, #tpu.memory_space<vmem_shared>>)
      %dma_start3A_244 = arith.constant 0 : i32
      %dma_start3A_245 = arith.constant 6 : i32
      %dma_start3A_246 = arith.constant 0 : i32
      %dma_start3A_247 = tpu.memref_slice %arg9[%dma_start3A_245, %dma_start3A_246] : memref<8x120xi32, #tpu.memory_space<vmem>> -> memref<1x120xi32, #tpu.memory_space<vmem>>
      %dma_start3A_248 = tpu.memref_squeeze %dma_start3A_247 : memref<1x120xi32, #tpu.memory_space<vmem>> -> memref<120xi32, #tpu.memory_space<vmem>>
      %dma_start3A_249 = arith.constant 0 : i32
      %dma_start3A_250 = arith.constant 0 : i32
      %dma_start3A_251 = tpu.memref_slice %arg2[%dma_start3A_244, %dma_start3A_249, %dma_start3A_250] : memref<1x10000x128xf32, #tpu.memory_space<hbm>> -> memref<1x10000x128xf32, #tpu.memory_space<hbm>>
      %dma_start3A_252 = tpu.memref_squeeze %dma_start3A_251 : memref<1x10000x128xf32, #tpu.memory_space<hbm>> -> memref<10000x128xf32, #tpu.memory_space<hbm>>
      %dma_start3A_253 = arith.constant 0 : i32
      %dma_start3A_254 = arith.constant 0 : i32
      %dma_start3A_255 = tpu.memref_slice %dma_start3A_252[%dma_start3A_253, %dma_start3A_254] : memref<10000x128xf32, #tpu.memory_space<hbm>> -> memref<10000x128xf32, #tpu.memory_space<hbm>>
      tpu.enqueue_indirect_dma source(%dma_start3A_255 : memref<10000x128xf32, #tpu.memory_space<hbm>>) target(%arg13 : memref<120x128xf32, #tpu.memory_space<vmem>>) offsets(%dma_start3A_248 : memref<120xi32, #tpu.memory_space<vmem>>) semaphore(%arg17 : memref<!tpu.dma_semaphore, #tpu.memory_space<semaphore_mem>>)
      %dma_wait3A_256 = arith.constant 0 : i32
      %dma_wait3A_257 = arith.constant 4 : i32
      %dma_wait3A_258 = arith.constant 0 : i32
      %dma_wait3A_259 = tpu.memref_slice %arg9[%dma_wait3A_257, %dma_wait3A_258] : memref<8x120xi32, #tpu.memory_space<vmem>> -> memref<1x120xi32, #tpu.memory_space<vmem>>
      %dma_wait3A_260 = tpu.memref_squeeze %dma_wait3A_259 : memref<1x120xi32, #tpu.memory_space<vmem>> -> memref<120xi32, #tpu.memory_space<vmem>>
      %dma_wait3A_261 = arith.constant 0 : i32
      %dma_wait3A_262 = arith.constant 0 : i32
      %dma_wait3A_263 = tpu.memref_slice %arg2[%dma_wait3A_256, %dma_wait3A_261, %dma_wait3A_262] : memref<1x10000x128xf32, #tpu.memory_space<hbm>> -> memref<1x10000x128xf32, #tpu.memory_space<hbm>>
      %dma_wait3A_264 = tpu.memref_squeeze %dma_wait3A_263 : memref<1x10000x128xf32, #tpu.memory_space<hbm>> -> memref<10000x128xf32, #tpu.memory_space<hbm>>
      %dma_wait3A_265 = arith.constant 0 : i32
      %dma_wait3A_266 = arith.constant 0 : i32
      %dma_wait3A_267 = tpu.memref_slice %dma_wait3A_264[%dma_wait3A_265, %dma_wait3A_266] : memref<10000x128xf32, #tpu.memory_space<hbm>> -> memref<10000x128xf32, #tpu.memory_space<hbm>>
      tpu.wait_indirect_dma semaphore(%arg18 : memref<!tpu.dma_semaphore, #tpu.memory_space<semaphore_mem>>) src(%dma_wait3A_267 : memref<10000x128xf32, #tpu.memory_space<hbm>>) dst(%arg14 : memref<120x128xf32, #tpu.memory_space<vmem>>)
      %dma_start3A_268 = arith.constant 4 : i32
      %dma_start3A_269 = arith.constant 0 : i32
      %dma_start3A_270 = tpu.memref_slice %arg10[%dma_start3A_268, %dma_start3A_269] : memref<8x120xi32, #tpu.memory_space<vmem>> -> memref<1x120xi32, #tpu.memory_space<vmem>>
      %dma_start3A_271 = tpu.memref_squeeze %dma_start3A_270 : memref<1x120xi32, #tpu.memory_space<vmem>> -> memref<120xi32, #tpu.memory_space<vmem>>
      %dma_start3A_272 = arith.constant 0 : i32
      %dma_start3A_273 = arith.constant 0 : i32
      %dma_start3A_274 = tpu.memref_slice %arg16[%dma_start3A_272, %dma_start3A_273] : memref<10112x128xf32, #tpu.memory_space<vmem_shared>> -> memref<10112x128xf32, #tpu.memory_space<vmem_shared>>
      tpu.enqueue_indirect_dma source(%arg14 : memref<120x128xf32, #tpu.memory_space<vmem>>) target(%dma_start3A_274 : memref<10112x128xf32, #tpu.memory_space<vmem_shared>>) offsets(%dma_start3A_271 : memref<120xi32, #tpu.memory_space<vmem>>) semaphore(%arg21 : memref<!tpu.dma_semaphore, #tpu.memory_space<semaphore_mem>>) {add = true}
      %dma_wait3A_275 = arith.constant 4 : i32
      %dma_wait3A_276 = arith.constant 0 : i32
      %dma_wait3A_277 = tpu.memref_slice %arg10[%dma_wait3A_275, %dma_wait3A_276] : memref<8x120xi32, #tpu.memory_space<vmem>> -> memref<1x120xi32, #tpu.memory_space<vmem>>
      %dma_wait3A_278 = tpu.memref_squeeze %dma_wait3A_277 : memref<1x120xi32, #tpu.memory_space<vmem>> -> memref<120xi32, #tpu.memory_space<vmem>>
      %dma_wait3A_279 = arith.constant 0 : i32
      %dma_wait3A_280 = arith.constant 0 : i32
      %dma_wait3A_281 = tpu.memref_slice %arg16[%dma_wait3A_279, %dma_wait3A_280] : memref<10112x128xf32, #tpu.memory_space<vmem_shared>> -> memref<10112x128xf32, #tpu.memory_space<vmem_shared>>
      tpu.wait_indirect_dma semaphore(%arg21 : memref<!tpu.dma_semaphore, #tpu.memory_space<semaphore_mem>>) src(%arg14 : memref<120x128xf32, #tpu.memory_space<vmem>>) dst(%dma_wait3A_281 : memref<10112x128xf32, #tpu.memory_space<vmem_shared>>)
      %dma_start3A_282 = arith.constant 0 : i32
      %dma_start3A_283 = arith.constant 7 : i32
      %dma_start3A_284 = arith.constant 0 : i32
      %dma_start3A_285 = tpu.memref_slice %arg9[%dma_start3A_283, %dma_start3A_284] : memref<8x120xi32, #tpu.memory_space<vmem>> -> memref<1x120xi32, #tpu.memory_space<vmem>>
      %dma_start3A_286 = tpu.memref_squeeze %dma_start3A_285 : memref<1x120xi32, #tpu.memory_space<vmem>> -> memref<120xi32, #tpu.memory_space<vmem>>
      %dma_start3A_287 = arith.constant 0 : i32
      %dma_start3A_288 = arith.constant 0 : i32
      %dma_start3A_289 = tpu.memref_slice %arg2[%dma_start3A_282, %dma_start3A_287, %dma_start3A_288] : memref<1x10000x128xf32, #tpu.memory_space<hbm>> -> memref<1x10000x128xf32, #tpu.memory_space<hbm>>
      %dma_start3A_290 = tpu.memref_squeeze %dma_start3A_289 : memref<1x10000x128xf32, #tpu.memory_space<hbm>> -> memref<10000x128xf32, #tpu.memory_space<hbm>>
      %dma_start3A_291 = arith.constant 0 : i32
      %dma_start3A_292 = arith.constant 0 : i32
      %dma_start3A_293 = tpu.memref_slice %dma_start3A_290[%dma_start3A_291, %dma_start3A_292] : memref<10000x128xf32, #tpu.memory_space<hbm>> -> memref<10000x128xf32, #tpu.memory_space<hbm>>
      tpu.enqueue_indirect_dma source(%dma_start3A_293 : memref<10000x128xf32, #tpu.memory_space<hbm>>) target(%arg14 : memref<120x128xf32, #tpu.memory_space<vmem>>) offsets(%dma_start3A_286 : memref<120xi32, #tpu.memory_space<vmem>>) semaphore(%arg18 : memref<!tpu.dma_semaphore, #tpu.memory_space<semaphore_mem>>)
      %dma_wait3A_294 = arith.constant 0 : i32
      %dma_wait3A_295 = arith.constant 5 : i32
      %dma_wait3A_296 = arith.constant 0 : i32
      %dma_wait3A_297 = tpu.memref_slice %arg9[%dma_wait3A_295, %dma_wait3A_296] : memref<8x120xi32, #tpu.memory_space<vmem>> -> memref<1x120xi32, #tpu.memory_space<vmem>>
      %dma_wait3A_298 = tpu.memref_squeeze %dma_wait3A_297 : memref<1x120xi32, #tpu.memory_space<vmem>> -> memref<120xi32, #tpu.memory_space<vmem>>
      %dma_wait3A_299 = arith.constant 0 : i32
      %dma_wait3A_300 = arith.constant 0 : i32
      %dma_wait3A_301 = tpu.memref_slice %arg2[%dma_wait3A_294, %dma_wait3A_299, %dma_wait3A_300] : memref<1x10000x128xf32, #tpu.memory_space<hbm>> -> memref<1x10000x128xf32, #tpu.memory_space<hbm>>
      %dma_wait3A_302 = tpu.memref_squeeze %dma_wait3A_301 : memref<1x10000x128xf32, #tpu.memory_space<hbm>> -> memref<10000x128xf32, #tpu.memory_space<hbm>>
      %dma_wait3A_303 = arith.constant 0 : i32
      %dma_wait3A_304 = arith.constant 0 : i32
      %dma_wait3A_305 = tpu.memref_slice %dma_wait3A_302[%dma_wait3A_303, %dma_wait3A_304] : memref<10000x128xf32, #tpu.memory_space<hbm>> -> memref<10000x128xf32, #tpu.memory_space<hbm>>
      tpu.wait_indirect_dma semaphore(%arg19 : memref<!tpu.dma_semaphore, #tpu.memory_space<semaphore_mem>>) src(%dma_wait3A_305 : memref<10000x128xf32, #tpu.memory_space<hbm>>) dst(%arg15 : memref<120x128xf32, #tpu.memory_space<vmem>>)
      %dma_start3A_306 = arith.constant 5 : i32
      %dma_start3A_307 = arith.constant 0 : i32
      %dma_start3A_308 = tpu.memref_slice %arg10[%dma_start3A_306, %dma_start3A_307] : memref<8x120xi32, #tpu.memory_space<vmem>> -> memref<1x120xi32, #tpu.memory_space<vmem>>
      %dma_start3A_309 = tpu.memref_squeeze %dma_start3A_308 : memref<1x120xi32, #tpu.memory_space<vmem>> -> memref<120xi32, #tpu.memory_space<vmem>>
      %dma_start3A_310 = arith.constant 0 : i32
      %dma_start3A_311 = arith.constant 0 : i32
      %dma_start3A_312 = tpu.memref_slice %arg16[%dma_start3A_310, %dma_start3A_311] : memref<10112x128xf32, #tpu.memory_space<vmem_shared>> -> memref<10112x128xf32, #tpu.memory_space<vmem_shared>>
      tpu.enqueue_indirect_dma source(%arg15 : memref<120x128xf32, #tpu.memory_space<vmem>>) target(%dma_start3A_312 : memref<10112x128xf32, #tpu.memory_space<vmem_shared>>) offsets(%dma_start3A_309 : memref<120xi32, #tpu.memory_space<vmem>>) semaphore(%arg22 : memref<!tpu.dma_semaphore, #tpu.memory_space<semaphore_mem>>) {add = true}
      %dma_wait3A_313 = arith.constant 0 : i32
      %dma_wait3A_314 = arith.constant 6 : i32
      %dma_wait3A_315 = arith.constant 0 : i32
      %dma_wait3A_316 = tpu.memref_slice %arg9[%dma_wait3A_314, %dma_wait3A_315] : memref<8x120xi32, #tpu.memory_space<vmem>> -> memref<1x120xi32, #tpu.memory_space<vmem>>
      %dma_wait3A_317 = tpu.memref_squeeze %dma_wait3A_316 : memref<1x120xi32, #tpu.memory_space<vmem>> -> memref<120xi32, #tpu.memory_space<vmem>>
      %dma_wait3A_318 = arith.constant 0 : i32
      %dma_wait3A_319 = arith.constant 0 : i32
      %dma_wait3A_320 = tpu.memref_slice %arg2[%dma_wait3A_313, %dma_wait3A_318, %dma_wait3A_319] : memref<1x10000x128xf32, #tpu.memory_space<hbm>> -> memref<1x10000x128xf32, #tpu.memory_space<hbm>>
      %dma_wait3A_321 = tpu.memref_squeeze %dma_wait3A_320 : memref<1x10000x128xf32, #tpu.memory_space<hbm>> -> memref<10000x128xf32, #tpu.memory_space<hbm>>
      %dma_wait3A_322 = arith.constant 0 : i32
      %dma_wait3A_323 = arith.constant 0 : i32
      %dma_wait3A_324 = tpu.memref_slice %dma_wait3A_321[%dma_wait3A_322, %dma_wait3A_323] : memref<10000x128xf32, #tpu.memory_space<hbm>> -> memref<10000x128xf32, #tpu.memory_space<hbm>>
      tpu.wait_indirect_dma semaphore(%arg17 : memref<!tpu.dma_semaphore, #tpu.memory_space<semaphore_mem>>) src(%dma_wait3A_324 : memref<10000x128xf32, #tpu.memory_space<hbm>>) dst(%arg13 : memref<120x128xf32, #tpu.memory_space<vmem>>)
      %dma_start3A_325 = arith.constant 6 : i32
      %dma_start3A_326 = arith.constant 0 : i32
      %dma_start3A_327 = tpu.memref_slice %arg10[%dma_start3A_325, %dma_start3A_326] : memref<8x120xi32, #tpu.memory_space<vmem>> -> memref<1x120xi32, #tpu.memory_space<vmem>>
      %dma_start3A_328 = tpu.memref_squeeze %dma_start3A_327 : memref<1x120xi32, #tpu.memory_space<vmem>> -> memref<120xi32, #tpu.memory_space<vmem>>
      %dma_start3A_329 = arith.constant 0 : i32
      %dma_start3A_330 = arith.constant 0 : i32
      %dma_start3A_331 = tpu.memref_slice %arg16[%dma_start3A_329, %dma_start3A_330] : memref<10112x128xf32, #tpu.memory_space<vmem_shared>> -> memref<10112x128xf32, #tpu.memory_space<vmem_shared>>
      tpu.enqueue_indirect_dma source(%arg13 : memref<120x128xf32, #tpu.memory_space<vmem>>) target(%dma_start3A_331 : memref<10112x128xf32, #tpu.memory_space<vmem_shared>>) offsets(%dma_start3A_328 : memref<120xi32, #tpu.memory_space<vmem>>) semaphore(%arg20 : memref<!tpu.dma_semaphore, #tpu.memory_space<semaphore_mem>>) {add = true}
      %dma_wait3A_332 = arith.constant 0 : i32
      %dma_wait3A_333 = arith.constant 7 : i32
      %dma_wait3A_334 = arith.constant 0 : i32
      %dma_wait3A_335 = tpu.memref_slice %arg9[%dma_wait3A_333, %dma_wait3A_334] : memref<8x120xi32, #tpu.memory_space<vmem>> -> memref<1x120xi32, #tpu.memory_space<vmem>>
      %dma_wait3A_336 = tpu.memref_squeeze %dma_wait3A_335 : memref<1x120xi32, #tpu.memory_space<vmem>> -> memref<120xi32, #tpu.memory_space<vmem>>
      %dma_wait3A_337 = arith.constant 0 : i32
      %dma_wait3A_338 = arith.constant 0 : i32
      %dma_wait3A_339 = tpu.memref_slice %arg2[%dma_wait3A_332, %dma_wait3A_337, %dma_wait3A_338] : memref<1x10000x128xf32, #tpu.memory_space<hbm>> -> memref<1x10000x128xf32, #tpu.memory_space<hbm>>
      %dma_wait3A_340 = tpu.memref_squeeze %dma_wait3A_339 : memref<1x10000x128xf32, #tpu.memory_space<hbm>> -> memref<10000x128xf32, #tpu.memory_space<hbm>>
      %dma_wait3A_341 = arith.constant 0 : i32
      %dma_wait3A_342 = arith.constant 0 : i32
      %dma_wait3A_343 = tpu.memref_slice %dma_wait3A_340[%dma_wait3A_341, %dma_wait3A_342] : memref<10000x128xf32, #tpu.memory_space<hbm>> -> memref<10000x128xf32, #tpu.memory_space<hbm>>
      tpu.wait_indirect_dma semaphore(%arg18 : memref<!tpu.dma_semaphore, #tpu.memory_space<semaphore_mem>>) src(%dma_wait3A_343 : memref<10000x128xf32, #tpu.memory_space<hbm>>) dst(%arg14 : memref<120x128xf32, #tpu.memory_space<vmem>>)
      %dma_start3A_344 = arith.constant 7 : i32
      %dma_start3A_345 = arith.constant 0 : i32
      %dma_start3A_346 = tpu.memref_slice %arg10[%dma_start3A_344, %dma_start3A_345] : memref<8x120xi32, #tpu.memory_space<vmem>> -> memref<1x120xi32, #tpu.memory_space<vmem>>
      %dma_start3A_347 = tpu.memref_squeeze %dma_start3A_346 : memref<1x120xi32, #tpu.memory_space<vmem>> -> memref<120xi32, #tpu.memory_space<vmem>>
      %dma_start3A_348 = arith.constant 0 : i32
      %dma_start3A_349 = arith.constant 0 : i32
      %dma_start3A_350 = tpu.memref_slice %arg16[%dma_start3A_348, %dma_start3A_349] : memref<10112x128xf32, #tpu.memory_space<vmem_shared>> -> memref<10112x128xf32, #tpu.memory_space<vmem_shared>>
      tpu.enqueue_indirect_dma source(%arg14 : memref<120x128xf32, #tpu.memory_space<vmem>>) target(%dma_start3A_350 : memref<10112x128xf32, #tpu.memory_space<vmem_shared>>) offsets(%dma_start3A_347 : memref<120xi32, #tpu.memory_space<vmem>>) semaphore(%arg21 : memref<!tpu.dma_semaphore, #tpu.memory_space<semaphore_mem>>) {add = true}
      %dma_wait3A_351 = arith.constant 6 : i32
      %dma_wait3A_352 = arith.constant 0 : i32
      %dma_wait3A_353 = tpu.memref_slice %arg10[%dma_wait3A_351, %dma_wait3A_352] : memref<8x120xi32, #tpu.memory_space<vmem>> -> memref<1x120xi32, #tpu.memory_space<vmem>>
      %dma_wait3A_354 = tpu.memref_squeeze %dma_wait3A_353 : memref<1x120xi32, #tpu.memory_space<vmem>> -> memref<120xi32, #tpu.memory_space<vmem>>
      %dma_wait3A_355 = arith.constant 0 : i32
      %dma_wait3A_356 = arith.constant 0 : i32
      %dma_wait3A_357 = tpu.memref_slice %arg16[%dma_wait3A_355, %dma_wait3A_356] : memref<10112x128xf32, #tpu.memory_space<vmem_shared>> -> memref<10112x128xf32, #tpu.memory_space<vmem_shared>>
      tpu.wait_indirect_dma semaphore(%arg20 : memref<!tpu.dma_semaphore, #tpu.memory_space<semaphore_mem>>) src(%arg13 : memref<120x128xf32, #tpu.memory_space<vmem>>) dst(%dma_wait3A_357 : memref<10112x128xf32, #tpu.memory_space<vmem_shared>>)
      %dma_wait3A_358 = arith.constant 7 : i32
      %dma_wait3A_359 = arith.constant 0 : i32
      %dma_wait3A_360 = tpu.memref_slice %arg10[%dma_wait3A_358, %dma_wait3A_359] : memref<8x120xi32, #tpu.memory_space<vmem>> -> memref<1x120xi32, #tpu.memory_space<vmem>>
      %dma_wait3A_361 = tpu.memref_squeeze %dma_wait3A_360 : memref<1x120xi32, #tpu.memory_space<vmem>> -> memref<120xi32, #tpu.memory_space<vmem>>
      %dma_wait3A_362 = arith.constant 0 : i32
      %dma_wait3A_363 = arith.constant 0 : i32
      %dma_wait3A_364 = tpu.memref_slice %arg16[%dma_wait3A_362, %dma_wait3A_363] : memref<10112x128xf32, #tpu.memory_space<vmem_shared>> -> memref<10112x128xf32, #tpu.memory_space<vmem_shared>>
      tpu.wait_indirect_dma semaphore(%arg21 : memref<!tpu.dma_semaphore, #tpu.memory_space<semaphore_mem>>) src(%arg14 : memref<120x128xf32, #tpu.memory_space<vmem>>) dst(%dma_wait3A_364 : memref<10112x128xf32, #tpu.memory_space<vmem_shared>>)
      %dma_wait3A_365 = arith.constant 5 : i32
      %dma_wait3A_366 = arith.constant 0 : i32
      %dma_wait3A_367 = tpu.memref_slice %arg10[%dma_wait3A_365, %dma_wait3A_366] : memref<8x120xi32, #tpu.memory_space<vmem>> -> memref<1x120xi32, #tpu.memory_space<vmem>>
      %dma_wait3A_368 = tpu.memref_squeeze %dma_wait3A_367 : memref<1x120xi32, #tpu.memory_space<vmem>> -> memref<120xi32, #tpu.memory_space<vmem>>
      %dma_wait3A_369 = arith.constant 0 : i32
      %dma_wait3A_370 = arith.constant 0 : i32
      %dma_wait3A_371 = tpu.memref_slice %arg16[%dma_wait3A_369, %dma_wait3A_370] : memref<10112x128xf32, #tpu.memory_space<vmem_shared>> -> memref<10112x128xf32, #tpu.memory_space<vmem_shared>>
      tpu.wait_indirect_dma semaphore(%arg22 : memref<!tpu.dma_semaphore, #tpu.memory_space<semaphore_mem>>) src(%arg15 : memref<120x128xf32, #tpu.memory_space<vmem>>) dst(%dma_wait3A_371 : memref<10112x128xf32, #tpu.memory_space<vmem_shared>>)
    }
    %scan3A_6 = arith.constant 5 : i32
    %mul3A_7 = arith.constant 48 : i32
    %mul3A_8 = arith.muli %add3A, %mul3A_7 : i32
    %add3A_9 = arith.constant 40 : i32
    %add3A_10 = arith.addi %mul3A_8, %add3A_9 : i32
    %multiple_of3A_11 = tpu.assume_multiple %add3A_10, 8 : i32
    "tpu.region"() ({
      %run_scoped3A_57 = tpu.sem_alloc : memref<!tpu.dma_semaphore, #tpu.memory_space<semaphore_mem>>
      %dma_start3A_58 = arith.constant 0 : i32
      %dma_start3A_59 = tpu.memref_slice %arg3[%multiple_of3A_11, %dma_start3A_58] : memref<1536x120xi32, #tpu.memory_space<hbm>> -> memref<8x120xi32, #tpu.memory_space<hbm>>
      %dma_start3A_60 = arith.constant 0 : i32
      %dma_start3A_61 = tpu.memref_slice %arg3[%multiple_of3A_11, %dma_start3A_60] : memref<1536x120xi32, #tpu.memory_space<hbm>> -> memref<8x120xi32, #tpu.memory_space<hbm>>
      tpu.enqueue_dma source(%dma_start3A_61 : memref<8x120xi32, #tpu.memory_space<hbm>>) target(%arg9 : memref<8x120xi32, #tpu.memory_space<vmem>>) target_semaphore(%run_scoped3A_57 : memref<!tpu.dma_semaphore, #tpu.memory_space<semaphore_mem>>)
      %dma_wait3A_62 = arith.constant 0 : i32
      %dma_wait3A_63 = tpu.memref_slice %arg3[%multiple_of3A_11, %dma_wait3A_62] : memref<1536x120xi32, #tpu.memory_space<hbm>> -> memref<8x120xi32, #tpu.memory_space<hbm>>
      %dma_wait3A_64 = arith.constant 0 : i32
      %dma_wait3A_65 = tpu.memref_slice %arg3[%multiple_of3A_11, %dma_wait3A_64] : memref<1536x120xi32, #tpu.memory_space<hbm>> -> memref<8x120xi32, #tpu.memory_space<hbm>>
      tpu.wait_dma2 semaphore(%run_scoped3A_57 : memref<!tpu.dma_semaphore, #tpu.memory_space<semaphore_mem>>) src(%dma_wait3A_65 : memref<8x120xi32, #tpu.memory_space<hbm>>) dst(%arg9 : memref<8x120xi32, #tpu.memory_space<vmem>>)
      tpu.yield
    }) : () -> ()
    "tpu.region"() ({
      %run_scoped3A_57 = tpu.sem_alloc : memref<!tpu.dma_semaphore, #tpu.memory_space<semaphore_mem>>
      %dma_start3A_58 = arith.constant 0 : i32
      %dma_start3A_59 = tpu.memref_slice %arg4[%multiple_of3A_11, %dma_start3A_58] : memref<1536x120xi32, #tpu.memory_space<hbm>> -> memref<8x120xi32, #tpu.memory_space<hbm>>
      %dma_start3A_60 = arith.constant 0 : i32
      %dma_start3A_61 = tpu.memref_slice %arg4[%multiple_of3A_11, %dma_start3A_60] : memref<1536x120xi32, #tpu.memory_space<hbm>> -> memref<8x120xi32, #tpu.memory_space<hbm>>
      tpu.enqueue_dma source(%dma_start3A_61 : memref<8x120xi32, #tpu.memory_space<hbm>>) target(%arg10 : memref<8x120xi32, #tpu.memory_space<vmem>>) target_semaphore(%run_scoped3A_57 : memref<!tpu.dma_semaphore, #tpu.memory_space<semaphore_mem>>)
      %dma_wait3A_62 = arith.constant 0 : i32
      %dma_wait3A_63 = tpu.memref_slice %arg4[%multiple_of3A_11, %dma_wait3A_62] : memref<1536x120xi32, #tpu.memory_space<hbm>> -> memref<8x120xi32, #tpu.memory_space<hbm>>
      %dma_wait3A_64 = arith.constant 0 : i32
      %dma_wait3A_65 = tpu.memref_slice %arg4[%multiple_of3A_11, %dma_wait3A_64] : memref<1536x120xi32, #tpu.memory_space<hbm>> -> memref<8x120xi32, #tpu.memory_space<hbm>>
      tpu.wait_dma2 semaphore(%run_scoped3A_57 : memref<!tpu.dma_semaphore, #tpu.memory_space<semaphore_mem>>) src(%dma_wait3A_65 : memref<8x120xi32, #tpu.memory_space<hbm>>) dst(%arg10 : memref<8x120xi32, #tpu.memory_space<vmem>>)
      tpu.yield
    }) : () -> ()
    %dma_start3A = arith.constant 0 : i32
    %dma_start3A_12 = arith.constant 0 : i32
    %dma_start3A_13 = arith.constant 0 : i32
    %dma_start3A_14 = tpu.memref_slice %arg9[%dma_start3A_12, %dma_start3A_13] : memref<8x120xi32, #tpu.memory_space<vmem>> -> memref<1x120xi32, #tpu.memory_space<vmem>>
    %dma_start3A_15 = tpu.memref_squeeze %dma_start3A_14 : memref<1x120xi32, #tpu.memory_space<vmem>> -> memref<120xi32, #tpu.memory_space<vmem>>
    %dma_start3A_16 = arith.constant 0 : i32
    %dma_start3A_17 = arith.constant 0 : i32
    %dma_start3A_18 = tpu.memref_slice %arg2[%dma_start3A, %dma_start3A_16, %dma_start3A_17] : memref<1x10000x128xf32, #tpu.memory_space<hbm>> -> memref<1x10000x128xf32, #tpu.memory_space<hbm>>
    %dma_start3A_19 = tpu.memref_squeeze %dma_start3A_18 : memref<1x10000x128xf32, #tpu.memory_space<hbm>> -> memref<10000x128xf32, #tpu.memory_space<hbm>>
    %dma_start3A_20 = arith.constant 0 : i32
    %dma_start3A_21 = arith.constant 0 : i32
    %dma_start3A_22 = tpu.memref_slice %dma_start3A_19[%dma_start3A_20, %dma_start3A_21] : memref<10000x128xf32, #tpu.memory_space<hbm>> -> memref<10000x128xf32, #tpu.memory_space<hbm>>
    tpu.enqueue_indirect_dma source(%dma_start3A_22 : memref<10000x128xf32, #tpu.memory_space<hbm>>) target(%arg13 : memref<120x128xf32, #tpu.memory_space<vmem>>) offsets(%dma_start3A_15 : memref<120xi32, #tpu.memory_space<vmem>>) semaphore(%arg17 : memref<!tpu.dma_semaphore, #tpu.memory_space<semaphore_mem>>)
    %dma_wait3A = arith.constant 0 : i32
    %dma_wait3A_23 = arith.constant 0 : i32
    %dma_wait3A_24 = arith.constant 0 : i32
    %dma_wait3A_25 = tpu.memref_slice %arg9[%dma_wait3A_23, %dma_wait3A_24] : memref<8x120xi32, #tpu.memory_space<vmem>> -> memref<1x120xi32, #tpu.memory_space<vmem>>
    %dma_wait3A_26 = tpu.memref_squeeze %dma_wait3A_25 : memref<1x120xi32, #tpu.memory_space<vmem>> -> memref<120xi32, #tpu.memory_space<vmem>>
    %dma_wait3A_27 = arith.constant 0 : i32
    %dma_wait3A_28 = arith.constant 0 : i32
    %dma_wait3A_29 = tpu.memref_slice %arg2[%dma_wait3A, %dma_wait3A_27, %dma_wait3A_28] : memref<1x10000x128xf32, #tpu.memory_space<hbm>> -> memref<1x10000x128xf32, #tpu.memory_space<hbm>>
    %dma_wait3A_30 = tpu.memref_squeeze %dma_wait3A_29 : memref<1x10000x128xf32, #tpu.memory_space<hbm>> -> memref<10000x128xf32, #tpu.memory_space<hbm>>
    %dma_wait3A_31 = arith.constant 0 : i32
    %dma_wait3A_32 = arith.constant 0 : i32
    %dma_wait3A_33 = tpu.memref_slice %dma_wait3A_30[%dma_wait3A_31, %dma_wait3A_32] : memref<10000x128xf32, #tpu.memory_space<hbm>> -> memref<10000x128xf32, #tpu.memory_space<hbm>>
    tpu.wait_indirect_dma semaphore(%arg17 : memref<!tpu.dma_semaphore, #tpu.memory_space<semaphore_mem>>) src(%dma_wait3A_33 : memref<10000x128xf32, #tpu.memory_space<hbm>>) dst(%arg13 : memref<120x128xf32, #tpu.memory_space<vmem>>)
    %run_scoped3A = arith.constant 0 : i32
    "tpu.region"() ({
      %run_scoped3A_57 = tpu.sem_alloc : memref<!tpu.dma_semaphore, #tpu.memory_space<semaphore_mem>>
      %dma_start3A_58 = arith.constant 0 : i32
      %dma_start3A_59 = tpu.memref_slice %arg10[%run_scoped3A, %dma_start3A_58] : memref<8x120xi32, #tpu.memory_space<vmem>> -> memref<1x120xi32, #tpu.memory_space<vmem>>
      %dma_start3A_60 = tpu.memref_squeeze %dma_start3A_59 : memref<1x120xi32, #tpu.memory_space<vmem>> -> memref<120xi32, #tpu.memory_space<vmem>>
      %dma_start3A_61 = arith.constant 0 : i32
      %dma_start3A_62 = arith.constant 0 : i32
      %dma_start3A_63 = tpu.memref_slice %arg16[%dma_start3A_61, %dma_start3A_62] : memref<10112x128xf32, #tpu.memory_space<vmem_shared>> -> memref<10112x128xf32, #tpu.memory_space<vmem_shared>>
      tpu.enqueue_indirect_dma source(%arg13 : memref<120x128xf32, #tpu.memory_space<vmem>>) target(%dma_start3A_63 : memref<10112x128xf32, #tpu.memory_space<vmem_shared>>) offsets(%dma_start3A_60 : memref<120xi32, #tpu.memory_space<vmem>>) semaphore(%run_scoped3A_57 : memref<!tpu.dma_semaphore, #tpu.memory_space<semaphore_mem>>) {add = true}
      %dma_wait3A_64 = arith.constant 0 : i32
      %dma_wait3A_65 = tpu.memref_slice %arg10[%run_scoped3A, %dma_wait3A_64] : memref<8x120xi32, #tpu.memory_space<vmem>> -> memref<1x120xi32, #tpu.memory_space<vmem>>
      %dma_wait3A_66 = tpu.memref_squeeze %dma_wait3A_65 : memref<1x120xi32, #tpu.memory_space<vmem>> -> memref<120xi32, #tpu.memory_space<vmem>>
      %dma_wait3A_67 = arith.constant 0 : i32
      %dma_wait3A_68 = arith.constant 0 : i32
      %dma_wait3A_69 = tpu.memref_slice %arg16[%dma_wait3A_67, %dma_wait3A_68] : memref<10112x128xf32, #tpu.memory_space<vmem_shared>> -> memref<10112x128xf32, #tpu.memory_space<vmem_shared>>
      tpu.wait_indirect_dma semaphore(%run_scoped3A_57 : memref<!tpu.dma_semaphore, #tpu.memory_space<semaphore_mem>>) src(%arg13 : memref<120x128xf32, #tpu.memory_space<vmem>>) dst(%dma_wait3A_69 : memref<10112x128xf32, #tpu.memory_space<vmem_shared>>)
      tpu.yield
    }) : () -> ()
    %dma_start3A_34 = arith.constant 0 : i32
    %dma_start3A_35 = arith.constant 0 : i32
    %dma_start3A_36 = arith.constant 0 : i32
    %dma_start3A_37 = tpu.memref_slice %arg13[%dma_start3A_35, %dma_start3A_36] : memref<120x128xf32, #tpu.memory_space<vmem>> -> memref<80x128xf32, #tpu.memory_space<vmem>>
    %dma_start3A_38 = arith.constant 0 : i32
    %dma_start3A_39 = arith.constant 0 : i32
    %dma_start3A_40 = tpu.memref_slice %arg2[%dma_start3A_34, %dma_start3A_38, %dma_start3A_39] : memref<1x10000x128xf32, #tpu.memory_space<hbm>> -> memref<1x10000x128xf32, #tpu.memory_space<hbm>>
    %dma_start3A_41 = tpu.memref_squeeze %dma_start3A_40 : memref<1x10000x128xf32, #tpu.memory_space<hbm>> -> memref<10000x128xf32, #tpu.memory_space<hbm>>
    %dma_start3A_42 = arith.constant 0 : i32
    %dma_start3A_43 = arith.constant 0 : i32
    %dma_start3A_44 = tpu.memref_slice %dma_start3A_41[%dma_start3A_42, %dma_start3A_43] : memref<10000x128xf32, #tpu.memory_space<hbm>> -> memref<10000x128xf32, #tpu.memory_space<hbm>>
    tpu.enqueue_indirect_dma source(%dma_start3A_44 : memref<10000x128xf32, #tpu.memory_space<hbm>>) target(%dma_start3A_37 : memref<80x128xf32, #tpu.memory_space<vmem>>) offsets(%arg11 : memref<80xi32, #tpu.memory_space<vmem>>) semaphore(%arg17 : memref<!tpu.dma_semaphore, #tpu.memory_space<semaphore_mem>>)
    %dma_wait3A_45 = arith.constant 0 : i32
    %dma_wait3A_46 = arith.constant 0 : i32
    %dma_wait3A_47 = arith.constant 0 : i32
    %dma_wait3A_48 = tpu.memref_slice %arg13[%dma_wait3A_46, %dma_wait3A_47] : memref<120x128xf32, #tpu.memory_space<vmem>> -> memref<80x128xf32, #tpu.memory_space<vmem>>
    %dma_wait3A_49 = arith.constant 0 : i32
    %dma_wait3A_50 = arith.constant 0 : i32
    %dma_wait3A_51 = tpu.memref_slice %arg2[%dma_wait3A_45, %dma_wait3A_49, %dma_wait3A_50] : memref<1x10000x128xf32, #tpu.memory_space<hbm>> -> memref<1x10000x128xf32, #tpu.memory_space<hbm>>
    %dma_wait3A_52 = tpu.memref_squeeze %dma_wait3A_51 : memref<1x10000x128xf32, #tpu.memory_space<hbm>> -> memref<10000x128xf32, #tpu.memory_space<hbm>>
    %dma_wait3A_53 = arith.constant 0 : i32
    %dma_wait3A_54 = arith.constant 0 : i32
    %dma_wait3A_55 = tpu.memref_slice %dma_wait3A_52[%dma_wait3A_53, %dma_wait3A_54] : memref<10000x128xf32, #tpu.memory_space<hbm>> -> memref<10000x128xf32, #tpu.memory_space<hbm>>
    tpu.wait_indirect_dma semaphore(%arg17 : memref<!tpu.dma_semaphore, #tpu.memory_space<semaphore_mem>>) src(%dma_wait3A_55 : memref<10000x128xf32, #tpu.memory_space<hbm>>) dst(%dma_wait3A_48 : memref<80x128xf32, #tpu.memory_space<vmem>>)
    "tpu.region"() ({
      %run_scoped3A_57 = tpu.sem_alloc : memref<!tpu.dma_semaphore, #tpu.memory_space<semaphore_mem>>
      %dma_start3A_58 = arith.constant 0 : i32
      %dma_start3A_59 = arith.constant 0 : i32
      %dma_start3A_60 = tpu.memref_slice %arg13[%dma_start3A_58, %dma_start3A_59] : memref<120x128xf32, #tpu.memory_space<vmem>> -> memref<80x128xf32, #tpu.memory_space<vmem>>
      %dma_start3A_61 = arith.constant 0 : i32
      %dma_start3A_62 = arith.constant 0 : i32
      %dma_start3A_63 = tpu.memref_slice %arg16[%dma_start3A_61, %dma_start3A_62] : memref<10112x128xf32, #tpu.memory_space<vmem_shared>> -> memref<10112x128xf32, #tpu.memory_space<vmem_shared>>
      tpu.enqueue_indirect_dma source(%dma_start3A_60 : memref<80x128xf32, #tpu.memory_space<vmem>>) target(%dma_start3A_63 : memref<10112x128xf32, #tpu.memory_space<vmem_shared>>) offsets(%arg12 : memref<80xi32, #tpu.memory_space<vmem>>) semaphore(%run_scoped3A_57 : memref<!tpu.dma_semaphore, #tpu.memory_space<semaphore_mem>>) {add = true}
      %dma_wait3A_64 = arith.constant 0 : i32
      %dma_wait3A_65 = arith.constant 0 : i32
      %dma_wait3A_66 = tpu.memref_slice %arg13[%dma_wait3A_64, %dma_wait3A_65] : memref<120x128xf32, #tpu.memory_space<vmem>> -> memref<80x128xf32, #tpu.memory_space<vmem>>
      %dma_wait3A_67 = arith.constant 0 : i32
      %dma_wait3A_68 = arith.constant 0 : i32
      %dma_wait3A_69 = tpu.memref_slice %arg16[%dma_wait3A_67, %dma_wait3A_68] : memref<10112x128xf32, #tpu.memory_space<vmem_shared>> -> memref<10112x128xf32, #tpu.memory_space<vmem_shared>>
      tpu.wait_indirect_dma semaphore(%run_scoped3A_57 : memref<!tpu.dma_semaphore, #tpu.memory_space<semaphore_mem>>) src(%dma_wait3A_66 : memref<80x128xf32, #tpu.memory_space<vmem>>) dst(%dma_wait3A_69 : memref<10112x128xf32, #tpu.memory_space<vmem_shared>>)
      tpu.yield
    }) : () -> ()
    %barrier3A_56 = arith.constant 0 : index
    tpu.barrier barrier_id(%barrier3A_56)
    "tpu.region"() ({
      %run_scoped3A_57 = tpu.sem_alloc : memref<!tpu.dma_semaphore, #tpu.memory_space<semaphore_mem>>
      %dma_start3A_58 = arith.constant 0 : i32
      %dma_start3A_59 = arith.constant 0 : i32
      %dma_start3A_60 = tpu.memref_slice %arg8[%arg0, %dma_start3A_58, %dma_start3A_59] : memref<2x10112x128xf32, #tpu.memory_space<hbm>> -> memref<1x10112x128xf32, #tpu.memory_space<hbm>>
      %dma_start3A_61 = tpu.memref_squeeze %dma_start3A_60 : memref<1x10112x128xf32, #tpu.memory_space<hbm>> -> memref<10112x128xf32, #tpu.memory_space<hbm>>
      %dma_start3A_62 = arith.constant 0 : i32
      %dma_start3A_63 = tpu.memref_slice %dma_start3A_61[%multiple_of3A, %dma_start3A_62] : memref<10112x128xf32, #tpu.memory_space<hbm>> -> memref<632x128xf32, #tpu.memory_space<hbm>>
      %dma_start3A_64 = arith.constant 0 : i32
      %dma_start3A_65 = tpu.memref_slice %arg16[%multiple_of3A, %dma_start3A_64] : memref<10112x128xf32, #tpu.memory_space<vmem_shared>> -> memref<632x128xf32, #tpu.memory_space<vmem_shared>>
      tpu.enqueue_dma source(%dma_start3A_65 : memref<632x128xf32, #tpu.memory_space<vmem_shared>>) target(%dma_start3A_63 : memref<632x128xf32, #tpu.memory_space<hbm>>) target_semaphore(%run_scoped3A_57 : memref<!tpu.dma_semaphore, #tpu.memory_space<semaphore_mem>>)
      %dma_wait3A_66 = arith.constant 0 : i32
      %dma_wait3A_67 = arith.constant 0 : i32
      %dma_wait3A_68 = tpu.memref_slice %arg8[%arg0, %dma_wait3A_66, %dma_wait3A_67] : memref<2x10112x128xf32, #tpu.memory_space<hbm>> -> memref<1x10112x128xf32, #tpu.memory_space<hbm>>
      %dma_wait3A_69 = tpu.memref_squeeze %dma_wait3A_68 : memref<1x10112x128xf32, #tpu.memory_space<hbm>> -> memref<10112x128xf32, #tpu.memory_space<hbm>>
      %dma_wait3A_70 = arith.constant 0 : i32
      %dma_wait3A_71 = tpu.memref_slice %dma_wait3A_69[%multiple_of3A, %dma_wait3A_70] : memref<10112x128xf32, #tpu.memory_space<hbm>> -> memref<632x128xf32, #tpu.memory_space<hbm>>
      %dma_wait3A_72 = arith.constant 0 : i32
      %dma_wait3A_73 = tpu.memref_slice %arg16[%multiple_of3A, %dma_wait3A_72] : memref<10112x128xf32, #tpu.memory_space<vmem_shared>> -> memref<632x128xf32, #tpu.memory_space<vmem_shared>>
      tpu.wait_dma2 semaphore(%run_scoped3A_57 : memref<!tpu.dma_semaphore, #tpu.memory_space<semaphore_mem>>) src(%dma_wait3A_73 : memref<632x128xf32, #tpu.memory_space<vmem_shared>>) dst(%dma_wait3A_71 : memref<632x128xf32, #tpu.memory_space<hbm>>)
      tpu.yield
    }) : () -> ()
    return
  }
}

#map = affine_map<(d0, d1) -> (0, 0, 0)>
#map1 = affine_map<(d0, d1) -> (0, 0)>
module attributes {stable_mosaic.version = 14 : i64} {
  func.func @body(%arg0: i32, %arg1: i32, %arg2: memref<1x10000x128xf32, #tpu.memory_space<hbm>>, %arg3: memref<1536x120xi32, #tpu.memory_space<hbm>>, %arg4: memref<1536x120xi32, #tpu.memory_space<hbm>>, %arg5: memref<32x80xi32, #tpu.memory_space<hbm>>, %arg6: memref<32x80xi32, #tpu.memory_space<hbm>>, %arg7: memref<10112x128xf32, #tpu.memory_space<hbm>>, %arg8: memref<2x10112x128xf32, #tpu.memory_space<hbm>>, %arg9: memref<8x120xi32, #tpu.memory_space<vmem>>, %arg10: memref<8x120xi32, #tpu.memory_space<vmem>>, %arg11: memref<80xi32, #tpu.memory_space<vmem>>, %arg12: memref<80xi32, #tpu.memory_space<vmem>>, %arg13: memref<120x128xf32, #tpu.memory_space<vmem>>, %arg14: memref<120x128xf32, #tpu.memory_space<vmem>>, %arg15: memref<120x128xf32, #tpu.memory_space<vmem>>, %arg16: memref<10112x128xf32, #tpu.memory_space<vmem_shared>>, %arg17: memref<!tpu.dma_semaphore, #tpu.memory_space<semaphore_mem>>, %arg18: memref<!tpu.dma_semaphore, #tpu.memory_space<semaphore_mem>>, %arg19: memref<!tpu.dma_semaphore, #tpu.memory_space<semaphore_mem>>, %arg20: memref<!tpu.dma_semaphore, #tpu.memory_space<semaphore_mem>>, %arg21: memref<!tpu.dma_semaphore, #tpu.memory_space<semaphore_mem>>, %arg22: memref<!tpu.dma_semaphore, #tpu.memory_space<semaphore_mem>>) attributes {dimension_semantics = [#tpu.dimension_semantics<core_parallel>, #tpu.dimension_semantics<subcore_parallel>], iteration_bounds = array<i64: 2, 16>, scalar_prefetch = 0 : i64, scratch_operands = 14 : i64, tpu.core_type = #tpu.core_type<sc_vector_subcore>, window_params = [{transform_indices = #map}, {transform_indices = #map1}, {transform_indices = #map1}, {transform_indices = #map1}, {transform_indices = #map1}, {transform_indices = #map1}, {transform_indices = #map}]} {
    %mul3A = arith.constant 2 : i32
    %mul3A_0 = arith.muli %arg1, %mul3A : i32
    %add3A = arith.addi %mul3A_0, %arg0 : i32
    "tpu.region"() ({
      %run_scoped3A_57 = tpu.sem_alloc : memref<!tpu.dma_semaphore, #tpu.memory_space<semaphore_mem>>
      %dma_start3A_58 = arith.constant 0 : i32
      %dma_start3A_59 = tpu.memref_slice %arg5[%add3A, %dma_start3A_58] : memref<32x80xi32, #tpu.memory_space<hbm>> -> memref<1x80xi32, #tpu.memory_space<hbm>>
      %dma_start3A_60 = tpu.memref_squeeze %dma_start3A_59 : memref<1x80xi32, #tpu.memory_space<hbm>> -> memref<80xi32, #tpu.memory_space<hbm>>
      %dma_start3A_61 = arith.constant 0 : i32
      %dma_start3A_62 = tpu.memref_slice %arg5[%add3A, %dma_start3A_61] : memref<32x80xi32, #tpu.memory_space<hbm>> -> memref<1x80xi32, #tpu.memory_space<hbm>>
      %dma_start3A_63 = tpu.memref_squeeze %dma_start3A_62 : memref<1x80xi32, #tpu.memory_space<hbm>> -> memref<80xi32, #tpu.memory_space<hbm>>
      tpu.enqueue_dma source(%dma_start3A_63 : memref<80xi32, #tpu.memory_space<hbm>>) target(%arg11 : memref<80xi32, #tpu.memory_space<vmem>>) target_semaphore(%run_scoped3A_57 : memref<!tpu.dma_semaphore, #tpu.memory_space<semaphore_mem>>)
      %dma_wait3A_64 = arith.constant 0 : i32
      %dma_wait3A_65 = tpu.memref_slice %arg5[%add3A, %dma_wait3A_64] : memref<32x80xi32, #tpu.memory_space<hbm>> -> memref<1x80xi32, #tpu.memory_space<hbm>>
      %dma_wait3A_66 = tpu.memref_squeeze %dma_wait3A_65 : memref<1x80xi32, #tpu.memory_space<hbm>> -> memref<80xi32, #tpu.memory_space<hbm>>
      %dma_wait3A_67 = arith.constant 0 : i32
      %dma_wait3A_68 = tpu.memref_slice %arg5[%add3A, %dma_wait3A_67] : memref<32x80xi32, #tpu.memory_space<hbm>> -> memref<1x80xi32, #tpu.memory_space<hbm>>
      %dma_wait3A_69 = tpu.memref_squeeze %dma_wait3A_68 : memref<1x80xi32, #tpu.memory_space<hbm>> -> memref<80xi32, #tpu.memory_space<hbm>>
      tpu.wait_dma2 semaphore(%run_scoped3A_57 : memref<!tpu.dma_semaphore, #tpu.memory_space<semaphore_mem>>) src(%dma_wait3A_69 : memref<80xi32, #tpu.memory_space<hbm>>) dst(%arg11 : memref<80xi32, #tpu.memory_space<vmem>>)
      tpu.yield
    }) : () -> ()
    "tpu.region"() ({
      %run_scoped3A_57 = tpu.sem_alloc : memref<!tpu.dma_semaphore, #tpu.memory_space<semaphore_mem>>
      %dma_start3A_58 = arith.constant 0 : i32
      %dma_start3A_59 = tpu.memref_slice %arg6[%add3A, %dma_start3A_58] : memref<32x80xi32, #tpu.memory_space<hbm>> -> memref<1x80xi32, #tpu.memory_space<hbm>>
      %dma_start3A_60 = tpu.memref_squeeze %dma_start3A_59 : memref<1x80xi32, #tpu.memory_space<hbm>> -> memref<80xi32, #tpu.memory_space<hbm>>
      %dma_start3A_61 = arith.constant 0 : i32
      %dma_start3A_62 = tpu.memref_slice %arg6[%add3A, %dma_start3A_61] : memref<32x80xi32, #tpu.memory_space<hbm>> -> memref<1x80xi32, #tpu.memory_space<hbm>>
      %dma_start3A_63 = tpu.memref_squeeze %dma_start3A_62 : memref<1x80xi32, #tpu.memory_space<hbm>> -> memref<80xi32, #tpu.memory_space<hbm>>
      tpu.enqueue_dma source(%dma_start3A_63 : memref<80xi32, #tpu.memory_space<hbm>>) target(%arg12 : memref<80xi32, #tpu.memory_space<vmem>>) target_semaphore(%run_scoped3A_57 : memref<!tpu.dma_semaphore, #tpu.memory_space<semaphore_mem>>)
      %dma_wait3A_64 = arith.constant 0 : i32
      %dma_wait3A_65 = tpu.memref_slice %arg6[%add3A, %dma_wait3A_64] : memref<32x80xi32, #tpu.memory_space<hbm>> -> memref<1x80xi32, #tpu.memory_space<hbm>>
      %dma_wait3A_66 = tpu.memref_squeeze %dma_wait3A_65 : memref<1x80xi32, #tpu.memory_space<hbm>> -> memref<80xi32, #tpu.memory_space<hbm>>
      %dma_wait3A_67 = arith.constant 0 : i32
      %dma_wait3A_68 = tpu.memref_slice %arg6[%add3A, %dma_wait3A_67] : memref<32x80xi32, #tpu.memory_space<hbm>> -> memref<1x80xi32, #tpu.memory_space<hbm>>
      %dma_wait3A_69 = tpu.memref_squeeze %dma_wait3A_68 : memref<1x80xi32, #tpu.memory_space<hbm>> -> memref<80xi32, #tpu.memory_space<hbm>>
      tpu.wait_dma2 semaphore(%run_scoped3A_57 : memref<!tpu.dma_semaphore, #tpu.memory_space<semaphore_mem>>) src(%dma_wait3A_69 : memref<80xi32, #tpu.memory_space<hbm>>) dst(%arg12 : memref<80xi32, #tpu.memory_space<vmem>>)
      tpu.yield
    }) : () -> ()
    %mul3A_1 = arith.constant 632 : i32
    %mul3A_2 = arith.muli %arg1, %mul3A_1 : i32
    %multiple_of3A = tpu.assume_multiple %mul3A_2, 8 : i32
    "tpu.region"() ({
      %run_scoped3A_57 = tpu.sem_alloc : memref<!tpu.dma_semaphore, #tpu.memory_space<semaphore_mem>>
      %dma_start3A_58 = arith.constant 0 : i32
      %dma_start3A_59 = tpu.memref_slice %arg16[%multiple_of3A, %dma_start3A_58] : memref<10112x128xf32, #tpu.memory_space<vmem_shared>> -> memref<632x128xf32, #tpu.memory_space<vmem_shared>>
      %dma_start3A_60 = arith.constant 0 : i32
      %dma_start3A_61 = tpu.memref_slice %arg7[%multiple_of3A, %dma_start3A_60] : memref<10112x128xf32, #tpu.memory_space<hbm>> -> memref<632x128xf32, #tpu.memory_space<hbm>>
      tpu.enqueue_dma source(%dma_start3A_61 : memref<632x128xf32, #tpu.memory_space<hbm>>) target(%dma_start3A_59 : memref<632x128xf32, #tpu.memory_space<vmem_shared>>) target_semaphore(%run_scoped3A_57 : memref<!tpu.dma_semaphore, #tpu.memory_space<semaphore_mem>>)
      %dma_wait3A_62 = arith.constant 0 : i32
      %dma_wait3A_63 = tpu.memref_slice %arg16[%multiple_of3A, %dma_wait3A_62] : memref<10112x128xf32, #tpu.memory_space<vmem_shared>> -> memref<632x128xf32, #tpu.memory_space<vmem_shared>>
      %dma_wait3A_64 = arith.constant 0 : i32
      %dma_wait3A_65 = tpu.memref_slice %arg7[%multiple_of3A, %dma_wait3A_64] : memref<10112x128xf32, #tpu.memory_space<hbm>> -> memref<632x128xf32, #tpu.memory_space<hbm>>
      tpu.wait_dma2 semaphore(%run_scoped3A_57 : memref<!tpu.dma_semaphore, #tpu.memory_space<semaphore_mem>>) src(%dma_wait3A_65 : memref<632x128xf32, #tpu.memory_space<hbm>>) dst(%dma_wait3A_63 : memref<632x128xf32, #tpu.memory_space<vmem_shared>>)
      tpu.yield
    }) : () -> ()
    %barrier3A = arith.constant 0 : index
    tpu.barrier barrier_id(%barrier3A)
    %scan3A = arith.constant 0 : i32
    %scan3A_3 = arith.constant 5 : i32
    %scan3A_4 = arith.addi %scan3A, %scan3A_3 : i32
    %scan3A_5 = arith.constant 1 : i32
    scf.for %scan3A_57 = %scan3A to %scan3A_4 step %scan3A_5  : i32 {
      %mul3A_58 = arith.constant 1 : i32
      %mul3A_59 = arith.muli %scan3A_57, %mul3A_58 : i32
      %add3A_60 = arith.constant 0 : i32
      %add3A_61 = arith.addi %add3A_60, %mul3A_59 : i32
      %mul3A_62 = arith.constant 48 : i32
      %mul3A_63 = arith.muli %add3A, %mul3A_62 : i32
      %mul3A_64 = arith.constant 8 : i32
      %mul3A_65 = arith.muli %add3A_61, %mul3A_64 : i32
      %add3A_66 = arith.addi %mul3A_63, %mul3A_65 : i32
      %multiple_of3A_67 = tpu.assume_multiple %add3A_66, 8 : i32
      "tpu.region"() ({
        %run_scoped3A_372 = tpu.sem_alloc : memref<!tpu.dma_semaphore, #tpu.memory_space<semaphore_mem>>
        %dma_start3A_373 = arith.constant 0 : i32
        %dma_start3A_374 = tpu.memref_slice %arg3[%multiple_of3A_67, %dma_start3A_373] : memref<1536x120xi32, #tpu.memory_space<hbm>> -> memref<8x120xi32, #tpu.memory_space<hbm>>
        %dma_start3A_375 = arith.constant 0 : i32
        %dma_start3A_376 = tpu.memref_slice %arg3[%multiple_of3A_67, %dma_start3A_375] : memref<1536x120xi32, #tpu.memory_space<hbm>> -> memref<8x120xi32, #tpu.memory_space<hbm>>
        tpu.enqueue_dma source(%dma_start3A_376 : memref<8x120xi32, #tpu.memory_space<hbm>>) target(%arg9 : memref<8x120xi32, #tpu.memory_space<vmem>>) target_semaphore(%run_scoped3A_372 : memref<!tpu.dma_semaphore, #tpu.memory_space<semaphore_mem>>)
        %dma_wait3A_377 = arith.constant 0 : i32
        %dma_wait3A_378 = tpu.memref_slice %arg3[%multiple_of3A_67, %dma_wait3A_377] : memref<1536x120xi32, #tpu.memory_space<hbm>> -> memref<8x120xi32, #tpu.memory_space<hbm>>
        %dma_wait3A_379 = arith.constant 0 : i32
        %dma_wait3A_380 = tpu.memref_slice %arg3[%multiple_of3A_67, %dma_wait3A_379] : memref<1536x120xi32, #tpu.memory_space<hbm>> -> memref<8x120xi32, #tpu.memory_space<hbm>>
        tpu.wait_dma2 semaphore(%run_scoped3A_372 : memref<!tpu.dma_semaphore, #tpu.memory_space<semaphore_mem>>) src(%dma_wait3A_380 : memref<8x120xi32, #tpu.memory_space<hbm>>) dst(%arg9 : memref<8x120xi32, #tpu.memory_space<vmem>>)
        tpu.yield
      }) : () -> ()
      "tpu.region"() ({
        %run_scoped3A_372 = tpu.sem_alloc : memref<!tpu.dma_semaphore, #tpu.memory_space<semaphore_mem>>
        %dma_start3A_373 = arith.constant 0 : i32
        %dma_start3A_374 = tpu.memref_slice %arg4[%multiple_of3A_67, %dma_start3A_373] : memref<1536x120xi32, #tpu.memory_space<hbm>> -> memref<8x120xi32, #tpu.memory_space<hbm>>
        %dma_start3A_375 = arith.constant 0 : i32
        %dma_start3A_376 = tpu.memref_slice %arg4[%multiple_of3A_67, %dma_start3A_375] : memref<1536x120xi32, #tpu.memory_space<hbm>> -> memref<8x120xi32, #tpu.memory_space<hbm>>
        tpu.enqueue_dma source(%dma_start3A_376 : memref<8x120xi32, #tpu.memory_space<hbm>>) target(%arg10 : memref<8x120xi32, #tpu.memory_space<vmem>>) target_semaphore(%run_scoped3A_372 : memref<!tpu.dma_semaphore, #tpu.memory_space<semaphore_mem>>)
        %dma_wait3A_377 = arith.constant 0 : i32
        %dma_wait3A_378 = tpu.memref_slice %arg4[%multiple_of3A_67, %dma_wait3A_377] : memref<1536x120xi32, #tpu.memory_space<hbm>> -> memref<8x120xi32, #tpu.memory_space<hbm>>
        %dma_wait3A_379 = arith.constant 0 : i32
        %dma_wait3A_380 = tpu.memref_slice %arg4[%multiple_of3A_67, %dma_wait3A_379] : memref<1536x120xi32, #tpu.memory_space<hbm>> -> memref<8x120xi32, #tpu.memory_space<hbm>>
        tpu.wait_dma2 semaphore(%run_scoped3A_372 : memref<!tpu.dma_semaphore, #tpu.memory_space<semaphore_mem>>) src(%dma_wait3A_380 : memref<8x120xi32, #tpu.memory_space<hbm>>) dst(%arg10 : memref<8x120xi32, #tpu.memory_space<vmem>>)
        tpu.yield
      }) : () -> ()
      %dma_start3A_68 = arith.constant 0 : i32
      %dma_start3A_69 = arith.constant 0 : i32
      %dma_start3A_70 = arith.constant 0 : i32
      %dma_start3A_71 = tpu.memref_slice %arg9[%dma_start3A_69, %dma_start3A_70] : memref<8x120xi32, #tpu.memory_space<vmem>> -> memref<1x120xi32, #tpu.memory_space<vmem>>
      %dma_start3A_72 = tpu.memref_squeeze %dma_start3A_71 : memref<1x120xi32, #tpu.memory_space<vmem>> -> memref<120xi32, #tpu.memory_space<vmem>>
      %dma_start3A_73 = arith.constant 0 : i32
      %dma_start3A_74 = arith.constant 0 : i32
      %dma_start3A_75 = tpu.memref_slice %arg2[%dma_start3A_68, %dma_start3A_73, %dma_start3A_74] : memref<1x10000x128xf32, #tpu.memory_space<hbm>> -> memref<1x10000x128xf32, #tpu.memory_space<hbm>>
      %dma_start3A_76 = tpu.memref_squeeze %dma_start3A_75 : memref<1x10000x128xf32, #tpu.memory_space<hbm>> -> memref<10000x128xf32, #tpu.memory_space<hbm>>
      %dma_start3A_77 = arith.constant 0 : i32
      %dma_start3A_78 = arith.constant 0 : i32
      %dma_start3A_79 = tpu.memref_slice %dma_start3A_76[%dma_start3A_77, %dma_start3A_78] : memref<10000x128xf32, #tpu.memory_space<hbm>> -> memref<10000x128xf32, #tpu.memory_space<hbm>>
      tpu.enqueue_indirect_dma source(%dma_start3A_79 : memref<10000x128xf32, #tpu.memory_space<hbm>>) target(%arg13 : memref<120x128xf32, #tpu.memory_space<vmem>>) offsets(%dma_start3A_72 : memref<120xi32, #tpu.memory_space<vmem>>) semaphore(%arg17 : memref<!tpu.dma_semaphore, #tpu.memory_space<semaphore_mem>>)
      %dma_start3A_80 = arith.constant 0 : i32
      %dma_start3A_81 = arith.constant 1 : i32
      %dma_start3A_82 = arith.constant 0 : i32
      %dma_start3A_83 = tpu.memref_slice %arg9[%dma_start3A_81, %dma_start3A_82] : memref<8x120xi32, #tpu.memory_space<vmem>> -> memref<1x120xi32, #tpu.memory_space<vmem>>
      %dma_start3A_84 = tpu.memref_squeeze %dma_start3A_83 : memref<1x120xi32, #tpu.memory_space<vmem>> -> memref<120xi32, #tpu.memory_space<vmem>>
      %dma_start3A_85 = arith.constant 0 : i32
      %dma_start3A_86 = arith.constant 0 : i32
      %dma_start3A_87 = tpu.memref_slice %arg2[%dma_start3A_80, %dma_start3A_85, %dma_start3A_86] : memref<1x10000x128xf32, #tpu.memory_space<hbm>> -> memref<1x10000x128xf32, #tpu.memory_space<hbm>>
      %dma_start3A_88 = tpu.memref_squeeze %dma_start3A_87 : memref<1x10000x128xf32, #tpu.memory_space<hbm>> -> memref<10000x128xf32, #tpu.memory_space<hbm>>
      %dma_start3A_89 = arith.constant 0 : i32
      %dma_start3A_90 = arith.constant 0 : i32
      %dma_start3A_91 = tpu.memref_slice %dma_start3A_88[%dma_start3A_89, %dma_start3A_90] : memref<10000x128xf32, #tpu.memory_space<hbm>> -> memref<10000x128xf32, #tpu.memory_space<hbm>>
      tpu.enqueue_indirect_dma source(%dma_start3A_91 : memref<10000x128xf32, #tpu.memory_space<hbm>>) target(%arg14 : memref<120x128xf32, #tpu.memory_space<vmem>>) offsets(%dma_start3A_84 : memref<120xi32, #tpu.memory_space<vmem>>) semaphore(%arg18 : memref<!tpu.dma_semaphore, #tpu.memory_space<semaphore_mem>>)
      %dma_start3A_92 = arith.constant 0 : i32
      %dma_start3A_93 = arith.constant 2 : i32
      %dma_start3A_94 = arith.constant 0 : i32
      %dma_start3A_95 = tpu.memref_slice %arg9[%dma_start3A_93, %dma_start3A_94] : memref<8x120xi32, #tpu.memory_space<vmem>> -> memref<1x120xi32, #tpu.memory_space<vmem>>
      %dma_start3A_96 = tpu.memref_squeeze %dma_start3A_95 : memref<1x120xi32, #tpu.memory_space<vmem>> -> memref<120xi32, #tpu.memory_space<vmem>>
      %dma_start3A_97 = arith.constant 0 : i32
      %dma_start3A_98 = arith.constant 0 : i32
      %dma_start3A_99 = tpu.memref_slice %arg2[%dma_start3A_92, %dma_start3A_97, %dma_start3A_98] : memref<1x10000x128xf32, #tpu.memory_space<hbm>> -> memref<1x10000x128xf32, #tpu.memory_space<hbm>>
      %dma_start3A_100 = tpu.memref_squeeze %dma_start3A_99 : memref<1x10000x128xf32, #tpu.memory_space<hbm>> -> memref<10000x128xf32, #tpu.memory_space<hbm>>
      %dma_start3A_101 = arith.constant 0 : i32
      %dma_start3A_102 = arith.constant 0 : i32
      %dma_start3A_103 = tpu.memref_slice %dma_start3A_100[%dma_start3A_101, %dma_start3A_102] : memref<10000x128xf32, #tpu.memory_space<hbm>> -> memref<10000x128xf32, #tpu.memory_space<hbm>>
      tpu.enqueue_indirect_dma source(%dma_start3A_103 : memref<10000x128xf32, #tpu.memory_space<hbm>>) target(%arg15 : memref<120x128xf32, #tpu.memory_space<vmem>>) offsets(%dma_start3A_96 : memref<120xi32, #tpu.memory_space<vmem>>) semaphore(%arg19 : memref<!tpu.dma_semaphore, #tpu.memory_space<semaphore_mem>>)
      %dma_wait3A_104 = arith.constant 0 : i32
      %dma_wait3A_105 = arith.constant 0 : i32
      %dma_wait3A_106 = arith.constant 0 : i32
      %dma_wait3A_107 = tpu.memref_slice %arg9[%dma_wait3A_105, %dma_wait3A_106] : memref<8x120xi32, #tpu.memory_space<vmem>> -> memref<1x120xi32, #tpu.memory_space<vmem>>
      %dma_wait3A_108 = tpu.memref_squeeze %dma_wait3A_107 : memref<1x120xi32, #tpu.memory_space<vmem>> -> memref<120xi32, #tpu.memory_space<vmem>>
      %dma_wait3A_109 = arith.constant 0 : i32
      %dma_wait3A_110 = arith.constant 0 : i32
      %dma_wait3A_111 = tpu.memref_slice %arg2[%dma_wait3A_104, %dma_wait3A_109, %dma_wait3A_110] : memref<1x10000x128xf32, #tpu.memory_space<hbm>> -> memref<1x10000x128xf32, #tpu.memory_space<hbm>>
      %dma_wait3A_112 = tpu.memref_squeeze %dma_wait3A_111 : memref<1x10000x128xf32, #tpu.memory_space<hbm>> -> memref<10000x128xf32, #tpu.memory_space<hbm>>
      %dma_wait3A_113 = arith.constant 0 : i32
      %dma_wait3A_114 = arith.constant 0 : i32
      %dma_wait3A_115 = tpu.memref_slice %dma_wait3A_112[%dma_wait3A_113, %dma_wait3A_114] : memref<10000x128xf32, #tpu.memory_space<hbm>> -> memref<10000x128xf32, #tpu.memory_space<hbm>>
      tpu.wait_indirect_dma semaphore(%arg17 : memref<!tpu.dma_semaphore, #tpu.memory_space<semaphore_mem>>) src(%dma_wait3A_115 : memref<10000x128xf32, #tpu.memory_space<hbm>>) dst(%arg13 : memref<120x128xf32, #tpu.memory_space<vmem>>)
      %dma_start3A_116 = arith.constant 0 : i32
      %dma_start3A_117 = arith.constant 0 : i32
      %dma_start3A_118 = tpu.memref_slice %arg10[%dma_start3A_116, %dma_start3A_117] : memref<8x120xi32, #tpu.memory_space<vmem>> -> memref<1x120xi32, #tpu.memory_space<vmem>>
      %dma_start3A_119 = tpu.memref_squeeze %dma_start3A_118 : memref<1x120xi32, #tpu.memory_space<vmem>> -> memref<120xi32, #tpu.memory_space<vmem>>
      %dma_start3A_120 = arith.constant 0 : i32
      %dma_start3A_121 = arith.constant 0 : i32
      %dma_start3A_122 = tpu.memref_slice %arg16[%dma_start3A_120, %dma_start3A_121] : memref<10112x128xf32, #tpu.memory_space<vmem_shared>> -> memref<10112x128xf32, #tpu.memory_space<vmem_shared>>
      tpu.enqueue_indirect_dma source(%arg13 : memref<120x128xf32, #tpu.memory_space<vmem>>) target(%dma_start3A_122 : memref<10112x128xf32, #tpu.memory_space<vmem_shared>>) offsets(%dma_start3A_119 : memref<120xi32, #tpu.memory_space<vmem>>) semaphore(%arg20 : memref<!tpu.dma_semaphore, #tpu.memory_space<semaphore_mem>>) {add = true}
      %dma_wait3A_123 = arith.constant 0 : i32
      %dma_wait3A_124 = arith.constant 0 : i32
      %dma_wait3A_125 = tpu.memref_slice %arg10[%dma_wait3A_123, %dma_wait3A_124] : memref<8x120xi32, #tpu.memory_space<vmem>> -> memref<1x120xi32, #tpu.memory_space<vmem>>
      %dma_wait3A_126 = tpu.memref_squeeze %dma_wait3A_125 : memref<1x120xi32, #tpu.memory_space<vmem>> -> memref<120xi32, #tpu.memory_space<vmem>>
      %dma_wait3A_127 = arith.constant 0 : i32
      %dma_wait3A_128 = arith.constant 0 : i32
      %dma_wait3A_129 = tpu.memref_slice %arg16[%dma_wait3A_127, %dma_wait3A_128] : memref<10112x128xf32, #tpu.memory_space<vmem_shared>> -> memref<10112x128xf32, #tpu.memory_space<vmem_shared>>
      tpu.wait_indirect_dma semaphore(%arg20 : memref<!tpu.dma_semaphore, #tpu.memory_space<semaphore_mem>>) src(%arg13 : memref<120x128xf32, #tpu.memory_space<vmem>>) dst(%dma_wait3A_129 : memref<10112x128xf32, #tpu.memory_space<vmem_shared>>)
      %dma_start3A_130 = arith.constant 0 : i32
      %dma_start3A_131 = arith.constant 3 : i32
      %dma_start3A_132 = arith.constant 0 : i32
      %dma_start3A_133 = tpu.memref_slice %arg9[%dma_start3A_131, %dma_start3A_132] : memref<8x120xi32, #tpu.memory_space<vmem>> -> memref<1x120xi32, #tpu.memory_space<vmem>>
      %dma_start3A_134 = tpu.memref_squeeze %dma_start3A_133 : memref<1x120xi32, #tpu.memory_space<vmem>> -> memref<120xi32, #tpu.memory_space<vmem>>
      %dma_start3A_135 = arith.constant 0 : i32
      %dma_start3A_136 = arith.constant 0 : i32
      %dma_start3A_137 = tpu.memref_slice %arg2[%dma_start3A_130, %dma_start3A_135, %dma_start3A_136] : memref<1x10000x128xf32, #tpu.memory_space<hbm>> -> memref<1x10000x128xf32, #tpu.memory_space<hbm>>
      %dma_start3A_138 = tpu.memref_squeeze %dma_start3A_137 : memref<1x10000x128xf32, #tpu.memory_space<hbm>> -> memref<10000x128xf32, #tpu.memory_space<hbm>>
      %dma_start3A_139 = arith.constant 0 : i32
      %dma_start3A_140 = arith.constant 0 : i32
      %dma_start3A_141 = tpu.memref_slice %dma_start3A_138[%dma_start3A_139, %dma_start3A_140] : memref<10000x128xf32, #tpu.memory_space<hbm>> -> memref<10000x128xf32, #tpu.memory_space<hbm>>
      tpu.enqueue_indirect_dma source(%dma_start3A_141 : memref<10000x128xf32, #tpu.memory_space<hbm>>) target(%arg13 : memref<120x128xf32, #tpu.memory_space<vmem>>) offsets(%dma_start3A_134 : memref<120xi32, #tpu.memory_space<vmem>>) semaphore(%arg17 : memref<!tpu.dma_semaphore, #tpu.memory_space<semaphore_mem>>)
      %dma_wait3A_142 = arith.constant 0 : i32
      %dma_wait3A_143 = arith.constant 1 : i32
      %dma_wait3A_144 = arith.constant 0 : i32
      %dma_wait3A_145 = tpu.memref_slice %arg9[%dma_wait3A_143, %dma_wait3A_144] : memref<8x120xi32, #tpu.memory_space<vmem>> -> memref<1x120xi32, #tpu.memory_space<vmem>>
      %dma_wait3A_146 = tpu.memref_squeeze %dma_wait3A_145 : memref<1x120xi32, #tpu.memory_space<vmem>> -> memref<120xi32, #tpu.memory_space<vmem>>
      %dma_wait3A_147 = arith.constant 0 : i32
      %dma_wait3A_148 = arith.constant 0 : i32
      %dma_wait3A_149 = tpu.memref_slice %arg2[%dma_wait3A_142, %dma_wait3A_147, %dma_wait3A_148] : memref<1x10000x128xf32, #tpu.memory_space<hbm>> -> memref<1x10000x128xf32, #tpu.memory_space<hbm>>
      %dma_wait3A_150 = tpu.memref_squeeze %dma_wait3A_149 : memref<1x10000x128xf32, #tpu.memory_space<hbm>> -> memref<10000x128xf32, #tpu.memory_space<hbm>>
      %dma_wait3A_151 = arith.constant 0 : i32
      %dma_wait3A_152 = arith.constant 0 : i32
      %dma_wait3A_153 = tpu.memref_slice %dma_wait3A_150[%dma_wait3A_151, %dma_wait3A_152] : memref<10000x128xf32, #tpu.memory_space<hbm>> -> memref<10000x128xf32, #tpu.memory_space<hbm>>
      tpu.wait_indirect_dma semaphore(%arg18 : memref<!tpu.dma_semaphore, #tpu.memory_space<semaphore_mem>>) src(%dma_wait3A_153 : memref<10000x128xf32, #tpu.memory_space<hbm>>) dst(%arg14 : memref<120x128xf32, #tpu.memory_space<vmem>>)
      %dma_start3A_154 = arith.constant 1 : i32
      %dma_start3A_155 = arith.constant 0 : i32
      %dma_start3A_156 = tpu.memref_slice %arg10[%dma_start3A_154, %dma_start3A_155] : memref<8x120xi32, #tpu.memory_space<vmem>> -> memref<1x120xi32, #tpu.memory_space<vmem>>
      %dma_start3A_157 = tpu.memref_squeeze %dma_start3A_156 : memref<1x120xi32, #tpu.memory_space<vmem>> -> memref<120xi32, #tpu.memory_space<vmem>>
      %dma_start3A_158 = arith.constant 0 : i32
      %dma_start3A_159 = arith.constant 0 : i32
      %dma_start3A_160 = tpu.memref_slice %arg16[%dma_start3A_158, %dma_start3A_159] : memref<10112x128xf32, #tpu.memory_space<vmem_shared>> -> memref<10112x128xf32, #tpu.memory_space<vmem_shared>>
      tpu.enqueue_indirect_dma source(%arg14 : memref<120x128xf32, #tpu.memory_space<vmem>>) target(%dma_start3A_160 : memref<10112x128xf32, #tpu.memory_space<vmem_shared>>) offsets(%dma_start3A_157 : memref<120xi32, #tpu.memory_space<vmem>>) semaphore(%arg21 : memref<!tpu.dma_semaphore, #tpu.memory_space<semaphore_mem>>) {add = true}
      %dma_wait3A_161 = arith.constant 1 : i32
      %dma_wait3A_162 = arith.constant 0 : i32
      %dma_wait3A_163 = tpu.memref_slice %arg10[%dma_wait3A_161, %dma_wait3A_162] : memref<8x120xi32, #tpu.memory_space<vmem>> -> memref<1x120xi32, #tpu.memory_space<vmem>>
      %dma_wait3A_164 = tpu.memref_squeeze %dma_wait3A_163 : memref<1x120xi32, #tpu.memory_space<vmem>> -> memref<120xi32, #tpu.memory_space<vmem>>
      %dma_wait3A_165 = arith.constant 0 : i32
      %dma_wait3A_166 = arith.constant 0 : i32
      %dma_wait3A_167 = tpu.memref_slice %arg16[%dma_wait3A_165, %dma_wait3A_166] : memref<10112x128xf32, #tpu.memory_space<vmem_shared>> -> memref<10112x128xf32, #tpu.memory_space<vmem_shared>>
      tpu.wait_indirect_dma semaphore(%arg21 : memref<!tpu.dma_semaphore, #tpu.memory_space<semaphore_mem>>) src(%arg14 : memref<120x128xf32, #tpu.memory_space<vmem>>) dst(%dma_wait3A_167 : memref<10112x128xf32, #tpu.memory_space<vmem_shared>>)
      %dma_start3A_168 = arith.constant 0 : i32
      %dma_start3A_169 = arith.constant 4 : i32
      %dma_start3A_170 = arith.constant 0 : i32
      %dma_start3A_171 = tpu.memref_slice %arg9[%dma_start3A_169, %dma_start3A_170] : memref<8x120xi32, #tpu.memory_space<vmem>> -> memref<1x120xi32, #tpu.memory_space<vmem>>
      %dma_start3A_172 = tpu.memref_squeeze %dma_start3A_171 : memref<1x120xi32, #tpu.memory_space<vmem>> -> memref<120xi32, #tpu.memory_space<vmem>>
      %dma_start3A_173 = arith.constant 0 : i32
      %dma_start3A_174 = arith.constant 0 : i32
      %dma_start3A_175 = tpu.memref_slice %arg2[%dma_start3A_168, %dma_start3A_173, %dma_start3A_174] : memref<1x10000x128xf32, #tpu.memory_space<hbm>> -> memref<1x10000x128xf32, #tpu.memory_space<hbm>>
      %dma_start3A_176 = tpu.memref_squeeze %dma_start3A_175 : memref<1x10000x128xf32, #tpu.memory_space<hbm>> -> memref<10000x128xf32, #tpu.memory_space<hbm>>
      %dma_start3A_177 = arith.constant 0 : i32
      %dma_start3A_178 = arith.constant 0 : i32
      %dma_start3A_179 = tpu.memref_slice %dma_start3A_176[%dma_start3A_177, %dma_start3A_178] : memref<10000x128xf32, #tpu.memory_space<hbm>> -> memref<10000x128xf32, #tpu.memory_space<hbm>>
      tpu.enqueue_indirect_dma source(%dma_start3A_179 : memref<10000x128xf32, #tpu.memory_space<hbm>>) target(%arg14 : memref<120x128xf32, #tpu.memory_space<vmem>>) offsets(%dma_start3A_172 : memref<120xi32, #tpu.memory_space<vmem>>) semaphore(%arg18 : memref<!tpu.dma_semaphore, #tpu.memory_space<semaphore_mem>>)
      %dma_wait3A_180 = arith.constant 0 : i32
      %dma_wait3A_181 = arith.constant 2 : i32
      %dma_wait3A_182 = arith.constant 0 : i32
      %dma_wait3A_183 = tpu.memref_slice %arg9[%dma_wait3A_181, %dma_wait3A_182] : memref<8x120xi32, #tpu.memory_space<vmem>> -> memref<1x120xi32, #tpu.memory_space<vmem>>
      %dma_wait3A_184 = tpu.memref_squeeze %dma_wait3A_183 : memref<1x120xi32, #tpu.memory_space<vmem>> -> memref<120xi32, #tpu.memory_space<vmem>>
      %dma_wait3A_185 = arith.constant 0 : i32
      %dma_wait3A_186 = arith.constant 0 : i32
      %dma_wait3A_187 = tpu.memref_slice %arg2[%dma_wait3A_180, %dma_wait3A_185, %dma_wait3A_186] : memref<1x10000x128xf32, #tpu.memory_space<hbm>> -> memref<1x10000x128xf32, #tpu.memory_space<hbm>>
      %dma_wait3A_188 = tpu.memref_squeeze %dma_wait3A_187 : memref<1x10000x128xf32, #tpu.memory_space<hbm>> -> memref<10000x128xf32, #tpu.memory_space<hbm>>
      %dma_wait3A_189 = arith.constant 0 : i32
      %dma_wait3A_190 = arith.constant 0 : i32
      %dma_wait3A_191 = tpu.memref_slice %dma_wait3A_188[%dma_wait3A_189, %dma_wait3A_190] : memref<10000x128xf32, #tpu.memory_space<hbm>> -> memref<10000x128xf32, #tpu.memory_space<hbm>>
      tpu.wait_indirect_dma semaphore(%arg19 : memref<!tpu.dma_semaphore, #tpu.memory_space<semaphore_mem>>) src(%dma_wait3A_191 : memref<10000x128xf32, #tpu.memory_space<hbm>>) dst(%arg15 : memref<120x128xf32, #tpu.memory_space<vmem>>)
      %dma_start3A_192 = arith.constant 2 : i32
      %dma_start3A_193 = arith.constant 0 : i32
      %dma_start3A_194 = tpu.memref_slice %arg10[%dma_start3A_192, %dma_start3A_193] : memref<8x120xi32, #tpu.memory_space<vmem>> -> memref<1x120xi32, #tpu.memory_space<vmem>>
      %dma_start3A_195 = tpu.memref_squeeze %dma_start3A_194 : memref<1x120xi32, #tpu.memory_space<vmem>> -> memref<120xi32, #tpu.memory_space<vmem>>
      %dma_start3A_196 = arith.constant 0 : i32
      %dma_start3A_197 = arith.constant 0 : i32
      %dma_start3A_198 = tpu.memref_slice %arg16[%dma_start3A_196, %dma_start3A_197] : memref<10112x128xf32, #tpu.memory_space<vmem_shared>> -> memref<10112x128xf32, #tpu.memory_space<vmem_shared>>
      tpu.enqueue_indirect_dma source(%arg15 : memref<120x128xf32, #tpu.memory_space<vmem>>) target(%dma_start3A_198 : memref<10112x128xf32, #tpu.memory_space<vmem_shared>>) offsets(%dma_start3A_195 : memref<120xi32, #tpu.memory_space<vmem>>) semaphore(%arg22 : memref<!tpu.dma_semaphore, #tpu.memory_space<semaphore_mem>>) {add = true}
      %dma_wait3A_199 = arith.constant 2 : i32
      %dma_wait3A_200 = arith.constant 0 : i32
      %dma_wait3A_201 = tpu.memref_slice %arg10[%dma_wait3A_199, %dma_wait3A_200] : memref<8x120xi32, #tpu.memory_space<vmem>> -> memref<1x120xi32, #tpu.memory_space<vmem>>
      %dma_wait3A_202 = tpu.memref_squeeze %dma_wait3A_201 : memref<1x120xi32, #tpu.memory_space<vmem>> -> memref<120xi32, #tpu.memory_space<vmem>>
      %dma_wait3A_203 = arith.constant 0 : i32
      %dma_wait3A_204 = arith.constant 0 : i32
      %dma_wait3A_205 = tpu.memref_slice %arg16[%dma_wait3A_203, %dma_wait3A_204] : memref<10112x128xf32, #tpu.memory_space<vmem_shared>> -> memref<10112x128xf32, #tpu.memory_space<vmem_shared>>
      tpu.wait_indirect_dma semaphore(%arg22 : memref<!tpu.dma_semaphore, #tpu.memory_space<semaphore_mem>>) src(%arg15 : memref<120x128xf32, #tpu.memory_space<vmem>>) dst(%dma_wait3A_205 : memref<10112x128xf32, #tpu.memory_space<vmem_shared>>)
      %dma_start3A_206 = arith.constant 0 : i32
      %dma_start3A_207 = arith.constant 5 : i32
      %dma_start3A_208 = arith.constant 0 : i32
      %dma_start3A_209 = tpu.memref_slice %arg9[%dma_start3A_207, %dma_start3A_208] : memref<8x120xi32, #tpu.memory_space<vmem>> -> memref<1x120xi32, #tpu.memory_space<vmem>>
      %dma_start3A_210 = tpu.memref_squeeze %dma_start3A_209 : memref<1x120xi32, #tpu.memory_space<vmem>> -> memref<120xi32, #tpu.memory_space<vmem>>
      %dma_start3A_211 = arith.constant 0 : i32
      %dma_start3A_212 = arith.constant 0 : i32
      %dma_start3A_213 = tpu.memref_slice %arg2[%dma_start3A_206, %dma_start3A_211, %dma_start3A_212] : memref<1x10000x128xf32, #tpu.memory_space<hbm>> -> memref<1x10000x128xf32, #tpu.memory_space<hbm>>
      %dma_start3A_214 = tpu.memref_squeeze %dma_start3A_213 : memref<1x10000x128xf32, #tpu.memory_space<hbm>> -> memref<10000x128xf32, #tpu.memory_space<hbm>>
      %dma_start3A_215 = arith.constant 0 : i32
      %dma_start3A_216 = arith.constant 0 : i32
      %dma_start3A_217 = tpu.memref_slice %dma_start3A_214[%dma_start3A_215, %dma_start3A_216] : memref<10000x128xf32, #tpu.memory_space<hbm>> -> memref<10000x128xf32, #tpu.memory_space<hbm>>
      tpu.enqueue_indirect_dma source(%dma_start3A_217 : memref<10000x128xf32, #tpu.memory_space<hbm>>) target(%arg15 : memref<120x128xf32, #tpu.memory_space<vmem>>) offsets(%dma_start3A_210 : memref<120xi32, #tpu.memory_space<vmem>>) semaphore(%arg19 : memref<!tpu.dma_semaphore, #tpu.memory_space<semaphore_mem>>)
      %dma_wait3A_218 = arith.constant 0 : i32
      %dma_wait3A_219 = arith.constant 3 : i32
      %dma_wait3A_220 = arith.constant 0 : i32
      %dma_wait3A_221 = tpu.memref_slice %arg9[%dma_wait3A_219, %dma_wait3A_220] : memref<8x120xi32, #tpu.memory_space<vmem>> -> memref<1x120xi32, #tpu.memory_space<vmem>>
      %dma_wait3A_222 = tpu.memref_squeeze %dma_wait3A_221 : memref<1x120xi32, #tpu.memory_space<vmem>> -> memref<120xi32, #tpu.memory_space<vmem>>
      %dma_wait3A_223 = arith.constant 0 : i32
      %dma_wait3A_224 = arith.constant 0 : i32
      %dma_wait3A_225 = tpu.memref_slice %arg2[%dma_wait3A_218, %dma_wait3A_223, %dma_wait3A_224] : memref<1x10000x128xf32, #tpu.memory_space<hbm>> -> memref<1x10000x128xf32, #tpu.memory_space<hbm>>
      %dma_wait3A_226 = tpu.memref_squeeze %dma_wait3A_225 : memref<1x10000x128xf32, #tpu.memory_space<hbm>> -> memref<10000x128xf32, #tpu.memory_space<hbm>>
      %dma_wait3A_227 = arith.constant 0 : i32
      %dma_wait3A_228 = arith.constant 0 : i32
      %dma_wait3A_229 = tpu.memref_slice %dma_wait3A_226[%dma_wait3A_227, %dma_wait3A_228] : memref<10000x128xf32, #tpu.memory_space<hbm>> -> memref<10000x128xf32, #tpu.memory_space<hbm>>
      tpu.wait_indirect_dma semaphore(%arg17 : memref<!tpu.dma_semaphore, #tpu.memory_space<semaphore_mem>>) src(%dma_wait3A_229 : memref<10000x128xf32, #tpu.memory_space<hbm>>) dst(%arg13 : memref<120x128xf32, #tpu.memory_space<vmem>>)
      %dma_start3A_230 = arith.constant 3 : i32
      %dma_start3A_231 = arith.constant 0 : i32
      %dma_start3A_232 = tpu.memref_slice %arg10[%dma_start3A_230, %dma_start3A_231] : memref<8x120xi32, #tpu.memory_space<vmem>> -> memref<1x120xi32, #tpu.memory_space<vmem>>
      %dma_start3A_233 = tpu.memref_squeeze %dma_start3A_232 : memref<1x120xi32, #tpu.memory_space<vmem>> -> memref<120xi32, #tpu.memory_space<vmem>>
      %dma_start3A_234 = arith.constant 0 : i32
      %dma_start3A_235 = arith.constant 0 : i32
      %dma_start3A_236 = tpu.memref_slice %arg16[%dma_start3A_234, %dma_start3A_235] : memref<10112x128xf32, #tpu.memory_space<vmem_shared>> -> memref<10112x128xf32, #tpu.memory_space<vmem_shared>>
      tpu.enqueue_indirect_dma source(%arg13 : memref<120x128xf32, #tpu.memory_space<vmem>>) target(%dma_start3A_236 : memref<10112x128xf32, #tpu.memory_space<vmem_shared>>) offsets(%dma_start3A_233 : memref<120xi32, #tpu.memory_space<vmem>>) semaphore(%arg20 : memref<!tpu.dma_semaphore, #tpu.memory_space<semaphore_mem>>) {add = true}
      %dma_wait3A_237 = arith.constant 3 : i32
      %dma_wait3A_238 = arith.constant 0 : i32
      %dma_wait3A_239 = tpu.memref_slice %arg10[%dma_wait3A_237, %dma_wait3A_238] : memref<8x120xi32, #tpu.memory_space<vmem>> -> memref<1x120xi32, #tpu.memory_space<vmem>>
      %dma_wait3A_240 = tpu.memref_squeeze %dma_wait3A_239 : memref<1x120xi32, #tpu.memory_space<vmem>> -> memref<120xi32, #tpu.memory_space<vmem>>
      %dma_wait3A_241 = arith.constant 0 : i32
      %dma_wait3A_242 = arith.constant 0 : i32
      %dma_wait3A_243 = tpu.memref_slice %arg16[%dma_wait3A_241, %dma_wait3A_242] : memref<10112x128xf32, #tpu.memory_space<vmem_shared>> -> memref<10112x128xf32, #tpu.memory_space<vmem_shared>>
      tpu.wait_indirect_dma semaphore(%arg20 : memref<!tpu.dma_semaphore, #tpu.memory_space<semaphore_mem>>) src(%arg13 : memref<120x128xf32, #tpu.memory_space<vmem>>) dst(%dma_wait3A_243 : memref<10112x128xf32, #tpu.memory_space<vmem_shared>>)
      %dma_start3A_244 = arith.constant 0 : i32
      %dma_start3A_245 = arith.constant 6 : i32
      %dma_start3A_246 = arith.constant 0 : i32
      %dma_start3A_247 = tpu.memref_slice %arg9[%dma_start3A_245, %dma_start3A_246] : memref<8x120xi32, #tpu.memory_space<vmem>> -> memref<1x120xi32, #tpu.memory_space<vmem>>
      %dma_start3A_248 = tpu.memref_squeeze %dma_start3A_247 : memref<1x120xi32, #tpu.memory_space<vmem>> -> memref<120xi32, #tpu.memory_space<vmem>>
      %dma_start3A_249 = arith.constant 0 : i32
      %dma_start3A_250 = arith.constant 0 : i32
      %dma_start3A_251 = tpu.memref_slice %arg2[%dma_start3A_244, %dma_start3A_249, %dma_start3A_250] : memref<1x10000x128xf32, #tpu.memory_space<hbm>> -> memref<1x10000x128xf32, #tpu.memory_space<hbm>>
      %dma_start3A_252 = tpu.memref_squeeze %dma_start3A_251 : memref<1x10000x128xf32, #tpu.memory_space<hbm>> -> memref<10000x128xf32, #tpu.memory_space<hbm>>
      %dma_start3A_253 = arith.constant 0 : i32
      %dma_start3A_254 = arith.constant 0 : i32
      %dma_start3A_255 = tpu.memref_slice %dma_start3A_252[%dma_start3A_253, %dma_start3A_254] : memref<10000x128xf32, #tpu.memory_space<hbm>> -> memref<10000x128xf32, #tpu.memory_space<hbm>>
      tpu.enqueue_indirect_dma source(%dma_start3A_255 : memref<10000x128xf32, #tpu.memory_space<hbm>>) target(%arg13 : memref<120x128xf32, #tpu.memory_space<vmem>>) offsets(%dma_start3A_248 : memref<120xi32, #tpu.memory_space<vmem>>) semaphore(%arg17 : memref<!tpu.dma_semaphore, #tpu.memory_space<semaphore_mem>>)
      %dma_wait3A_256 = arith.constant 0 : i32
      %dma_wait3A_257 = arith.constant 4 : i32
      %dma_wait3A_258 = arith.constant 0 : i32
      %dma_wait3A_259 = tpu.memref_slice %arg9[%dma_wait3A_257, %dma_wait3A_258] : memref<8x120xi32, #tpu.memory_space<vmem>> -> memref<1x120xi32, #tpu.memory_space<vmem>>
      %dma_wait3A_260 = tpu.memref_squeeze %dma_wait3A_259 : memref<1x120xi32, #tpu.memory_space<vmem>> -> memref<120xi32, #tpu.memory_space<vmem>>
      %dma_wait3A_261 = arith.constant 0 : i32
      %dma_wait3A_262 = arith.constant 0 : i32
      %dma_wait3A_263 = tpu.memref_slice %arg2[%dma_wait3A_256, %dma_wait3A_261, %dma_wait3A_262] : memref<1x10000x128xf32, #tpu.memory_space<hbm>> -> memref<1x10000x128xf32, #tpu.memory_space<hbm>>
      %dma_wait3A_264 = tpu.memref_squeeze %dma_wait3A_263 : memref<1x10000x128xf32, #tpu.memory_space<hbm>> -> memref<10000x128xf32, #tpu.memory_space<hbm>>
      %dma_wait3A_265 = arith.constant 0 : i32
      %dma_wait3A_266 = arith.constant 0 : i32
      %dma_wait3A_267 = tpu.memref_slice %dma_wait3A_264[%dma_wait3A_265, %dma_wait3A_266] : memref<10000x128xf32, #tpu.memory_space<hbm>> -> memref<10000x128xf32, #tpu.memory_space<hbm>>
      tpu.wait_indirect_dma semaphore(%arg18 : memref<!tpu.dma_semaphore, #tpu.memory_space<semaphore_mem>>) src(%dma_wait3A_267 : memref<10000x128xf32, #tpu.memory_space<hbm>>) dst(%arg14 : memref<120x128xf32, #tpu.memory_space<vmem>>)
      %dma_start3A_268 = arith.constant 4 : i32
      %dma_start3A_269 = arith.constant 0 : i32
      %dma_start3A_270 = tpu.memref_slice %arg10[%dma_start3A_268, %dma_start3A_269] : memref<8x120xi32, #tpu.memory_space<vmem>> -> memref<1x120xi32, #tpu.memory_space<vmem>>
      %dma_start3A_271 = tpu.memref_squeeze %dma_start3A_270 : memref<1x120xi32, #tpu.memory_space<vmem>> -> memref<120xi32, #tpu.memory_space<vmem>>
      %dma_start3A_272 = arith.constant 0 : i32
      %dma_start3A_273 = arith.constant 0 : i32
      %dma_start3A_274 = tpu.memref_slice %arg16[%dma_start3A_272, %dma_start3A_273] : memref<10112x128xf32, #tpu.memory_space<vmem_shared>> -> memref<10112x128xf32, #tpu.memory_space<vmem_shared>>
      tpu.enqueue_indirect_dma source(%arg14 : memref<120x128xf32, #tpu.memory_space<vmem>>) target(%dma_start3A_274 : memref<10112x128xf32, #tpu.memory_space<vmem_shared>>) offsets(%dma_start3A_271 : memref<120xi32, #tpu.memory_space<vmem>>) semaphore(%arg21 : memref<!tpu.dma_semaphore, #tpu.memory_space<semaphore_mem>>) {add = true}
      %dma_wait3A_275 = arith.constant 4 : i32
      %dma_wait3A_276 = arith.constant 0 : i32
      %dma_wait3A_277 = tpu.memref_slice %arg10[%dma_wait3A_275, %dma_wait3A_276] : memref<8x120xi32, #tpu.memory_space<vmem>> -> memref<1x120xi32, #tpu.memory_space<vmem>>
      %dma_wait3A_278 = tpu.memref_squeeze %dma_wait3A_277 : memref<1x120xi32, #tpu.memory_space<vmem>> -> memref<120xi32, #tpu.memory_space<vmem>>
      %dma_wait3A_279 = arith.constant 0 : i32
      %dma_wait3A_280 = arith.constant 0 : i32
      %dma_wait3A_281 = tpu.memref_slice %arg16[%dma_wait3A_279, %dma_wait3A_280] : memref<10112x128xf32, #tpu.memory_space<vmem_shared>> -> memref<10112x128xf32, #tpu.memory_space<vmem_shared>>
      tpu.wait_indirect_dma semaphore(%arg21 : memref<!tpu.dma_semaphore, #tpu.memory_space<semaphore_mem>>) src(%arg14 : memref<120x128xf32, #tpu.memory_space<vmem>>) dst(%dma_wait3A_281 : memref<10112x128xf32, #tpu.memory_space<vmem_shared>>)
      %dma_start3A_282 = arith.constant 0 : i32
      %dma_start3A_283 = arith.constant 7 : i32
      %dma_start3A_284 = arith.constant 0 : i32
      %dma_start3A_285 = tpu.memref_slice %arg9[%dma_start3A_283, %dma_start3A_284] : memref<8x120xi32, #tpu.memory_space<vmem>> -> memref<1x120xi32, #tpu.memory_space<vmem>>
      %dma_start3A_286 = tpu.memref_squeeze %dma_start3A_285 : memref<1x120xi32, #tpu.memory_space<vmem>> -> memref<120xi32, #tpu.memory_space<vmem>>
      %dma_start3A_287 = arith.constant 0 : i32
      %dma_start3A_288 = arith.constant 0 : i32
      %dma_start3A_289 = tpu.memref_slice %arg2[%dma_start3A_282, %dma_start3A_287, %dma_start3A_288] : memref<1x10000x128xf32, #tpu.memory_space<hbm>> -> memref<1x10000x128xf32, #tpu.memory_space<hbm>>
      %dma_start3A_290 = tpu.memref_squeeze %dma_start3A_289 : memref<1x10000x128xf32, #tpu.memory_space<hbm>> -> memref<10000x128xf32, #tpu.memory_space<hbm>>
      %dma_start3A_291 = arith.constant 0 : i32
      %dma_start3A_292 = arith.constant 0 : i32
      %dma_start3A_293 = tpu.memref_slice %dma_start3A_290[%dma_start3A_291, %dma_start3A_292] : memref<10000x128xf32, #tpu.memory_space<hbm>> -> memref<10000x128xf32, #tpu.memory_space<hbm>>
      tpu.enqueue_indirect_dma source(%dma_start3A_293 : memref<10000x128xf32, #tpu.memory_space<hbm>>) target(%arg14 : memref<120x128xf32, #tpu.memory_space<vmem>>) offsets(%dma_start3A_286 : memref<120xi32, #tpu.memory_space<vmem>>) semaphore(%arg18 : memref<!tpu.dma_semaphore, #tpu.memory_space<semaphore_mem>>)
      %dma_wait3A_294 = arith.constant 0 : i32
      %dma_wait3A_295 = arith.constant 5 : i32
      %dma_wait3A_296 = arith.constant 0 : i32
      %dma_wait3A_297 = tpu.memref_slice %arg9[%dma_wait3A_295, %dma_wait3A_296] : memref<8x120xi32, #tpu.memory_space<vmem>> -> memref<1x120xi32, #tpu.memory_space<vmem>>
      %dma_wait3A_298 = tpu.memref_squeeze %dma_wait3A_297 : memref<1x120xi32, #tpu.memory_space<vmem>> -> memref<120xi32, #tpu.memory_space<vmem>>
      %dma_wait3A_299 = arith.constant 0 : i32
      %dma_wait3A_300 = arith.constant 0 : i32
      %dma_wait3A_301 = tpu.memref_slice %arg2[%dma_wait3A_294, %dma_wait3A_299, %dma_wait3A_300] : memref<1x10000x128xf32, #tpu.memory_space<hbm>> -> memref<1x10000x128xf32, #tpu.memory_space<hbm>>
      %dma_wait3A_302 = tpu.memref_squeeze %dma_wait3A_301 : memref<1x10000x128xf32, #tpu.memory_space<hbm>> -> memref<10000x128xf32, #tpu.memory_space<hbm>>
      %dma_wait3A_303 = arith.constant 0 : i32
      %dma_wait3A_304 = arith.constant 0 : i32
      %dma_wait3A_305 = tpu.memref_slice %dma_wait3A_302[%dma_wait3A_303, %dma_wait3A_304] : memref<10000x128xf32, #tpu.memory_space<hbm>> -> memref<10000x128xf32, #tpu.memory_space<hbm>>
      tpu.wait_indirect_dma semaphore(%arg19 : memref<!tpu.dma_semaphore, #tpu.memory_space<semaphore_mem>>) src(%dma_wait3A_305 : memref<10000x128xf32, #tpu.memory_space<hbm>>) dst(%arg15 : memref<120x128xf32, #tpu.memory_space<vmem>>)
      %dma_start3A_306 = arith.constant 5 : i32
      %dma_start3A_307 = arith.constant 0 : i32
      %dma_start3A_308 = tpu.memref_slice %arg10[%dma_start3A_306, %dma_start3A_307] : memref<8x120xi32, #tpu.memory_space<vmem>> -> memref<1x120xi32, #tpu.memory_space<vmem>>
      %dma_start3A_309 = tpu.memref_squeeze %dma_start3A_308 : memref<1x120xi32, #tpu.memory_space<vmem>> -> memref<120xi32, #tpu.memory_space<vmem>>
      %dma_start3A_310 = arith.constant 0 : i32
      %dma_start3A_311 = arith.constant 0 : i32
      %dma_start3A_312 = tpu.memref_slice %arg16[%dma_start3A_310, %dma_start3A_311] : memref<10112x128xf32, #tpu.memory_space<vmem_shared>> -> memref<10112x128xf32, #tpu.memory_space<vmem_shared>>
      tpu.enqueue_indirect_dma source(%arg15 : memref<120x128xf32, #tpu.memory_space<vmem>>) target(%dma_start3A_312 : memref<10112x128xf32, #tpu.memory_space<vmem_shared>>) offsets(%dma_start3A_309 : memref<120xi32, #tpu.memory_space<vmem>>) semaphore(%arg22 : memref<!tpu.dma_semaphore, #tpu.memory_space<semaphore_mem>>) {add = true}
      %dma_wait3A_313 = arith.constant 0 : i32
      %dma_wait3A_314 = arith.constant 6 : i32
      %dma_wait3A_315 = arith.constant 0 : i32
      %dma_wait3A_316 = tpu.memref_slice %arg9[%dma_wait3A_314, %dma_wait3A_315] : memref<8x120xi32, #tpu.memory_space<vmem>> -> memref<1x120xi32, #tpu.memory_space<vmem>>
      %dma_wait3A_317 = tpu.memref_squeeze %dma_wait3A_316 : memref<1x120xi32, #tpu.memory_space<vmem>> -> memref<120xi32, #tpu.memory_space<vmem>>
      %dma_wait3A_318 = arith.constant 0 : i32
      %dma_wait3A_319 = arith.constant 0 : i32
      %dma_wait3A_320 = tpu.memref_slice %arg2[%dma_wait3A_313, %dma_wait3A_318, %dma_wait3A_319] : memref<1x10000x128xf32, #tpu.memory_space<hbm>> -> memref<1x10000x128xf32, #tpu.memory_space<hbm>>
      %dma_wait3A_321 = tpu.memref_squeeze %dma_wait3A_320 : memref<1x10000x128xf32, #tpu.memory_space<hbm>> -> memref<10000x128xf32, #tpu.memory_space<hbm>>
      %dma_wait3A_322 = arith.constant 0 : i32
      %dma_wait3A_323 = arith.constant 0 : i32
      %dma_wait3A_324 = tpu.memref_slice %dma_wait3A_321[%dma_wait3A_322, %dma_wait3A_323] : memref<10000x128xf32, #tpu.memory_space<hbm>> -> memref<10000x128xf32, #tpu.memory_space<hbm>>
      tpu.wait_indirect_dma semaphore(%arg17 : memref<!tpu.dma_semaphore, #tpu.memory_space<semaphore_mem>>) src(%dma_wait3A_324 : memref<10000x128xf32, #tpu.memory_space<hbm>>) dst(%arg13 : memref<120x128xf32, #tpu.memory_space<vmem>>)
      %dma_start3A_325 = arith.constant 6 : i32
      %dma_start3A_326 = arith.constant 0 : i32
      %dma_start3A_327 = tpu.memref_slice %arg10[%dma_start3A_325, %dma_start3A_326] : memref<8x120xi32, #tpu.memory_space<vmem>> -> memref<1x120xi32, #tpu.memory_space<vmem>>
      %dma_start3A_328 = tpu.memref_squeeze %dma_start3A_327 : memref<1x120xi32, #tpu.memory_space<vmem>> -> memref<120xi32, #tpu.memory_space<vmem>>
      %dma_start3A_329 = arith.constant 0 : i32
      %dma_start3A_330 = arith.constant 0 : i32
      %dma_start3A_331 = tpu.memref_slice %arg16[%dma_start3A_329, %dma_start3A_330] : memref<10112x128xf32, #tpu.memory_space<vmem_shared>> -> memref<10112x128xf32, #tpu.memory_space<vmem_shared>>
      tpu.enqueue_indirect_dma source(%arg13 : memref<120x128xf32, #tpu.memory_space<vmem>>) target(%dma_start3A_331 : memref<10112x128xf32, #tpu.memory_space<vmem_shared>>) offsets(%dma_start3A_328 : memref<120xi32, #tpu.memory_space<vmem>>) semaphore(%arg20 : memref<!tpu.dma_semaphore, #tpu.memory_space<semaphore_mem>>) {add = true}
      %dma_wait3A_332 = arith.constant 0 : i32
      %dma_wait3A_333 = arith.constant 7 : i32
      %dma_wait3A_334 = arith.constant 0 : i32
      %dma_wait3A_335 = tpu.memref_slice %arg9[%dma_wait3A_333, %dma_wait3A_334] : memref<8x120xi32, #tpu.memory_space<vmem>> -> memref<1x120xi32, #tpu.memory_space<vmem>>
      %dma_wait3A_336 = tpu.memref_squeeze %dma_wait3A_335 : memref<1x120xi32, #tpu.memory_space<vmem>> -> memref<120xi32, #tpu.memory_space<vmem>>
      %dma_wait3A_337 = arith.constant 0 : i32
      %dma_wait3A_338 = arith.constant 0 : i32
      %dma_wait3A_339 = tpu.memref_slice %arg2[%dma_wait3A_332, %dma_wait3A_337, %dma_wait3A_338] : memref<1x10000x128xf32, #tpu.memory_space<hbm>> -> memref<1x10000x128xf32, #tpu.memory_space<hbm>>
      %dma_wait3A_340 = tpu.memref_squeeze %dma_wait3A_339 : memref<1x10000x128xf32, #tpu.memory_space<hbm>> -> memref<10000x128xf32, #tpu.memory_space<hbm>>
      %dma_wait3A_341 = arith.constant 0 : i32
      %dma_wait3A_342 = arith.constant 0 : i32
      %dma_wait3A_343 = tpu.memref_slice %dma_wait3A_340[%dma_wait3A_341, %dma_wait3A_342] : memref<10000x128xf32, #tpu.memory_space<hbm>> -> memref<10000x128xf32, #tpu.memory_space<hbm>>
      tpu.wait_indirect_dma semaphore(%arg18 : memref<!tpu.dma_semaphore, #tpu.memory_space<semaphore_mem>>) src(%dma_wait3A_343 : memref<10000x128xf32, #tpu.memory_space<hbm>>) dst(%arg14 : memref<120x128xf32, #tpu.memory_space<vmem>>)
      %dma_start3A_344 = arith.constant 7 : i32
      %dma_start3A_345 = arith.constant 0 : i32
      %dma_start3A_346 = tpu.memref_slice %arg10[%dma_start3A_344, %dma_start3A_345] : memref<8x120xi32, #tpu.memory_space<vmem>> -> memref<1x120xi32, #tpu.memory_space<vmem>>
      %dma_start3A_347 = tpu.memref_squeeze %dma_start3A_346 : memref<1x120xi32, #tpu.memory_space<vmem>> -> memref<120xi32, #tpu.memory_space<vmem>>
      %dma_start3A_348 = arith.constant 0 : i32
      %dma_start3A_349 = arith.constant 0 : i32
      %dma_start3A_350 = tpu.memref_slice %arg16[%dma_start3A_348, %dma_start3A_349] : memref<10112x128xf32, #tpu.memory_space<vmem_shared>> -> memref<10112x128xf32, #tpu.memory_space<vmem_shared>>
      tpu.enqueue_indirect_dma source(%arg14 : memref<120x128xf32, #tpu.memory_space<vmem>>) target(%dma_start3A_350 : memref<10112x128xf32, #tpu.memory_space<vmem_shared>>) offsets(%dma_start3A_347 : memref<120xi32, #tpu.memory_space<vmem>>) semaphore(%arg21 : memref<!tpu.dma_semaphore, #tpu.memory_space<semaphore_mem>>) {add = true}
      %dma_wait3A_351 = arith.constant 6 : i32
      %dma_wait3A_352 = arith.constant 0 : i32
      %dma_wait3A_353 = tpu.memref_slice %arg10[%dma_wait3A_351, %dma_wait3A_352] : memref<8x120xi32, #tpu.memory_space<vmem>> -> memref<1x120xi32, #tpu.memory_space<vmem>>
      %dma_wait3A_354 = tpu.memref_squeeze %dma_wait3A_353 : memref<1x120xi32, #tpu.memory_space<vmem>> -> memref<120xi32, #tpu.memory_space<vmem>>
      %dma_wait3A_355 = arith.constant 0 : i32
      %dma_wait3A_356 = arith.constant 0 : i32
      %dma_wait3A_357 = tpu.memref_slice %arg16[%dma_wait3A_355, %dma_wait3A_356] : memref<10112x128xf32, #tpu.memory_space<vmem_shared>> -> memref<10112x128xf32, #tpu.memory_space<vmem_shared>>
      tpu.wait_indirect_dma semaphore(%arg20 : memref<!tpu.dma_semaphore, #tpu.memory_space<semaphore_mem>>) src(%arg13 : memref<120x128xf32, #tpu.memory_space<vmem>>) dst(%dma_wait3A_357 : memref<10112x128xf32, #tpu.memory_space<vmem_shared>>)
      %dma_wait3A_358 = arith.constant 7 : i32
      %dma_wait3A_359 = arith.constant 0 : i32
      %dma_wait3A_360 = tpu.memref_slice %arg10[%dma_wait3A_358, %dma_wait3A_359] : memref<8x120xi32, #tpu.memory_space<vmem>> -> memref<1x120xi32, #tpu.memory_space<vmem>>
      %dma_wait3A_361 = tpu.memref_squeeze %dma_wait3A_360 : memref<1x120xi32, #tpu.memory_space<vmem>> -> memref<120xi32, #tpu.memory_space<vmem>>
      %dma_wait3A_362 = arith.constant 0 : i32
      %dma_wait3A_363 = arith.constant 0 : i32
      %dma_wait3A_364 = tpu.memref_slice %arg16[%dma_wait3A_362, %dma_wait3A_363] : memref<10112x128xf32, #tpu.memory_space<vmem_shared>> -> memref<10112x128xf32, #tpu.memory_space<vmem_shared>>
      tpu.wait_indirect_dma semaphore(%arg21 : memref<!tpu.dma_semaphore, #tpu.memory_space<semaphore_mem>>) src(%arg14 : memref<120x128xf32, #tpu.memory_space<vmem>>) dst(%dma_wait3A_364 : memref<10112x128xf32, #tpu.memory_space<vmem_shared>>)
      %dma_wait3A_365 = arith.constant 5 : i32
      %dma_wait3A_366 = arith.constant 0 : i32
      %dma_wait3A_367 = tpu.memref_slice %arg10[%dma_wait3A_365, %dma_wait3A_366] : memref<8x120xi32, #tpu.memory_space<vmem>> -> memref<1x120xi32, #tpu.memory_space<vmem>>
      %dma_wait3A_368 = tpu.memref_squeeze %dma_wait3A_367 : memref<1x120xi32, #tpu.memory_space<vmem>> -> memref<120xi32, #tpu.memory_space<vmem>>
      %dma_wait3A_369 = arith.constant 0 : i32
      %dma_wait3A_370 = arith.constant 0 : i32
      %dma_wait3A_371 = tpu.memref_slice %arg16[%dma_wait3A_369, %dma_wait3A_370] : memref<10112x128xf32, #tpu.memory_space<vmem_shared>> -> memref<10112x128xf32, #tpu.memory_space<vmem_shared>>
      tpu.wait_indirect_dma semaphore(%arg22 : memref<!tpu.dma_semaphore, #tpu.memory_space<semaphore_mem>>) src(%arg15 : memref<120x128xf32, #tpu.memory_space<vmem>>) dst(%dma_wait3A_371 : memref<10112x128xf32, #tpu.memory_space<vmem_shared>>)
    }
    %scan3A_6 = arith.constant 5 : i32
    %mul3A_7 = arith.constant 48 : i32
    %mul3A_8 = arith.muli %add3A, %mul3A_7 : i32
    %add3A_9 = arith.constant 40 : i32
    %add3A_10 = arith.addi %mul3A_8, %add3A_9 : i32
    %multiple_of3A_11 = tpu.assume_multiple %add3A_10, 8 : i32
    "tpu.region"() ({
      %run_scoped3A_57 = tpu.sem_alloc : memref<!tpu.dma_semaphore, #tpu.memory_space<semaphore_mem>>
      %dma_start3A_58 = arith.constant 0 : i32
      %dma_start3A_59 = tpu.memref_slice %arg3[%multiple_of3A_11, %dma_start3A_58] : memref<1536x120xi32, #tpu.memory_space<hbm>> -> memref<8x120xi32, #tpu.memory_space<hbm>>
      %dma_start3A_60 = arith.constant 0 : i32
      %dma_start3A_61 = tpu.memref_slice %arg3[%multiple_of3A_11, %dma_start3A_60] : memref<1536x120xi32, #tpu.memory_space<hbm>> -> memref<8x120xi32, #tpu.memory_space<hbm>>
      tpu.enqueue_dma source(%dma_start3A_61 : memref<8x120xi32, #tpu.memory_space<hbm>>) target(%arg9 : memref<8x120xi32, #tpu.memory_space<vmem>>) target_semaphore(%run_scoped3A_57 : memref<!tpu.dma_semaphore, #tpu.memory_space<semaphore_mem>>)
      %dma_wait3A_62 = arith.constant 0 : i32
      %dma_wait3A_63 = tpu.memref_slice %arg3[%multiple_of3A_11, %dma_wait3A_62] : memref<1536x120xi32, #tpu.memory_space<hbm>> -> memref<8x120xi32, #tpu.memory_space<hbm>>
      %dma_wait3A_64 = arith.constant 0 : i32
      %dma_wait3A_65 = tpu.memref_slice %arg3[%multiple_of3A_11, %dma_wait3A_64] : memref<1536x120xi32, #tpu.memory_space<hbm>> -> memref<8x120xi32, #tpu.memory_space<hbm>>
      tpu.wait_dma2 semaphore(%run_scoped3A_57 : memref<!tpu.dma_semaphore, #tpu.memory_space<semaphore_mem>>) src(%dma_wait3A_65 : memref<8x120xi32, #tpu.memory_space<hbm>>) dst(%arg9 : memref<8x120xi32, #tpu.memory_space<vmem>>)
      tpu.yield
    }) : () -> ()
    "tpu.region"() ({
      %run_scoped3A_57 = tpu.sem_alloc : memref<!tpu.dma_semaphore, #tpu.memory_space<semaphore_mem>>
      %dma_start3A_58 = arith.constant 0 : i32
      %dma_start3A_59 = tpu.memref_slice %arg4[%multiple_of3A_11, %dma_start3A_58] : memref<1536x120xi32, #tpu.memory_space<hbm>> -> memref<8x120xi32, #tpu.memory_space<hbm>>
      %dma_start3A_60 = arith.constant 0 : i32
      %dma_start3A_61 = tpu.memref_slice %arg4[%multiple_of3A_11, %dma_start3A_60] : memref<1536x120xi32, #tpu.memory_space<hbm>> -> memref<8x120xi32, #tpu.memory_space<hbm>>
      tpu.enqueue_dma source(%dma_start3A_61 : memref<8x120xi32, #tpu.memory_space<hbm>>) target(%arg10 : memref<8x120xi32, #tpu.memory_space<vmem>>) target_semaphore(%run_scoped3A_57 : memref<!tpu.dma_semaphore, #tpu.memory_space<semaphore_mem>>)
      %dma_wait3A_62 = arith.constant 0 : i32
      %dma_wait3A_63 = tpu.memref_slice %arg4[%multiple_of3A_11, %dma_wait3A_62] : memref<1536x120xi32, #tpu.memory_space<hbm>> -> memref<8x120xi32, #tpu.memory_space<hbm>>
      %dma_wait3A_64 = arith.constant 0 : i32
      %dma_wait3A_65 = tpu.memref_slice %arg4[%multiple_of3A_11, %dma_wait3A_64] : memref<1536x120xi32, #tpu.memory_space<hbm>> -> memref<8x120xi32, #tpu.memory_space<hbm>>
      tpu.wait_dma2 semaphore(%run_scoped3A_57 : memref<!tpu.dma_semaphore, #tpu.memory_space<semaphore_mem>>) src(%dma_wait3A_65 : memref<8x120xi32, #tpu.memory_space<hbm>>) dst(%arg10 : memref<8x120xi32, #tpu.memory_space<vmem>>)
      tpu.yield
    }) : () -> ()
    %dma_start3A = arith.constant 0 : i32
    %dma_start3A_12 = arith.constant 0 : i32
    %dma_start3A_13 = arith.constant 0 : i32
    %dma_start3A_14 = tpu.memref_slice %arg9[%dma_start3A_12, %dma_start3A_13] : memref<8x120xi32, #tpu.memory_space<vmem>> -> memref<1x120xi32, #tpu.memory_space<vmem>>
    %dma_start3A_15 = tpu.memref_squeeze %dma_start3A_14 : memref<1x120xi32, #tpu.memory_space<vmem>> -> memref<120xi32, #tpu.memory_space<vmem>>
    %dma_start3A_16 = arith.constant 0 : i32
    %dma_start3A_17 = arith.constant 0 : i32
    %dma_start3A_18 = tpu.memref_slice %arg2[%dma_start3A, %dma_start3A_16, %dma_start3A_17] : memref<1x10000x128xf32, #tpu.memory_space<hbm>> -> memref<1x10000x128xf32, #tpu.memory_space<hbm>>
    %dma_start3A_19 = tpu.memref_squeeze %dma_start3A_18 : memref<1x10000x128xf32, #tpu.memory_space<hbm>> -> memref<10000x128xf32, #tpu.memory_space<hbm>>
    %dma_start3A_20 = arith.constant 0 : i32
    %dma_start3A_21 = arith.constant 0 : i32
    %dma_start3A_22 = tpu.memref_slice %dma_start3A_19[%dma_start3A_20, %dma_start3A_21] : memref<10000x128xf32, #tpu.memory_space<hbm>> -> memref<10000x128xf32, #tpu.memory_space<hbm>>
    tpu.enqueue_indirect_dma source(%dma_start3A_22 : memref<10000x128xf32, #tpu.memory_space<hbm>>) target(%arg13 : memref<120x128xf32, #tpu.memory_space<vmem>>) offsets(%dma_start3A_15 : memref<120xi32, #tpu.memory_space<vmem>>) semaphore(%arg17 : memref<!tpu.dma_semaphore, #tpu.memory_space<semaphore_mem>>)
    %dma_wait3A = arith.constant 0 : i32
    %dma_wait3A_23 = arith.constant 0 : i32
    %dma_wait3A_24 = arith.constant 0 : i32
    %dma_wait3A_25 = tpu.memref_slice %arg9[%dma_wait3A_23, %dma_wait3A_24] : memref<8x120xi32, #tpu.memory_space<vmem>> -> memref<1x120xi32, #tpu.memory_space<vmem>>
    %dma_wait3A_26 = tpu.memref_squeeze %dma_wait3A_25 : memref<1x120xi32, #tpu.memory_space<vmem>> -> memref<120xi32, #tpu.memory_space<vmem>>
    %dma_wait3A_27 = arith.constant 0 : i32
    %dma_wait3A_28 = arith.constant 0 : i32
    %dma_wait3A_29 = tpu.memref_slice %arg2[%dma_wait3A, %dma_wait3A_27, %dma_wait3A_28] : memref<1x10000x128xf32, #tpu.memory_space<hbm>> -> memref<1x10000x128xf32, #tpu.memory_space<hbm>>
    %dma_wait3A_30 = tpu.memref_squeeze %dma_wait3A_29 : memref<1x10000x128xf32, #tpu.memory_space<hbm>> -> memref<10000x128xf32, #tpu.memory_space<hbm>>
    %dma_wait3A_31 = arith.constant 0 : i32
    %dma_wait3A_32 = arith.constant 0 : i32
    %dma_wait3A_33 = tpu.memref_slice %dma_wait3A_30[%dma_wait3A_31, %dma_wait3A_32] : memref<10000x128xf32, #tpu.memory_space<hbm>> -> memref<10000x128xf32, #tpu.memory_space<hbm>>
    tpu.wait_indirect_dma semaphore(%arg17 : memref<!tpu.dma_semaphore, #tpu.memory_space<semaphore_mem>>) src(%dma_wait3A_33 : memref<10000x128xf32, #tpu.memory_space<hbm>>) dst(%arg13 : memref<120x128xf32, #tpu.memory_space<vmem>>)
    %run_scoped3A = arith.constant 0 : i32
    "tpu.region"() ({
      %run_scoped3A_57 = tpu.sem_alloc : memref<!tpu.dma_semaphore, #tpu.memory_space<semaphore_mem>>
      %dma_start3A_58 = arith.constant 0 : i32
      %dma_start3A_59 = tpu.memref_slice %arg10[%run_scoped3A, %dma_start3A_58] : memref<8x120xi32, #tpu.memory_space<vmem>> -> memref<1x120xi32, #tpu.memory_space<vmem>>
      %dma_start3A_60 = tpu.memref_squeeze %dma_start3A_59 : memref<1x120xi32, #tpu.memory_space<vmem>> -> memref<120xi32, #tpu.memory_space<vmem>>
      %dma_start3A_61 = arith.constant 0 : i32
      %dma_start3A_62 = arith.constant 0 : i32
      %dma_start3A_63 = tpu.memref_slice %arg16[%dma_start3A_61, %dma_start3A_62] : memref<10112x128xf32, #tpu.memory_space<vmem_shared>> -> memref<10112x128xf32, #tpu.memory_space<vmem_shared>>
      tpu.enqueue_indirect_dma source(%arg13 : memref<120x128xf32, #tpu.memory_space<vmem>>) target(%dma_start3A_63 : memref<10112x128xf32, #tpu.memory_space<vmem_shared>>) offsets(%dma_start3A_60 : memref<120xi32, #tpu.memory_space<vmem>>) semaphore(%run_scoped3A_57 : memref<!tpu.dma_semaphore, #tpu.memory_space<semaphore_mem>>) {add = true}
      %dma_wait3A_64 = arith.constant 0 : i32
      %dma_wait3A_65 = tpu.memref_slice %arg10[%run_scoped3A, %dma_wait3A_64] : memref<8x120xi32, #tpu.memory_space<vmem>> -> memref<1x120xi32, #tpu.memory_space<vmem>>
      %dma_wait3A_66 = tpu.memref_squeeze %dma_wait3A_65 : memref<1x120xi32, #tpu.memory_space<vmem>> -> memref<120xi32, #tpu.memory_space<vmem>>
      %dma_wait3A_67 = arith.constant 0 : i32
      %dma_wait3A_68 = arith.constant 0 : i32
      %dma_wait3A_69 = tpu.memref_slice %arg16[%dma_wait3A_67, %dma_wait3A_68] : memref<10112x128xf32, #tpu.memory_space<vmem_shared>> -> memref<10112x128xf32, #tpu.memory_space<vmem_shared>>
      tpu.wait_indirect_dma semaphore(%run_scoped3A_57 : memref<!tpu.dma_semaphore, #tpu.memory_space<semaphore_mem>>) src(%arg13 : memref<120x128xf32, #tpu.memory_space<vmem>>) dst(%dma_wait3A_69 : memref<10112x128xf32, #tpu.memory_space<vmem_shared>>)
      tpu.yield
    }) : () -> ()
    %dma_start3A_34 = arith.constant 0 : i32
    %dma_start3A_35 = arith.constant 0 : i32
    %dma_start3A_36 = arith.constant 0 : i32
    %dma_start3A_37 = tpu.memref_slice %arg13[%dma_start3A_35, %dma_start3A_36] : memref<120x128xf32, #tpu.memory_space<vmem>> -> memref<80x128xf32, #tpu.memory_space<vmem>>
    %dma_start3A_38 = arith.constant 0 : i32
    %dma_start3A_39 = arith.constant 0 : i32
    %dma_start3A_40 = tpu.memref_slice %arg2[%dma_start3A_34, %dma_start3A_38, %dma_start3A_39] : memref<1x10000x128xf32, #tpu.memory_space<hbm>> -> memref<1x10000x128xf32, #tpu.memory_space<hbm>>
    %dma_start3A_41 = tpu.memref_squeeze %dma_start3A_40 : memref<1x10000x128xf32, #tpu.memory_space<hbm>> -> memref<10000x128xf32, #tpu.memory_space<hbm>>
    %dma_start3A_42 = arith.constant 0 : i32
    %dma_start3A_43 = arith.constant 0 : i32
    %dma_start3A_44 = tpu.memref_slice %dma_start3A_41[%dma_start3A_42, %dma_start3A_43] : memref<10000x128xf32, #tpu.memory_space<hbm>> -> memref<10000x128xf32, #tpu.memory_space<hbm>>
    tpu.enqueue_indirect_dma source(%dma_start3A_44 : memref<10000x128xf32, #tpu.memory_space<hbm>>) target(%dma_start3A_37 : memref<80x128xf32, #tpu.memory_space<vmem>>) offsets(%arg11 : memref<80xi32, #tpu.memory_space<vmem>>) semaphore(%arg17 : memref<!tpu.dma_semaphore, #tpu.memory_space<semaphore_mem>>)
    %dma_wait3A_45 = arith.constant 0 : i32
    %dma_wait3A_46 = arith.constant 0 : i32
    %dma_wait3A_47 = arith.constant 0 : i32
    %dma_wait3A_48 = tpu.memref_slice %arg13[%dma_wait3A_46, %dma_wait3A_47] : memref<120x128xf32, #tpu.memory_space<vmem>> -> memref<80x128xf32, #tpu.memory_space<vmem>>
    %dma_wait3A_49 = arith.constant 0 : i32
    %dma_wait3A_50 = arith.constant 0 : i32
    %dma_wait3A_51 = tpu.memref_slice %arg2[%dma_wait3A_45, %dma_wait3A_49, %dma_wait3A_50] : memref<1x10000x128xf32, #tpu.memory_space<hbm>> -> memref<1x10000x128xf32, #tpu.memory_space<hbm>>
    %dma_wait3A_52 = tpu.memref_squeeze %dma_wait3A_51 : memref<1x10000x128xf32, #tpu.memory_space<hbm>> -> memref<10000x128xf32, #tpu.memory_space<hbm>>
    %dma_wait3A_53 = arith.constant 0 : i32
    %dma_wait3A_54 = arith.constant 0 : i32
    %dma_wait3A_55 = tpu.memref_slice %dma_wait3A_52[%dma_wait3A_53, %dma_wait3A_54] : memref<10000x128xf32, #tpu.memory_space<hbm>> -> memref<10000x128xf32, #tpu.memory_space<hbm>>
    tpu.wait_indirect_dma semaphore(%arg17 : memref<!tpu.dma_semaphore, #tpu.memory_space<semaphore_mem>>) src(%dma_wait3A_55 : memref<10000x128xf32, #tpu.memory_space<hbm>>) dst(%dma_wait3A_48 : memref<80x128xf32, #tpu.memory_space<vmem>>)
    "tpu.region"() ({
      %run_scoped3A_57 = tpu.sem_alloc : memref<!tpu.dma_semaphore, #tpu.memory_space<semaphore_mem>>
      %dma_start3A_58 = arith.constant 0 : i32
      %dma_start3A_59 = arith.constant 0 : i32
      %dma_start3A_60 = tpu.memref_slice %arg13[%dma_start3A_58, %dma_start3A_59] : memref<120x128xf32, #tpu.memory_space<vmem>> -> memref<80x128xf32, #tpu.memory_space<vmem>>
      %dma_start3A_61 = arith.constant 0 : i32
      %dma_start3A_62 = arith.constant 0 : i32
      %dma_start3A_63 = tpu.memref_slice %arg16[%dma_start3A_61, %dma_start3A_62] : memref<10112x128xf32, #tpu.memory_space<vmem_shared>> -> memref<10112x128xf32, #tpu.memory_space<vmem_shared>>
      tpu.enqueue_indirect_dma source(%dma_start3A_60 : memref<80x128xf32, #tpu.memory_space<vmem>>) target(%dma_start3A_63 : memref<10112x128xf32, #tpu.memory_space<vmem_shared>>) offsets(%arg12 : memref<80xi32, #tpu.memory_space<vmem>>) semaphore(%run_scoped3A_57 : memref<!tpu.dma_semaphore, #tpu.memory_space<semaphore_mem>>) {add = true}
      %dma_wait3A_64 = arith.constant 0 : i32
      %dma_wait3A_65 = arith.constant 0 : i32
      %dma_wait3A_66 = tpu.memref_slice %arg13[%dma_wait3A_64, %dma_wait3A_65] : memref<120x128xf32, #tpu.memory_space<vmem>> -> memref<80x128xf32, #tpu.memory_space<vmem>>
      %dma_wait3A_67 = arith.constant 0 : i32
      %dma_wait3A_68 = arith.constant 0 : i32
      %dma_wait3A_69 = tpu.memref_slice %arg16[%dma_wait3A_67, %dma_wait3A_68] : memref<10112x128xf32, #tpu.memory_space<vmem_shared>> -> memref<10112x128xf32, #tpu.memory_space<vmem_shared>>
      tpu.wait_indirect_dma semaphore(%run_scoped3A_57 : memref<!tpu.dma_semaphore, #tpu.memory_space<semaphore_mem>>) src(%dma_wait3A_66 : memref<80x128xf32, #tpu.memory_space<vmem>>) dst(%dma_wait3A_69 : memref<10112x128xf32, #tpu.memory_space<vmem_shared>>)
      tpu.yield
    }) : () -> ()
    %barrier3A_56 = arith.constant 0 : index
    tpu.barrier barrier_id(%barrier3A_56)
    "tpu.region"() ({
      %run_scoped3A_57 = tpu.sem_alloc : memref<!tpu.dma_semaphore, #tpu.memory_space<semaphore_mem>>
      %dma_start3A_58 = arith.constant 0 : i32
      %dma_start3A_59 = arith.constant 0 : i32
      %dma_start3A_60 = tpu.memref_slice %arg8[%arg0, %dma_start3A_58, %dma_start3A_59] : memref<2x10112x128xf32, #tpu.memory_space<hbm>> -> memref<1x10112x128xf32, #tpu.memory_space<hbm>>
      %dma_start3A_61 = tpu.memref_squeeze %dma_start3A_60 : memref<1x10112x128xf32, #tpu.memory_space<hbm>> -> memref<10112x128xf32, #tpu.memory_space<hbm>>
      %dma_start3A_62 = arith.constant 0 : i32
      %dma_start3A_63 = tpu.memref_slice %dma_start3A_61[%multiple_of3A, %dma_start3A_62] : memref<10112x128xf32, #tpu.memory_space<hbm>> -> memref<632x128xf32, #tpu.memory_space<hbm>>
      %dma_start3A_64 = arith.constant 0 : i32
      %dma_start3A_65 = tpu.memref_slice %arg16[%multiple_of3A, %dma_start3A_64] : memref<10112x128xf32, #tpu.memory_space<vmem_shared>> -> memref<632x128xf32, #tpu.memory_space<vmem_shared>>
      tpu.enqueue_dma source(%dma_start3A_65 : memref<632x128xf32, #tpu.memory_space<vmem_shared>>) target(%dma_start3A_63 : memref<632x128xf32, #tpu.memory_space<hbm>>) target_semaphore(%run_scoped3A_57 : memref<!tpu.dma_semaphore, #tpu.memory_space<semaphore_mem>>)
      %dma_wait3A_66 = arith.constant 0 : i32
      %dma_wait3A_67 = arith.constant 0 : i32
      %dma_wait3A_68 = tpu.memref_slice %arg8[%arg0, %dma_wait3A_66, %dma_wait3A_67] : memref<2x10112x128xf32, #tpu.memory_space<hbm>> -> memref<1x10112x128xf32, #tpu.memory_space<hbm>>
      %dma_wait3A_69 = tpu.memref_squeeze %dma_wait3A_68 : memref<1x10112x128xf32, #tpu.memory_space<hbm>> -> memref<10112x128xf32, #tpu.memory_space<hbm>>
      %dma_wait3A_70 = arith.constant 0 : i32
      %dma_wait3A_71 = tpu.memref_slice %dma_wait3A_69[%multiple_of3A, %dma_wait3A_70] : memref<10112x128xf32, #tpu.memory_space<hbm>> -> memref<632x128xf32, #tpu.memory_space<hbm>>
      %dma_wait3A_72 = arith.constant 0 : i32
      %dma_wait3A_73 = tpu.memref_slice %arg16[%multiple_of3A, %dma_wait3A_72] : memref<10112x128xf32, #tpu.memory_space<vmem_shared>> -> memref<632x128xf32, #tpu.memory_space<vmem_shared>>
      tpu.wait_dma2 semaphore(%run_scoped3A_57 : memref<!tpu.dma_semaphore, #tpu.memory_space<semaphore_mem>>) src(%dma_wait3A_73 : memref<632x128xf32, #tpu.memory_space<vmem_shared>>) dst(%dma_wait3A_71 : memref<632x128xf32, #tpu.memory_space<hbm>>)
      tpu.yield
    }) : () -> ()
    return
  }
}

module attributes {stable_mosaic.version = 14 : i64} {
  func.func @body(%arg0: i32, %arg1: memref<1000x128xf32, #tpu.memory_space<vmem>>, %arg2: memref<128x128xf32, #tpu.memory_space<vmem>>, %arg3: memref<1x128xf32, #tpu.memory_space<vmem>>, %arg4: memref<128x128xf32, #tpu.memory_space<vmem>>, %arg5: memref<1x128xf32, #tpu.memory_space<vmem>>, %arg6: memref<1000x32xf32, #tpu.memory_space<vmem>>, %arg7: memref<1000x32xf32, #tpu.memory_space<vmem>>, %arg8: memref<1000x128xf32, #tpu.memory_space<vmem>>, %arg9: memref<1000x128xf32, #tpu.memory_space<vmem>>, %arg10: memref<1000x128xf32, #tpu.memory_space<vmem>>, %arg11: memref<1000x8xf32, #tpu.memory_space<vmem>>, %arg12: memref<1000x8xf32, #tpu.memory_space<vmem>>) attributes {dimension_semantics = [#tpu.dimension_semantics<arbitrary>], iteration_bounds = array<i64: 10>, scalar_prefetch = 0 : i64, scratch_operands = 0 : i64, tpu.core_type = #tpu.core_type<tc>, window_params = [{transform_indices = @transform_0, window_bounds = array<i64: 1000, 128>}, {pipeline_mode = #tpu.pipeline_mode<synchronous>, transform_indices = @transform_1, window_bounds = array<i64: 128, 128>}, {pipeline_mode = #tpu.pipeline_mode<synchronous>, transform_indices = @transform_2, window_bounds = array<i64: 1, 128>}, {pipeline_mode = #tpu.pipeline_mode<synchronous>, transform_indices = @transform_3, window_bounds = array<i64: 128, 128>}, {pipeline_mode = #tpu.pipeline_mode<synchronous>, transform_indices = @transform_4, window_bounds = array<i64: 1, 128>}, {transform_indices = @transform_5, window_bounds = array<i64: 1000, 32>}, {transform_indices = @transform_6, window_bounds = array<i64: 1000, 32>}, {transform_indices = @transform_7, window_bounds = array<i64: 1000, 128>}, {transform_indices = @transform_8, window_bounds = array<i64: 1000, 128>}, {transform_indices = @transform_9, window_bounds = array<i64: 1000, 128>}, {transform_indices = @transform_10, window_bounds = array<i64: 1000, 8>}, {transform_indices = @transform_11, window_bounds = array<i64: 1000, 8>}]} {
    %get3A = arith.constant 0 : index
    %get3A_0 = arith.constant 0 : index
    %get3A_1 = vector.load %arg1[%get3A, %get3A_0] : memref<1000x128xf32, #tpu.memory_space<vmem>>, vector<1000x128xf32>
    %get3A_2 = arith.constant 0 : index
    %get3A_3 = arith.constant 0 : index
    %get3A_4 = vector.load %arg2[%get3A_2, %get3A_3] : memref<128x128xf32, #tpu.memory_space<vmem>>, vector<128x128xf32>
    %dot_general3A = arith.constant dense<0.000000e+00> : vector<1000x128xf32>
    %dot_general3A_5 = tpu.matmul %get3A_1, %get3A_4, %dot_general3A {dimension_numbers = #tpu.dot_dimension_numbers<[1], [0], [0], [1], [0, 0, 1, 1], [], []>, transpose_lhs_hint = false} : vector<1000x128xf32>, vector<128x128xf32>, vector<1000x128xf32> -> vector<1000x128xf32>
    %get3A_6 = arith.constant 0 : index
    %get3A_7 = arith.constant 0 : index
    %get3A_8 = vector.load %arg3[%get3A_6, %get3A_7] : memref<1x128xf32, #tpu.memory_space<vmem>>, vector<1x128xf32>
    %add3A = vector.broadcast %get3A_8 : vector<1x128xf32> to vector<1000x128xf32>
    %add3A_9 = arith.addf %dot_general3A_5, %add3A : vector<1000x128xf32>
    %max3A = arith.constant 0.000000e+00 : f32
    %max3A_10 = vector.broadcast %max3A : f32 to vector<1000x128xf32>
    %max3A_11 = arith.maximumf %add3A_9, %max3A_10 : vector<1000x128xf32>
    %get3A_12 = arith.constant 0 : index
    %get3A_13 = arith.constant 0 : index
    %get3A_14 = vector.load %arg4[%get3A_12, %get3A_13] : memref<128x128xf32, #tpu.memory_space<vmem>>, vector<128x128xf32>
    %dot_general3A_15 = arith.constant dense<0.000000e+00> : vector<1000x128xf32>
    %dot_general3A_16 = tpu.matmul %max3A_11, %get3A_14, %dot_general3A_15 {dimension_numbers = #tpu.dot_dimension_numbers<[1], [0], [0], [1], [0, 0, 1, 1], [], []>, transpose_lhs_hint = false} : vector<1000x128xf32>, vector<128x128xf32>, vector<1000x128xf32> -> vector<1000x128xf32>
    %get3A_17 = arith.constant 0 : index
    %get3A_18 = arith.constant 0 : index
    %get3A_19 = vector.load %arg5[%get3A_17, %get3A_18] : memref<1x128xf32, #tpu.memory_space<vmem>>, vector<1x128xf32>
    %add3A_20 = vector.broadcast %get3A_19 : vector<1x128xf32> to vector<1000x128xf32>
    %add3A_21 = arith.addf %dot_general3A_16, %add3A_20 : vector<1000x128xf32>
    %max3A_22 = arith.constant 0.000000e+00 : f32
    %max3A_23 = vector.broadcast %max3A_22 : f32 to vector<1000x128xf32>
    %max3A_24 = arith.maximumf %add3A_21, %max3A_23 : vector<1000x128xf32>
    %swap3A = arith.constant 0 : index
    %swap3A_25 = arith.constant 0 : index
    %swap3A_26 = vector.load %arg8[%swap3A, %swap3A_25] : memref<1000x128xf32, #tpu.memory_space<vmem>>, vector<1000x128xf32>
    tpu.vector_store %arg8[%swap3A, %swap3A_25], %max3A_24 {strides = array<i32>} : memref<1000x128xf32, #tpu.memory_space<vmem>>, vector<1000x128xf32>,
    %get3A_27 = arith.constant 0 : index
    %get3A_28 = arith.constant 0 : index
    %get3A_29 = vector.load %arg6[%get3A_27, %get3A_28] : memref<1000x32xf32, #tpu.memory_space<vmem>>, vector<1000x32xf32>
    %reduce_sum3A = arith.constant dense<0.000000e+00> : vector<1000xf32>
    %reduce_sum3A_30 = vector.multi_reduction <add>, %get3A_29, %reduce_sum3A [1] : vector<1000x32xf32> to vector<1000xf32>
    %broadcast_in_dim3A = vector.shape_cast %reduce_sum3A_30 : vector<1000xf32> to vector<1000x1xf32>
    %max3A_31 = arith.constant 1.000000e+00 : f32
    %max3A_32 = vector.broadcast %max3A_31 : f32 to vector<1000x1xf32>
    %max3A_33 = arith.maximumf %broadcast_in_dim3A, %max3A_32 : vector<1000x1xf32>
    %rsqrt3A = math.rsqrt %max3A_33 : vector<1000x1xf32>
    %mul3A = vector.broadcast %rsqrt3A : vector<1000x1xf32> to vector<1000x128xf32>
    %mul3A_34 = arith.mulf %max3A_24, %mul3A : vector<1000x128xf32>
    %swap3A_35 = arith.constant 0 : index
    %swap3A_36 = arith.constant 0 : index
    %swap3A_37 = vector.load %arg9[%swap3A_35, %swap3A_36] : memref<1000x128xf32, #tpu.memory_space<vmem>>, vector<1000x128xf32>
    tpu.vector_store %arg9[%swap3A_35, %swap3A_36], %mul3A_34 {strides = array<i32>} : memref<1000x128xf32, #tpu.memory_space<vmem>>, vector<1000x128xf32>,
    %broadcast_in_dim3A_38 = vector.shape_cast %rsqrt3A : vector<1000x1xf32> to vector<1000x1xf32>
    %broadcast_in_dim3A_39 = vector.broadcast %broadcast_in_dim3A_38 : vector<1000x1xf32> to vector<1000x8xf32>
    %swap3A_40 = arith.constant 0 : index
    %swap3A_41 = arith.constant 0 : index
    %swap3A_42 = vector.load %arg11[%swap3A_40, %swap3A_41] : memref<1000x8xf32, #tpu.memory_space<vmem>>, vector<1000x8xf32>
    tpu.vector_store %arg11[%swap3A_40, %swap3A_41], %broadcast_in_dim3A_39 {strides = array<i32>} : memref<1000x8xf32, #tpu.memory_space<vmem>>, vector<1000x8xf32>,
    %get3A_43 = arith.constant 0 : index
    %get3A_44 = arith.constant 0 : index
    %get3A_45 = vector.load %arg7[%get3A_43, %get3A_44] : memref<1000x32xf32, #tpu.memory_space<vmem>>, vector<1000x32xf32>
    %reduce_sum3A_46 = arith.constant dense<0.000000e+00> : vector<1000xf32>
    %reduce_sum3A_47 = vector.multi_reduction <add>, %get3A_45, %reduce_sum3A_46 [1] : vector<1000x32xf32> to vector<1000xf32>
    %broadcast_in_dim3A_48 = vector.shape_cast %reduce_sum3A_47 : vector<1000xf32> to vector<1000x1xf32>
    %max3A_49 = arith.constant 1.000000e+00 : f32
    %max3A_50 = vector.broadcast %max3A_49 : f32 to vector<1000x1xf32>
    %max3A_51 = arith.maximumf %broadcast_in_dim3A_48, %max3A_50 : vector<1000x1xf32>
    %rsqrt3A_52 = math.rsqrt %max3A_51 : vector<1000x1xf32>
    %mul3A_53 = vector.broadcast %rsqrt3A_52 : vector<1000x1xf32> to vector<1000x128xf32>
    %mul3A_54 = arith.mulf %max3A_24, %mul3A_53 : vector<1000x128xf32>
    %swap3A_55 = arith.constant 0 : index
    %swap3A_56 = arith.constant 0 : index
    %swap3A_57 = vector.load %arg10[%swap3A_55, %swap3A_56] : memref<1000x128xf32, #tpu.memory_space<vmem>>, vector<1000x128xf32>
    tpu.vector_store %arg10[%swap3A_55, %swap3A_56], %mul3A_54 {strides = array<i32>} : memref<1000x128xf32, #tpu.memory_space<vmem>>, vector<1000x128xf32>,
    %broadcast_in_dim3A_58 = vector.shape_cast %rsqrt3A_52 : vector<1000x1xf32> to vector<1000x1xf32>
    %broadcast_in_dim3A_59 = vector.broadcast %broadcast_in_dim3A_58 : vector<1000x1xf32> to vector<1000x8xf32>
    %swap3A_60 = arith.constant 0 : index
    %swap3A_61 = arith.constant 0 : index
    %swap3A_62 = vector.load %arg12[%swap3A_60, %swap3A_61] : memref<1000x8xf32, #tpu.memory_space<vmem>>, vector<1000x8xf32>
    tpu.vector_store %arg12[%swap3A_60, %swap3A_61], %broadcast_in_dim3A_59 {strides = array<i32>} : memref<1000x8xf32, #tpu.memory_space<vmem>>, vector<1000x8xf32>,
    return
  }
  func.func @transform_0(%arg0: i32) -> (i32, i32) {
    %c0_i32 = arith.constant 0 : i32
    %c0_i32_0 = arith.constant 0 : i32
    return %arg0, %c0_i32 : i32, i32
  }
  func.func @transform_1(%arg0: i32) -> (i32, i32) {
    %c0_i32 = arith.constant 0 : i32
    %c0_i32_0 = arith.constant 0 : i32
    %c0_i32_1 = arith.constant 0 : i32
    return %c0_i32, %c0_i32_0 : i32, i32
  }
  func.func @transform_2(%arg0: i32) -> (i32, i32) {
    %c0_i32 = arith.constant 0 : i32
    %c0_i32_0 = arith.constant 0 : i32
    %c0_i32_1 = arith.constant 0 : i32
    return %c0_i32, %c0_i32_0 : i32, i32
  }
  func.func @transform_3(%arg0: i32) -> (i32, i32) {
    %c0_i32 = arith.constant 0 : i32
    %c0_i32_0 = arith.constant 0 : i32
    %c0_i32_1 = arith.constant 0 : i32
    return %c0_i32, %c0_i32_0 : i32, i32
  }
  func.func @transform_4(%arg0: i32) -> (i32, i32) {
    %c0_i32 = arith.constant 0 : i32
    %c0_i32_0 = arith.constant 0 : i32
    %c0_i32_1 = arith.constant 0 : i32
    return %c0_i32, %c0_i32_0 : i32, i32
  }
  func.func @transform_5(%arg0: i32) -> (i32, i32) {
    %c0_i32 = arith.constant 0 : i32
    %c0_i32_0 = arith.constant 0 : i32
    return %arg0, %c0_i32 : i32, i32
  }
  func.func @transform_6(%arg0: i32) -> (i32, i32) {
    %c0_i32 = arith.constant 0 : i32
    %c0_i32_0 = arith.constant 0 : i32
    return %arg0, %c0_i32 : i32, i32
  }
  func.func @transform_7(%arg0: i32) -> (i32, i32) {
    %c0_i32 = arith.constant 0 : i32
    %c0_i32_0 = arith.constant 0 : i32
    return %arg0, %c0_i32 : i32, i32
  }
  func.func @transform_8(%arg0: i32) -> (i32, i32) {
    %c0_i32 = arith.constant 0 : i32
    %c0_i32_0 = arith.constant 0 : i32
    return %arg0, %c0_i32 : i32, i32
  }
  func.func @transform_9(%arg0: i32) -> (i32, i32) {
    %c0_i32 = arith.constant 0 : i32
    %c0_i32_0 = arith.constant 0 : i32
    return %arg0, %c0_i32 : i32, i32
  }
  func.func @transform_10(%arg0: i32) -> (i32, i32) {
    %c0_i32 = arith.constant 0 : i32
    %c0_i32_0 = arith.constant 0 : i32
    return %arg0, %c0_i32 : i32, i32
  }
  func.func @transform_11(%arg0: i32) -> (i32, i32) {
    %c0_i32 = arith.constant 0 : i32
    %c0_i32_0 = arith.constant 0 : i32
    return %arg0, %c0_i32 : i32, i32
  }
}

module attributes {stable_mosaic.version = 14 : i64} {
  func.func @body(%arg0: i32, %arg1: memref<1000x128xf32, #tpu.memory_space<vmem>>, %arg2: memref<1000x128xf32, #tpu.memory_space<vmem>>, %arg3: memref<1000x8xf32, #tpu.memory_space<vmem>>, %arg4: memref<1000x128xf32, #tpu.memory_space<vmem>>) attributes {dimension_semantics = [#tpu.dimension_semantics<arbitrary>], iteration_bounds = array<i64: 10>, scalar_prefetch = 0 : i64, scratch_operands = 0 : i64, tpu.core_type = #tpu.core_type<tc>, window_params = [{transform_indices = @transform_0, window_bounds = array<i64: 1000, 128>}, {transform_indices = @transform_1, window_bounds = array<i64: 1000, 128>}, {transform_indices = @transform_2, window_bounds = array<i64: 1000, 8>}, {transform_indices = @transform_3, window_bounds = array<i64: 1000, 128>}]} {
    %get3A = arith.constant 0 : index
    %get3A_0 = arith.constant 0 : index
    %get3A_1 = vector.load %arg3[%get3A, %get3A_0] : memref<1000x8xf32, #tpu.memory_space<vmem>>, vector<1000x8xf32>
    %slice3A = vector.extract_strided_slice %get3A_1 {offsets = [0, 0], sizes = [1000, 1], strides = [1, 1]} : vector<1000x8xf32> to vector<1000x1xf32>
    %get3A_2 = arith.constant 0 : index
    %get3A_3 = arith.constant 0 : index
    %get3A_4 = vector.load %arg1[%get3A_2, %get3A_3] : memref<1000x128xf32, #tpu.memory_space<vmem>>, vector<1000x128xf32>
    %get3A_5 = arith.constant 0 : index
    %get3A_6 = arith.constant 0 : index
    %get3A_7 = vector.load %arg2[%get3A_5, %get3A_6] : memref<1000x128xf32, #tpu.memory_space<vmem>>, vector<1000x128xf32>
    %add3A = arith.addf %get3A_4, %get3A_7 : vector<1000x128xf32>
    %mul3A = arith.mulf %slice3A, %slice3A : vector<1000x1xf32>
    %mul3A_8 = vector.broadcast %mul3A : vector<1000x1xf32> to vector<1000x128xf32>
    %mul3A_9 = arith.mulf %add3A, %mul3A_8 : vector<1000x128xf32>
    %swap3A = arith.constant 0 : index
    %swap3A_10 = arith.constant 0 : index
    %swap3A_11 = vector.load %arg4[%swap3A, %swap3A_10] : memref<1000x128xf32, #tpu.memory_space<vmem>>, vector<1000x128xf32>
    tpu.vector_store %arg4[%swap3A, %swap3A_10], %mul3A_9 {strides = array<i32>} : memref<1000x128xf32, #tpu.memory_space<vmem>>, vector<1000x128xf32>,
    return
  }
  func.func @transform_0(%arg0: i32) -> (i32, i32) {
    %c0_i32 = arith.constant 0 : i32
    %c0_i32_0 = arith.constant 0 : i32
    return %arg0, %c0_i32 : i32, i32
  }
  func.func @transform_1(%arg0: i32) -> (i32, i32) {
    %c0_i32 = arith.constant 0 : i32
    %c0_i32_0 = arith.constant 0 : i32
    return %arg0, %c0_i32 : i32, i32
  }
  func.func @transform_2(%arg0: i32) -> (i32, i32) {
    %c0_i32 = arith.constant 0 : i32
    %c0_i32_0 = arith.constant 0 : i32
    return %arg0, %c0_i32 : i32, i32
  }
  func.func @transform_3(%arg0: i32) -> (i32, i32) {
    %c0_i32 = arith.constant 0 : i32
    %c0_i32_0 = arith.constant 0 : i32
    return %arg0, %c0_i32 : i32, i32
  }
}

module attributes {stable_mosaic.version = 14 : i64} {
  func.func @body(%arg0: i32, %arg1: memref<1000x128xf32, #tpu.memory_space<vmem>>, %arg2: memref<1000x128xf32, #tpu.memory_space<vmem>>, %arg3: memref<1000x128xf32, #tpu.memory_space<vmem>>, %arg4: memref<1000x128xf32, #tpu.memory_space<vmem>>, %arg5: memref<1000x128xf32, #tpu.memory_space<vmem>>, %arg6: memref<1000x8xf32, #tpu.memory_space<vmem>>, %arg7: memref<8x128xf32, #tpu.memory_space<vmem>>, %arg8: memref<8x128xf32, #tpu.memory_space<vmem>>, %arg9: memref<128x128xf32, #tpu.memory_space<vmem>>, %arg10: memref<1x128xf32, #tpu.memory_space<vmem>>, %arg11: memref<128x128xf32, #tpu.memory_space<vmem>>, %arg12: memref<128x128xf32, #tpu.memory_space<vmem>>, %arg13: memref<128x128xf32, #tpu.memory_space<vmem>>, %arg14: memref<1000x128xf32, #tpu.memory_space<vmem>>) attributes {dimension_semantics = [#tpu.dimension_semantics<arbitrary>], iteration_bounds = array<i64: 10>, scalar_prefetch = 0 : i64, scratch_operands = 0 : i64, tpu.core_type = #tpu.core_type<tc>, window_params = [{transform_indices = @transform_0, window_bounds = array<i64: 1000, 128>}, {transform_indices = @transform_1, window_bounds = array<i64: 1000, 128>}, {transform_indices = @transform_2, window_bounds = array<i64: 1000, 128>}, {transform_indices = @transform_3, window_bounds = array<i64: 1000, 128>}, {transform_indices = @transform_4, window_bounds = array<i64: 1000, 128>}, {transform_indices = @transform_5, window_bounds = array<i64: 1000, 8>}, {pipeline_mode = #tpu.pipeline_mode<synchronous>, transform_indices = @transform_6, window_bounds = array<i64: 8, 128>}, {pipeline_mode = #tpu.pipeline_mode<synchronous>, transform_indices = @transform_7, window_bounds = array<i64: 8, 128>}, {pipeline_mode = #tpu.pipeline_mode<synchronous>, transform_indices = @transform_8, window_bounds = array<i64: 128, 128>}, {pipeline_mode = #tpu.pipeline_mode<synchronous>, transform_indices = @transform_9, window_bounds = array<i64: 1, 128>}, {pipeline_mode = #tpu.pipeline_mode<synchronous>, transform_indices = @transform_10, window_bounds = array<i64: 128, 128>}, {pipeline_mode = #tpu.pipeline_mode<synchronous>, transform_indices = @transform_11, window_bounds = array<i64: 128, 128>}, {pipeline_mode = #tpu.pipeline_mode<synchronous>, transform_indices = @transform_12, window_bounds = array<i64: 128, 128>}, {transform_indices = @transform_13, window_bounds = array<i64: 1000, 128>}]} {
    %get3A = arith.constant 0 : index
    %get3A_0 = arith.constant 0 : index
    %get3A_1 = vector.load %arg6[%get3A, %get3A_0] : memref<1000x8xf32, #tpu.memory_space<vmem>>, vector<1000x8xf32>
    %slice3A = vector.extract_strided_slice %get3A_1 {offsets = [0, 0], sizes = [1000, 1], strides = [1, 1]} : vector<1000x8xf32> to vector<1000x1xf32>
    %get3A_2 = arith.constant 0 : index
    %get3A_3 = arith.constant 0 : index
    %get3A_4 = vector.load %arg1[%get3A_2, %get3A_3] : memref<1000x128xf32, #tpu.memory_space<vmem>>, vector<1000x128xf32>
    %get3A_5 = arith.constant 0 : index
    %get3A_6 = arith.constant 0 : index
    %get3A_7 = vector.load %arg2[%get3A_5, %get3A_6] : memref<1000x128xf32, #tpu.memory_space<vmem>>, vector<1000x128xf32>
    %get3A_8 = arith.constant 0 : index
    %get3A_9 = arith.constant 0 : index
    %get3A_10 = vector.load %arg3[%get3A_8, %get3A_9] : memref<1000x128xf32, #tpu.memory_space<vmem>>, vector<1000x128xf32>
    %add3A = arith.addf %get3A_7, %get3A_10 : vector<1000x128xf32>
    %get3A_11 = arith.constant 0 : index
    %get3A_12 = arith.constant 0 : index
    %get3A_13 = vector.load %arg4[%get3A_11, %get3A_12] : memref<1000x128xf32, #tpu.memory_space<vmem>>, vector<1000x128xf32>
    %get3A_14 = arith.constant 0 : index
    %get3A_15 = arith.constant 0 : index
    %get3A_16 = vector.load %arg5[%get3A_14, %get3A_15] : memref<1000x128xf32, #tpu.memory_space<vmem>>, vector<1000x128xf32>
    %add3A_17 = arith.addf %get3A_13, %get3A_16 : vector<1000x128xf32>
    %mul3A = vector.broadcast %slice3A : vector<1000x1xf32> to vector<1000x128xf32>
    %mul3A_18 = arith.mulf %add3A, %mul3A : vector<1000x128xf32>
    %get3A_19 = arith.constant 0 : index
    %get3A_20 = arith.constant 0 : index
    %get3A_21 = vector.load %arg7[%get3A_19, %get3A_20] : memref<8x128xf32, #tpu.memory_space<vmem>>, vector<8x128xf32>
    %get3A_22 = arith.constant 0 : index
    %get3A_23 = arith.constant 0 : index
    %get3A_24 = vector.load %arg8[%get3A_22, %get3A_23] : memref<8x128xf32, #tpu.memory_space<vmem>>, vector<8x128xf32>
    %get3A_25 = arith.constant 0 : index
    %get3A_26 = arith.constant 0 : index
    %get3A_27 = vector.load %arg9[%get3A_25, %get3A_26] : memref<128x128xf32, #tpu.memory_space<vmem>>, vector<128x128xf32>
    %dot_general3A = arith.constant dense<0.000000e+00> : vector<1000x128xf32>
    %dot_general3A_28 = tpu.matmul %get3A_4, %get3A_27, %dot_general3A {dimension_numbers = #tpu.dot_dimension_numbers<[1], [0], [0], [1], [0, 0, 1, 1], [], []>, transpose_lhs_hint = false} : vector<1000x128xf32>, vector<128x128xf32>, vector<1000x128xf32> -> vector<1000x128xf32>
    %get3A_29 = arith.constant 0 : index
    %get3A_30 = arith.constant 0 : index
    %get3A_31 = vector.load %arg10[%get3A_29, %get3A_30] : memref<1x128xf32, #tpu.memory_space<vmem>>, vector<1x128xf32>
    %add3A_32 = vector.broadcast %get3A_31 : vector<1x128xf32> to vector<1000x128xf32>
    %add3A_33 = arith.addf %dot_general3A_28, %add3A_32 : vector<1000x128xf32>
    %slice3A_34 = vector.extract_strided_slice %get3A_21 {offsets = [0, 0], sizes = [1, 128], strides = [1, 1]} : vector<8x128xf32> to vector<1x128xf32>
    %mul3A_35 = vector.broadcast %slice3A_34 : vector<1x128xf32> to vector<1000x128xf32>
    %mul3A_36 = arith.mulf %mul3A_18, %mul3A_35 : vector<1000x128xf32>
    %sub3A = arith.subf %get3A_4, %mul3A_36 : vector<1000x128xf32>
    %slice3A_37 = vector.extract_strided_slice %get3A_21 {offsets = [0, 0], sizes = [1, 128], strides = [1, 1]} : vector<8x128xf32> to vector<1x128xf32>
    %mul3A_38 = vector.broadcast %slice3A_37 : vector<1x128xf32> to vector<1000x128xf32>
    %mul3A_39 = arith.mulf %add3A_17, %mul3A_38 : vector<1000x128xf32>
    %sub3A_40 = arith.subf %add3A, %mul3A_39 : vector<1000x128xf32>
    %mul3A_41 = vector.broadcast %slice3A : vector<1000x1xf32> to vector<1000x128xf32>
    %mul3A_42 = arith.mulf %sub3A_40, %mul3A_41 : vector<1000x128xf32>
    %slice3A_43 = vector.extract_strided_slice %get3A_24 {offsets = [0, 0], sizes = [1, 128], strides = [1, 1]} : vector<8x128xf32> to vector<1x128xf32>
    %mul3A_44 = vector.broadcast %slice3A_43 : vector<1x128xf32> to vector<1000x128xf32>
    %mul3A_45 = arith.mulf %mul3A_42, %mul3A_44 : vector<1000x128xf32>
    %sub3A_46 = arith.subf %sub3A, %mul3A_45 : vector<1000x128xf32>
    %mul3A_47 = arith.constant -3.000000e+00 : f32
    %mul3A_48 = vector.broadcast %mul3A_47 : f32 to vector<1000x128xf32>
    %mul3A_49 = arith.mulf %mul3A_48, %sub3A : vector<1000x128xf32>
    %mul3A_50 = arith.constant 7.500000e-01 : f32
    %mul3A_51 = vector.broadcast %mul3A_50 : f32 to vector<1000x128xf32>
    %mul3A_52 = arith.mulf %mul3A_51, %sub3A_46 : vector<1000x128xf32>
    %add3A_53 = arith.addf %mul3A_49, %mul3A_52 : vector<1000x128xf32>
    %get3A_54 = arith.constant 0 : index
    %get3A_55 = arith.constant 0 : index
    %get3A_56 = vector.load %arg11[%get3A_54, %get3A_55] : memref<128x128xf32, #tpu.memory_space<vmem>>, vector<128x128xf32>
    %dot_general3A_57 = arith.constant dense<0.000000e+00> : vector<1000x128xf32>
    %dot_general3A_58 = tpu.matmul %add3A_53, %get3A_56, %dot_general3A_57 {dimension_numbers = #tpu.dot_dimension_numbers<[1], [0], [0], [1], [0, 0, 1, 1], [], []>, transpose_lhs_hint = false} : vector<1000x128xf32>, vector<128x128xf32>, vector<1000x128xf32> -> vector<1000x128xf32>
    %add3A_59 = arith.addf %add3A_33, %dot_general3A_58 : vector<1000x128xf32>
    %slice3A_60 = vector.extract_strided_slice %get3A_21 {offsets = [1, 0], sizes = [1, 128], strides = [1, 1]} : vector<8x128xf32> to vector<1x128xf32>
    %mul3A_61 = vector.broadcast %slice3A_60 : vector<1x128xf32> to vector<1000x128xf32>
    %mul3A_62 = arith.mulf %mul3A_18, %mul3A_61 : vector<1000x128xf32>
    %sub3A_63 = arith.subf %get3A_4, %mul3A_62 : vector<1000x128xf32>
    %slice3A_64 = vector.extract_strided_slice %get3A_21 {offsets = [1, 0], sizes = [1, 128], strides = [1, 1]} : vector<8x128xf32> to vector<1x128xf32>
    %mul3A_65 = vector.broadcast %slice3A_64 : vector<1x128xf32> to vector<1000x128xf32>
    %mul3A_66 = arith.mulf %add3A_17, %mul3A_65 : vector<1000x128xf32>
    %sub3A_67 = arith.subf %add3A, %mul3A_66 : vector<1000x128xf32>
    %mul3A_68 = vector.broadcast %slice3A : vector<1000x1xf32> to vector<1000x128xf32>
    %mul3A_69 = arith.mulf %sub3A_67, %mul3A_68 : vector<1000x128xf32>
    %slice3A_70 = vector.extract_strided_slice %get3A_24 {offsets = [1, 0], sizes = [1, 128], strides = [1, 1]} : vector<8x128xf32> to vector<1x128xf32>
    %mul3A_71 = vector.broadcast %slice3A_70 : vector<1x128xf32> to vector<1000x128xf32>
    %mul3A_72 = arith.mulf %mul3A_69, %mul3A_71 : vector<1000x128xf32>
    %sub3A_73 = arith.subf %sub3A_63, %mul3A_72 : vector<1000x128xf32>
    %mul3A_74 = arith.constant 3.000000e+00 : f32
    %mul3A_75 = vector.broadcast %mul3A_74 : f32 to vector<1000x128xf32>
    %mul3A_76 = arith.mulf %mul3A_75, %sub3A_63 : vector<1000x128xf32>
    %mul3A_77 = arith.constant -1.500000e+00 : f32
    %mul3A_78 = vector.broadcast %mul3A_77 : f32 to vector<1000x128xf32>
    %mul3A_79 = arith.mulf %mul3A_78, %sub3A_73 : vector<1000x128xf32>
    %add3A_80 = arith.addf %mul3A_76, %mul3A_79 : vector<1000x128xf32>
    %get3A_81 = arith.constant 0 : index
    %get3A_82 = arith.constant 0 : index
    %get3A_83 = vector.load %arg12[%get3A_81, %get3A_82] : memref<128x128xf32, #tpu.memory_space<vmem>>, vector<128x128xf32>
    %dot_general3A_84 = arith.constant dense<0.000000e+00> : vector<1000x128xf32>
    %dot_general3A_85 = tpu.matmul %add3A_80, %get3A_83, %dot_general3A_84 {dimension_numbers = #tpu.dot_dimension_numbers<[1], [0], [0], [1], [0, 0, 1, 1], [], []>, transpose_lhs_hint = false} : vector<1000x128xf32>, vector<128x128xf32>, vector<1000x128xf32> -> vector<1000x128xf32>
    %add3A_86 = arith.addf %add3A_59, %dot_general3A_85 : vector<1000x128xf32>
    %slice3A_87 = vector.extract_strided_slice %get3A_21 {offsets = [2, 0], sizes = [1, 128], strides = [1, 1]} : vector<8x128xf32> to vector<1x128xf32>
    %mul3A_88 = vector.broadcast %slice3A_87 : vector<1x128xf32> to vector<1000x128xf32>
    %mul3A_89 = arith.mulf %mul3A_18, %mul3A_88 : vector<1000x128xf32>
    %sub3A_90 = arith.subf %get3A_4, %mul3A_89 : vector<1000x128xf32>
    %slice3A_91 = vector.extract_strided_slice %get3A_21 {offsets = [2, 0], sizes = [1, 128], strides = [1, 1]} : vector<8x128xf32> to vector<1x128xf32>
    %mul3A_92 = vector.broadcast %slice3A_91 : vector<1x128xf32> to vector<1000x128xf32>
    %mul3A_93 = arith.mulf %add3A_17, %mul3A_92 : vector<1000x128xf32>
    %sub3A_94 = arith.subf %add3A, %mul3A_93 : vector<1000x128xf32>
    %mul3A_95 = vector.broadcast %slice3A : vector<1000x1xf32> to vector<1000x128xf32>
    %mul3A_96 = arith.mulf %sub3A_94, %mul3A_95 : vector<1000x128xf32>
    %slice3A_97 = vector.extract_strided_slice %get3A_24 {offsets = [2, 0], sizes = [1, 128], strides = [1, 1]} : vector<8x128xf32> to vector<1x128xf32>
    %mul3A_98 = vector.broadcast %slice3A_97 : vector<1x128xf32> to vector<1000x128xf32>
    %mul3A_99 = arith.mulf %mul3A_96, %mul3A_98 : vector<1000x128xf32>
    %sub3A_100 = arith.subf %sub3A_90, %mul3A_99 : vector<1000x128xf32>
    %mul3A_101 = arith.constant 0.000000e+00 : f32
    %mul3A_102 = vector.broadcast %mul3A_101 : f32 to vector<1000x128xf32>
    %mul3A_103 = arith.mulf %mul3A_102, %sub3A_90 : vector<1000x128xf32>
    %mul3A_104 = arith.constant 7.500000e-01 : f32
    %mul3A_105 = vector.broadcast %mul3A_104 : f32 to vector<1000x128xf32>
    %mul3A_106 = arith.mulf %mul3A_105, %sub3A_100 : vector<1000x128xf32>
    %add3A_107 = arith.addf %mul3A_103, %mul3A_106 : vector<1000x128xf32>
    %get3A_108 = arith.constant 0 : index
    %get3A_109 = arith.constant 0 : index
    %get3A_110 = vector.load %arg13[%get3A_108, %get3A_109] : memref<128x128xf32, #tpu.memory_space<vmem>>, vector<128x128xf32>
    %dot_general3A_111 = arith.constant dense<0.000000e+00> : vector<1000x128xf32>
    %dot_general3A_112 = tpu.matmul %add3A_107, %get3A_110, %dot_general3A_111 {dimension_numbers = #tpu.dot_dimension_numbers<[1], [0], [0], [1], [0, 0, 1, 1], [], []>, transpose_lhs_hint = false} : vector<1000x128xf32>, vector<128x128xf32>, vector<1000x128xf32> -> vector<1000x128xf32>
    %add3A_113 = arith.addf %add3A_86, %dot_general3A_112 : vector<1000x128xf32>
    %max3A = arith.constant 0.000000e+00 : f32
    %max3A_114 = vector.broadcast %max3A : f32 to vector<1000x128xf32>
    %max3A_115 = arith.maximumf %add3A_113, %max3A_114 : vector<1000x128xf32>
    %swap3A = arith.constant 0 : index
    %swap3A_116 = arith.constant 0 : index
    %swap3A_117 = vector.load %arg14[%swap3A, %swap3A_116] : memref<1000x128xf32, #tpu.memory_space<vmem>>, vector<1000x128xf32>
    tpu.vector_store %arg14[%swap3A, %swap3A_116], %max3A_115 {strides = array<i32>} : memref<1000x128xf32, #tpu.memory_space<vmem>>, vector<1000x128xf32>,
    return
  }
  func.func @transform_0(%arg0: i32) -> (i32, i32) {
    %c0_i32 = arith.constant 0 : i32
    %c0_i32_0 = arith.constant 0 : i32
    return %arg0, %c0_i32 : i32, i32
  }
  func.func @transform_1(%arg0: i32) -> (i32, i32) {
    %c0_i32 = arith.constant 0 : i32
    %c0_i32_0 = arith.constant 0 : i32
    return %arg0, %c0_i32 : i32, i32
  }
  func.func @transform_2(%arg0: i32) -> (i32, i32) {
    %c0_i32 = arith.constant 0 : i32
    %c0_i32_0 = arith.constant 0 : i32
    return %arg0, %c0_i32 : i32, i32
  }
  func.func @transform_3(%arg0: i32) -> (i32, i32) {
    %c0_i32 = arith.constant 0 : i32
    %c0_i32_0 = arith.constant 0 : i32
    return %arg0, %c0_i32 : i32, i32
  }
  func.func @transform_4(%arg0: i32) -> (i32, i32) {
    %c0_i32 = arith.constant 0 : i32
    %c0_i32_0 = arith.constant 0 : i32
    return %arg0, %c0_i32 : i32, i32
  }
  func.func @transform_5(%arg0: i32) -> (i32, i32) {
    %c0_i32 = arith.constant 0 : i32
    %c0_i32_0 = arith.constant 0 : i32
    return %arg0, %c0_i32 : i32, i32
  }
  func.func @transform_6(%arg0: i32) -> (i32, i32) {
    %c0_i32 = arith.constant 0 : i32
    %c0_i32_0 = arith.constant 0 : i32
    %c0_i32_1 = arith.constant 0 : i32
    return %c0_i32, %c0_i32_0 : i32, i32
  }
  func.func @transform_7(%arg0: i32) -> (i32, i32) {
    %c0_i32 = arith.constant 0 : i32
    %c0_i32_0 = arith.constant 0 : i32
    %c0_i32_1 = arith.constant 0 : i32
    return %c0_i32, %c0_i32_0 : i32, i32
  }
  func.func @transform_8(%arg0: i32) -> (i32, i32) {
    %c0_i32 = arith.constant 0 : i32
    %c0_i32_0 = arith.constant 0 : i32
    %c0_i32_1 = arith.constant 0 : i32
    return %c0_i32, %c0_i32_0 : i32, i32
  }
  func.func @transform_9(%arg0: i32) -> (i32, i32) {
    %c0_i32 = arith.constant 0 : i32
    %c0_i32_0 = arith.constant 0 : i32
    %c0_i32_1 = arith.constant 0 : i32
    return %c0_i32, %c0_i32_0 : i32, i32
  }
  func.func @transform_10(%arg0: i32) -> (i32, i32) {
    %c0_i32 = arith.constant 0 : i32
    %c0_i32_0 = arith.constant 0 : i32
    %c0_i32_1 = arith.constant 0 : i32
    return %c0_i32, %c0_i32_0 : i32, i32
  }
  func.func @transform_11(%arg0: i32) -> (i32, i32) {
    %c0_i32 = arith.constant 0 : i32
    %c0_i32_0 = arith.constant 0 : i32
    %c0_i32_1 = arith.constant 0 : i32
    return %c0_i32, %c0_i32_0 : i32, i32
  }
  func.func @transform_12(%arg0: i32) -> (i32, i32) {
    %c0_i32 = arith.constant 0 : i32
    %c0_i32_0 = arith.constant 0 : i32
    %c0_i32_1 = arith.constant 0 : i32
    return %c0_i32, %c0_i32_0 : i32, i32
  }
  func.func @transform_13(%arg0: i32) -> (i32, i32) {
    %c0_i32 = arith.constant 0 : i32
    %c0_i32_0 = arith.constant 0 : i32
    return %arg0, %c0_i32 : i32, i32
  }
}

module attributes {stable_mosaic.version = 14 : i64} {
  func.func @body(%arg0: i32, %arg1: memref<1000x128xf32, #tpu.memory_space<vmem>>, %arg2: memref<1000x128xf32, #tpu.memory_space<vmem>>, %arg3: memref<1000x128xf32, #tpu.memory_space<vmem>>, %arg4: memref<1000x128xf32, #tpu.memory_space<vmem>>, %arg5: memref<1000x128xf32, #tpu.memory_space<vmem>>, %arg6: memref<1000x8xf32, #tpu.memory_space<vmem>>, %arg7: memref<8x128xf32, #tpu.memory_space<vmem>>, %arg8: memref<8x128xf32, #tpu.memory_space<vmem>>, %arg9: memref<128x128xf32, #tpu.memory_space<vmem>>, %arg10: memref<1x128xf32, #tpu.memory_space<vmem>>, %arg11: memref<128x128xf32, #tpu.memory_space<vmem>>, %arg12: memref<128x128xf32, #tpu.memory_space<vmem>>, %arg13: memref<128x128xf32, #tpu.memory_space<vmem>>, %arg14: memref<1000x128xf32, #tpu.memory_space<vmem>>) attributes {dimension_semantics = [#tpu.dimension_semantics<arbitrary>], iteration_bounds = array<i64: 10>, scalar_prefetch = 0 : i64, scratch_operands = 0 : i64, tpu.core_type = #tpu.core_type<tc>, window_params = [{transform_indices = @transform_0, window_bounds = array<i64: 1000, 128>}, {transform_indices = @transform_1, window_bounds = array<i64: 1000, 128>}, {transform_indices = @transform_2, window_bounds = array<i64: 1000, 128>}, {transform_indices = @transform_3, window_bounds = array<i64: 1000, 128>}, {transform_indices = @transform_4, window_bounds = array<i64: 1000, 128>}, {transform_indices = @transform_5, window_bounds = array<i64: 1000, 8>}, {pipeline_mode = #tpu.pipeline_mode<synchronous>, transform_indices = @transform_6, window_bounds = array<i64: 8, 128>}, {pipeline_mode = #tpu.pipeline_mode<synchronous>, transform_indices = @transform_7, window_bounds = array<i64: 8, 128>}, {pipeline_mode = #tpu.pipeline_mode<synchronous>, transform_indices = @transform_8, window_bounds = array<i64: 128, 128>}, {pipeline_mode = #tpu.pipeline_mode<synchronous>, transform_indices = @transform_9, window_bounds = array<i64: 1, 128>}, {pipeline_mode = #tpu.pipeline_mode<synchronous>, transform_indices = @transform_10, window_bounds = array<i64: 128, 128>}, {pipeline_mode = #tpu.pipeline_mode<synchronous>, transform_indices = @transform_11, window_bounds = array<i64: 128, 128>}, {pipeline_mode = #tpu.pipeline_mode<synchronous>, transform_indices = @transform_12, window_bounds = array<i64: 128, 128>}, {transform_indices = @transform_13, window_bounds = array<i64: 1000, 128>}]} {
    %get3A = arith.constant 0 : index
    %get3A_0 = arith.constant 0 : index
    %get3A_1 = vector.load %arg6[%get3A, %get3A_0] : memref<1000x8xf32, #tpu.memory_space<vmem>>, vector<1000x8xf32>
    %slice3A = vector.extract_strided_slice %get3A_1 {offsets = [0, 0], sizes = [1000, 1], strides = [1, 1]} : vector<1000x8xf32> to vector<1000x1xf32>
    %get3A_2 = arith.constant 0 : index
    %get3A_3 = arith.constant 0 : index
    %get3A_4 = vector.load %arg1[%get3A_2, %get3A_3] : memref<1000x128xf32, #tpu.memory_space<vmem>>, vector<1000x128xf32>
    %get3A_5 = arith.constant 0 : index
    %get3A_6 = arith.constant 0 : index
    %get3A_7 = vector.load %arg2[%get3A_5, %get3A_6] : memref<1000x128xf32, #tpu.memory_space<vmem>>, vector<1000x128xf32>
    %get3A_8 = arith.constant 0 : index
    %get3A_9 = arith.constant 0 : index
    %get3A_10 = vector.load %arg3[%get3A_8, %get3A_9] : memref<1000x128xf32, #tpu.memory_space<vmem>>, vector<1000x128xf32>
    %add3A = arith.addf %get3A_7, %get3A_10 : vector<1000x128xf32>
    %get3A_11 = arith.constant 0 : index
    %get3A_12 = arith.constant 0 : index
    %get3A_13 = vector.load %arg4[%get3A_11, %get3A_12] : memref<1000x128xf32, #tpu.memory_space<vmem>>, vector<1000x128xf32>
    %get3A_14 = arith.constant 0 : index
    %get3A_15 = arith.constant 0 : index
    %get3A_16 = vector.load %arg5[%get3A_14, %get3A_15] : memref<1000x128xf32, #tpu.memory_space<vmem>>, vector<1000x128xf32>
    %add3A_17 = arith.addf %get3A_13, %get3A_16 : vector<1000x128xf32>
    %mul3A = vector.broadcast %slice3A : vector<1000x1xf32> to vector<1000x128xf32>
    %mul3A_18 = arith.mulf %add3A, %mul3A : vector<1000x128xf32>
    %get3A_19 = arith.constant 0 : index
    %get3A_20 = arith.constant 0 : index
    %get3A_21 = vector.load %arg7[%get3A_19, %get3A_20] : memref<8x128xf32, #tpu.memory_space<vmem>>, vector<8x128xf32>
    %get3A_22 = arith.constant 0 : index
    %get3A_23 = arith.constant 0 : index
    %get3A_24 = vector.load %arg8[%get3A_22, %get3A_23] : memref<8x128xf32, #tpu.memory_space<vmem>>, vector<8x128xf32>
    %get3A_25 = arith.constant 0 : index
    %get3A_26 = arith.constant 0 : index
    %get3A_27 = vector.load %arg9[%get3A_25, %get3A_26] : memref<128x128xf32, #tpu.memory_space<vmem>>, vector<128x128xf32>
    %dot_general3A = arith.constant dense<0.000000e+00> : vector<1000x128xf32>
    %dot_general3A_28 = tpu.matmul %get3A_4, %get3A_27, %dot_general3A {dimension_numbers = #tpu.dot_dimension_numbers<[1], [0], [0], [1], [0, 0, 1, 1], [], []>, transpose_lhs_hint = false} : vector<1000x128xf32>, vector<128x128xf32>, vector<1000x128xf32> -> vector<1000x128xf32>
    %get3A_29 = arith.constant 0 : index
    %get3A_30 = arith.constant 0 : index
    %get3A_31 = vector.load %arg10[%get3A_29, %get3A_30] : memref<1x128xf32, #tpu.memory_space<vmem>>, vector<1x128xf32>
    %add3A_32 = vector.broadcast %get3A_31 : vector<1x128xf32> to vector<1000x128xf32>
    %add3A_33 = arith.addf %dot_general3A_28, %add3A_32 : vector<1000x128xf32>
    %slice3A_34 = vector.extract_strided_slice %get3A_21 {offsets = [0, 0], sizes = [1, 128], strides = [1, 1]} : vector<8x128xf32> to vector<1x128xf32>
    %mul3A_35 = vector.broadcast %slice3A_34 : vector<1x128xf32> to vector<1000x128xf32>
    %mul3A_36 = arith.mulf %mul3A_18, %mul3A_35 : vector<1000x128xf32>
    %sub3A = arith.subf %get3A_4, %mul3A_36 : vector<1000x128xf32>
    %slice3A_37 = vector.extract_strided_slice %get3A_21 {offsets = [0, 0], sizes = [1, 128], strides = [1, 1]} : vector<8x128xf32> to vector<1x128xf32>
    %mul3A_38 = vector.broadcast %slice3A_37 : vector<1x128xf32> to vector<1000x128xf32>
    %mul3A_39 = arith.mulf %add3A_17, %mul3A_38 : vector<1000x128xf32>
    %sub3A_40 = arith.subf %add3A, %mul3A_39 : vector<1000x128xf32>
    %mul3A_41 = vector.broadcast %slice3A : vector<1000x1xf32> to vector<1000x128xf32>
    %mul3A_42 = arith.mulf %sub3A_40, %mul3A_41 : vector<1000x128xf32>
    %slice3A_43 = vector.extract_strided_slice %get3A_24 {offsets = [0, 0], sizes = [1, 128], strides = [1, 1]} : vector<8x128xf32> to vector<1x128xf32>
    %mul3A_44 = vector.broadcast %slice3A_43 : vector<1x128xf32> to vector<1000x128xf32>
    %mul3A_45 = arith.mulf %mul3A_42, %mul3A_44 : vector<1000x128xf32>
    %sub3A_46 = arith.subf %sub3A, %mul3A_45 : vector<1000x128xf32>
    %mul3A_47 = arith.constant 1.000000e+00 : f32
    %mul3A_48 = vector.broadcast %mul3A_47 : f32 to vector<1000x128xf32>
    %mul3A_49 = arith.mulf %mul3A_48, %sub3A : vector<1000x128xf32>
    %mul3A_50 = arith.constant 1.000000e+00 : f32
    %mul3A_51 = vector.broadcast %mul3A_50 : f32 to vector<1000x128xf32>
    %mul3A_52 = arith.mulf %mul3A_51, %sub3A_46 : vector<1000x128xf32>
    %add3A_53 = arith.addf %mul3A_49, %mul3A_52 : vector<1000x128xf32>
    %get3A_54 = arith.constant 0 : index
    %get3A_55 = arith.constant 0 : index
    %get3A_56 = vector.load %arg11[%get3A_54, %get3A_55] : memref<128x128xf32, #tpu.memory_space<vmem>>, vector<128x128xf32>
    %dot_general3A_57 = arith.constant dense<0.000000e+00> : vector<1000x128xf32>
    %dot_general3A_58 = tpu.matmul %add3A_53, %get3A_56, %dot_general3A_57 {dimension_numbers = #tpu.dot_dimension_numbers<[1], [0], [0], [1], [0, 0, 1, 1], [], []>, transpose_lhs_hint = false} : vector<1000x128xf32>, vector<128x128xf32>, vector<1000x128xf32> -> vector<1000x128xf32>
    %add3A_59 = arith.addf %add3A_33, %dot_general3A_58 : vector<1000x128xf32>
    %slice3A_60 = vector.extract_strided_slice %get3A_21 {offsets = [1, 0], sizes = [1, 128], strides = [1, 1]} : vector<8x128xf32> to vector<1x128xf32>
    %mul3A_61 = vector.broadcast %slice3A_60 : vector<1x128xf32> to vector<1000x128xf32>
    %mul3A_62 = arith.mulf %mul3A_18, %mul3A_61 : vector<1000x128xf32>
    %sub3A_63 = arith.subf %get3A_4, %mul3A_62 : vector<1000x128xf32>
    %slice3A_64 = vector.extract_strided_slice %get3A_21 {offsets = [1, 0], sizes = [1, 128], strides = [1, 1]} : vector<8x128xf32> to vector<1x128xf32>
    %mul3A_65 = vector.broadcast %slice3A_64 : vector<1x128xf32> to vector<1000x128xf32>
    %mul3A_66 = arith.mulf %add3A_17, %mul3A_65 : vector<1000x128xf32>
    %sub3A_67 = arith.subf %add3A, %mul3A_66 : vector<1000x128xf32>
    %mul3A_68 = vector.broadcast %slice3A : vector<1000x1xf32> to vector<1000x128xf32>
    %mul3A_69 = arith.mulf %sub3A_67, %mul3A_68 : vector<1000x128xf32>
    %slice3A_70 = vector.extract_strided_slice %get3A_24 {offsets = [1, 0], sizes = [1, 128], strides = [1, 1]} : vector<8x128xf32> to vector<1x128xf32>
    %mul3A_71 = vector.broadcast %slice3A_70 : vector<1x128xf32> to vector<1000x128xf32>
    %mul3A_72 = arith.mulf %mul3A_69, %mul3A_71 : vector<1000x128xf32>
    %sub3A_73 = arith.subf %sub3A_63, %mul3A_72 : vector<1000x128xf32>
    %mul3A_74 = arith.constant 1.000000e+00 : f32
    %mul3A_75 = vector.broadcast %mul3A_74 : f32 to vector<1000x128xf32>
    %mul3A_76 = arith.mulf %mul3A_75, %sub3A_63 : vector<1000x128xf32>
    %mul3A_77 = arith.constant 1.000000e+00 : f32
    %mul3A_78 = vector.broadcast %mul3A_77 : f32 to vector<1000x128xf32>
    %mul3A_79 = arith.mulf %mul3A_78, %sub3A_73 : vector<1000x128xf32>
    %add3A_80 = arith.addf %mul3A_76, %mul3A_79 : vector<1000x128xf32>
    %get3A_81 = arith.constant 0 : index
    %get3A_82 = arith.constant 0 : index
    %get3A_83 = vector.load %arg12[%get3A_81, %get3A_82] : memref<128x128xf32, #tpu.memory_space<vmem>>, vector<128x128xf32>
    %dot_general3A_84 = arith.constant dense<0.000000e+00> : vector<1000x128xf32>
    %dot_general3A_85 = tpu.matmul %add3A_80, %get3A_83, %dot_general3A_84 {dimension_numbers = #tpu.dot_dimension_numbers<[1], [0], [0], [1], [0, 0, 1, 1], [], []>, transpose_lhs_hint = false} : vector<1000x128xf32>, vector<128x128xf32>, vector<1000x128xf32> -> vector<1000x128xf32>
    %add3A_86 = arith.addf %add3A_59, %dot_general3A_85 : vector<1000x128xf32>
    %slice3A_87 = vector.extract_strided_slice %get3A_21 {offsets = [2, 0], sizes = [1, 128], strides = [1, 1]} : vector<8x128xf32> to vector<1x128xf32>
    %mul3A_88 = vector.broadcast %slice3A_87 : vector<1x128xf32> to vector<1000x128xf32>
    %mul3A_89 = arith.mulf %mul3A_18, %mul3A_88 : vector<1000x128xf32>
    %sub3A_90 = arith.subf %get3A_4, %mul3A_89 : vector<1000x128xf32>
    %slice3A_91 = vector.extract_strided_slice %get3A_21 {offsets = [2, 0], sizes = [1, 128], strides = [1, 1]} : vector<8x128xf32> to vector<1x128xf32>
    %mul3A_92 = vector.broadcast %slice3A_91 : vector<1x128xf32> to vector<1000x128xf32>
    %mul3A_93 = arith.mulf %add3A_17, %mul3A_92 : vector<1000x128xf32>
    %sub3A_94 = arith.subf %add3A, %mul3A_93 : vector<1000x128xf32>
    %mul3A_95 = vector.broadcast %slice3A : vector<1000x1xf32> to vector<1000x128xf32>
    %mul3A_96 = arith.mulf %sub3A_94, %mul3A_95 : vector<1000x128xf32>
    %slice3A_97 = vector.extract_strided_slice %get3A_24 {offsets = [2, 0], sizes = [1, 128], strides = [1, 1]} : vector<8x128xf32> to vector<1x128xf32>
    %mul3A_98 = vector.broadcast %slice3A_97 : vector<1x128xf32> to vector<1000x128xf32>
    %mul3A_99 = arith.mulf %mul3A_96, %mul3A_98 : vector<1000x128xf32>
    %sub3A_100 = arith.subf %sub3A_90, %mul3A_99 : vector<1000x128xf32>
    %mul3A_101 = arith.constant 1.000000e+00 : f32
    %mul3A_102 = vector.broadcast %mul3A_101 : f32 to vector<1000x128xf32>
    %mul3A_103 = arith.mulf %mul3A_102, %sub3A_90 : vector<1000x128xf32>
    %mul3A_104 = arith.constant 1.000000e+00 : f32
    %mul3A_105 = vector.broadcast %mul3A_104 : f32 to vector<1000x128xf32>
    %mul3A_106 = arith.mulf %mul3A_105, %sub3A_100 : vector<1000x128xf32>
    %add3A_107 = arith.addf %mul3A_103, %mul3A_106 : vector<1000x128xf32>
    %get3A_108 = arith.constant 0 : index
    %get3A_109 = arith.constant 0 : index
    %get3A_110 = vector.load %arg13[%get3A_108, %get3A_109] : memref<128x128xf32, #tpu.memory_space<vmem>>, vector<128x128xf32>
    %dot_general3A_111 = arith.constant dense<0.000000e+00> : vector<1000x128xf32>
    %dot_general3A_112 = tpu.matmul %add3A_107, %get3A_110, %dot_general3A_111 {dimension_numbers = #tpu.dot_dimension_numbers<[1], [0], [0], [1], [0, 0, 1, 1], [], []>, transpose_lhs_hint = false} : vector<1000x128xf32>, vector<128x128xf32>, vector<1000x128xf32> -> vector<1000x128xf32>
    %add3A_113 = arith.addf %add3A_86, %dot_general3A_112 : vector<1000x128xf32>
    %max3A = arith.constant 0.000000e+00 : f32
    %max3A_114 = vector.broadcast %max3A : f32 to vector<1000x128xf32>
    %max3A_115 = arith.maximumf %add3A_113, %max3A_114 : vector<1000x128xf32>
    %swap3A = arith.constant 0 : index
    %swap3A_116 = arith.constant 0 : index
    %swap3A_117 = vector.load %arg14[%swap3A, %swap3A_116] : memref<1000x128xf32, #tpu.memory_space<vmem>>, vector<1000x128xf32>
    tpu.vector_store %arg14[%swap3A, %swap3A_116], %max3A_115 {strides = array<i32>} : memref<1000x128xf32, #tpu.memory_space<vmem>>, vector<1000x128xf32>,
    return
  }
  func.func @transform_0(%arg0: i32) -> (i32, i32) {
    %c0_i32 = arith.constant 0 : i32
    %c0_i32_0 = arith.constant 0 : i32
    return %arg0, %c0_i32 : i32, i32
  }
  func.func @transform_1(%arg0: i32) -> (i32, i32) {
    %c0_i32 = arith.constant 0 : i32
    %c0_i32_0 = arith.constant 0 : i32
    return %arg0, %c0_i32 : i32, i32
  }
  func.func @transform_2(%arg0: i32) -> (i32, i32) {
    %c0_i32 = arith.constant 0 : i32
    %c0_i32_0 = arith.constant 0 : i32
    return %arg0, %c0_i32 : i32, i32
  }
  func.func @transform_3(%arg0: i32) -> (i32, i32) {
    %c0_i32 = arith.constant 0 : i32
    %c0_i32_0 = arith.constant 0 : i32
    return %arg0, %c0_i32 : i32, i32
  }
  func.func @transform_4(%arg0: i32) -> (i32, i32) {
    %c0_i32 = arith.constant 0 : i32
    %c0_i32_0 = arith.constant 0 : i32
    return %arg0, %c0_i32 : i32, i32
  }
  func.func @transform_5(%arg0: i32) -> (i32, i32) {
    %c0_i32 = arith.constant 0 : i32
    %c0_i32_0 = arith.constant 0 : i32
    return %arg0, %c0_i32 : i32, i32
  }
  func.func @transform_6(%arg0: i32) -> (i32, i32) {
    %c0_i32 = arith.constant 0 : i32
    %c0_i32_0 = arith.constant 0 : i32
    %c0_i32_1 = arith.constant 0 : i32
    return %c0_i32, %c0_i32_0 : i32, i32
  }
  func.func @transform_7(%arg0: i32) -> (i32, i32) {
    %c0_i32 = arith.constant 0 : i32
    %c0_i32_0 = arith.constant 0 : i32
    %c0_i32_1 = arith.constant 0 : i32
    return %c0_i32, %c0_i32_0 : i32, i32
  }
  func.func @transform_8(%arg0: i32) -> (i32, i32) {
    %c0_i32 = arith.constant 0 : i32
    %c0_i32_0 = arith.constant 0 : i32
    %c0_i32_1 = arith.constant 0 : i32
    return %c0_i32, %c0_i32_0 : i32, i32
  }
  func.func @transform_9(%arg0: i32) -> (i32, i32) {
    %c0_i32 = arith.constant 0 : i32
    %c0_i32_0 = arith.constant 0 : i32
    %c0_i32_1 = arith.constant 0 : i32
    return %c0_i32, %c0_i32_0 : i32, i32
  }
  func.func @transform_10(%arg0: i32) -> (i32, i32) {
    %c0_i32 = arith.constant 0 : i32
    %c0_i32_0 = arith.constant 0 : i32
    %c0_i32_1 = arith.constant 0 : i32
    return %c0_i32, %c0_i32_0 : i32, i32
  }
  func.func @transform_11(%arg0: i32) -> (i32, i32) {
    %c0_i32 = arith.constant 0 : i32
    %c0_i32_0 = arith.constant 0 : i32
    %c0_i32_1 = arith.constant 0 : i32
    return %c0_i32, %c0_i32_0 : i32, i32
  }
  func.func @transform_12(%arg0: i32) -> (i32, i32) {
    %c0_i32 = arith.constant 0 : i32
    %c0_i32_0 = arith.constant 0 : i32
    %c0_i32_1 = arith.constant 0 : i32
    return %c0_i32, %c0_i32_0 : i32, i32
  }
  func.func @transform_13(%arg0: i32) -> (i32, i32) {
    %c0_i32 = arith.constant 0 : i32
    %c0_i32_0 = arith.constant 0 : i32
    return %arg0, %c0_i32 : i32, i32
  }
}

module attributes {stable_mosaic.version = 14 : i64} {
  func.func @body(%arg0: i32, %arg1: memref<1000x128xf32, #tpu.memory_space<vmem>>, %arg2: memref<1000x128xf32, #tpu.memory_space<vmem>>, %arg3: memref<128x128xf32, #tpu.memory_space<vmem>>, %arg4: memref<1x128xf32, #tpu.memory_space<vmem>>, %arg5: memref<128x128xf32, #tpu.memory_space<vmem>>, %arg6: memref<8x128xf32, #tpu.memory_space<vmem>>) attributes {dimension_semantics = [#tpu.dimension_semantics<arbitrary>], iteration_bounds = array<i64: 10>, scalar_prefetch = 0 : i64, scratch_operands = 0 : i64, tpu.core_type = #tpu.core_type<tc>, window_params = [{transform_indices = @transform_0, window_bounds = array<i64: 1000, 128>}, {transform_indices = @transform_1, window_bounds = array<i64: 1000, 128>}, {pipeline_mode = #tpu.pipeline_mode<synchronous>, transform_indices = @transform_2, window_bounds = array<i64: 128, 128>}, {pipeline_mode = #tpu.pipeline_mode<synchronous>, transform_indices = @transform_3, window_bounds = array<i64: 1, 128>}, {pipeline_mode = #tpu.pipeline_mode<synchronous>, transform_indices = @transform_4, window_bounds = array<i64: 128, 128>}, {pipeline_mode = #tpu.pipeline_mode<synchronous>, transform_indices = @transform_5, window_bounds = array<i64: 8, 128>}]} {
    %get3A = arith.constant 0 : index
    %get3A_0 = arith.constant 0 : index
    %get3A_1 = vector.load %arg1[%get3A, %get3A_0] : memref<1000x128xf32, #tpu.memory_space<vmem>>, vector<1000x128xf32>
    %get3A_2 = arith.constant 0 : index
    %get3A_3 = arith.constant 0 : index
    %get3A_4 = vector.load %arg3[%get3A_2, %get3A_3] : memref<128x128xf32, #tpu.memory_space<vmem>>, vector<128x128xf32>
    %dot_general3A = arith.constant dense<0.000000e+00> : vector<1000x128xf32>
    %dot_general3A_5 = tpu.matmul %get3A_1, %get3A_4, %dot_general3A {dimension_numbers = #tpu.dot_dimension_numbers<[1], [0], [0], [1], [0, 0, 1, 1], [], []>, transpose_lhs_hint = false} : vector<1000x128xf32>, vector<128x128xf32>, vector<1000x128xf32> -> vector<1000x128xf32>
    %get3A_6 = arith.constant 0 : index
    %get3A_7 = arith.constant 0 : index
    %get3A_8 = vector.load %arg4[%get3A_6, %get3A_7] : memref<1x128xf32, #tpu.memory_space<vmem>>, vector<1x128xf32>
    %add3A = vector.broadcast %get3A_8 : vector<1x128xf32> to vector<1000x128xf32>
    %add3A_9 = arith.addf %dot_general3A_5, %add3A : vector<1000x128xf32>
    %tanh3A = math.tanh %add3A_9 : vector<1000x128xf32>
    %get3A_10 = arith.constant 0 : index
    %get3A_11 = arith.constant 0 : index
    %get3A_12 = vector.load %arg5[%get3A_10, %get3A_11] : memref<128x128xf32, #tpu.memory_space<vmem>>, vector<128x128xf32>
    %dot_general3A_13 = arith.constant dense<0.000000e+00> : vector<1000x128xf32>
    %dot_general3A_14 = tpu.matmul %tanh3A, %get3A_12, %dot_general3A_13 {dimension_numbers = #tpu.dot_dimension_numbers<[1], [0], [0], [1], [0, 0, 1, 1], [], []>, transpose_lhs_hint = false} : vector<1000x128xf32>, vector<128x128xf32>, vector<1000x128xf32> -> vector<1000x128xf32>
    %slice3A = vector.extract_strided_slice %dot_general3A_14 {offsets = [0, 0], sizes = [1000, 1], strides = [1, 1]} : vector<1000x128xf32> to vector<1000x1xf32>
    %reduce_sum3A = vector.shape_cast %slice3A : vector<1000x1xf32> to vector<1x1000x1xf32>
    %reduce_sum3A_15 = arith.constant dense<0.000000e+00> : vector<1xf32>
    %reduce_sum3A_16 = vector.multi_reduction <add>, %reduce_sum3A, %reduce_sum3A_15 [1, 2] : vector<1x1000x1xf32> to vector<1xf32>
    %reduce_sum3A_17 = vector.shape_cast %reduce_sum3A_16 : vector<1xf32> to vector<1x1x1xf32>
    %reduce_sum3A_18 = vector.extract %reduce_sum3A_17[0, 0, 0] : f32 from vector<1x1x1xf32>
    %get3A_19 = arith.constant 0 : index
    %get3A_20 = arith.constant 0 : index
    %get3A_21 = vector.load %arg2[%get3A_19, %get3A_20] : memref<1000x128xf32, #tpu.memory_space<vmem>>, vector<1000x128xf32>
    %get3A_22 = arith.constant 0 : index
    %get3A_23 = arith.constant 0 : index
    %get3A_24 = vector.load %arg3[%get3A_22, %get3A_23] : memref<128x128xf32, #tpu.memory_space<vmem>>, vector<128x128xf32>
    %dot_general3A_25 = arith.constant dense<0.000000e+00> : vector<1000x128xf32>
    %dot_general3A_26 = tpu.matmul %get3A_21, %get3A_24, %dot_general3A_25 {dimension_numbers = #tpu.dot_dimension_numbers<[1], [0], [0], [1], [0, 0, 1, 1], [], []>, transpose_lhs_hint = false} : vector<1000x128xf32>, vector<128x128xf32>, vector<1000x128xf32> -> vector<1000x128xf32>
    %get3A_27 = arith.constant 0 : index
    %get3A_28 = arith.constant 0 : index
    %get3A_29 = vector.load %arg4[%get3A_27, %get3A_28] : memref<1x128xf32, #tpu.memory_space<vmem>>, vector<1x128xf32>
    %add3A_30 = vector.broadcast %get3A_29 : vector<1x128xf32> to vector<1000x128xf32>
    %add3A_31 = arith.addf %dot_general3A_26, %add3A_30 : vector<1000x128xf32>
    %tanh3A_32 = math.tanh %add3A_31 : vector<1000x128xf32>
    %get3A_33 = arith.constant 0 : index
    %get3A_34 = arith.constant 0 : index
    %get3A_35 = vector.load %arg5[%get3A_33, %get3A_34] : memref<128x128xf32, #tpu.memory_space<vmem>>, vector<128x128xf32>
    %dot_general3A_36 = arith.constant dense<0.000000e+00> : vector<1000x128xf32>
    %dot_general3A_37 = tpu.matmul %tanh3A_32, %get3A_35, %dot_general3A_36 {dimension_numbers = #tpu.dot_dimension_numbers<[1], [0], [0], [1], [0, 0, 1, 1], [], []>, transpose_lhs_hint = false} : vector<1000x128xf32>, vector<128x128xf32>, vector<1000x128xf32> -> vector<1000x128xf32>
    %slice3A_38 = vector.extract_strided_slice %dot_general3A_37 {offsets = [0, 0], sizes = [1000, 1], strides = [1, 1]} : vector<1000x128xf32> to vector<1000x1xf32>
    %reduce_sum3A_39 = vector.shape_cast %slice3A_38 : vector<1000x1xf32> to vector<1x1000x1xf32>
    %reduce_sum3A_40 = arith.constant dense<0.000000e+00> : vector<1xf32>
    %reduce_sum3A_41 = vector.multi_reduction <add>, %reduce_sum3A_39, %reduce_sum3A_40 [1, 2] : vector<1x1000x1xf32> to vector<1xf32>
    %reduce_sum3A_42 = vector.shape_cast %reduce_sum3A_41 : vector<1xf32> to vector<1x1x1xf32>
    %reduce_sum3A_43 = vector.extract %reduce_sum3A_42[0, 0, 0] : f32 from vector<1x1x1xf32>
    %broadcast_in_dim3A = vector.broadcast %reduce_sum3A_18 : f32 to vector<4x128xf32>
    %broadcast_in_dim3A_44 = vector.broadcast %reduce_sum3A_43 : f32 to vector<4x128xf32>
    %concatenate3A = tpu.concatenate %broadcast_in_dim3A, %broadcast_in_dim3A_44 in 0 : vector<4x128xf32>, vector<4x128xf32> -> vector<8x128xf32>
    %eq3A = arith.constant 0 : i32
    %eq3A_45 = arith.cmpi eq, %arg0, %eq3A : i32
    %convert_element_type3A = arith.extui %eq3A_45 : i1 to i32
    %cond3A = arith.constant 0 : i32
    %cond3A_46 = arith.cmpi ne, %convert_element_type3A, %cond3A : i32
    scf.if %cond3A_46 {
      %broadcast_in_dim3A_53 = arith.constant 0.000000e+00 : f32
      %broadcast_in_dim3A_54 = vector.broadcast %broadcast_in_dim3A_53 : f32 to vector<8x128xf32>
      %swap3A_55 = arith.constant 0 : index
      %swap3A_56 = arith.constant 0 : index
      %swap3A_57 = vector.load %arg6[%swap3A_55, %swap3A_56] : memref<8x128xf32, #tpu.memory_space<vmem>>, vector<8x128xf32>
      tpu.vector_store %arg6[%swap3A_55, %swap3A_56], %broadcast_in_dim3A_54 {strides = array<i32>} : memref<8x128xf32, #tpu.memory_space<vmem>>, vector<8x128xf32>,
    } else {
    }
    %get3A_47 = arith.constant 0 : index
    %get3A_48 = arith.constant 0 : index
    %get3A_49 = vector.load %arg6[%get3A_47, %get3A_48] : memref<8x128xf32, #tpu.memory_space<vmem>>, vector<8x128xf32>
    %add3A_50 = arith.addf %get3A_49, %concatenate3A : vector<8x128xf32>
    %swap3A = arith.constant 0 : index
    %swap3A_51 = arith.constant 0 : index
    %swap3A_52 = vector.load %arg6[%swap3A, %swap3A_51] : memref<8x128xf32, #tpu.memory_space<vmem>>, vector<8x128xf32>
    tpu.vector_store %arg6[%swap3A, %swap3A_51], %add3A_50 {strides = array<i32>} : memref<8x128xf32, #tpu.memory_space<vmem>>, vector<8x128xf32>,
    return
  }
  func.func @transform_0(%arg0: i32) -> (i32, i32) {
    %c0_i32 = arith.constant 0 : i32
    %c0_i32_0 = arith.constant 0 : i32
    return %arg0, %c0_i32 : i32, i32
  }
  func.func @transform_1(%arg0: i32) -> (i32, i32) {
    %c0_i32 = arith.constant 0 : i32
    %c0_i32_0 = arith.constant 0 : i32
    return %arg0, %c0_i32 : i32, i32
  }
  func.func @transform_2(%arg0: i32) -> (i32, i32) {
    %c0_i32 = arith.constant 0 : i32
    %c0_i32_0 = arith.constant 0 : i32
    %c0_i32_1 = arith.constant 0 : i32
    return %c0_i32, %c0_i32_0 : i32, i32
  }
  func.func @transform_3(%arg0: i32) -> (i32, i32) {
    %c0_i32 = arith.constant 0 : i32
    %c0_i32_0 = arith.constant 0 : i32
    %c0_i32_1 = arith.constant 0 : i32
    return %c0_i32, %c0_i32_0 : i32, i32
  }
  func.func @transform_4(%arg0: i32) -> (i32, i32) {
    %c0_i32 = arith.constant 0 : i32
    %c0_i32_0 = arith.constant 0 : i32
    %c0_i32_1 = arith.constant 0 : i32
    return %c0_i32, %c0_i32_0 : i32, i32
  }
  func.func @transform_5(%arg0: i32) -> (i32, i32) {
    %c0_i32 = arith.constant 0 : i32
    %c0_i32_0 = arith.constant 0 : i32
    %c0_i32_1 = arith.constant 0 : i32
    return %c0_i32, %c0_i32_0 : i32, i32
  }
}

module attributes {stable_mosaic.version = 14 : i64} {
  func.func @body(%arg0: i32, %arg1: memref<1000x128xf32, #tpu.memory_space<vmem>>, %arg2: memref<1000x128xf32, #tpu.memory_space<vmem>>, %arg3: memref<8x128xf32, #tpu.memory_space<vmem>>, %arg4: memref<128x128xf32, #tpu.memory_space<vmem>>, %arg5: memref<1x128xf32, #tpu.memory_space<vmem>>, %arg6: memref<1000x128xf32, #tpu.memory_space<vmem>>, %arg7: memref<1000x128xf32, #tpu.memory_space<vmem>>) attributes {dimension_semantics = [#tpu.dimension_semantics<arbitrary>], iteration_bounds = array<i64: 10>, scalar_prefetch = 0 : i64, scratch_operands = 0 : i64, tpu.core_type = #tpu.core_type<tc>, window_params = [{transform_indices = @transform_0, window_bounds = array<i64: 1000, 128>}, {transform_indices = @transform_1, window_bounds = array<i64: 1000, 128>}, {pipeline_mode = #tpu.pipeline_mode<synchronous>, transform_indices = @transform_2, window_bounds = array<i64: 8, 128>}, {pipeline_mode = #tpu.pipeline_mode<synchronous>, transform_indices = @transform_3, window_bounds = array<i64: 128, 128>}, {pipeline_mode = #tpu.pipeline_mode<synchronous>, transform_indices = @transform_4, window_bounds = array<i64: 1, 128>}, {transform_indices = @transform_5, window_bounds = array<i64: 1000, 128>}, {transform_indices = @transform_6, window_bounds = array<i64: 1000, 128>}]} {
    %get3A = arith.constant 0 : index
    %get3A_0 = arith.constant 0 : index
    %get3A_1 = vector.load %arg3[%get3A, %get3A_0] : memref<8x128xf32, #tpu.memory_space<vmem>>, vector<8x128xf32>
    %slice3A = vector.extract_strided_slice %get3A_1 {offsets = [0, 0], sizes = [1, 1], strides = [1, 1]} : vector<8x128xf32> to vector<1x1xf32>
    %reduce_sum3A = vector.shape_cast %slice3A : vector<1x1xf32> to vector<1x1x1xf32>
    %reduce_sum3A_2 = arith.constant dense<0.000000e+00> : vector<1xf32>
    %reduce_sum3A_3 = vector.multi_reduction <add>, %reduce_sum3A, %reduce_sum3A_2 [1, 2] : vector<1x1x1xf32> to vector<1xf32>
    %reduce_sum3A_4 = vector.shape_cast %reduce_sum3A_3 : vector<1xf32> to vector<1x1x1xf32>
    %reduce_sum3A_5 = vector.extract %reduce_sum3A_4[0, 0, 0] : f32 from vector<1x1x1xf32>
    %mul3A = arith.constant 9.99999974E-5 : f32
    %mul3A_6 = arith.mulf %reduce_sum3A_5, %mul3A : f32
    %slice3A_7 = vector.extract_strided_slice %get3A_1 {offsets = [4, 0], sizes = [1, 1], strides = [1, 1]} : vector<8x128xf32> to vector<1x1xf32>
    %reduce_sum3A_8 = vector.shape_cast %slice3A_7 : vector<1x1xf32> to vector<1x1x1xf32>
    %reduce_sum3A_9 = arith.constant dense<0.000000e+00> : vector<1xf32>
    %reduce_sum3A_10 = vector.multi_reduction <add>, %reduce_sum3A_8, %reduce_sum3A_9 [1, 2] : vector<1x1x1xf32> to vector<1xf32>
    %reduce_sum3A_11 = vector.shape_cast %reduce_sum3A_10 : vector<1xf32> to vector<1x1x1xf32>
    %reduce_sum3A_12 = vector.extract %reduce_sum3A_11[0, 0, 0] : f32 from vector<1x1x1xf32>
    %mul3A_13 = arith.constant 9.99999974E-5 : f32
    %mul3A_14 = arith.mulf %reduce_sum3A_12, %mul3A_13 : f32
    %max3A = arith.maximumf %mul3A_6, %mul3A_14 : f32
    %sub3A = arith.subf %mul3A_6, %max3A : f32
    %exp3A = math.exp %sub3A : f32
    %sub3A_15 = arith.subf %mul3A_14, %max3A : f32
    %exp3A_16 = math.exp %sub3A_15 : f32
    %add3A = arith.addf %exp3A, %exp3A_16 : f32
    %div3A = arith.divf %exp3A, %add3A : f32
    %get3A_17 = arith.constant 0 : index
    %get3A_18 = arith.constant 0 : index
    %get3A_19 = vector.load %arg1[%get3A_17, %get3A_18] : memref<1000x128xf32, #tpu.memory_space<vmem>>, vector<1000x128xf32>
    %mul3A_20 = vector.broadcast %div3A : f32 to vector<1000x128xf32>
    %mul3A_21 = arith.mulf %mul3A_20, %get3A_19 : vector<1000x128xf32>
    %div3A_22 = arith.divf %exp3A_16, %add3A : f32
    %get3A_23 = arith.constant 0 : index
    %get3A_24 = arith.constant 0 : index
    %get3A_25 = vector.load %arg2[%get3A_23, %get3A_24] : memref<1000x128xf32, #tpu.memory_space<vmem>>, vector<1000x128xf32>
    %mul3A_26 = vector.broadcast %div3A_22 : f32 to vector<1000x128xf32>
    %mul3A_27 = arith.mulf %mul3A_26, %get3A_25 : vector<1000x128xf32>
    %add3A_28 = arith.addf %mul3A_21, %mul3A_27 : vector<1000x128xf32>
    %swap3A = arith.constant 0 : index
    %swap3A_29 = arith.constant 0 : index
    %swap3A_30 = vector.load %arg6[%swap3A, %swap3A_29] : memref<1000x128xf32, #tpu.memory_space<vmem>>, vector<1000x128xf32>
    tpu.vector_store %arg6[%swap3A, %swap3A_29], %add3A_28 {strides = array<i32>} : memref<1000x128xf32, #tpu.memory_space<vmem>>, vector<1000x128xf32>,
    %get3A_31 = arith.constant 0 : index
    %get3A_32 = arith.constant 0 : index
    %get3A_33 = vector.load %arg4[%get3A_31, %get3A_32] : memref<128x128xf32, #tpu.memory_space<vmem>>, vector<128x128xf32>
    %dot_general3A = arith.constant dense<0.000000e+00> : vector<1000x128xf32>
    %dot_general3A_34 = tpu.matmul %add3A_28, %get3A_33, %dot_general3A {dimension_numbers = #tpu.dot_dimension_numbers<[1], [0], [0], [1], [0, 0, 1, 1], [], []>, transpose_lhs_hint = false} : vector<1000x128xf32>, vector<128x128xf32>, vector<1000x128xf32> -> vector<1000x128xf32>
    %get3A_35 = arith.constant 0 : index
    %get3A_36 = arith.constant 0 : index
    %get3A_37 = vector.load %arg5[%get3A_35, %get3A_36] : memref<1x128xf32, #tpu.memory_space<vmem>>, vector<1x128xf32>
    %add3A_38 = vector.broadcast %get3A_37 : vector<1x128xf32> to vector<1000x128xf32>
    %add3A_39 = arith.addf %dot_general3A_34, %add3A_38 : vector<1000x128xf32>
    %swap3A_40 = arith.constant 0 : index
    %swap3A_41 = arith.constant 0 : index
    %swap3A_42 = vector.load %arg7[%swap3A_40, %swap3A_41] : memref<1000x128xf32, #tpu.memory_space<vmem>>, vector<1000x128xf32>
    tpu.vector_store %arg7[%swap3A_40, %swap3A_41], %add3A_39 {strides = array<i32>} : memref<1000x128xf32, #tpu.memory_space<vmem>>, vector<1000x128xf32>,
    return
  }
  func.func @transform_0(%arg0: i32) -> (i32, i32) {
    %c0_i32 = arith.constant 0 : i32
    %c0_i32_0 = arith.constant 0 : i32
    return %arg0, %c0_i32 : i32, i32
  }
  func.func @transform_1(%arg0: i32) -> (i32, i32) {
    %c0_i32 = arith.constant 0 : i32
    %c0_i32_0 = arith.constant 0 : i32
    return %arg0, %c0_i32 : i32, i32
  }
  func.func @transform_2(%arg0: i32) -> (i32, i32) {
    %c0_i32 = arith.constant 0 : i32
    %c0_i32_0 = arith.constant 0 : i32
    %c0_i32_1 = arith.constant 0 : i32
    return %c0_i32, %c0_i32_0 : i32, i32
  }
  func.func @transform_3(%arg0: i32) -> (i32, i32) {
    %c0_i32 = arith.constant 0 : i32
    %c0_i32_0 = arith.constant 0 : i32
    %c0_i32_1 = arith.constant 0 : i32
    return %c0_i32, %c0_i32_0 : i32, i32
  }
  func.func @transform_4(%arg0: i32) -> (i32, i32) {
    %c0_i32 = arith.constant 0 : i32
    %c0_i32_0 = arith.constant 0 : i32
    %c0_i32_1 = arith.constant 0 : i32
    return %c0_i32, %c0_i32_0 : i32, i32
  }
  func.func @transform_5(%arg0: i32) -> (i32, i32) {
    %c0_i32 = arith.constant 0 : i32
    %c0_i32_0 = arith.constant 0 : i32
    return %arg0, %c0_i32 : i32, i32
  }
  func.func @transform_6(%arg0: i32) -> (i32, i32) {
    %c0_i32 = arith.constant 0 : i32
    %c0_i32_0 = arith.constant 0 : i32
    return %arg0, %c0_i32 : i32, i32
  }
}

</mosaic_0001>

<sc_bundles>
// kernel: kernel.14.cloned.1.call-start
scs
__scs_entry_jumppad:
0x0: {  	(pc) =	sbr.rel $0x88, $3  }
0x1: {  	(tag) =	ssettag $0x0;
	lr =	simm.s32 $0x1  }
0x2: {  	[smem:$0x3F81] =	sst lr;
	_ =	strace $0xD0000000  }
0x3: {  	_ = 	snop  }
0x4: {  	_ = 	snop  }
0x5: {  	_ = 	snop  }
0x6: {  	_ = 	snop  }
0x7: {  	_ = 	snop  }
__scs_overlays_trampoline_lowered:
0x8: {  	[smem:$0x3F90] =	sst s0  }
0x9: {  	[smem:$0x3F91] =	sst s1  }
0xa: {  	[smem:$0x3F92] =	sst s2  }
0xb: {  	[smem:$0x3F93] =	sst s3  }
0xc: {  	[smem:$0x3F94] =	sst s4  }
0xd: {  	[smem:$0x3F95] =	sst s5  }
0xe: {  	[smem:$0x3F96] =	sst s6  }
0xf: {  	[smem:$0x3F97] =	sst s7  }
0x10: {  	[smem:$0x3F98] =	sst s8  }
0x11: {  	[smem:$0x3F99] =	sst s9;
	s0 =	simm.s32 @!p0 $0x0  }
0x12: {  	s1 =	sld [smem:$0x3F7F];
	s0 =	simm.s32 @p0 $0x1  }
0x13: {  	[smem:$0x3F9A] =	sst s0;
	s0 =	simm.s32 @!p1 $0x0  }
0x14: {  	s2 =	sld [smem:$0x3F7E];
	s0 =	simm.s32 @p1 $0x1  }
0x15: {  	[smem:$0x3F9B] =	sst s0;
	s0 =	simm.s32 @!p2 $0x0  }
0x16: {  	s3 =	sld [smem:$0x3FDB];
	s0 =	simm.s32 @p2 $0x1  }
0x17: {  	s4 =	simm.s32 $0x1BF5;
	[smem:$0x3F9D] =	sst s0  }
0x18: {  	s0 =	sld [smem:$0x3F80];
	_ =	swait.ge [sflag:s4], $0x0  }
0x19: {  	s7 =	sld [smem:$0x3F81]  }
0x1a: {  	s8 =	sadd.s32 $0xFFFFE003, lr  }
0x1b: {  	s9 =	sadd.s32 $0xFFFFFEF7, lr;
	s5 =	simm.s32 $0xFFFFFFFF;
	p2 =	slt.u32 s8, $0xFFFFF086  }
0x1c: {  	p1 =	slt.u32 s9, $0xF7A;
	s5 =	simm.s32 @!p2 $0x0  }
0x1d: {  	s5 =	simm.s32 @p1 $0x1;
	p0 =	seq.s32 s7, s2  }
0x1e: {  	s7 =	smul.u32 @!p0 $0xF7A, s2;
	p2 =	seq.s32 @!p0 s5, $0x0  }
0x1f: {  	s9 =	smul.u32 $0xF7A, s1;
	s8 =	simm.s32 @!p0 $0x1BF5;
	p2 =	por !p2, p0  }
0x20: {  	[sflag:s8] =	ssyncset.s32 @!p0 $0xFFFFF086;
	s6 =	sadd.s32 @!p0 s3, s7;
	s7 =	simm.s32 @!p0 $0x108  }
0x21: {  	s3 =	sadd.s32 s3, s9;
	s6 =	sadd.s32 @!p0 $0x88, s6;
	s7 =	simm.s32 @p2 $0x1082  }
0x22: {  	[simem:s7], [sflag:s8] =	dma.local @!p0 [hbm:s6], $0xF7A  }
0x23: {  	s9 =	sor.u32 $0xD0000000, s2;
	s6 =	simm.s32 $0x108;
	_ =	swait.ge @!p0 [sflag:s8], $0x0  }
0x24: {  	s3 =	sadd.s32 $0x88, s3;
	s6 =	simm.s32 @!p1 $0x1082;
	[sflag:s4] =	ssyncset.s32 $0xFFFFF086  }
0x25: {  	[simem:s6], [sflag:s4] =	dma.local [hbm:s3], $0xF7A  }
0x26: {  	[smem:$0x3F81] =	sst s1;
	(tag) =	ssettag s2;
	_ =	strace s9  }
0x27: {  	s1 =	sld [smem:$0x3F91]  }
0x28: {  	s2 =	sld [smem:$0x3F92]  }
0x29: {  	s4 =	sld [smem:$0x3F94]  }
0x2a: {  	p0 =	seq.s32 s5, $0x0;
	s5 =	sld [smem:$0x3F95]  }
0x2b: {  	s6 =	sld [smem:$0x3F96]  }
0x2c: {  	s7 =	sld [smem:$0x3F97]  }
0x2d: {  	s3 =	simm.s32 $0x108;
	s8 =	sld [smem:$0x3F98]  }
0x2e: {  	s3 =	simm.s32 @!p0 $0x1082;
	s9 =	sld [smem:$0x3F99]  }
0x2f: {  	lr =	sadd.s32 s0, s3;
	s0 =	sld [smem:$0x3F90]  }
0x30: {  	s3 =	sld [smem:$0x3F93]  }
0x31: {  	[smem:$0x3F9C] =	sst s10  }
0x32: {  	s10 =	sld [smem:$0x3F9A];
	_ =	sdelay $0x3  }
0x33: {  	p0 =	seq.s32 s10, $0x1;
	s10 =	sld [smem:$0x3F9C];
	_ =	sdelay $0x3  }
0x34: {  	[smem:$0x3F9C] =	sst s10  }
0x35: {  	s10 =	sld [smem:$0x3F9B];
	_ =	sdelay $0x3  }
0x36: {  	p1 =	seq.s32 s10, $0x1;
	s10 =	sld [smem:$0x3F9C];
	_ =	sdelay $0x3  }
0x37: {  	[smem:$0x3F9C] =	sst s10  }
0x38: {  	s10 =	sld [smem:$0x3F9D]  }
0x39: {  	_ = 	snop;
	(pc) =	sbr.ind lr, $3  }
0x3a: {  	_ = 	snop  }
0x3b: {  	_ = 	snop  }
0x3c: {  	p2 =	seq.s32 s10, $0x1;
	s10 =	sld [smem:$0x3F9C]  }
0x3d: {  	_ =	shalt  }
0x3e: {  	_ =	shalt  }
0x3f: {  	_ =	shalt  }
0x40: {  	_ =	shalt  }
0x41: {  	_ =	shalt  }
0x42: {  	_ =	shalt  }
0x43: {  	_ =	shalt  }
0x44: {  	_ =	shalt  }
0x45: {  	_ =	shalt  }
0x46: {  	_ =	shalt  }
0x47: {  	_ =	shalt  }
0x48: {  	_ =	shalt  }
0x49: {  	_ =	shalt  }
0x4a: {  	_ =	shalt  }
0x4b: {  	_ =	shalt  }
0x4c: {  	_ =	shalt  }
0x4d: {  	_ =	shalt  }
0x4e: {  	_ =	shalt  }
0x4f: {  	_ =	shalt  }
0x50: {  	_ =	shalt  }
0x51: {  	_ =	shalt  }
0x52: {  	_ =	shalt  }
0x53: {  	_ =	shalt  }
0x54: {  	_ =	shalt  }
0x55: {  	_ =	shalt  }
0x56: {  	_ =	shalt  }
0x57: {  	_ =	shalt  }
0x58: {  	_ =	shalt  }
0x59: {  	_ =	shalt  }
0x5a: {  	_ =	shalt  }
0x5b: {  	_ =	shalt  }
0x5c: {  	_ =	shalt  }
0x5d: {  	_ =	shalt  }
0x5e: {  	_ =	shalt  }
0x5f: {  	_ =	shalt  }
0x60: {  	_ =	shalt  }
0x61: {  	_ =	shalt  }
0x62: {  	_ =	shalt  }
0x63: {  	_ =	shalt  }
0x64: {  	_ =	shalt  }
0x65: {  	_ =	shalt  }
0x66: {  	_ =	shalt  }
0x67: {  	_ =	shalt  }
0x68: {  	_ =	shalt  }
0x69: {  	_ =	shalt  }
0x6a: {  	_ =	shalt  }
0x6b: {  	_ =	shalt  }
0x6c: {  	_ =	shalt  }
0x6d: {  	_ =	shalt  }
0x6e: {  	_ =	shalt  }
0x6f: {  	_ =	shalt  }
0x70: {  	_ =	shalt  }
0x71: {  	_ =	shalt  }
0x72: {  	_ =	shalt  }
0x73: {  	_ =	shalt  }
0x74: {  	_ =	shalt  }
0x75: {  	_ =	shalt  }
0x76: {  	_ =	shalt  }
0x77: {  	_ =	shalt  }
0x78: {  	_ =	shalt  }
0x79: {  	_ =	shalt  }
0x7a: {  	_ =	shalt  }
0x7b: {  	_ =	shalt  }
0x7c: {  	_ =	shalt  }
0x7d: {  	_ =	shalt  }
0x7e: {  	_ =	shalt  }
0x7f: {  	_ =	shalt  }
0x80: {  	_ =	shalt  }
0x81: {  	_ =	shalt  }
0x82: {  	_ =	shalt  }
0x83: {  	_ =	shalt  }
0x84: {  	_ =	shalt  }
0x85: {  	_ =	shalt  }
0x86: {  	_ =	shalt  }
0x87: {  	_ =	shalt  }
.Lfunc_end0:
.L_simem_size_0:
called_computation_lowered:
.L_overlay_start_0:
0x88: {  	s2 =	sld [smem:$0x3FD9]  }
0x89: {  	s3 =	sld [smem:$0x3FFE];
	_ =	sdelay $0x1  }
0x8a: {  	s1 =	srdreg.scid  }
0x8b: {  	s0 =	sand.u32 $0x1, s1  }
0x8c: {  	s14 =	sshll.u32 s0, $0xA;
	s2 =	sadd.s32 s3, s2  }
0x8d: {  	s2 =	sadd.s32 s2, s14  }
0x8e: {  	[smem:$0x3FA8] =	sst s2  }
0x8f: {  	_ = 	snop  }
0x90: {  	s2 =	sld [smem:$0x3FD0];
	_ =	sdelay $0x2  }
0x91: {  	s15 =	simm.s32 $0xB;
	s4 =	simm.s32 $0x10  }
0x92: {  	[smem:s4], [sflag:s15] =	dma.local [hbm:s2], $0x1  }
0x93: {  	_ =	swait.eq [sflag:s15], $0x1  }
0x94: {  	[sflag:s15] =	ssyncset.done $0x0  }
0x95: {  	[sflag:s15] =	ssyncadd.s32 $0xFFFFFFFF  }
0x96: {  	s16 =	sld [smem:$0x11];
	(tm) =	ssettm $0x1  }
0x97: {  	s17 =	sld [smem:$0x3FFB];
	_ =	sdelay $0x3  }
0x98: {  	_ =	strace s17  }
0x99: {  	s3 =	sld [smem:$0x3FFC];
	_ =	sdelay $0x3  }
0x9a: {  	_ =	strace s3  }
0x9b: {  	s3 =	sld [smem:$0x3FFD];
	_ =	sdelay $0x3  }
0x9c: {  	_ =	strace s3  }
0x9d: {  	_ =	strace $0x8FFFFFFF  }
0x9e: {  	s18 =	sld [smem:$0x3FDB];
	_ =	sdelay $0x1  }
0x9f: {  	s19 =	simm.s32 $_scs_section_size  }
0xa0: {  	s5 =	simm.s32 $_size__tile_overlayer_lowered;
	s6 =	simm.s32 $_tile_overlayer_lowered  }
0xa1: {  	s22 =	simm.s32 $0x1BFF;
	s21 =	sshll.u32 s6, $0x1;
	s3 =	sadd.s32 s19, s18  }
0xa2: {  	s7 =	simm.s32 $0x0;
	s20 =	sshll.u32 s5, $0x1;
	s5 =	sadd.s32 s21, s3  }
0xa3: {  	[timem:s7], [sflag:s22] =	dma.local [hbm:s5], s20  }
0xa4: {  	_ =	swait.ge [sflag:s22], s20  }
0xa5: {  	s4 =	ssub.s32 $0x0, s20;
	[sflag:s22] =	ssyncset.done $0x0  }
0xa6: {  	[sflag:s22] =	ssyncadd.s32 s4;
	_ =	sdelay $0x1  }
0xa7: {  	s23 =	simm.s32 $0x1B8B  }
0xa8: {  	_ =	swait.ge [sflag:s23], $0x1  }
0xa9: {  	[sflag:s23] =	ssyncset.done $0x0  }
0xaa: {  	s25 =	simm.s32 $0x1B8E;
	s24 =	sld [smem:$0x3FFE];
	[sflag:s23] =	ssyncadd.s32 $0xFFFFFFFF  }
0xab: {  	s26 =	simm.s32 $execute0_lowered;
	[smem:$0x3FD2] =	sst s25  }
0xac: {  	s5 =	sshll.u32 s26, $0x1;
	_ =	strace $0x80000046;
	[dreg:$0x1] =	wrdreg $0xFFFFFFFF  }
0xad: {  	s28 =	simm.s32 $_size_execute0_lowered;
	s3 =	sadd.s32 s3, s5;
	[dreg:$0x0] =	wrdreg $0x0  }
0xae: {  	s5 =	sshll.u32 s28, $0x1;
	[dreg:$0x2] =	wrdreg s3  }
0xaf: {  	[dreg:$0x3] =	wrdreg s5  }
0xb0: {  	[dreg:$0x4] =	wrdreg $0xC0  }
0xb1: {  	_ =	task [dreg:s7], $0x5FFFF  }
0xb2: {  	[dreg:$0x1] =	wrdreg $0xFFFFFFFF  }
0xb3: {  	[dreg:$0x0] =	wrdreg $0x60  }
0xb4: {  	[dreg:$0x2] =	wrdreg s16  }
0xb5: {  	[dreg:$0x3] =	wrdreg s24  }
0xb6: {  	[dreg:$0x4] =	wrdreg $0x9  }
0xb7: {  	_ =	task.clear_ibuf [dreg:s7], $0x5FFFF;
	_ =	strace $0x90000046  }
0xb8: {  	s29 =	simm.s32 $0x9;
	_ =	strace $0x80000048  }
0xb9: {  	_ =	swait.ge [sflag:s29], $0x1  }
0xba: {  	[sflag:s29] =	ssyncadd.s32 $0xFFFFFFFF  }
0xbb: {  	_ =	strace $0x90000048  }
0xbc: {  	_ =	sfence  }
0xbd: {  	s30 =	sld [smem:$0x0];
	_ =	sdelay $0x2  }
0xbe: {  	s31 =	sshll.u32 s1, $0xD;
	s1 =	sshrl.u32 s1, $0x2  }
0xbf: {  	s3 =	sand.u32 $0x4000, s31;
	s1 =	sadd.s32 s1, s30  }
0xc0: {  	s0 =	sor.u32 s3, s0;
	s1 =	sshll.u32 s1, $0x11  }
0xc1: {  	s0 =	sor.u32 s1, s0  }
0xc2: {  	s0 =	sadd.s32 $0x8F2B, s0  }
0xc3: {  	[sflag:s0] =	ssyncadd.remote.s32 $0x1  }
0xc4: {  	_ =	sfence.sel $0xFFFF  }
0xc5: {  	[dreg:$0x0] =	wrdreg $0xFFFFFFFF;
	(pc) =	sbr.abs _section_cstart, $3  }
0xc6: {  	[dreg:$0x1] =	wrdreg $0xFFFFFFFF  }
0xc7: {  	_ =	task.clear_ibuf [dreg:s7], $0x2FFFF;
	_ =	strace $0x9FFFFFFF  }
0xc8: {  	(tm) =	ssettm $0x7FFFFFFF  }
0xc9: {  	_ =	shalt  }
tec
execute0_lowered:
.L_overlay_start_1:
0x0: {  	(tag) =	ssettag $0x1  }
0x1: {  	s3 =	rddreg [dreg:$0x0]  }
0x2: {  	s4 =	rddreg [dreg:$0x1]  }
0x3: {  	s0 =	rddreg [dreg:$0x2];
	s2 =	simm.s32 $0x0;
	s5 =	srdreg.scid  }
0x4: {  	s1 =	stileid.u32;
	s10 =	simm.s32 $0x1;
	s11 =	simm.s32 $0x3B80  }
0x5: {  	s12 =	simm.s32 $0x2780;
	s5 =	sand.u32 $0x1, s5;
	s6 =	sshrl.u32 s1, $0x2  }
0x6: {  	s7 =	sshll.u32 s1, $0x8;
	[smem:$0x7FF] =	sst s2;
	s9 =	smul.u32 $0xA000, s6  }
0x7: {  	s8 =	sshll.u32 s5, $0x7;
	s7 =	sand.u32 $0x300, s7;
	s6 =	smul.u32 $0x13C00, s6  }
0x8: {  	_ =	strace $0x80000047;
	s5 =	ssub.s32 $0x2, s5;
	s7 =	sor.u32 s8, s7  }
0x9: {  	s30 =	sshrl.u32 s5, $0x1;
	s8 =	sor.u32 s9, s7;
	s6 =	sor.u32 s6, s7  }
0xa: {  	s9 =	simm.s32 $0x400;
	s8 =	sshrl.u32 s8, $0x3;
	s6 =	sshrl.u32 s6, $0x3  }
0xb: {  	s29 =	sadd.s32 s8, s4;
	s31 =	sadd.s32 s6, s4;
	s8 =	ssub.s32 s5, s30  }
0xc: {  	s3 =	sadd.s32 s3, s6;
	s4 =	sadd.s32 $0xDA00, s31;
	s5 =	sadd.s32 $0x8A00, s29  }
0xd: {  	v0 =	vimm.f32 $0.0e+00;
	v1 =	vimm.f32 $1.000000000e+00;
	vm0 =	vcmask $0x3F20;
	s6 =	sadd.s32 $0x17800, s31;
	s7 =	smax.u32 s8, $0x1;
	s8 =	simm.s32 $0x80  }
.LBB2_1:
0xe: {  	s13 =	simm.s32 $0x40;
	s14 =	simm.s32 $0x0  }
.LBB2_2:
0xf: {  	p0 =	sne.s32 s13, $0x9C00;
	[tilespmem:s14+$0x3B80] =	vst v0;
	s14 =	smov.u32 s13;
	s13 =	sadd.s32 $0x40, s13  }
.Ltmp0:
0x10: {  	(pc) =	sbr.rel @p0 .LBB2_2-.Ltmp0, $2  }
0x11: {  	_ =	sdelay $0x2  }
0x12: {  	s14 =	sshra.s32 s14, $0x2  }
0x13: {  	[tilespmem:s14+$0x3B80] =	vst v0;
	s13 =	simm.s32 $0x0  }
0x14: {  	[tilespmem:s13], [sflag:$0x1] =	stream.strided.gather [hbm4b:s3+s8], $0x2780, s9, s8, $0x38;
	[tilespmem:$0x6300] =	vst v63  }
0x15: {  	_ =	swait.ge [sflag:s10], $0x2780  }
0x16: {  	[sflag:s10] =	ssyncset.done $0x0  }
0x17: {  	s14 =	simm.s32 $0x0;
	s13 =	simm.s32 $0x40;
	[sflag:s10] =	ssyncadd.s32 $0xFFFFD880  }
.LBB2_4:
0x18: {  	p0 =	sne.s32 s13, $0x9C00;
	v2 =	vld [tilespmem:s14+$0x0];
	_ =	sdelay $0x3  }
.Ltmp1:
0x19: {  	(pc) =	sbr.rel @p0 .LBB2_4-.Ltmp1, $2  }
0x1a: {  	_ =	sdelay $0x2  }
0x1b: {  	s14 =	sshra.s32 s13, $0x2;
	s13 =	sadd.s32 $0x40, s13;
	[tilespmem:v2+s11+$0x0] =	vst.idx.add.f32.msk $0xffff, v1  }
0x1c: {  	v2 =	vld [tilespmem:s14+$0x0];
	_ =	sdelay $0x7  }
0x1d: {  	[tilespmem:v2+s11+$0x0] =	vst.idx.add.f32.msk $0xffff, v1  }
0x1e: {  	[hbm4b:s4+s8] =	stream.strided.scatter [tilespmem:s11], [sflag:$0x1], $0x2780, s9, s8, $0x38;
	[tilespmem:$0x6300] =	vst v63  }
0x1f: {  	_ =	swait.ge [sflag:s10], $0x2780  }
0x20: {  	[sflag:s10] =	ssyncset.done $0x0  }
0x21: {  	s13 =	simm.s32 $0x40;
	s14 =	simm.s32 $0x0;
	[sflag:s10] =	ssyncadd.s32 $0xFFFFD880  }
.LBB2_6:
0x22: {  	p0 =	sne.s32 s13, $0x9C00;
	[tilespmem:s14+$0x3B80] =	vst v0;
	s14 =	smov.u32 s13;
	s13 =	sadd.s32 $0x40, s13  }
.Ltmp2:
0x23: {  	(pc) =	sbr.rel @p0 .LBB2_6-.Ltmp2, $2  }
0x24: {  	_ =	sdelay $0x2  }
0x25: {  	s14 =	sshra.s32 s14, $0x2  }
0x26: {  	[tilespmem:s14+$0x3B80] =	vst v0  }
0x27: {  	[tilespmem:s12], [sflag:$0x1] =	stream.strided.gather [hbm4b:s5+s8], $0x1400, s9, s8, $0x38;
	[tilespmem:$0x6300] =	vst v63  }
0x28: {  	_ =	swait.ge [sflag:s10], $0x1400  }
0x29: {  	[sflag:s10] =	ssyncset.done $0x0  }
0x2a: {  	s14 =	simm.s32 $0x0;
	s13 =	simm.s32 $0x40;
	[sflag:s10] =	ssyncadd.s32 $0xFFFFEC00  }
.LBB2_8:
0x2b: {  	p0 =	sne.s32 s13, $0x4DC0;
	v2 =	vld [tilespmem:s14+$0x2780];
	_ =	sdelay $0x3  }
.Ltmp3:
0x2c: {  	(pc) =	sbr.rel @p0 .LBB2_8-.Ltmp3, $2  }
0x2d: {  	_ =	sdelay $0x2  }
0x2e: {  	s14 =	sshra.s32 s13, $0x2;
	s13 =	sadd.s32 $0x40, s13;
	[tilespmem:v2+s11+$0x0] =	vst.idx.add.f32.msk $0xffff, v1  }
0x2f: {  	v2 =	vld [tilespmem:s14+$0x2780];
	_ =	sdelay $0x7  }
0x30: {  	[tilespmem:v2+s11+$0x0] =	vst.idx.add.f32.msk $0xffff, v1  }
0x31: {  	v2 =	vld [tilespmem:$0x3AF8];
	_ =	sdelay $0x5  }
0x32: {  	s2 =	sadd.s32 $0x1, s2  }
0x33: {  	p0 =	sne.s32 s2, s7  }
.Ltmp4:
0x34: {  	[tilespmem:v2+s11+$0x0] =	vst.idx.add.f32.msk vm0, v1;
	(pc) =	sbr.rel @p0 .LBB2_1-.Ltmp4, $4  }
0x35: {  	[hbm4b:s6+s8] =	stream.strided.scatter [tilespmem:s11], [sflag:$0x1], $0x2780, s9, s8, $0x38;
	[tilespmem:$0x6300] =	vst v63  }
0x36: {  	_ =	swait.ge [sflag:s10], $0x2780  }
0x37: {  	[sflag:s10] =	ssyncset.done $0x0  }
0x38: {  	[sflag:s10] =	ssyncadd.s32 $0xFFFFD880  }
0x39: {  	_ =	sfence.sel $0x180000  }
0x3a: {  	[bflag:$0x0] =	sbarrier.arrive $0xFFFF  }
0x3b: {  	p0 =	sne.s32 s1, $0x0;
	_ =	strace $0x90000047  }
0x3c: {  	s0 =	sadd.s32 @!p0 $0x100000, s0;
	[bflag:$0x2] =	sbarrier.arrive $0xFFFF  }
0x3d: {  	[sflag:s0] =	ssyncadd.tile.s32 @!p0 $0x1;
	_ =	shalt  }
.Lfunc_end2:
_tile_overlayer_lowered:
.L_overlay_start_2:
0x3e: {  	(tag) =	ssettag $0x2  }
0x3f: {  	s0 =	rddreg [dreg:$0x0];
	s2 =	stileid.u32  }
0x40: {  	s1 =	rddreg [dreg:$0x1];
	p0 =	sne.s32 s2, $0x0  }
0x41: {  	s3 =	rddreg [dreg:$0x2];
	[bflag:$0x3] =	sbarrier.arrive $0xFFFF;
	s2 =	simm.s32 @!p0 $0x1C01  }
0x42: {  	[timem:s3], [sflag:s2] =	dma.local @!p0 [hbm:s0], s1  }
0x43: {  	s0 =	simm.s32 @!p0 $0x1  }
0x44: {  	_ =	swait.ge @!p0 [sflag:s0], s1  }
0x45: {  	s1 =	ssub.s32 @!p0 $0x0, s1;
	[sflag:s0] =	ssyncset.done @!p0 $0x0  }
0x46: {  	[sflag:s0] =	ssyncadd.s32 @!p0 s1  }
0x47: {  	[bflag:$0x3] =	sbarrier.arrive $0xFFFF  }
0x48: {  	_ =	shalt  }

// kernel: kernel.17.cloned.1.call-start
scs
__scs_entry_jumppad:
0x0: {  	(pc) =	sbr.rel $0x88, $3  }
0x1: {  	(tag) =	ssettag $0x0;
	lr =	simm.s32 $0x1  }
0x2: {  	[smem:$0x3F81] =	sst lr;
	_ =	strace $0xD0000000  }
0x3: {  	_ = 	snop  }
0x4: {  	_ = 	snop  }
0x5: {  	_ = 	snop  }
0x6: {  	_ = 	snop  }
0x7: {  	_ = 	snop  }
__scs_overlays_trampoline_lowered:
0x8: {  	[smem:$0x3F90] =	sst s0  }
0x9: {  	[smem:$0x3F91] =	sst s1  }
0xa: {  	[smem:$0x3F92] =	sst s2  }
0xb: {  	[smem:$0x3F93] =	sst s3  }
0xc: {  	[smem:$0x3F94] =	sst s4  }
0xd: {  	[smem:$0x3F95] =	sst s5  }
0xe: {  	[smem:$0x3F96] =	sst s6  }
0xf: {  	[smem:$0x3F97] =	sst s7  }
0x10: {  	[smem:$0x3F98] =	sst s8  }
0x11: {  	[smem:$0x3F99] =	sst s9;
	s0 =	simm.s32 @!p0 $0x0  }
0x12: {  	s1 =	sld [smem:$0x3F7F];
	s0 =	simm.s32 @p0 $0x1  }
0x13: {  	[smem:$0x3F9A] =	sst s0;
	s0 =	simm.s32 @!p1 $0x0  }
0x14: {  	s2 =	sld [smem:$0x3F7E];
	s0 =	simm.s32 @p1 $0x1  }
0x15: {  	[smem:$0x3F9B] =	sst s0;
	s0 =	simm.s32 @!p2 $0x0  }
0x16: {  	s3 =	sld [smem:$0x3FDB];
	s0 =	simm.s32 @p2 $0x1  }
0x17: {  	s4 =	simm.s32 $0x1BF5;
	[smem:$0x3F9D] =	sst s0  }
0x18: {  	s0 =	sld [smem:$0x3F80];
	_ =	swait.ge [sflag:s4], $0x0  }
0x19: {  	s7 =	sld [smem:$0x3F81]  }
0x1a: {  	s8 =	sadd.s32 $0xFFFFE003, lr  }
0x1b: {  	s9 =	sadd.s32 $0xFFFFFEF7, lr;
	s5 =	simm.s32 $0xFFFFFFFF;
	p2 =	slt.u32 s8, $0xFFFFF086  }
0x1c: {  	p1 =	slt.u32 s9, $0xF7A;
	s5 =	simm.s32 @!p2 $0x0  }
0x1d: {  	s5 =	simm.s32 @p1 $0x1;
	p0 =	seq.s32 s7, s2  }
0x1e: {  	s7 =	smul.u32 @!p0 $0xF7A, s2;
	p2 =	seq.s32 @!p0 s5, $0x0  }
0x1f: {  	s9 =	smul.u32 $0xF7A, s1;
	s8 =	simm.s32 @!p0 $0x1BF5;
	p2 =	por !p2, p0  }
0x20: {  	[sflag:s8] =	ssyncset.s32 @!p0 $0xFFFFF086;
	s6 =	sadd.s32 @!p0 s3, s7;
	s7 =	simm.s32 @!p0 $0x108  }
0x21: {  	s3 =	sadd.s32 s3, s9;
	s6 =	sadd.s32 @!p0 $0x88, s6;
	s7 =	simm.s32 @p2 $0x1082  }
0x22: {  	[simem:s7], [sflag:s8] =	dma.local @!p0 [hbm:s6], $0xF7A  }
0x23: {  	s9 =	sor.u32 $0xD0000000, s2;
	s6 =	simm.s32 $0x108;
	_ =	swait.ge @!p0 [sflag:s8], $0x0  }
0x24: {  	s3 =	sadd.s32 $0x88, s3;
	s6 =	simm.s32 @!p1 $0x1082;
	[sflag:s4] =	ssyncset.s32 $0xFFFFF086  }
0x25: {  	[simem:s6], [sflag:s4] =	dma.local [hbm:s3], $0xF7A  }
0x26: {  	[smem:$0x3F81] =	sst s1;
	(tag) =	ssettag s2;
	_ =	strace s9  }
0x27: {  	s1 =	sld [smem:$0x3F91]  }
0x28: {  	s2 =	sld [smem:$0x3F92]  }
0x29: {  	s4 =	sld [smem:$0x3F94]  }
0x2a: {  	p0 =	seq.s32 s5, $0x0;
	s5 =	sld [smem:$0x3F95]  }
0x2b: {  	s6 =	sld [smem:$0x3F96]  }
0x2c: {  	s7 =	sld [smem:$0x3F97]  }
0x2d: {  	s3 =	simm.s32 $0x108;
	s8 =	sld [smem:$0x3F98]  }
0x2e: {  	s3 =	simm.s32 @!p0 $0x1082;
	s9 =	sld [smem:$0x3F99]  }
0x2f: {  	lr =	sadd.s32 s0, s3;
	s0 =	sld [smem:$0x3F90]  }
0x30: {  	s3 =	sld [smem:$0x3F93]  }
0x31: {  	[smem:$0x3F9C] =	sst s10  }
0x32: {  	s10 =	sld [smem:$0x3F9A];
	_ =	sdelay $0x3  }
0x33: {  	p0 =	seq.s32 s10, $0x1;
	s10 =	sld [smem:$0x3F9C];
	_ =	sdelay $0x3  }
0x34: {  	[smem:$0x3F9C] =	sst s10  }
0x35: {  	s10 =	sld [smem:$0x3F9B];
	_ =	sdelay $0x3  }
0x36: {  	p1 =	seq.s32 s10, $0x1;
	s10 =	sld [smem:$0x3F9C];
	_ =	sdelay $0x3  }
0x37: {  	[smem:$0x3F9C] =	sst s10  }
0x38: {  	s10 =	sld [smem:$0x3F9D]  }
0x39: {  	_ = 	snop;
	(pc) =	sbr.ind lr, $3  }
0x3a: {  	_ = 	snop  }
0x3b: {  	_ = 	snop  }
0x3c: {  	p2 =	seq.s32 s10, $0x1;
	s10 =	sld [smem:$0x3F9C]  }
0x3d: {  	_ =	shalt  }
0x3e: {  	_ =	shalt  }
0x3f: {  	_ =	shalt  }
0x40: {  	_ =	shalt  }
0x41: {  	_ =	shalt  }
0x42: {  	_ =	shalt  }
0x43: {  	_ =	shalt  }
0x44: {  	_ =	shalt  }
0x45: {  	_ =	shalt  }
0x46: {  	_ =	shalt  }
0x47: {  	_ =	shalt  }
0x48: {  	_ =	shalt  }
0x49: {  	_ =	shalt  }
0x4a: {  	_ =	shalt  }
0x4b: {  	_ =	shalt  }
0x4c: {  	_ =	shalt  }
0x4d: {  	_ =	shalt  }
0x4e: {  	_ =	shalt  }
0x4f: {  	_ =	shalt  }
0x50: {  	_ =	shalt  }
0x51: {  	_ =	shalt  }
0x52: {  	_ =	shalt  }
0x53: {  	_ =	shalt  }
0x54: {  	_ =	shalt  }
0x55: {  	_ =	shalt  }
0x56: {  	_ =	shalt  }
0x57: {  	_ =	shalt  }
0x58: {  	_ =	shalt  }
0x59: {  	_ =	shalt  }
0x5a: {  	_ =	shalt  }
0x5b: {  	_ =	shalt  }
0x5c: {  	_ =	shalt  }
0x5d: {  	_ =	shalt  }
0x5e: {  	_ =	shalt  }
0x5f: {  	_ =	shalt  }
0x60: {  	_ =	shalt  }
0x61: {  	_ =	shalt  }
0x62: {  	_ =	shalt  }
0x63: {  	_ =	shalt  }
0x64: {  	_ =	shalt  }
0x65: {  	_ =	shalt  }
0x66: {  	_ =	shalt  }
0x67: {  	_ =	shalt  }
0x68: {  	_ =	shalt  }
0x69: {  	_ =	shalt  }
0x6a: {  	_ =	shalt  }
0x6b: {  	_ =	shalt  }
0x6c: {  	_ =	shalt  }
0x6d: {  	_ =	shalt  }
0x6e: {  	_ =	shalt  }
0x6f: {  	_ =	shalt  }
0x70: {  	_ =	shalt  }
0x71: {  	_ =	shalt  }
0x72: {  	_ =	shalt  }
0x73: {  	_ =	shalt  }
0x74: {  	_ =	shalt  }
0x75: {  	_ =	shalt  }
0x76: {  	_ =	shalt  }
0x77: {  	_ =	shalt  }
0x78: {  	_ =	shalt  }
0x79: {  	_ =	shalt  }
0x7a: {  	_ =	shalt  }
0x7b: {  	_ =	shalt  }
0x7c: {  	_ =	shalt  }
0x7d: {  	_ =	shalt  }
0x7e: {  	_ =	shalt  }
0x7f: {  	_ =	shalt  }
0x80: {  	_ =	shalt  }
0x81: {  	_ =	shalt  }
0x82: {  	_ =	shalt  }
0x83: {  	_ =	shalt  }
0x84: {  	_ =	shalt  }
0x85: {  	_ =	shalt  }
0x86: {  	_ =	shalt  }
0x87: {  	_ =	shalt  }
.Lfunc_end0:
.L_simem_size_0:
called_computation.1_lowered:
.L_overlay_start_0:
0x88: {  	s2 =	sld [smem:$0x3FD9]  }
0x89: {  	s3 =	sld [smem:$0x3FFE];
	_ =	sdelay $0x1  }
0x8a: {  	s1 =	srdreg.scid  }
0x8b: {  	s0 =	sand.u32 $0x1, s1  }
0x8c: {  	s14 =	sshll.u32 s0, $0xA;
	s2 =	sadd.s32 s3, s2  }
0x8d: {  	s2 =	sadd.s32 s2, s14  }
0x8e: {  	[smem:$0x3FA8] =	sst s2  }
0x8f: {  	_ = 	snop  }
0x90: {  	s2 =	sld [smem:$0x3FD0];
	_ =	sdelay $0x2  }
0x91: {  	s15 =	simm.s32 $0xB;
	s4 =	simm.s32 $0x10  }
0x92: {  	[smem:s4], [sflag:s15] =	dma.local [hbm:s2], $0x1  }
0x93: {  	_ =	swait.eq [sflag:s15], $0x1  }
0x94: {  	[sflag:s15] =	ssyncset.done $0x0  }
0x95: {  	[sflag:s15] =	ssyncadd.s32 $0xFFFFFFFF  }
0x96: {  	s16 =	sld [smem:$0x10];
	(tm) =	ssettm $0x1  }
0x97: {  	s17 =	sld [smem:$0x3FFB];
	_ =	sdelay $0x3  }
0x98: {  	_ =	strace s17  }
0x99: {  	s3 =	sld [smem:$0x3FFC];
	_ =	sdelay $0x3  }
0x9a: {  	_ =	strace s3  }
0x9b: {  	s3 =	sld [smem:$0x3FFD];
	_ =	sdelay $0x3  }
0x9c: {  	_ =	strace s3  }
0x9d: {  	_ =	strace $0x8FFFFFFF  }
0x9e: {  	s18 =	sld [smem:$0x3FDB];
	_ =	sdelay $0x1  }
0x9f: {  	s19 =	simm.s32 $_scs_section_size  }
0xa0: {  	s5 =	simm.s32 $_size__tile_overlayer_lowered;
	s6 =	simm.s32 $_tile_overlayer_lowered  }
0xa1: {  	s22 =	simm.s32 $0x1BFF;
	s21 =	sshll.u32 s6, $0x1;
	s3 =	sadd.s32 s19, s18  }
0xa2: {  	s7 =	simm.s32 $0x0;
	s20 =	sshll.u32 s5, $0x1;
	s5 =	sadd.s32 s21, s3  }
0xa3: {  	[timem:s7], [sflag:s22] =	dma.local [hbm:s5], s20  }
0xa4: {  	_ =	swait.ge [sflag:s22], s20  }
0xa5: {  	s4 =	ssub.s32 $0x0, s20;
	[sflag:s22] =	ssyncset.done $0x0  }
0xa6: {  	[sflag:s22] =	ssyncadd.s32 s4;
	_ =	sdelay $0x1  }
0xa7: {  	s23 =	simm.s32 $0x1B8B  }
0xa8: {  	_ =	swait.ge [sflag:s23], $0x1  }
0xa9: {  	[sflag:s23] =	ssyncset.done $0x0  }
0xaa: {  	s25 =	simm.s32 $0x1B8E;
	s24 =	sld [smem:$0x3FFE];
	[sflag:s23] =	ssyncadd.s32 $0xFFFFFFFF  }
0xab: {  	s26 =	simm.s32 $execute0_lowered;
	[smem:$0x3FD2] =	sst s25  }
0xac: {  	s5 =	sshll.u32 s26, $0x1;
	_ =	strace $0x80000049;
	[dreg:$0x1] =	wrdreg $0xFFFFFFFF  }
0xad: {  	s28 =	simm.s32 $_size_execute0_lowered;
	s3 =	sadd.s32 s3, s5;
	[dreg:$0x0] =	wrdreg $0x0  }
0xae: {  	s5 =	sshll.u32 s28, $0x1;
	[dreg:$0x2] =	wrdreg s3  }
0xaf: {  	[dreg:$0x3] =	wrdreg s5  }
0xb0: {  	[dreg:$0x4] =	wrdreg $0xC0  }
0xb1: {  	_ =	task [dreg:s7], $0x5FFFF  }
0xb2: {  	[dreg:$0x1] =	wrdreg $0xFFFFFFFF  }
0xb3: {  	[dreg:$0x0] =	wrdreg $0x60  }
0xb4: {  	[dreg:$0x2] =	wrdreg s24  }
0xb5: {  	[dreg:$0x3] =	wrdreg s16  }
0xb6: {  	[dreg:$0x4] =	wrdreg $0xBD000  }
0xb7: {  	[dreg:$0x5] =	wrdreg $0xA  }
0xb8: {  	_ =	task.clear_ibuf [dreg:s7], $0x6FFFF;
	_ =	strace $0x90000049  }
0xb9: {  	s29 =	simm.s32 $0xA;
	_ =	strace $0x8000004B  }
0xba: {  	_ =	swait.ge [sflag:s29], $0x1  }
0xbb: {  	[sflag:s29] =	ssyncadd.s32 $0xFFFFFFFF  }
0xbc: {  	_ =	strace $0x9000004B  }
0xbd: {  	_ =	sfence  }
0xbe: {  	s30 =	sld [smem:$0x0];
	_ =	sdelay $0x2  }
0xbf: {  	s31 =	sshll.u32 s1, $0xD;
	s1 =	sshrl.u32 s1, $0x2  }
0xc0: {  	s3 =	sand.u32 $0x4000, s31;
	s1 =	sadd.s32 s1, s30  }
0xc1: {  	s0 =	sor.u32 s3, s0;
	s1 =	sshll.u32 s1, $0x11  }
0xc2: {  	s0 =	sor.u32 s1, s0  }
0xc3: {  	s0 =	sadd.s32 $0x8F2B, s0  }
0xc4: {  	[sflag:s0] =	ssyncadd.remote.s32 $0x1  }
0xc5: {  	_ =	sfence.sel $0xFFFF  }
0xc6: {  	[dreg:$0x0] =	wrdreg $0xFFFFFFFF;
	(pc) =	sbr.abs _section_cstart, $3  }
0xc7: {  	[dreg:$0x1] =	wrdreg $0xFFFFFFFF  }
0xc8: {  	_ =	task.clear_ibuf [dreg:s7], $0x2FFFF;
	_ =	strace $0x9FFFFFFF  }
0xc9: {  	(tm) =	ssettm $0x7FFFFFFF  }
tec
execute0_lowered:
.L_overlay_start_1:
0x0: {  	(tag) =	ssettag $0x1  }
0x1: {  	s0 =	rddreg [dreg:$0x0]  }
0x2: {  	s2 =	rddreg [dreg:$0x1]  }
0x3: {  	s1 =	rddreg [dreg:$0x2];
	s3 =	simm.s32 $0x0  }
0x4: {  	s5 =	srdreg.scid;
	s16 =	stileid.u32;
	s25 =	simm.s32 $0x180  }
0x5: {  	s28 =	simm.s32 $0x480;
	s29 =	simm.s32 $0x5;
	s30 =	simm.s32 $0x3  }
0x6: {  	s31 =	simm.s32 $0x500;
	[smem:$0x7FF] =	sst s3;
	s4 =	sadd.s32 $0x37800, s0  }
0x7: {  	s5 =	sand.u32 $0x1, s5;
	s6 =	sshll.u32 s16, $0x1;
	s8 =	smul.u32 $0x2780, s16  }
0x8: {  	s7 =	sadd.s32 $0x21800, s0;
	s9 =	sadd.s32 $0x2C800, s0;
	s15 =	smul.u32 $0x4F000, s16  }
0x9: {  	s18 =	smul.u32 $0xB00, s16;
	s24 =	sshll.u32 s16, $0x6;
	s16 =	simm.s32 $0x400  }
0xa: {  	_ =	strace $0x8000004A;
	s6 =	sor.u32 s5, s6;
	s11 =	smul.u32 $0x27800, s5  }
0xb: {  	s14 =	ssub.s32 $0x2, s5;
	s5 =	smul.u32 $0x580, s5;
	s24 =	sor.u32 $0x1C07, s24  }
0xc: {  	[dreg:$0x6] =	wrdreg s25;
	s25 =	simm.s32 $0x4;
	s10 =	sshll.u32 s6, $0x4  }
0xd: {  	s13 =	sadd.s32 s8, s0;
	s26 =	sshrl.u32 s14, $0x1;
	s17 =	sshrl.u32 s15, $0x2  }
0xe: {  	s20 =	sadd.s32 s18, s9;
	s15 =	simm.s32 $0x800;
	[dreg:$0xe] =	wrdreg s24  }
0xf: {  	s12 =	sadd.s32 s10, s0;
	s0 =	sadd.s32 s11, s0;
	s11 =	ssub.s32 s14, s26  }
0x10: {  	s2 =	sadd.s32 s2, s10;
	s10 =	smul.u32 $0x2C00, s6;
	s6 =	sadd.s32 s17, s1  }
0x11: {  	s19 =	sadd.s32 $0xD4000, s13;
	s17 =	simm.s32 $0x78;
	s26 =	simm.s32 $0x200  }
0x12: {  	s13 =	simm.s32 $0x780;
	[dreg:$0x8] =	wrdreg s2;
	s14 =	sadd.s32 $0x21600, s12  }
0x13: {  	[dreg:$0xa] =	wrdreg s19;
	s12 =	sadd.s32 s5, s20;
	s0 =	sadd.s32 $0xFB800, s0  }
0x14: {  	s23 =	smax.u32 s11, $0x1;
	s19 =	simm.s32 $0x80;
	[dreg:$0x7] =	wrdreg s26  }
0x15: {  	s20 =	simm.s32 $0x4500;
	s26 =	simm.s32 $0x2;
	[dreg:$0x9] =	wrdreg s14  }
0x16: {  	s11 =	simm.s32 $0x700;
	s2 =	sshrl.u32 s10, $0x3;
	[dreg:$0x4] =	wrdreg s12  }
0x17: {  	[dreg:$0xd] =	wrdreg s23;
	s12 =	simm.s32 $0x7;
	s14 =	sshrl.u32 s6, $0x3  }
0x18: {  	s23 =	simm.s32 $0x1;
	s0 =	sadd.s32 s8, s0;
	s6 =	simm.s32 $0x300  }
0x19: {  	s8 =	simm.s32 $0x380;
	s10 =	simm.s32 $0x0;
	[dreg:$0x10] =	wrdreg s0  }
0x1a: {  	s2 =	sadd.s32 $0x500, s2;
	s0 =	simm.s32 $0x6;
	[dreg:$0x11] =	wrdreg s10  }
0x1b: {  	[dreg:$0xf] =	wrdreg s14;
	s21 =	sadd.s32 s7, s2;
	s7 =	sadd.s32 s18, s7  }
0x1c: {  	s2 =	sadd.s32 s9, s2;
	s18 =	simm.s32 $0x900;
	[dreg:$0xb] =	wrdreg s21  }
0x1d: {  	s9 =	simm.s32 $0x680;
	[dreg:$0xc] =	wrdreg s2;
	s22 =	sadd.s32 s5, s7  }
0x1e: {  	s21 =	simm.s32 $0x100;
	s2 =	simm.s32 $0x280;
	s5 =	simm.s32 $0x580  }
0x1f: {  	s7 =	simm.s32 $0x600;
	[dreg:$0x5] =	wrdreg s22;
	s22 =	simm.s32 $0x8100  }
.LBB2_1:
0x20: {  	s10 =	rddreg [dreg:$0x8]  }
0x21: {  	[tilespmem:s15], [sflag:$0x7] =	stream.linear.gather [hbm4b:s10+s3], $0x80, $0x38;
	[tilespmem:$0x1F900] =	vst v63  }
0x22: {  	_ =	swait.ge [sflag:s12], $0x80  }
0x23: {  	[sflag:s12] =	ssyncset.done $0x0  }
0x24: {  	s15 =	simm.s32 $0x880;
	s10 =	rddreg [dreg:$0x9];
	[sflag:s12] =	ssyncadd.s32 $0xFFFFFF80  }
0x25: {  	[tilespmem:s15], [sflag:$0x7] =	stream.linear.gather [hbm4b:s10+s3], $0x80, $0x38;
	[tilespmem:$0x1F900] =	vst v63  }
0x26: {  	_ =	swait.ge [sflag:s12], $0x80  }
0x27: {  	[sflag:s12] =	ssyncset.done $0x0  }
0x28: {  	s15 =	rddreg [dreg:$0xa];
	[sflag:s12] =	ssyncadd.s32 $0xFFFFFF80  }
0x29: {  	[spmem:s14], [sflag:s24] =	dma.local [hbm:s15], $0x2780  }
0x2a: {  	_ =	swait.ge [sflag:s12], $0x2780  }
0x2b: {  	[sflag:s12] =	ssyncset.done $0x0  }
0x2c: {  	[sflag:s12] =	ssyncadd.s32 $0xFFFFD880  }
0x2d: {  	[bflag:$0x0] =	sbarrier.arrive $0xFFFF  }
0x2e: {  	s24 =	rddreg [dreg:$0x5]  }
0x2f: {  	s10 =	sadd.s32 $0x0, s24  }
0x30: {  	[tilespmem:s3], [sflag:$0x7] =	stream.linear.gather [hbm4b:s10+s3], $0x400, $0x38;
	[tilespmem:$0x1F900] =	vst v63  }
0x31: {  	_ =	swait.ge [sflag:s12], $0x400  }
0x32: {  	s14 =	rddreg [dreg:$0x4];
	[sflag:s12] =	ssyncset.done $0x0  }
0x33: {  	[sflag:s12] =	ssyncadd.s32 $0xFFFFFC00;
	s10 =	sadd.s32 $0x0, s14  }
0x34: {  	[tilespmem:s16], [sflag:$0x7] =	stream.linear.gather [hbm4b:s10+s3], $0x400, $0x38;
	[tilespmem:$0x1F900] =	vst v63  }
0x35: {  	_ =	swait.ge [sflag:s12], $0x400  }
0x36: {  	[sflag:s12] =	ssyncset.done $0x0  }
0x37: {  	[sflag:s12] =	ssyncadd.s32 $0xFFFFFC00  }
0x38: {  	[tilespmem:s18], [sflag:$0x1] =	stream.indirect.gather [hbm4b:s4+s17], $0x80, s3, s17, $0xb8;
	[tilespmem:$0x1F900] =	vst v63  }
0x39: {  	_ = 	snop  }
0x3a: {  	[tilespmem:s20], [sflag:$0x2] =	stream.indirect.gather [hbm4b:s4+s17], $0x80, s19, s17, $0xb8;
	[tilespmem:$0x1F900] =	vst v63  }
0x3b: {  	_ = 	snop  }
0x3c: {  	[tilespmem:s22], [sflag:$0x3] =	stream.indirect.gather [hbm4b:s4+s17], $0x80, s21, s17, $0xb8;
	[tilespmem:$0x1F900] =	vst v63  }
0x3d: {  	_ =	swait.ge [sflag:s23], $0x3C00  }
0x3e: {  	[sflag:s23] =	ssyncset.done $0x0  }
0x3f: {  	[sflag:s23] =	ssyncadd.s32 $0xFFFFC400  }
0x40: {  	[spmem:s1] =	stream.indirect.scatter.add.f32 [tilespmem:s18], [sflag:$0x4], $0x80, s16, s17, $0xb8;
	[tilespmem:$0x1F900] =	vst v63  }
0x41: {  	_ =	swait.ge [sflag:s25], $0x3C00  }
0x42: {  	[sflag:s25] =	ssyncset.done $0x0  }
0x43: {  	s15 =	rddreg [dreg:$0x6];
	[sflag:s25] =	ssyncadd.s32 $0xFFFFC400  }
0x44: {  	[tilespmem:s18], [sflag:$0x1] =	stream.indirect.gather [hbm4b:s4+s17], $0x80, s15, s17, $0xb8;
	[tilespmem:$0x1F900] =	vst v63  }
0x45: {  	_ =	swait.ge [sflag:s26], $0x3C00  }
0x46: {  	[sflag:s26] =	ssyncset.done $0x0  }
0x47: {  	[sflag:s26] =	ssyncadd.s32 $0xFFFFC400  }
0x48: {  	[spmem:s1] =	stream.indirect.scatter.add.f32 [tilespmem:s20], [sflag:$0x5], $0x80, s28, s17, $0xb8;
	[tilespmem:$0x1F900] =	vst v63  }
0x49: {  	_ =	swait.ge [sflag:s29], $0x3C00  }
0x4a: {  	[sflag:s29] =	ssyncset.done $0x0  }
0x4b: {  	s24 =	rddreg [dreg:$0x7];
	[sflag:s29] =	ssyncadd.s32 $0xFFFFC400  }
0x4c: {  	[tilespmem:s20], [sflag:$0x2] =	stream.indirect.gather [hbm4b:s4+s17], $0x80, s24, s17, $0xb8;
	[tilespmem:$0x1F900] =	vst v63  }
0x4d: {  	_ =	swait.ge [sflag:s30], $0x3C00  }
0x4e: {  	[sflag:s30] =	ssyncset.done $0x0  }
0x4f: {  	[sflag:s30] =	ssyncadd.s32 $0xFFFFC400  }
0x50: {  	[spmem:s1] =	stream.indirect.scatter.add.f32 [tilespmem:s22], [sflag:$0x6], $0x80, s31, s17, $0xb8;
	[tilespmem:$0x1F900] =	vst v63  }
0x51: {  	_ =	swait.ge [sflag:s0], $0x3C00  }
0x52: {  	[sflag:s0] =	ssyncset.done $0x0  }
0x53: {  	[sflag:s0] =	ssyncadd.s32 $0xFFFFC400  }
0x54: {  	[tilespmem:s22], [sflag:$0x3] =	stream.indirect.gather [hbm4b:s4+s17], $0x80, s2, s17, $0xb8;
	[tilespmem:$0x1F900] =	vst v63  }
0x55: {  	_ =	swait.ge [sflag:s23], $0x3C00  }
0x56: {  	[sflag:s23] =	ssyncset.done $0x0  }
0x57: {  	[sflag:s23] =	ssyncadd.s32 $0xFFFFC400  }
0x58: {  	[spmem:s1] =	stream.indirect.scatter.add.f32 [tilespmem:s18], [sflag:$0x4], $0x80, s5, s17, $0xb8;
	[tilespmem:$0x1F900] =	vst v63  }
0x59: {  	_ =	swait.ge [sflag:s25], $0x3C00  }
0x5a: {  	[sflag:s25] =	ssyncset.done $0x0  }
0x5b: {  	[sflag:s25] =	ssyncadd.s32 $0xFFFFC400  }
0x5c: {  	[tilespmem:s18], [sflag:$0x1] =	stream.indirect.gather [hbm4b:s4+s17], $0x80, s6, s17, $0xb8;
	[tilespmem:$0x1F900] =	vst v63  }
0x5d: {  	_ =	swait.ge [sflag:s26], $0x3C00  }
0x5e: {  	[sflag:s26] =	ssyncset.done $0x0  }
0x5f: {  	[sflag:s26] =	ssyncadd.s32 $0xFFFFC400  }
0x60: {  	[spmem:s1] =	stream.indirect.scatter.add.f32 [tilespmem:s20], [sflag:$0x5], $0x80, s7, s17, $0xb8;
	[tilespmem:$0x1F900] =	vst v63  }
0x61: {  	_ =	swait.ge [sflag:s29], $0x3C00  }
0x62: {  	[sflag:s29] =	ssyncset.done $0x0  }
0x63: {  	[sflag:s29] =	ssyncadd.s32 $0xFFFFC400  }
0x64: {  	[tilespmem:s20], [sflag:$0x2] =	stream.indirect.gather [hbm4b:s4+s17], $0x80, s8, s17, $0xb8;
	[tilespmem:$0x1F900] =	vst v63  }
0x65: {  	_ =	swait.ge [sflag:s30], $0x3C00  }
0x66: {  	[sflag:s30] =	ssyncset.done $0x0  }
0x67: {  	[sflag:s30] =	ssyncadd.s32 $0xFFFFC400  }
0x68: {  	[spmem:s1] =	stream.indirect.scatter.add.f32 [tilespmem:s22], [sflag:$0x6], $0x80, s9, s17, $0xb8;
	[tilespmem:$0x1F900] =	vst v63  }
0x69: {  	_ =	swait.ge [sflag:s23], $0x3C00  }
0x6a: {  	[sflag:s23] =	ssyncset.done $0x0  }
0x6b: {  	[sflag:s23] =	ssyncadd.s32 $0xFFFFC400  }
0x6c: {  	[spmem:s1] =	stream.indirect.scatter.add.f32 [tilespmem:s18], [sflag:$0x4], $0x80, s11, s17, $0xb8;
	[tilespmem:$0x1F900] =	vst v63  }
0x6d: {  	_ =	swait.ge [sflag:s26], $0x3C00  }
0x6e: {  	[sflag:s26] =	ssyncset.done $0x0  }
0x6f: {  	[sflag:s26] =	ssyncadd.s32 $0xFFFFC400  }
0x70: {  	[spmem:s1] =	stream.indirect.scatter.add.f32 [tilespmem:s20], [sflag:$0x5], $0x80, s13, s17, $0xb8;
	[tilespmem:$0x1F900] =	vst v63  }
0x71: {  	_ =	swait.ge [sflag:s25], $0x3C00  }
0x72: {  	[sflag:s25] =	ssyncset.done $0x0  }
0x73: {  	[sflag:s25] =	ssyncadd.s32 $0xFFFFC400  }
0x74: {  	_ =	swait.ge [sflag:s29], $0x3C00  }
0x75: {  	[sflag:s29] =	ssyncset.done $0x0  }
0x76: {  	[sflag:s29] =	ssyncadd.s32 $0xFFFFC400  }
0x77: {  	s10 =	simm.s32 $0x80;
	_ =	swait.ge [sflag:s0], $0x3C00  }
.LBB2_2:
0x78: {  	s14 =	rddreg [dreg:$0x5];
	s15 =	smov.u32 s10;
	[sflag:s0] =	ssyncset.done $0x0  }
0x79: {  	s14 =	sadd.s32 s15, s14;
	[sflag:s0] =	ssyncadd.s32 $0xFFFFC400  }
0x7a: {  	[tilespmem:s3], [sflag:$0x7] =	stream.linear.gather [hbm4b:s14+s3], $0x400, $0x38;
	[tilespmem:$0x1F900] =	vst v63  }
0x7b: {  	_ =	swait.ge [sflag:s12], $0x400  }
0x7c: {  	s24 =	rddreg [dreg:$0x4];
	[sflag:s12] =	ssyncset.done $0x0  }
0x7d: {  	[sflag:s12] =	ssyncadd.s32 $0xFFFFFC00;
	s14 =	sadd.s32 s15, s24  }
0x7e: {  	[tilespmem:s16], [sflag:$0x7] =	stream.linear.gather [hbm4b:s14+s3], $0x400, $0x38;
	[tilespmem:$0x1F900] =	vst v63  }
0x7f: {  	_ =	swait.ge [sflag:s12], $0x400  }
0x80: {  	[sflag:s12] =	ssyncset.done $0x0  }
0x81: {  	[sflag:s12] =	ssyncadd.s32 $0xFFFFFC00  }
0x82: {  	[tilespmem:s18], [sflag:$0x1] =	stream.indirect.gather [hbm4b:s4+s17], $0x80, s3, s17, $0xb8;
	[tilespmem:$0x1F900] =	vst v63  }
0x83: {  	_ = 	snop  }
0x84: {  	[tilespmem:s20], [sflag:$0x2] =	stream.indirect.gather [hbm4b:s4+s17], $0x80, s19, s17, $0xb8;
	[tilespmem:$0x1F900] =	vst v63  }
0x85: {  	_ = 	snop  }
0x86: {  	[tilespmem:s22], [sflag:$0x3] =	stream.indirect.gather [hbm4b:s4+s17], $0x80, s21, s17, $0xb8;
	[tilespmem:$0x1F900] =	vst v63  }
0x87: {  	_ =	swait.ge [sflag:s23], $0x3C00  }
0x88: {  	[sflag:s23] =	ssyncset.done $0x0  }
0x89: {  	[sflag:s23] =	ssyncadd.s32 $0xFFFFC400  }
0x8a: {  	[spmem:s1] =	stream.indirect.scatter.add.f32 [tilespmem:s18], [sflag:$0x4], $0x80, s16, s17, $0xb8;
	[tilespmem:$0x1F900] =	vst v63  }
0x8b: {  	_ =	swait.ge [sflag:s25], $0x3C00  }
0x8c: {  	[sflag:s25] =	ssyncset.done $0x0  }
0x8d: {  	s15 =	rddreg [dreg:$0x6];
	[sflag:s25] =	ssyncadd.s32 $0xFFFFC400  }
0x8e: {  	[tilespmem:s18], [sflag:$0x1] =	stream.indirect.gather [hbm4b:s4+s17], $0x80, s15, s17, $0xb8;
	[tilespmem:$0x1F900] =	vst v63  }
0x8f: {  	_ =	swait.ge [sflag:s26], $0x3C00  }
0x90: {  	[sflag:s26] =	ssyncset.done $0x0  }
0x91: {  	[sflag:s26] =	ssyncadd.s32 $0xFFFFC400  }
0x92: {  	[spmem:s1] =	stream.indirect.scatter.add.f32 [tilespmem:s20], [sflag:$0x5], $0x80, s28, s17, $0xb8;
	[tilespmem:$0x1F900] =	vst v63  }
0x93: {  	_ =	swait.ge [sflag:s29], $0x3C00  }
0x94: {  	[sflag:s29] =	ssyncset.done $0x0  }
0x95: {  	s24 =	rddreg [dreg:$0x7];
	[sflag:s29] =	ssyncadd.s32 $0xFFFFC400  }
0x96: {  	[tilespmem:s20], [sflag:$0x2] =	stream.indirect.gather [hbm4b:s4+s17], $0x80, s24, s17, $0xb8;
	[tilespmem:$0x1F900] =	vst v63  }
0x97: {  	_ =	swait.ge [sflag:s30], $0x3C00  }
0x98: {  	[sflag:s30] =	ssyncset.done $0x0  }
0x99: {  	[sflag:s30] =	ssyncadd.s32 $0xFFFFC400  }
0x9a: {  	[spmem:s1] =	stream.indirect.scatter.add.f32 [tilespmem:s22], [sflag:$0x6], $0x80, s31, s17, $0xb8;
	[tilespmem:$0x1F900] =	vst v63  }
0x9b: {  	_ =	swait.ge [sflag:s0], $0x3C00  }
0x9c: {  	[sflag:s0] =	ssyncset.done $0x0  }
0x9d: {  	[sflag:s0] =	ssyncadd.s32 $0xFFFFC400  }
0x9e: {  	[tilespmem:s22], [sflag:$0x3] =	stream.indirect.gather [hbm4b:s4+s17], $0x80, s2, s17, $0xb8;
	[tilespmem:$0x1F900] =	vst v63  }
0x9f: {  	_ =	swait.ge [sflag:s23], $0x3C00  }
0xa0: {  	[sflag:s23] =	ssyncset.done $0x0  }
0xa1: {  	[sflag:s23] =	ssyncadd.s32 $0xFFFFC400  }
0xa2: {  	[spmem:s1] =	stream.indirect.scatter.add.f32 [tilespmem:s18], [sflag:$0x4], $0x80, s5, s17, $0xb8;
	[tilespmem:$0x1F900] =	vst v63  }
0xa3: {  	_ =	swait.ge [sflag:s25], $0x3C00  }
0xa4: {  	[sflag:s25] =	ssyncset.done $0x0  }
0xa5: {  	[sflag:s25] =	ssyncadd.s32 $0xFFFFC400  }
0xa6: {  	[tilespmem:s18], [sflag:$0x1] =	stream.indirect.gather [hbm4b:s4+s17], $0x80, s6, s17, $0xb8;
	[tilespmem:$0x1F900] =	vst v63  }
0xa7: {  	_ =	swait.ge [sflag:s26], $0x3C00  }
0xa8: {  	[sflag:s26] =	ssyncset.done $0x0  }
0xa9: {  	[sflag:s26] =	ssyncadd.s32 $0xFFFFC400  }
0xaa: {  	[spmem:s1] =	stream.indirect.scatter.add.f32 [tilespmem:s20], [sflag:$0x5], $0x80, s7, s17, $0xb8;
	[tilespmem:$0x1F900] =	vst v63  }
0xab: {  	_ =	swait.ge [sflag:s29], $0x3C00  }
0xac: {  	[sflag:s29] =	ssyncset.done $0x0  }
0xad: {  	[sflag:s29] =	ssyncadd.s32 $0xFFFFC400  }
0xae: {  	[tilespmem:s20], [sflag:$0x2] =	stream.indirect.gather [hbm4b:s4+s17], $0x80, s8, s17, $0xb8;
	[tilespmem:$0x1F900] =	vst v63  }
0xaf: {  	_ =	swait.ge [sflag:s30], $0x3C00  }
0xb0: {  	[sflag:s30] =	ssyncset.done $0x0  }
0xb1: {  	[sflag:s30] =	ssyncadd.s32 $0xFFFFC400  }
0xb2: {  	[spmem:s1] =	stream.indirect.scatter.add.f32 [tilespmem:s22], [sflag:$0x6], $0x80, s9, s17, $0xb8;
	[tilespmem:$0x1F900] =	vst v63  }
0xb3: {  	_ =	swait.ge [sflag:s23], $0x3C00  }
0xb4: {  	[sflag:s23] =	ssyncset.done $0x0  }
0xb5: {  	[sflag:s23] =	ssyncadd.s32 $0xFFFFC400  }
0xb6: {  	[spmem:s1] =	stream.indirect.scatter.add.f32 [tilespmem:s18], [sflag:$0x4], $0x80, s11, s17, $0xb8;
	[tilespmem:$0x1F900] =	vst v63  }
0xb7: {  	_ =	swait.ge [sflag:s26], $0x3C00  }
0xb8: {  	[sflag:s26] =	ssyncset.done $0x0  }
0xb9: {  	[sflag:s26] =	ssyncadd.s32 $0xFFFFC400  }
0xba: {  	[spmem:s1] =	stream.indirect.scatter.add.f32 [tilespmem:s20], [sflag:$0x5], $0x80, s13, s17, $0xb8;
	[tilespmem:$0x1F900] =	vst v63  }
0xbb: {  	_ =	swait.ge [sflag:s25], $0x3C00  }
0xbc: {  	p0 =	sne.s32 s10, $0x480;
	[sflag:s25] =	ssyncset.done $0x0  }
.Ltmp0:
0xbd: {  	[sflag:s25] =	ssyncadd.s32 $0xFFFFC400;
	(pc) =	sbr.rel @p0 .LBB2_2-.Ltmp0, $4  }
0xbe: {  	_ =	swait.ge [sflag:s29], $0x3C00  }
0xbf: {  	[sflag:s29] =	ssyncset.done $0x0  }
0xc0: {  	[sflag:s29] =	ssyncadd.s32 $0xFFFFC400  }
0xc1: {  	s10 =	sadd.s32 $0x80, s10;
	_ =	swait.ge [sflag:s0], $0x3C00  }
0xc2: {  	[sflag:s0] =	ssyncset.done $0x0  }
0xc3: {  	s10 =	rddreg [dreg:$0xb];
	[sflag:s0] =	ssyncadd.s32 $0xFFFFC400  }
0xc4: {  	[tilespmem:s3], [sflag:$0x7] =	stream.linear.gather [hbm4b:s10+s3], $0x400, $0x38;
	[tilespmem:$0x1F900] =	vst v63  }
0xc5: {  	_ =	swait.ge [sflag:s12], $0x400  }
0xc6: {  	[sflag:s12] =	ssyncset.done $0x0  }
0xc7: {  	s14 =	rddreg [dreg:$0xc];
	[sflag:s12] =	ssyncadd.s32 $0xFFFFFC00  }
0xc8: {  	[tilespmem:s16], [sflag:$0x7] =	stream.linear.gather [hbm4b:s14+s3], $0x400, $0x38;
	[tilespmem:$0x1F900] =	vst v63  }
0xc9: {  	_ =	swait.ge [sflag:s12], $0x400  }
0xca: {  	[sflag:s12] =	ssyncset.done $0x0  }
0xcb: {  	[sflag:s12] =	ssyncadd.s32 $0xFFFFFC00  }
0xcc: {  	[tilespmem:s18], [sflag:$0x1] =	stream.indirect.gather [hbm4b:s4+s17], $0x80, s3, s17, $0xb8;
	[tilespmem:$0x1F900] =	vst v63  }
0xcd: {  	_ =	swait.ge [sflag:s23], $0x3C00  }
0xce: {  	[sflag:s23] =	ssyncset.done $0x0  }
0xcf: {  	[sflag:s23] =	ssyncadd.s32 $0xFFFFC400  }
0xd0: {  	[spmem:s1] =	stream.indirect.scatter.add.f32 [tilespmem:s18], [sflag:$0x7], $0x80, s16, s17, $0xb8;
	[tilespmem:$0x1F900] =	vst v63  }
0xd1: {  	_ =	swait.ge [sflag:s12], $0x3C00  }
0xd2: {  	[sflag:s12] =	ssyncset.done $0x0  }
0xd3: {  	[sflag:s12] =	ssyncadd.s32 $0xFFFFC400  }
0xd4: {  	[tilespmem:s18], [sflag:$0x1] =	stream.indirect.gather [hbm4b:s4+s17], $0x80, s19, s17, $0xb8;
	[tilespmem:$0x1F900] =	vst v63  }
0xd5: {  	_ =	swait.ge [sflag:s23], $0x3C00  }
0xd6: {  	[sflag:s23] =	ssyncset.done $0x0  }
0xd7: {  	[sflag:s23] =	ssyncadd.s32 $0xFFFFC400  }
0xd8: {  	[spmem:s1] =	stream.indirect.scatter.add.f32 [tilespmem:s18], [sflag:$0x7], $0x80, s28, s17, $0xb8;
	[tilespmem:$0x1F900] =	vst v63  }
0xd9: {  	_ =	swait.ge [sflag:s12], $0x3C00  }
0xda: {  	[sflag:s12] =	ssyncset.done $0x0  }
0xdb: {  	[sflag:s12] =	ssyncadd.s32 $0xFFFFC400  }
0xdc: {  	[tilespmem:s18], [sflag:$0x1] =	stream.indirect.gather [hbm4b:s4+s17], $0x80, s21, s17, $0xb8;
	[tilespmem:$0x1F900] =	vst v63  }
0xdd: {  	_ =	swait.ge [sflag:s23], $0x3C00  }
0xde: {  	[sflag:s23] =	ssyncset.done $0x0  }
0xdf: {  	[sflag:s23] =	ssyncadd.s32 $0xFFFFC400  }
0xe0: {  	[spmem:s1] =	stream.indirect.scatter.add.f32 [tilespmem:s18], [sflag:$0x7], $0x80, s31, s17, $0xb8;
	[tilespmem:$0x1F900] =	vst v63  }
0xe1: {  	_ =	swait.ge [sflag:s12], $0x3C00  }
0xe2: {  	[sflag:s12] =	ssyncset.done $0x0  }
0xe3: {  	s15 =	simm.s32 $0x28;
	s14 =	simm.s32 $0x800;
	[sflag:s12] =	ssyncadd.s32 $0xFFFFC400  }
0xe4: {  	[tilespmem:s18], [sflag:$0x1] =	stream.indirect.gather [hbm4b:s4+s15], $0x80, s14, s15, $0xb8;
	[tilespmem:$0x1F900] =	vst v63  }
0xe5: {  	_ =	swait.ge [sflag:s23], $0x1400  }
0xe6: {  	[sflag:s23] =	ssyncset.done $0x0  }
0xe7: {  	s24 =	simm.s32 $0x880;
	[sflag:s23] =	ssyncadd.s32 $0xFFFFEC00  }
0xe8: {  	[spmem:s1] =	stream.indirect.scatter.add.f32 [tilespmem:s18], [sflag:$0x7], $0x80, s24, s15, $0xb8;
	[tilespmem:$0x1F900] =	vst v63  }
0xe9: {  	_ =	swait.ge [sflag:s12], $0x1400  }
0xea: {  	[sflag:s12] =	ssyncset.done $0x0  }
0xeb: {  	[sflag:s12] =	ssyncadd.s32 $0xFFFFEC00  }
0xec: {  	[bflag:$0x0] =	sbarrier.arrive $0xFFFF  }
0xed: {  	s24 =	rddreg [dreg:$0xe]  }
0xee: {  	s14 =	rddreg [dreg:$0xf]  }
0xef: {  	s15 =	rddreg [dreg:$0x10]  }
0xf0: {  	[hbm:s15], [sflag:s24] =	dma.local [spmem:s14], $0x2780  }
0xf1: {  	_ =	swait.ge [sflag:s12], $0x2780  }
0xf2: {  	s15 =	rddreg [dreg:$0x11]  }
0xf3: {  	s10 =	rddreg [dreg:$0xd];
	s15 =	sadd.s32 $0x1, s15  }
0xf4: {  	p0 =	sne.s32 s15, s10  }
.Ltmp1:
0xf5: {  	_ = 	snop;
	(pc) =	sbr.rel @p0 .LBB2_1-.Ltmp1, $3  }
0xf6: {  	_ =	sdelay $0x1  }
0xf7: {  	[sflag:s12] =	ssyncset.done $0x0  }
0xf8: {  	[sflag:s12] =	ssyncadd.s32 $0xFFFFD880;
	[dreg:$0x11] =	wrdreg s15;
	s15 =	simm.s32 $0x800  }
0xf9: {  	_ =	sfence.sel $0x180000  }
0xfa: {  	[bflag:$0x0] =	sbarrier.arrive $0xFFFF  }
0xfb: {  	_ =	strace $0x9000004A  }
0xfc: {  	s0 =	stileid.u32;
	[bflag:$0x2] =	sbarrier.arrive $0xFFFF  }
0xfd: {  	p0 =	sne.s32 s0, $0x0;
	s0 =	rddreg [dreg:$0x3]  }
0xfe: {  	s0 =	sadd.s32 @!p0 $0x100000, s0  }
0xff: {  	[sflag:s0] =	ssyncadd.tile.s32 @!p0 $0x1;
	_ =	shalt  }
.Lfunc_end2:
_tile_overlayer_lowered:
.L_overlay_start_2:
0x100: {  	(tag) =	ssettag $0x2  }
0x101: {  	s0 =	rddreg [dreg:$0x0];
	s2 =	stileid.u32  }
0x102: {  	s1 =	rddreg [dreg:$0x1];
	p0 =	sne.s32 s2, $0x0  }
0x103: {  	s3 =	rddreg [dreg:$0x2];
	[bflag:$0x3] =	sbarrier.arrive $0xFFFF;
	s2 =	simm.s32 @!p0 $0x1C07  }
0x104: {  	[timem:s3], [sflag:s2] =	dma.local @!p0 [hbm:s0], s1  }
0x105: {  	s0 =	simm.s32 @!p0 $0x7  }
0x106: {  	_ =	swait.ge @!p0 [sflag:s0], s1  }
0x107: {  	s1 =	ssub.s32 @!p0 $0x0, s1;
	[sflag:s0] =	ssyncset.done @!p0 $0x0  }
0x108: {  	[sflag:s0] =	ssyncadd.s32 @!p0 s1  }
0x109: {  	[bflag:$0x3] =	sbarrier.arrive $0xFFFF  }
0x10a: {  	_ =	shalt  }

// kernel: kernel.20.cloned.1.call-start
scs
__scs_entry_jumppad:
0x0: {  	(pc) =	sbr.rel $0x88, $3  }
0x1: {  	(tag) =	ssettag $0x0;
	lr =	simm.s32 $0x1  }
0x2: {  	[smem:$0x3F81] =	sst lr;
	_ =	strace $0xD0000000  }
0x3: {  	_ = 	snop  }
0x4: {  	_ = 	snop  }
0x5: {  	_ = 	snop  }
0x6: {  	_ = 	snop  }
0x7: {  	_ = 	snop  }
__scs_overlays_trampoline_lowered:
0x8: {  	[smem:$0x3F90] =	sst s0  }
0x9: {  	[smem:$0x3F91] =	sst s1  }
0xa: {  	[smem:$0x3F92] =	sst s2  }
0xb: {  	[smem:$0x3F93] =	sst s3  }
0xc: {  	[smem:$0x3F94] =	sst s4  }
0xd: {  	[smem:$0x3F95] =	sst s5  }
0xe: {  	[smem:$0x3F96] =	sst s6  }
0xf: {  	[smem:$0x3F97] =	sst s7  }
0x10: {  	[smem:$0x3F98] =	sst s8  }
0x11: {  	[smem:$0x3F99] =	sst s9;
	s0 =	simm.s32 @!p0 $0x0  }
0x12: {  	s1 =	sld [smem:$0x3F7F];
	s0 =	simm.s32 @p0 $0x1  }
0x13: {  	[smem:$0x3F9A] =	sst s0;
	s0 =	simm.s32 @!p1 $0x0  }
0x14: {  	s2 =	sld [smem:$0x3F7E];
	s0 =	simm.s32 @p1 $0x1  }
0x15: {  	[smem:$0x3F9B] =	sst s0;
	s0 =	simm.s32 @!p2 $0x0  }
0x16: {  	s3 =	sld [smem:$0x3FDB];
	s0 =	simm.s32 @p2 $0x1  }
0x17: {  	s4 =	simm.s32 $0x1BF5;
	[smem:$0x3F9D] =	sst s0  }
0x18: {  	s0 =	sld [smem:$0x3F80];
	_ =	swait.ge [sflag:s4], $0x0  }
0x19: {  	s7 =	sld [smem:$0x3F81]  }
0x1a: {  	s8 =	sadd.s32 $0xFFFFE003, lr  }
0x1b: {  	s9 =	sadd.s32 $0xFFFFFEF7, lr;
	s5 =	simm.s32 $0xFFFFFFFF;
	p2 =	slt.u32 s8, $0xFFFFF086  }
0x1c: {  	p1 =	slt.u32 s9, $0xF7A;
	s5 =	simm.s32 @!p2 $0x0  }
0x1d: {  	s5 =	simm.s32 @p1 $0x1;
	p0 =	seq.s32 s7, s2  }
0x1e: {  	s7 =	smul.u32 @!p0 $0xF7A, s2;
	p2 =	seq.s32 @!p0 s5, $0x0  }
0x1f: {  	s9 =	smul.u32 $0xF7A, s1;
	s8 =	simm.s32 @!p0 $0x1BF5;
	p2 =	por !p2, p0  }
0x20: {  	[sflag:s8] =	ssyncset.s32 @!p0 $0xFFFFF086;
	s6 =	sadd.s32 @!p0 s3, s7;
	s7 =	simm.s32 @!p0 $0x108  }
0x21: {  	s3 =	sadd.s32 s3, s9;
	s6 =	sadd.s32 @!p0 $0x88, s6;
	s7 =	simm.s32 @p2 $0x1082  }
0x22: {  	[simem:s7], [sflag:s8] =	dma.local @!p0 [hbm:s6], $0xF7A  }
0x23: {  	s9 =	sor.u32 $0xD0000000, s2;
	s6 =	simm.s32 $0x108;
	_ =	swait.ge @!p0 [sflag:s8], $0x0  }
0x24: {  	s3 =	sadd.s32 $0x88, s3;
	s6 =	simm.s32 @!p1 $0x1082;
	[sflag:s4] =	ssyncset.s32 $0xFFFFF086  }
0x25: {  	[simem:s6], [sflag:s4] =	dma.local [hbm:s3], $0xF7A  }
0x26: {  	[smem:$0x3F81] =	sst s1;
	(tag) =	ssettag s2;
	_ =	strace s9  }
0x27: {  	s1 =	sld [smem:$0x3F91]  }
0x28: {  	s2 =	sld [smem:$0x3F92]  }
0x29: {  	s4 =	sld [smem:$0x3F94]  }
0x2a: {  	p0 =	seq.s32 s5, $0x0;
	s5 =	sld [smem:$0x3F95]  }
0x2b: {  	s6 =	sld [smem:$0x3F96]  }
0x2c: {  	s7 =	sld [smem:$0x3F97]  }
0x2d: {  	s3 =	simm.s32 $0x108;
	s8 =	sld [smem:$0x3F98]  }
0x2e: {  	s3 =	simm.s32 @!p0 $0x1082;
	s9 =	sld [smem:$0x3F99]  }
0x2f: {  	lr =	sadd.s32 s0, s3;
	s0 =	sld [smem:$0x3F90]  }
0x30: {  	s3 =	sld [smem:$0x3F93]  }
0x31: {  	[smem:$0x3F9C] =	sst s10  }
0x32: {  	s10 =	sld [smem:$0x3F9A];
	_ =	sdelay $0x3  }
0x33: {  	p0 =	seq.s32 s10, $0x1;
	s10 =	sld [smem:$0x3F9C];
	_ =	sdelay $0x3  }
0x34: {  	[smem:$0x3F9C] =	sst s10  }
0x35: {  	s10 =	sld [smem:$0x3F9B];
	_ =	sdelay $0x3  }
0x36: {  	p1 =	seq.s32 s10, $0x1;
	s10 =	sld [smem:$0x3F9C];
	_ =	sdelay $0x3  }
0x37: {  	[smem:$0x3F9C] =	sst s10  }
0x38: {  	s10 =	sld [smem:$0x3F9D]  }
0x39: {  	_ = 	snop;
	(pc) =	sbr.ind lr, $3  }
0x3a: {  	_ = 	snop  }
0x3b: {  	_ = 	snop  }
0x3c: {  	p2 =	seq.s32 s10, $0x1;
	s10 =	sld [smem:$0x3F9C]  }
0x3d: {  	_ =	shalt  }
0x3e: {  	_ =	shalt  }
0x3f: {  	_ =	shalt  }
0x40: {  	_ =	shalt  }
0x41: {  	_ =	shalt  }
0x42: {  	_ =	shalt  }
0x43: {  	_ =	shalt  }
0x44: {  	_ =	shalt  }
0x45: {  	_ =	shalt  }
0x46: {  	_ =	shalt  }
0x47: {  	_ =	shalt  }
0x48: {  	_ =	shalt  }
0x49: {  	_ =	shalt  }
0x4a: {  	_ =	shalt  }
0x4b: {  	_ =	shalt  }
0x4c: {  	_ =	shalt  }
0x4d: {  	_ =	shalt  }
0x4e: {  	_ =	shalt  }
0x4f: {  	_ =	shalt  }
0x50: {  	_ =	shalt  }
0x51: {  	_ =	shalt  }
0x52: {  	_ =	shalt  }
0x53: {  	_ =	shalt  }
0x54: {  	_ =	shalt  }
0x55: {  	_ =	shalt  }
0x56: {  	_ =	shalt  }
0x57: {  	_ =	shalt  }
0x58: {  	_ =	shalt  }
0x59: {  	_ =	shalt  }
0x5a: {  	_ =	shalt  }
0x5b: {  	_ =	shalt  }
0x5c: {  	_ =	shalt  }
0x5d: {  	_ =	shalt  }
0x5e: {  	_ =	shalt  }
0x5f: {  	_ =	shalt  }
0x60: {  	_ =	shalt  }
0x61: {  	_ =	shalt  }
0x62: {  	_ =	shalt  }
0x63: {  	_ =	shalt  }
0x64: {  	_ =	shalt  }
0x65: {  	_ =	shalt  }
0x66: {  	_ =	shalt  }
0x67: {  	_ =	shalt  }
0x68: {  	_ =	shalt  }
0x69: {  	_ =	shalt  }
0x6a: {  	_ =	shalt  }
0x6b: {  	_ =	shalt  }
0x6c: {  	_ =	shalt  }
0x6d: {  	_ =	shalt  }
0x6e: {  	_ =	shalt  }
0x6f: {  	_ =	shalt  }
0x70: {  	_ =	shalt  }
0x71: {  	_ =	shalt  }
0x72: {  	_ =	shalt  }
0x73: {  	_ =	shalt  }
0x74: {  	_ =	shalt  }
0x75: {  	_ =	shalt  }
0x76: {  	_ =	shalt  }
0x77: {  	_ =	shalt  }
0x78: {  	_ =	shalt  }
0x79: {  	_ =	shalt  }
0x7a: {  	_ =	shalt  }
0x7b: {  	_ =	shalt  }
0x7c: {  	_ =	shalt  }
0x7d: {  	_ =	shalt  }
0x7e: {  	_ =	shalt  }
0x7f: {  	_ =	shalt  }
0x80: {  	_ =	shalt  }
0x81: {  	_ =	shalt  }
0x82: {  	_ =	shalt  }
0x83: {  	_ =	shalt  }
0x84: {  	_ =	shalt  }
0x85: {  	_ =	shalt  }
0x86: {  	_ =	shalt  }
0x87: {  	_ =	shalt  }
.Lfunc_end0:
.L_simem_size_0:
called_computation.2_lowered:
.L_overlay_start_0:
0x88: {  	s2 =	sld [smem:$0x3FD9]  }
0x89: {  	s3 =	sld [smem:$0x3FFE];
	_ =	sdelay $0x1  }
0x8a: {  	s1 =	srdreg.scid  }
0x8b: {  	s0 =	sand.u32 $0x1, s1  }
0x8c: {  	s17 =	sshll.u32 s0, $0xA;
	s2 =	sadd.s32 s3, s2  }
0x8d: {  	s2 =	sadd.s32 s2, s17  }
0x8e: {  	[smem:$0x3FA8] =	sst s2  }
0x8f: {  	_ = 	snop  }
0x90: {  	(tm) =	ssettm $0x1  }
0x91: {  	s18 =	sld [smem:$0x3FFB];
	_ =	sdelay $0x3  }
0x92: {  	_ =	strace s18  }
0x93: {  	s2 =	sld [smem:$0x3FFC];
	_ =	sdelay $0x3  }
0x94: {  	_ =	strace s2  }
0x95: {  	s2 =	sld [smem:$0x3FFD];
	_ =	sdelay $0x3  }
0x96: {  	_ =	strace s2  }
0x97: {  	_ =	strace $0x8FFFFFFF  }
0x98: {  	s19 =	sld [smem:$0x3FDB];
	_ =	sdelay $0x1  }
0x99: {  	s20 =	simm.s32 $_scs_section_size  }
0x9a: {  	s4 =	simm.s32 $_size__tile_overlayer_lowered;
	s5 =	simm.s32 $_tile_overlayer_lowered  }
0x9b: {  	s6 =	simm.s32 $0x1BFF;
	s21 =	sshll.u32 s5, $0x1;
	s3 =	sadd.s32 s20, s19  }
0x9c: {  	s22 =	simm.s32 $0x0;
	s4 =	sshll.u32 s4, $0x1;
	s5 =	sadd.s32 s21, s3  }
0x9d: {  	[timem:s22], [sflag:s6] =	dma.local [hbm:s5], s4  }
0x9e: {  	_ =	swait.ge [sflag:s6], s4  }
0x9f: {  	s4 =	ssub.s32 $0x0, s4;
	[sflag:s6] =	ssyncset.done $0x0  }
0xa0: {  	[sflag:s6] =	ssyncadd.s32 s4;
	_ =	sdelay $0x1  }
0xa1: {  	s23 =	simm.s32 $0x1B8B  }
0xa2: {  	_ =	swait.ge [sflag:s23], $0x1  }
0xa3: {  	[sflag:s23] =	ssyncset.done $0x0  }
0xa4: {  	[sflag:s23] =	ssyncadd.s32 $0xFFFFFFFF  }
0xa5: {  	s4 =	sld [smem:$0x0]  }
0xa6: {  	s5 =	sand.u32 $0xFFFFFFFE, s1  }
0xa7: {  	p0 =	sne.s32 s1, s5  }
0xa8: {  	s5 =	sshll.u32 @p0 s5, $0xE  }
0xa9: {  	s5 =	sadd.s32 @p0 $0x11B8D, s5;
	s6 =	sshll.u32 @p0 s4, $0x11  }
0xaa: {  	s5 =	sor.u32 @p0 s6, s5  }
0xab: {  	[sflag:s5] =	ssyncadd.remote.s32 @p0 $0x1;
	_ =	sdelay $0x1  }
0xac: {  	s5 =	simm.s32 @p0 $0x1B8D  }
0xad: {  	_ =	swait.eq @p0 [sflag:s5], $0x1  }
0xae: {  	[sflag:s5] =	ssyncadd.s32 @p0 $0xFFFFFFFF  }
0xaf: {  	s6 =	sshll.u32 @!p0 s1, $0xE  }
0xb0: {  	s6 =	sor.u32 @!p0 $0x4000, s6;
	s5 =	simm.s32 @!p0 $0x1B8D  }
0xb1: {  	s4 =	sshll.u32 @!p0 s4, $0x11;
	s6 =	sadd.s32 @!p0 $0x11B8D, s6;
	_ =	swait.eq @!p0 [sflag:s5], $0x1  }
0xb2: {  	s4 =	sor.u32 @!p0 s4, s6;
	[sflag:s5] =	ssyncadd.s32 @!p0 $0xFFFFFFFF  }
0xb3: {  	s25 =	simm.s32 $0x1B8E;
	s24 =	sld [smem:$0x3FFE];
	[sflag:s4] =	ssyncadd.remote.s32 @!p0 $0x1  }
0xb4: {  	s26 =	simm.s32 $execute0_lowered;
	[smem:$0x3FD2] =	sst s25  }
0xb5: {  	s5 =	sshll.u32 s26, $0x1;
	_ =	strace $0x8000004C;
	[dreg:$0x1] =	wrdreg $0xFFFFFFFF  }
0xb6: {  	s28 =	simm.s32 $_size_execute0_lowered;
	s3 =	sadd.s32 s3, s5;
	[dreg:$0x0] =	wrdreg $0x0  }
0xb7: {  	s5 =	sshll.u32 s28, $0x1;
	[dreg:$0x2] =	wrdreg s3  }
0xb8: {  	[dreg:$0x3] =	wrdreg s5  }
0xb9: {  	[dreg:$0x4] =	wrdreg $0xC0  }
0xba: {  	_ =	task [dreg:s22], $0x5FFFF  }
0xbb: {  	[dreg:$0x1] =	wrdreg $0xFFFFFFFF  }
0xbc: {  	[dreg:$0x0] =	wrdreg $0x60  }
0xbd: {  	[dreg:$0x2] =	wrdreg s24  }
0xbe: {  	[dreg:$0x3] =	wrdreg $0xBD000  }
0xbf: {  	[dreg:$0x4] =	wrdreg $0x9  }
0xc0: {  	_ =	task.clear_ibuf [dreg:s22], $0x5FFFF;
	_ =	strace $0x9000004C  }
0xc1: {  	s29 =	simm.s32 $0x9;
	_ =	strace $0x8000004E  }
0xc2: {  	_ =	swait.ge [sflag:s29], $0x1  }
0xc3: {  	[sflag:s29] =	ssyncadd.s32 $0xFFFFFFFF  }
0xc4: {  	_ =	strace $0x9000004E  }
0xc5: {  	_ =	sfence  }
0xc6: {  	s30 =	sld [smem:$0x0];
	_ =	sdelay $0x2  }
0xc7: {  	s31 =	sshll.u32 s1, $0xD;
	s1 =	sshrl.u32 s1, $0x2  }
0xc8: {  	s4 =	sand.u32 $0x4000, s31;
	s1 =	sadd.s32 s1, s30  }
0xc9: {  	s0 =	sor.u32 s4, s0;
	s1 =	sshll.u32 s1, $0x11  }
0xca: {  	s0 =	sor.u32 s1, s0  }
0xcb: {  	s0 =	sadd.s32 $0x8F2B, s0  }
0xcc: {  	[sflag:s0] =	ssyncadd.remote.s32 $0x1  }
0xcd: {  	_ =	sfence.sel $0xFFFF  }
0xce: {  	[dreg:$0x0] =	wrdreg $0xFFFFFFFF;
	(pc) =	sbr.abs _section_cstart, $3  }
0xcf: {  	[dreg:$0x1] =	wrdreg $0xFFFFFFFF  }
0xd0: {  	_ =	task.clear_ibuf [dreg:s22], $0x2FFFF;
	_ =	strace $0x9FFFFFFF  }
0xd1: {  	(tm) =	ssettm $0x7FFFFFFF  }
tec
execute0_lowered:
.L_overlay_start_1:
0x0: {  	(tag) =	ssettag $0x1  }
0x1: {  	s0 =	rddreg [dreg:$0x0]  }
0x2: {  	s1 =	rddreg [dreg:$0x1]  }
0x3: {  	s3 =	simm.s32 $0x0;
	s2 =	srdreg.scid;
	s14 =	stileid.u32  }
0x4: {  	s16 =	simm.s32 $0x400;
	s17 =	simm.s32 $0x78;
	s18 =	simm.s32 $0x900  }
0x5: {  	s19 =	simm.s32 $0x4500;
	s20 =	simm.s32 $0x8100;
	s28 =	simm.s32 $0x5  }
0x6: {  	s29 =	simm.s32 $0x200;
	s30 =	simm.s32 $0x3;
	s31 =	simm.s32 $0x500  }
0x7: {  	[smem:$0x7FF] =	sst s3;
	s4 =	sadd.s32 $0x85C00, s0;
	s7 =	smul.u32 $0x2780, s14  }
0x8: {  	s2 =	sand.u32 $0x1, s2;
	s5 =	sshll.u32 s14, $0x1;
	s13 =	smul.u32 $0x4F000, s14  }
0x9: {  	s6 =	sadd.s32 $0x8E00, s0;
	s8 =	sadd.s32 $0xEE00, s0;
	s24 =	smul.u32 $0x600, s14  }
0xa: {  	_ =	strace $0x8000004D;
	s5 =	sor.u32 s2, s5;
	s10 =	smul.u32 $0x27800, s2  }
0xb: {  	s12 =	ssub.s32 $0x2, s2;
	s2 =	smul.u32 $0x300, s2;
	s9 =	sshll.u32 s5, $0x4  }
0xc: {  	s11 =	sadd.s32 s7, s0;
	s21 =	sshrl.u32 s12, $0x1;
	s5 =	smul.u32 $0x1800, s5  }
0xd: {  	s23 =	sshrl.u32 s13, $0x2;
	s25 =	sadd.s32 s24, s8;
	s13 =	simm.s32 $0x100  }
0xe: {  	s9 =	sadd.s32 s9, s0;
	s0 =	sadd.s32 s10, s0;
	s10 =	ssub.s32 s12, s21  }
0xf: {  	s11 =	sadd.s32 $0xD4000, s11;
	s12 =	simm.s32 $0x7;
	[dreg:$0x6] =	wrdreg s13  }
0x10: {  	s21 =	simm.s32 $0x1;
	s13 =	simm.s32 $0x780;
	s22 =	sadd.s32 $0x8A00, s9  }
0x11: {  	s9 =	sadd.s32 $0x8C00, s9;
	s5 =	sshrl.u32 s5, $0x3;
	[dreg:$0x9] =	wrdreg s11  }
0x12: {  	s11 =	sadd.s32 s2, s25;
	s0 =	sadd.s32 $0x14A800, s0;
	[dreg:$0x7] =	wrdreg s22  }
0x13: {  	s25 =	simm.s32 $0x2;
	[dreg:$0x8] =	wrdreg s9;
	s9 =	sadd.s32 s23, s1  }
0x14: {  	s5 =	sadd.s32 $0x280, s5;
	[dreg:$0x3] =	wrdreg s11;
	s11 =	simm.s32 $0x80  }
0x15: {  	s22 =	simm.s32 $0x4;
	s23 =	simm.s32 $0x180;
	s0 =	sadd.s32 s7, s0  }
0x16: {  	s7 =	simm.s32 $0x600;
	s26 =	sadd.s32 s6, s5;
	[dreg:$0x5] =	wrdreg s11  }
0x17: {  	s6 =	sadd.s32 s24, s6;
	s5 =	sadd.s32 s8, s5;
	[dreg:$0xf] =	wrdreg s0  }
0x18: {  	s8 =	smax.u32 s10, $0x1;
	s10 =	sshll.u32 s14, $0x6;
	[dreg:$0xa] =	wrdreg s26  }
0x19: {  	s15 =	sshrl.u32 s9, $0x3;
	s0 =	simm.s32 $0x6;
	[dreg:$0xb] =	wrdreg s5  }
0x1a: {  	s9 =	simm.s32 $0x680;
	s14 =	simm.s32 $0x0;
	[dreg:$0xc] =	wrdreg s8  }
0x1b: {  	s11 =	simm.s32 $0x700;
	s2 =	sadd.s32 s2, s6;
	[dreg:$0x10] =	wrdreg s14  }
0x1c: {  	s24 =	sor.u32 $0x1C07, s10;
	s26 =	simm.s32 $0x480;
	[dreg:$0xe] =	wrdreg s15  }
0x1d: {  	s5 =	simm.s32 $0x580;
	s6 =	simm.s32 $0x300;
	[dreg:$0x4] =	wrdreg s2  }
0x1e: {  	s8 =	simm.s32 $0x380;
	s2 =	simm.s32 $0x280;
	[dreg:$0xd] =	wrdreg s24  }
.LBB2_1:
0x1f: {  	s10 =	rddreg [dreg:$0x7];
	s14 =	simm.s32 $0x800  }
0x20: {  	[tilespmem:s14], [sflag:$0x7] =	stream.linear.gather [hbm4b:s10+s3], $0x80, $0x38;
	[tilespmem:$0x1F900] =	vst v63  }
0x21: {  	_ =	swait.ge [sflag:s12], $0x80  }
0x22: {  	[sflag:s12] =	ssyncset.done $0x0  }
0x23: {  	s14 =	simm.s32 $0x880;
	s10 =	rddreg [dreg:$0x8];
	[sflag:s12] =	ssyncadd.s32 $0xFFFFFF80  }
0x24: {  	[tilespmem:s14], [sflag:$0x7] =	stream.linear.gather [hbm4b:s10+s3], $0x80, $0x38;
	[tilespmem:$0x1F900] =	vst v63  }
0x25: {  	_ =	swait.ge [sflag:s12], $0x80  }
0x26: {  	[sflag:s12] =	ssyncset.done $0x0  }
0x27: {  	s14 =	rddreg [dreg:$0x9];
	[sflag:s12] =	ssyncadd.s32 $0xFFFFFF80  }
0x28: {  	[spmem:s15], [sflag:s24] =	dma.local [hbm:s14], $0x2780  }
0x29: {  	_ =	swait.ge [sflag:s12], $0x2780  }
0x2a: {  	[sflag:s12] =	ssyncset.done $0x0  }
0x2b: {  	[sflag:s12] =	ssyncadd.s32 $0xFFFFD880  }
0x2c: {  	[bflag:$0x0] =	sbarrier.arrive $0xFFFF  }
0x2d: {  	s24 =	rddreg [dreg:$0x4]  }
0x2e: {  	s10 =	sadd.s32 $0x0, s24  }
0x2f: {  	[tilespmem:s3], [sflag:$0x7] =	stream.linear.gather [hbm4b:s10+s3], $0x400, $0x38;
	[tilespmem:$0x1F900] =	vst v63  }
0x30: {  	_ =	swait.ge [sflag:s12], $0x400  }
0x31: {  	s14 =	rddreg [dreg:$0x3];
	[sflag:s12] =	ssyncset.done $0x0  }
0x32: {  	[sflag:s12] =	ssyncadd.s32 $0xFFFFFC00;
	s10 =	sadd.s32 $0x0, s14  }
0x33: {  	[tilespmem:s16], [sflag:$0x7] =	stream.linear.gather [hbm4b:s10+s3], $0x400, $0x38;
	[tilespmem:$0x1F900] =	vst v63  }
0x34: {  	_ =	swait.ge [sflag:s12], $0x400  }
0x35: {  	[sflag:s12] =	ssyncset.done $0x0  }
0x36: {  	[sflag:s12] =	ssyncadd.s32 $0xFFFFFC00  }
0x37: {  	[tilespmem:s18], [sflag:$0x1] =	stream.indirect.gather [hbm4b:s4+s17], $0x80, s3, s17, $0xb8;
	[tilespmem:$0x1F900] =	vst v63  }
0x38: {  	s15 =	rddreg [dreg:$0x5]  }
0x39: {  	[tilespmem:s19], [sflag:$0x2] =	stream.indirect.gather [hbm4b:s4+s17], $0x80, s15, s17, $0xb8;
	[tilespmem:$0x1F900] =	vst v63  }
0x3a: {  	s24 =	rddreg [dreg:$0x6]  }
0x3b: {  	[tilespmem:s20], [sflag:$0x3] =	stream.indirect.gather [hbm4b:s4+s17], $0x80, s24, s17, $0xb8;
	[tilespmem:$0x1F900] =	vst v63  }
0x3c: {  	_ =	swait.ge [sflag:s21], $0x3C00  }
0x3d: {  	[sflag:s21] =	ssyncset.done $0x0  }
0x3e: {  	[sflag:s21] =	ssyncadd.s32 $0xFFFFC400  }
0x3f: {  	[spmem:s1] =	stream.indirect.scatter.add.f32 [tilespmem:s18], [sflag:$0x4], $0x80, s16, s17, $0xb8;
	[tilespmem:$0x1F900] =	vst v63  }
0x40: {  	_ =	swait.ge [sflag:s22], $0x3C00  }
0x41: {  	[sflag:s22] =	ssyncset.done $0x0  }
0x42: {  	[sflag:s22] =	ssyncadd.s32 $0xFFFFC400  }
0x43: {  	[tilespmem:s18], [sflag:$0x1] =	stream.indirect.gather [hbm4b:s4+s17], $0x80, s23, s17, $0xb8;
	[tilespmem:$0x1F900] =	vst v63  }
0x44: {  	_ =	swait.ge [sflag:s25], $0x3C00  }
0x45: {  	[sflag:s25] =	ssyncset.done $0x0  }
0x46: {  	[sflag:s25] =	ssyncadd.s32 $0xFFFFC400  }
0x47: {  	[spmem:s1] =	stream.indirect.scatter.add.f32 [tilespmem:s19], [sflag:$0x5], $0x80, s26, s17, $0xb8;
	[tilespmem:$0x1F900] =	vst v63  }
0x48: {  	_ =	swait.ge [sflag:s28], $0x3C00  }
0x49: {  	[sflag:s28] =	ssyncset.done $0x0  }
0x4a: {  	[sflag:s28] =	ssyncadd.s32 $0xFFFFC400  }
0x4b: {  	[tilespmem:s19], [sflag:$0x2] =	stream.indirect.gather [hbm4b:s4+s17], $0x80, s29, s17, $0xb8;
	[tilespmem:$0x1F900] =	vst v63  }
0x4c: {  	_ =	swait.ge [sflag:s30], $0x3C00  }
0x4d: {  	[sflag:s30] =	ssyncset.done $0x0  }
0x4e: {  	[sflag:s30] =	ssyncadd.s32 $0xFFFFC400  }
0x4f: {  	[spmem:s1] =	stream.indirect.scatter.add.f32 [tilespmem:s20], [sflag:$0x6], $0x80, s31, s17, $0xb8;
	[tilespmem:$0x1F900] =	vst v63  }
0x50: {  	_ =	swait.ge [sflag:s0], $0x3C00  }
0x51: {  	[sflag:s0] =	ssyncset.done $0x0  }
0x52: {  	[sflag:s0] =	ssyncadd.s32 $0xFFFFC400  }
0x53: {  	[tilespmem:s20], [sflag:$0x3] =	stream.indirect.gather [hbm4b:s4+s17], $0x80, s2, s17, $0xb8;
	[tilespmem:$0x1F900] =	vst v63  }
0x54: {  	_ =	swait.ge [sflag:s21], $0x3C00  }
0x55: {  	[sflag:s21] =	ssyncset.done $0x0  }
0x56: {  	[sflag:s21] =	ssyncadd.s32 $0xFFFFC400  }
0x57: {  	[spmem:s1] =	stream.indirect.scatter.add.f32 [tilespmem:s18], [sflag:$0x4], $0x80, s5, s17, $0xb8;
	[tilespmem:$0x1F900] =	vst v63  }
0x58: {  	_ =	swait.ge [sflag:s22], $0x3C00  }
0x59: {  	[sflag:s22] =	ssyncset.done $0x0  }
0x5a: {  	[sflag:s22] =	ssyncadd.s32 $0xFFFFC400  }
0x5b: {  	[tilespmem:s18], [sflag:$0x1] =	stream.indirect.gather [hbm4b:s4+s17], $0x80, s6, s17, $0xb8;
	[tilespmem:$0x1F900] =	vst v63  }
0x5c: {  	_ =	swait.ge [sflag:s25], $0x3C00  }
0x5d: {  	[sflag:s25] =	ssyncset.done $0x0  }
0x5e: {  	[sflag:s25] =	ssyncadd.s32 $0xFFFFC400  }
0x5f: {  	[spmem:s1] =	stream.indirect.scatter.add.f32 [tilespmem:s19], [sflag:$0x5], $0x80, s7, s17, $0xb8;
	[tilespmem:$0x1F900] =	vst v63  }
0x60: {  	_ =	swait.ge [sflag:s28], $0x3C00  }
0x61: {  	[sflag:s28] =	ssyncset.done $0x0  }
0x62: {  	[sflag:s28] =	ssyncadd.s32 $0xFFFFC400  }
0x63: {  	[tilespmem:s19], [sflag:$0x2] =	stream.indirect.gather [hbm4b:s4+s17], $0x80, s8, s17, $0xb8;
	[tilespmem:$0x1F900] =	vst v63  }
0x64: {  	_ =	swait.ge [sflag:s30], $0x3C00  }
0x65: {  	[sflag:s30] =	ssyncset.done $0x0  }
0x66: {  	[sflag:s30] =	ssyncadd.s32 $0xFFFFC400  }
0x67: {  	[spmem:s1] =	stream.indirect.scatter.add.f32 [tilespmem:s20], [sflag:$0x6], $0x80, s9, s17, $0xb8;
	[tilespmem:$0x1F900] =	vst v63  }
0x68: {  	_ =	swait.ge [sflag:s21], $0x3C00  }
0x69: {  	[sflag:s21] =	ssyncset.done $0x0  }
0x6a: {  	[sflag:s21] =	ssyncadd.s32 $0xFFFFC400  }
0x6b: {  	[spmem:s1] =	stream.indirect.scatter.add.f32 [tilespmem:s18], [sflag:$0x4], $0x80, s11, s17, $0xb8;
	[tilespmem:$0x1F900] =	vst v63  }
0x6c: {  	_ =	swait.ge [sflag:s25], $0x3C00  }
0x6d: {  	[sflag:s25] =	ssyncset.done $0x0  }
0x6e: {  	[sflag:s25] =	ssyncadd.s32 $0xFFFFC400  }
0x6f: {  	[spmem:s1] =	stream.indirect.scatter.add.f32 [tilespmem:s19], [sflag:$0x5], $0x80, s13, s17, $0xb8;
	[tilespmem:$0x1F900] =	vst v63  }
0x70: {  	_ =	swait.ge [sflag:s22], $0x3C00  }
0x71: {  	[sflag:s22] =	ssyncset.done $0x0  }
0x72: {  	[sflag:s22] =	ssyncadd.s32 $0xFFFFC400  }
0x73: {  	_ =	swait.ge [sflag:s28], $0x3C00  }
0x74: {  	[sflag:s28] =	ssyncset.done $0x0  }
0x75: {  	[sflag:s28] =	ssyncadd.s32 $0xFFFFC400  }
0x76: {  	s10 =	simm.s32 $0x80;
	_ =	swait.ge [sflag:s0], $0x3C00  }
.LBB2_2:
0x77: {  	s14 =	rddreg [dreg:$0x4];
	s15 =	smov.u32 s10;
	[sflag:s0] =	ssyncset.done $0x0  }
0x78: {  	s14 =	sadd.s32 s15, s14;
	[sflag:s0] =	ssyncadd.s32 $0xFFFFC400  }
0x79: {  	[tilespmem:s3], [sflag:$0x7] =	stream.linear.gather [hbm4b:s14+s3], $0x400, $0x38;
	[tilespmem:$0x1F900] =	vst v63  }
0x7a: {  	_ =	swait.ge [sflag:s12], $0x400  }
0x7b: {  	s24 =	rddreg [dreg:$0x3];
	[sflag:s12] =	ssyncset.done $0x0  }
0x7c: {  	[sflag:s12] =	ssyncadd.s32 $0xFFFFFC00;
	s14 =	sadd.s32 s15, s24  }
0x7d: {  	[tilespmem:s16], [sflag:$0x7] =	stream.linear.gather [hbm4b:s14+s3], $0x400, $0x38;
	[tilespmem:$0x1F900] =	vst v63  }
0x7e: {  	_ =	swait.ge [sflag:s12], $0x400  }
0x7f: {  	[sflag:s12] =	ssyncset.done $0x0  }
0x80: {  	[sflag:s12] =	ssyncadd.s32 $0xFFFFFC00  }
0x81: {  	[tilespmem:s18], [sflag:$0x1] =	stream.indirect.gather [hbm4b:s4+s17], $0x80, s3, s17, $0xb8;
	[tilespmem:$0x1F900] =	vst v63  }
0x82: {  	s15 =	rddreg [dreg:$0x5]  }
0x83: {  	[tilespmem:s19], [sflag:$0x2] =	stream.indirect.gather [hbm4b:s4+s17], $0x80, s15, s17, $0xb8;
	[tilespmem:$0x1F900] =	vst v63  }
0x84: {  	s24 =	rddreg [dreg:$0x6]  }
0x85: {  	[tilespmem:s20], [sflag:$0x3] =	stream.indirect.gather [hbm4b:s4+s17], $0x80, s24, s17, $0xb8;
	[tilespmem:$0x1F900] =	vst v63  }
0x86: {  	_ =	swait.ge [sflag:s21], $0x3C00  }
0x87: {  	[sflag:s21] =	ssyncset.done $0x0  }
0x88: {  	[sflag:s21] =	ssyncadd.s32 $0xFFFFC400  }
0x89: {  	[spmem:s1] =	stream.indirect.scatter.add.f32 [tilespmem:s18], [sflag:$0x4], $0x80, s16, s17, $0xb8;
	[tilespmem:$0x1F900] =	vst v63  }
0x8a: {  	_ =	swait.ge [sflag:s22], $0x3C00  }
0x8b: {  	[sflag:s22] =	ssyncset.done $0x0  }
0x8c: {  	[sflag:s22] =	ssyncadd.s32 $0xFFFFC400  }
0x8d: {  	[tilespmem:s18], [sflag:$0x1] =	stream.indirect.gather [hbm4b:s4+s17], $0x80, s23, s17, $0xb8;
	[tilespmem:$0x1F900] =	vst v63  }
0x8e: {  	_ =	swait.ge [sflag:s25], $0x3C00  }
0x8f: {  	[sflag:s25] =	ssyncset.done $0x0  }
0x90: {  	[sflag:s25] =	ssyncadd.s32 $0xFFFFC400  }
0x91: {  	[spmem:s1] =	stream.indirect.scatter.add.f32 [tilespmem:s19], [sflag:$0x5], $0x80, s26, s17, $0xb8;
	[tilespmem:$0x1F900] =	vst v63  }
0x92: {  	_ =	swait.ge [sflag:s28], $0x3C00  }
0x93: {  	[sflag:s28] =	ssyncset.done $0x0  }
0x94: {  	[sflag:s28] =	ssyncadd.s32 $0xFFFFC400  }
0x95: {  	[tilespmem:s19], [sflag:$0x2] =	stream.indirect.gather [hbm4b:s4+s17], $0x80, s29, s17, $0xb8;
	[tilespmem:$0x1F900] =	vst v63  }
0x96: {  	_ =	swait.ge [sflag:s30], $0x3C00  }
0x97: {  	[sflag:s30] =	ssyncset.done $0x0  }
0x98: {  	[sflag:s30] =	ssyncadd.s32 $0xFFFFC400  }
0x99: {  	[spmem:s1] =	stream.indirect.scatter.add.f32 [tilespmem:s20], [sflag:$0x6], $0x80, s31, s17, $0xb8;
	[tilespmem:$0x1F900] =	vst v63  }
0x9a: {  	_ =	swait.ge [sflag:s0], $0x3C00  }
0x9b: {  	[sflag:s0] =	ssyncset.done $0x0  }
0x9c: {  	[sflag:s0] =	ssyncadd.s32 $0xFFFFC400  }
0x9d: {  	[tilespmem:s20], [sflag:$0x3] =	stream.indirect.gather [hbm4b:s4+s17], $0x80, s2, s17, $0xb8;
	[tilespmem:$0x1F900] =	vst v63  }
0x9e: {  	_ =	swait.ge [sflag:s21], $0x3C00  }
0x9f: {  	[sflag:s21] =	ssyncset.done $0x0  }
0xa0: {  	[sflag:s21] =	ssyncadd.s32 $0xFFFFC400  }
0xa1: {  	[spmem:s1] =	stream.indirect.scatter.add.f32 [tilespmem:s18], [sflag:$0x4], $0x80, s5, s17, $0xb8;
	[tilespmem:$0x1F900] =	vst v63  }
0xa2: {  	_ =	swait.ge [sflag:s22], $0x3C00  }
0xa3: {  	[sflag:s22] =	ssyncset.done $0x0  }
0xa4: {  	[sflag:s22] =	ssyncadd.s32 $0xFFFFC400  }
0xa5: {  	[tilespmem:s18], [sflag:$0x1] =	stream.indirect.gather [hbm4b:s4+s17], $0x80, s6, s17, $0xb8;
	[tilespmem:$0x1F900] =	vst v63  }
0xa6: {  	_ =	swait.ge [sflag:s25], $0x3C00  }
0xa7: {  	[sflag:s25] =	ssyncset.done $0x0  }
0xa8: {  	[sflag:s25] =	ssyncadd.s32 $0xFFFFC400  }
0xa9: {  	[spmem:s1] =	stream.indirect.scatter.add.f32 [tilespmem:s19], [sflag:$0x5], $0x80, s7, s17, $0xb8;
	[tilespmem:$0x1F900] =	vst v63  }
0xaa: {  	_ =	swait.ge [sflag:s28], $0x3C00  }
0xab: {  	[sflag:s28] =	ssyncset.done $0x0  }
0xac: {  	[sflag:s28] =	ssyncadd.s32 $0xFFFFC400  }
0xad: {  	[tilespmem:s19], [sflag:$0x2] =	stream.indirect.gather [hbm4b:s4+s17], $0x80, s8, s17, $0xb8;
	[tilespmem:$0x1F900] =	vst v63  }
0xae: {  	_ =	swait.ge [sflag:s30], $0x3C00  }
0xaf: {  	[sflag:s30] =	ssyncset.done $0x0  }
0xb0: {  	[sflag:s30] =	ssyncadd.s32 $0xFFFFC400  }
0xb1: {  	[spmem:s1] =	stream.indirect.scatter.add.f32 [tilespmem:s20], [sflag:$0x6], $0x80, s9, s17, $0xb8;
	[tilespmem:$0x1F900] =	vst v63  }
0xb2: {  	_ =	swait.ge [sflag:s21], $0x3C00  }
0xb3: {  	[sflag:s21] =	ssyncset.done $0x0  }
0xb4: {  	[sflag:s21] =	ssyncadd.s32 $0xFFFFC400  }
0xb5: {  	[spmem:s1] =	stream.indirect.scatter.add.f32 [tilespmem:s18], [sflag:$0x4], $0x80, s11, s17, $0xb8;
	[tilespmem:$0x1F900] =	vst v63  }
0xb6: {  	_ =	swait.ge [sflag:s25], $0x3C00  }
0xb7: {  	[sflag:s25] =	ssyncset.done $0x0  }
0xb8: {  	[sflag:s25] =	ssyncadd.s32 $0xFFFFC400  }
0xb9: {  	[spmem:s1] =	stream.indirect.scatter.add.f32 [tilespmem:s19], [sflag:$0x5], $0x80, s13, s17, $0xb8;
	[tilespmem:$0x1F900] =	vst v63  }
0xba: {  	_ =	swait.ge [sflag:s22], $0x3C00  }
0xbb: {  	p0 =	sne.s32 s10, $0x200;
	[sflag:s22] =	ssyncset.done $0x0  }
.Ltmp0:
0xbc: {  	[sflag:s22] =	ssyncadd.s32 $0xFFFFC400;
	(pc) =	sbr.rel @p0 .LBB2_2-.Ltmp0, $4  }
0xbd: {  	_ =	swait.ge [sflag:s28], $0x3C00  }
0xbe: {  	[sflag:s28] =	ssyncset.done $0x0  }
0xbf: {  	[sflag:s28] =	ssyncadd.s32 $0xFFFFC400  }
0xc0: {  	s10 =	sadd.s32 $0x80, s10;
	_ =	swait.ge [sflag:s0], $0x3C00  }
0xc1: {  	[sflag:s0] =	ssyncset.done $0x0  }
0xc2: {  	s10 =	rddreg [dreg:$0xa];
	[sflag:s0] =	ssyncadd.s32 $0xFFFFC400  }
0xc3: {  	[tilespmem:s3], [sflag:$0x7] =	stream.linear.gather [hbm4b:s10+s3], $0x400, $0x38;
	[tilespmem:$0x1F900] =	vst v63  }
0xc4: {  	_ =	swait.ge [sflag:s12], $0x400  }
0xc5: {  	[sflag:s12] =	ssyncset.done $0x0  }
0xc6: {  	s14 =	rddreg [dreg:$0xb];
	[sflag:s12] =	ssyncadd.s32 $0xFFFFFC00  }
0xc7: {  	[tilespmem:s16], [sflag:$0x7] =	stream.linear.gather [hbm4b:s14+s3], $0x400, $0x38;
	[tilespmem:$0x1F900] =	vst v63  }
0xc8: {  	_ =	swait.ge [sflag:s12], $0x400  }
0xc9: {  	[sflag:s12] =	ssyncset.done $0x0  }
0xca: {  	[sflag:s12] =	ssyncadd.s32 $0xFFFFFC00  }
0xcb: {  	[tilespmem:s18], [sflag:$0x1] =	stream.indirect.gather [hbm4b:s4+s17], $0x80, s3, s17, $0xb8;
	[tilespmem:$0x1F900] =	vst v63  }
0xcc: {  	_ =	swait.ge [sflag:s21], $0x3C00  }
0xcd: {  	[sflag:s21] =	ssyncset.done $0x0  }
0xce: {  	[sflag:s21] =	ssyncadd.s32 $0xFFFFC400  }
0xcf: {  	[spmem:s1] =	stream.indirect.scatter.add.f32 [tilespmem:s18], [sflag:$0x7], $0x80, s16, s17, $0xb8;
	[tilespmem:$0x1F900] =	vst v63  }
0xd0: {  	_ =	swait.ge [sflag:s12], $0x3C00  }
0xd1: {  	[sflag:s12] =	ssyncset.done $0x0  }
0xd2: {  	s15 =	simm.s32 $0x50;
	s14 =	simm.s32 $0x800;
	[sflag:s12] =	ssyncadd.s32 $0xFFFFC400  }
0xd3: {  	[tilespmem:s18], [sflag:$0x1] =	stream.indirect.gather [hbm4b:s4+s15], $0x80, s14, s15, $0xb8;
	[tilespmem:$0x1F900] =	vst v63  }
0xd4: {  	_ =	swait.ge [sflag:s21], $0x2800  }
0xd5: {  	[sflag:s21] =	ssyncset.done $0x0  }
0xd6: {  	s24 =	simm.s32 $0x880;
	[sflag:s21] =	ssyncadd.s32 $0xFFFFD800  }
0xd7: {  	[spmem:s1] =	stream.indirect.scatter.add.f32 [tilespmem:s18], [sflag:$0x7], $0x80, s24, s15, $0xb8;
	[tilespmem:$0x1F900] =	vst v63  }
0xd8: {  	_ =	swait.ge [sflag:s12], $0x2800  }
0xd9: {  	[sflag:s12] =	ssyncset.done $0x0  }
0xda: {  	[sflag:s12] =	ssyncadd.s32 $0xFFFFD800  }
0xdb: {  	[bflag:$0x0] =	sbarrier.arrive $0xFFFF  }
0xdc: {  	s24 =	rddreg [dreg:$0xd]  }
0xdd: {  	s15 =	rddreg [dreg:$0xe]  }
0xde: {  	s14 =	rddreg [dreg:$0xf]  }
0xdf: {  	[hbm:s14], [sflag:s24] =	dma.local [spmem:s15], $0x2780  }
0xe0: {  	_ =	swait.ge [sflag:s12], $0x2780  }
0xe1: {  	s10 =	rddreg [dreg:$0x10]  }
0xe2: {  	s14 =	sadd.s32 $0x1, s10;
	s10 =	rddreg [dreg:$0xc]  }
0xe3: {  	p0 =	sne.s32 s14, s10  }
.Ltmp1:
0xe4: {  	_ = 	snop;
	(pc) =	sbr.rel @p0 .LBB2_1-.Ltmp1, $3  }
0xe5: {  	_ =	sdelay $0x1  }
0xe6: {  	[sflag:s12] =	ssyncset.done $0x0  }
0xe7: {  	[sflag:s12] =	ssyncadd.s32 $0xFFFFD880;
	[dreg:$0x10] =	wrdreg s14  }
0xe8: {  	_ =	sfence.sel $0x180000  }
0xe9: {  	[bflag:$0x0] =	sbarrier.arrive $0xFFFF  }
0xea: {  	_ =	strace $0x9000004D  }
0xeb: {  	s0 =	stileid.u32;
	[bflag:$0x2] =	sbarrier.arrive $0xFFFF  }
0xec: {  	p0 =	sne.s32 s0, $0x0;
	s0 =	rddreg [dreg:$0x2]  }
0xed: {  	s0 =	sadd.s32 @!p0 $0x100000, s0  }
0xee: {  	[sflag:s0] =	ssyncadd.tile.s32 @!p0 $0x1;
	_ =	shalt  }
.Lfunc_end2:
_tile_overlayer_lowered:
.L_overlay_start_2:
0xef: {  	(tag) =	ssettag $0x2  }
0xf0: {  	s0 =	rddreg [dreg:$0x0];
	s2 =	stileid.u32  }
0xf1: {  	s1 =	rddreg [dreg:$0x1];
	p0 =	sne.s32 s2, $0x0  }
0xf2: {  	s3 =	rddreg [dreg:$0x2];
	[bflag:$0x3] =	sbarrier.arrive $0xFFFF;
	s2 =	simm.s32 @!p0 $0x1C07  }
0xf3: {  	[timem:s3], [sflag:s2] =	dma.local @!p0 [hbm:s0], s1  }
0xf4: {  	s0 =	simm.s32 @!p0 $0x7  }
0xf5: {  	_ =	swait.ge @!p0 [sflag:s0], s1  }
0xf6: {  	s1 =	ssub.s32 @!p0 $0x0, s1;
	[sflag:s0] =	ssyncset.done @!p0 $0x0  }
0xf7: {  	[sflag:s0] =	ssyncadd.s32 @!p0 s1  }
0xf8: {  	[bflag:$0x3] =	sbarrier.arrive $0xFFFF  }
0xf9: {  	_ =	shalt  }

// kernel: kernel.23.cloned.1.call-start
scs
__scs_entry_jumppad:
0x0: {  	(pc) =	sbr.rel $0x88, $3  }
0x1: {  	(tag) =	ssettag $0x0;
	lr =	simm.s32 $0x1  }
0x2: {  	[smem:$0x3F81] =	sst lr;
	_ =	strace $0xD0000000  }
0x3: {  	_ = 	snop  }
0x4: {  	_ = 	snop  }
0x5: {  	_ = 	snop  }
0x6: {  	_ = 	snop  }
0x7: {  	_ = 	snop  }
__scs_overlays_trampoline_lowered:
0x8: {  	[smem:$0x3F90] =	sst s0  }
0x9: {  	[smem:$0x3F91] =	sst s1  }
0xa: {  	[smem:$0x3F92] =	sst s2  }
0xb: {  	[smem:$0x3F93] =	sst s3  }
0xc: {  	[smem:$0x3F94] =	sst s4  }
0xd: {  	[smem:$0x3F95] =	sst s5  }
0xe: {  	[smem:$0x3F96] =	sst s6  }
0xf: {  	[smem:$0x3F97] =	sst s7  }
0x10: {  	[smem:$0x3F98] =	sst s8  }
0x11: {  	[smem:$0x3F99] =	sst s9;
	s0 =	simm.s32 @!p0 $0x0  }
0x12: {  	s1 =	sld [smem:$0x3F7F];
	s0 =	simm.s32 @p0 $0x1  }
0x13: {  	[smem:$0x3F9A] =	sst s0;
	s0 =	simm.s32 @!p1 $0x0  }
0x14: {  	s2 =	sld [smem:$0x3F7E];
	s0 =	simm.s32 @p1 $0x1  }
0x15: {  	[smem:$0x3F9B] =	sst s0;
	s0 =	simm.s32 @!p2 $0x0  }
0x16: {  	s3 =	sld [smem:$0x3FDB];
	s0 =	simm.s32 @p2 $0x1  }
0x17: {  	s4 =	simm.s32 $0x1BF5;
	[smem:$0x3F9D] =	sst s0  }
0x18: {  	s0 =	sld [smem:$0x3F80];
	_ =	swait.ge [sflag:s4], $0x0  }
0x19: {  	s7 =	sld [smem:$0x3F81]  }
0x1a: {  	s8 =	sadd.s32 $0xFFFFE003, lr  }
0x1b: {  	s9 =	sadd.s32 $0xFFFFFEF7, lr;
	s5 =	simm.s32 $0xFFFFFFFF;
	p2 =	slt.u32 s8, $0xFFFFF086  }
0x1c: {  	p1 =	slt.u32 s9, $0xF7A;
	s5 =	simm.s32 @!p2 $0x0  }
0x1d: {  	s5 =	simm.s32 @p1 $0x1;
	p0 =	seq.s32 s7, s2  }
0x1e: {  	s7 =	smul.u32 @!p0 $0xF7A, s2;
	p2 =	seq.s32 @!p0 s5, $0x0  }
0x1f: {  	s9 =	smul.u32 $0xF7A, s1;
	s8 =	simm.s32 @!p0 $0x1BF5;
	p2 =	por !p2, p0  }
0x20: {  	[sflag:s8] =	ssyncset.s32 @!p0 $0xFFFFF086;
	s6 =	sadd.s32 @!p0 s3, s7;
	s7 =	simm.s32 @!p0 $0x108  }
0x21: {  	s3 =	sadd.s32 s3, s9;
	s6 =	sadd.s32 @!p0 $0x88, s6;
	s7 =	simm.s32 @p2 $0x1082  }
0x22: {  	[simem:s7], [sflag:s8] =	dma.local @!p0 [hbm:s6], $0xF7A  }
0x23: {  	s9 =	sor.u32 $0xD0000000, s2;
	s6 =	simm.s32 $0x108;
	_ =	swait.ge @!p0 [sflag:s8], $0x0  }
0x24: {  	s3 =	sadd.s32 $0x88, s3;
	s6 =	simm.s32 @!p1 $0x1082;
	[sflag:s4] =	ssyncset.s32 $0xFFFFF086  }
0x25: {  	[simem:s6], [sflag:s4] =	dma.local [hbm:s3], $0xF7A  }
0x26: {  	[smem:$0x3F81] =	sst s1;
	(tag) =	ssettag s2;
	_ =	strace s9  }
0x27: {  	s1 =	sld [smem:$0x3F91]  }
0x28: {  	s2 =	sld [smem:$0x3F92]  }
0x29: {  	s4 =	sld [smem:$0x3F94]  }
0x2a: {  	p0 =	seq.s32 s5, $0x0;
	s5 =	sld [smem:$0x3F95]  }
0x2b: {  	s6 =	sld [smem:$0x3F96]  }
0x2c: {  	s7 =	sld [smem:$0x3F97]  }
0x2d: {  	s3 =	simm.s32 $0x108;
	s8 =	sld [smem:$0x3F98]  }
0x2e: {  	s3 =	simm.s32 @!p0 $0x1082;
	s9 =	sld [smem:$0x3F99]  }
0x2f: {  	lr =	sadd.s32 s0, s3;
	s0 =	sld [smem:$0x3F90]  }
0x30: {  	s3 =	sld [smem:$0x3F93]  }
0x31: {  	[smem:$0x3F9C] =	sst s10  }
0x32: {  	s10 =	sld [smem:$0x3F9A];
	_ =	sdelay $0x3  }
0x33: {  	p0 =	seq.s32 s10, $0x1;
	s10 =	sld [smem:$0x3F9C];
	_ =	sdelay $0x3  }
0x34: {  	[smem:$0x3F9C] =	sst s10  }
0x35: {  	s10 =	sld [smem:$0x3F9B];
	_ =	sdelay $0x3  }
0x36: {  	p1 =	seq.s32 s10, $0x1;
	s10 =	sld [smem:$0x3F9C];
	_ =	sdelay $0x3  }
0x37: {  	[smem:$0x3F9C] =	sst s10  }
0x38: {  	s10 =	sld [smem:$0x3F9D]  }
0x39: {  	_ = 	snop;
	(pc) =	sbr.ind lr, $3  }
0x3a: {  	_ = 	snop  }
0x3b: {  	_ = 	snop  }
0x3c: {  	p2 =	seq.s32 s10, $0x1;
	s10 =	sld [smem:$0x3F9C]  }
0x3d: {  	_ =	shalt  }
0x3e: {  	_ =	shalt  }
0x3f: {  	_ =	shalt  }
0x40: {  	_ =	shalt  }
0x41: {  	_ =	shalt  }
0x42: {  	_ =	shalt  }
0x43: {  	_ =	shalt  }
0x44: {  	_ =	shalt  }
0x45: {  	_ =	shalt  }
0x46: {  	_ =	shalt  }
0x47: {  	_ =	shalt  }
0x48: {  	_ =	shalt  }
0x49: {  	_ =	shalt  }
0x4a: {  	_ =	shalt  }
0x4b: {  	_ =	shalt  }
0x4c: {  	_ =	shalt  }
0x4d: {  	_ =	shalt  }
0x4e: {  	_ =	shalt  }
0x4f: {  	_ =	shalt  }
0x50: {  	_ =	shalt  }
0x51: {  	_ =	shalt  }
0x52: {  	_ =	shalt  }
0x53: {  	_ =	shalt  }
0x54: {  	_ =	shalt  }
0x55: {  	_ =	shalt  }
0x56: {  	_ =	shalt  }
0x57: {  	_ =	shalt  }
0x58: {  	_ =	shalt  }
0x59: {  	_ =	shalt  }
0x5a: {  	_ =	shalt  }
0x5b: {  	_ =	shalt  }
0x5c: {  	_ =	shalt  }
0x5d: {  	_ =	shalt  }
0x5e: {  	_ =	shalt  }
0x5f: {  	_ =	shalt  }
0x60: {  	_ =	shalt  }
0x61: {  	_ =	shalt  }
0x62: {  	_ =	shalt  }
0x63: {  	_ =	shalt  }
0x64: {  	_ =	shalt  }
0x65: {  	_ =	shalt  }
0x66: {  	_ =	shalt  }
0x67: {  	_ =	shalt  }
0x68: {  	_ =	shalt  }
0x69: {  	_ =	shalt  }
0x6a: {  	_ =	shalt  }
0x6b: {  	_ =	shalt  }
0x6c: {  	_ =	shalt  }
0x6d: {  	_ =	shalt  }
0x6e: {  	_ =	shalt  }
0x6f: {  	_ =	shalt  }
0x70: {  	_ =	shalt  }
0x71: {  	_ =	shalt  }
0x72: {  	_ =	shalt  }
0x73: {  	_ =	shalt  }
0x74: {  	_ =	shalt  }
0x75: {  	_ =	shalt  }
0x76: {  	_ =	shalt  }
0x77: {  	_ =	shalt  }
0x78: {  	_ =	shalt  }
0x79: {  	_ =	shalt  }
0x7a: {  	_ =	shalt  }
0x7b: {  	_ =	shalt  }
0x7c: {  	_ =	shalt  }
0x7d: {  	_ =	shalt  }
0x7e: {  	_ =	shalt  }
0x7f: {  	_ =	shalt  }
0x80: {  	_ =	shalt  }
0x81: {  	_ =	shalt  }
0x82: {  	_ =	shalt  }
0x83: {  	_ =	shalt  }
0x84: {  	_ =	shalt  }
0x85: {  	_ =	shalt  }
0x86: {  	_ =	shalt  }
0x87: {  	_ =	shalt  }
.Lfunc_end0:
.L_simem_size_0:
called_computation.3_lowered:
.L_overlay_start_0:
0x88: {  	s2 =	sld [smem:$0x3FD9]  }
0x89: {  	s3 =	sld [smem:$0x3FFE];
	_ =	sdelay $0x1  }
0x8a: {  	s1 =	srdreg.scid  }
0x8b: {  	s0 =	sand.u32 $0x1, s1  }
0x8c: {  	s15 =	sshll.u32 s0, $0xA;
	s2 =	sadd.s32 s3, s2  }
0x8d: {  	s2 =	sadd.s32 s2, s15  }
0x8e: {  	[smem:$0x3FA8] =	sst s2  }
0x8f: {  	_ = 	snop  }
0x90: {  	s2 =	sld [smem:$0x3FD0];
	_ =	sdelay $0x2  }
0x91: {  	s16 =	simm.s32 $0xB;
	s4 =	simm.s32 $0x10  }
0x92: {  	[smem:s4], [sflag:s16] =	dma.local [hbm:s2], $0x1  }
0x93: {  	_ =	swait.eq [sflag:s16], $0x1  }
0x94: {  	[sflag:s16] =	ssyncset.done $0x0  }
0x95: {  	[sflag:s16] =	ssyncadd.s32 $0xFFFFFFFF  }
0x96: {  	s17 =	sld [smem:$0x10];
	(tm) =	ssettm $0x1  }
0x97: {  	s18 =	sld [smem:$0x3FFB];
	_ =	sdelay $0x3  }
0x98: {  	_ =	strace s18  }
0x99: {  	s2 =	sld [smem:$0x3FFC];
	_ =	sdelay $0x3  }
0x9a: {  	_ =	strace s2  }
0x9b: {  	s2 =	sld [smem:$0x3FFD];
	_ =	sdelay $0x3  }
0x9c: {  	_ =	strace s2  }
0x9d: {  	_ =	strace $0x8FFFFFFF  }
0x9e: {  	s19 =	sld [smem:$0x3FDB];
	_ =	sdelay $0x1  }
0x9f: {  	s20 =	simm.s32 $_scs_section_size  }
0xa0: {  	s5 =	simm.s32 $_size__tile_overlayer_lowered;
	s6 =	simm.s32 $_tile_overlayer_lowered  }
0xa1: {  	s7 =	simm.s32 $0x1BFF;
	s21 =	sshll.u32 s6, $0x1;
	s4 =	sadd.s32 s20, s19  }
0xa2: {  	s22 =	simm.s32 $0x0;
	s5 =	sshll.u32 s5, $0x1;
	s6 =	sadd.s32 s21, s4  }
0xa3: {  	[timem:s22], [sflag:s7] =	dma.local [hbm:s6], s5  }
0xa4: {  	_ =	swait.ge [sflag:s7], s5  }
0xa5: {  	s5 =	ssub.s32 $0x0, s5;
	[sflag:s7] =	ssyncset.done $0x0  }
0xa6: {  	[sflag:s7] =	ssyncadd.s32 s5;
	_ =	sdelay $0x1  }
0xa7: {  	s23 =	simm.s32 $0x1B8B  }
0xa8: {  	_ =	swait.ge [sflag:s23], $0x1  }
0xa9: {  	[sflag:s23] =	ssyncset.done $0x0  }
0xaa: {  	[sflag:s23] =	ssyncadd.s32 $0xFFFFFFFF  }
0xab: {  	s5 =	sld [smem:$0x0]  }
0xac: {  	s6 =	sand.u32 $0xFFFFFFFE, s1  }
0xad: {  	p0 =	sne.s32 s1, s6  }
0xae: {  	s6 =	sshll.u32 @p0 s6, $0xE  }
0xaf: {  	s6 =	sadd.s32 @p0 $0x11B8D, s6;
	s7 =	sshll.u32 @p0 s5, $0x11  }
0xb0: {  	s6 =	sor.u32 @p0 s7, s6  }
0xb1: {  	[sflag:s6] =	ssyncadd.remote.s32 @p0 $0x1;
	_ =	sdelay $0x1  }
0xb2: {  	s6 =	simm.s32 @p0 $0x1B8D  }
0xb3: {  	_ =	swait.eq @p0 [sflag:s6], $0x1  }
0xb4: {  	[sflag:s6] =	ssyncadd.s32 @p0 $0xFFFFFFFF  }
0xb5: {  	s7 =	sshll.u32 @!p0 s1, $0xE  }
0xb6: {  	s7 =	sor.u32 @!p0 $0x4000, s7;
	s6 =	simm.s32 @!p0 $0x1B8D  }
0xb7: {  	s5 =	sshll.u32 @!p0 s5, $0x11;
	s7 =	sadd.s32 @!p0 $0x11B8D, s7;
	_ =	swait.eq @!p0 [sflag:s6], $0x1  }
0xb8: {  	s5 =	sor.u32 @!p0 s5, s7;
	[sflag:s6] =	ssyncadd.s32 @!p0 $0xFFFFFFFF  }
0xb9: {  	s25 =	simm.s32 $0x1B8E;
	s24 =	sld [smem:$0x3FFE];
	[sflag:s5] =	ssyncadd.remote.s32 @!p0 $0x1  }
0xba: {  	s26 =	simm.s32 $execute0_lowered;
	[smem:$0x3FD2] =	sst s25  }
0xbb: {  	s6 =	sshll.u32 s26, $0x1;
	_ =	strace $0x8000004F;
	[dreg:$0x1] =	wrdreg $0xFFFFFFFF  }
0xbc: {  	s28 =	simm.s32 $_size_execute0_lowered;
	s4 =	sadd.s32 s4, s6;
	[dreg:$0x0] =	wrdreg $0x0  }
0xbd: {  	s6 =	sshll.u32 s28, $0x1;
	[dreg:$0x2] =	wrdreg s4  }
0xbe: {  	[dreg:$0x3] =	wrdreg s6  }
0xbf: {  	[dreg:$0x4] =	wrdreg $0xC0  }
0xc0: {  	_ =	task [dreg:s22], $0x5FFFF  }
0xc1: {  	[dreg:$0x1] =	wrdreg $0xFFFFFFFF  }
0xc2: {  	[dreg:$0x0] =	wrdreg $0x60  }
0xc3: {  	[dreg:$0x2] =	wrdreg s24  }
0xc4: {  	[dreg:$0x3] =	wrdreg s17  }
0xc5: {  	[dreg:$0x4] =	wrdreg $0xBD000  }
0xc6: {  	[dreg:$0x5] =	wrdreg $0xA  }
0xc7: {  	_ =	task.clear_ibuf [dreg:s22], $0x6FFFF;
	_ =	strace $0x9000004F  }
0xc8: {  	s29 =	simm.s32 $0xA;
	_ =	strace $0x80000051  }
0xc9: {  	_ =	swait.ge [sflag:s29], $0x1  }
0xca: {  	[sflag:s29] =	ssyncadd.s32 $0xFFFFFFFF  }
0xcb: {  	_ =	strace $0x90000051  }
0xcc: {  	_ =	sfence  }
0xcd: {  	s30 =	sld [smem:$0x0];
	_ =	sdelay $0x2  }
0xce: {  	s31 =	sshll.u32 s1, $0xD;
	s1 =	sshrl.u32 s1, $0x2  }
0xcf: {  	s4 =	sand.u32 $0x4000, s31;
	s1 =	sadd.s32 s1, s30  }
0xd0: {  	s0 =	sor.u32 s4, s0;
	s1 =	sshll.u32 s1, $0x11  }
0xd1: {  	s0 =	sor.u32 s1, s0  }
0xd2: {  	s0 =	sadd.s32 $0x8F2B, s0  }
0xd3: {  	[sflag:s0] =	ssyncadd.remote.s32 $0x1  }
0xd4: {  	_ =	sfence.sel $0xFFFF  }
0xd5: {  	[dreg:$0x0] =	wrdreg $0xFFFFFFFF;
	(pc) =	sbr.abs _section_cstart, $3  }
0xd6: {  	[dreg:$0x1] =	wrdreg $0xFFFFFFFF  }
0xd7: {  	_ =	task.clear_ibuf [dreg:s22], $0x2FFFF;
	_ =	strace $0x9FFFFFFF  }
0xd8: {  	(tm) =	ssettm $0x7FFFFFFF  }
0xd9: {  	_ =	shalt  }
tec
execute0_lowered:
.L_overlay_start_1:
0x0: {  	(tag) =	ssettag $0x1  }
0x1: {  	s0 =	rddreg [dreg:$0x0]  }
0x2: {  	s2 =	rddreg [dreg:$0x1]  }
0x3: {  	s1 =	rddreg [dreg:$0x2];
	s3 =	simm.s32 $0x0  }
0x4: {  	s5 =	srdreg.scid;
	s16 =	stileid.u32;
	s25 =	simm.s32 $0x180  }
0x5: {  	s28 =	simm.s32 $0x480;
	s29 =	simm.s32 $0x5;
	s30 =	simm.s32 $0x3  }
0x6: {  	s31 =	simm.s32 $0x500;
	[smem:$0x7FF] =	sst s3;
	s4 =	sadd.s32 $0x37800, s0  }
0x7: {  	s5 =	sand.u32 $0x1, s5;
	s6 =	sshll.u32 s16, $0x1;
	s8 =	smul.u32 $0x2780, s16  }
0x8: {  	s7 =	sadd.s32 $0x21800, s0;
	s9 =	sadd.s32 $0x2C800, s0;
	s15 =	smul.u32 $0x4F000, s16  }
0x9: {  	s18 =	smul.u32 $0xB00, s16;
	s24 =	sshll.u32 s16, $0x6;
	s16 =	simm.s32 $0x400  }
0xa: {  	_ =	strace $0x80000050;
	s6 =	sor.u32 s5, s6;
	s11 =	smul.u32 $0x27800, s5  }
0xb: {  	s14 =	ssub.s32 $0x2, s5;
	s5 =	smul.u32 $0x580, s5;
	s24 =	sor.u32 $0x1C07, s24  }
0xc: {  	[dreg:$0x6] =	wrdreg s25;
	s25 =	simm.s32 $0x4;
	s10 =	sshll.u32 s6, $0x4  }
0xd: {  	s13 =	sadd.s32 s8, s0;
	s26 =	sshrl.u32 s14, $0x1;
	s17 =	sshrl.u32 s15, $0x2  }
0xe: {  	s20 =	sadd.s32 s18, s9;
	s15 =	simm.s32 $0x800;
	[dreg:$0xe] =	wrdreg s24  }
0xf: {  	s12 =	sadd.s32 s10, s0;
	s0 =	sadd.s32 s11, s0;
	s11 =	ssub.s32 s14, s26  }
0x10: {  	s2 =	sadd.s32 s2, s10;
	s10 =	smul.u32 $0x2C00, s6;
	s6 =	sadd.s32 s17, s1  }
0x11: {  	s19 =	sadd.s32 $0xD4000, s13;
	s17 =	simm.s32 $0x78;
	s26 =	simm.s32 $0x200  }
0x12: {  	s13 =	simm.s32 $0x780;
	[dreg:$0x8] =	wrdreg s2;
	s14 =	sadd.s32 $0x21600, s12  }
0x13: {  	[dreg:$0xa] =	wrdreg s19;
	s12 =	sadd.s32 s5, s20;
	s0 =	sadd.s32 $0x199800, s0  }
0x14: {  	s23 =	smax.u32 s11, $0x1;
	s19 =	simm.s32 $0x80;
	[dreg:$0x7] =	wrdreg s26  }
0x15: {  	s20 =	simm.s32 $0x4500;
	s26 =	simm.s32 $0x2;
	[dreg:$0x9] =	wrdreg s14  }
0x16: {  	s11 =	simm.s32 $0x700;
	s2 =	sshrl.u32 s10, $0x3;
	[dreg:$0x4] =	wrdreg s12  }
0x17: {  	[dreg:$0xd] =	wrdreg s23;
	s12 =	simm.s32 $0x7;
	s14 =	sshrl.u32 s6, $0x3  }
0x18: {  	s23 =	simm.s32 $0x1;
	s0 =	sadd.s32 s8, s0;
	s6 =	simm.s32 $0x300  }
0x19: {  	s8 =	simm.s32 $0x380;
	s10 =	simm.s32 $0x0;
	[dreg:$0x10] =	wrdreg s0  }
0x1a: {  	s2 =	sadd.s32 $0x500, s2;
	s0 =	simm.s32 $0x6;
	[dreg:$0x11] =	wrdreg s10  }
0x1b: {  	[dreg:$0xf] =	wrdreg s14;
	s21 =	sadd.s32 s7, s2;
	s7 =	sadd.s32 s18, s7  }
0x1c: {  	s2 =	sadd.s32 s9, s2;
	s18 =	simm.s32 $0x900;
	[dreg:$0xb] =	wrdreg s21  }
0x1d: {  	s9 =	simm.s32 $0x680;
	[dreg:$0xc] =	wrdreg s2;
	s22 =	sadd.s32 s5, s7  }
0x1e: {  	s21 =	simm.s32 $0x100;
	s2 =	simm.s32 $0x280;
	s5 =	simm.s32 $0x580  }
0x1f: {  	s7 =	simm.s32 $0x600;
	[dreg:$0x5] =	wrdreg s22;
	s22 =	simm.s32 $0x8100  }
.LBB2_1:
0x20: {  	s10 =	rddreg [dreg:$0x8]  }
0x21: {  	[tilespmem:s15], [sflag:$0x7] =	stream.linear.gather [hbm4b:s10+s3], $0x80, $0x38;
	[tilespmem:$0x1F900] =	vst v63  }
0x22: {  	_ =	swait.ge [sflag:s12], $0x80  }
0x23: {  	[sflag:s12] =	ssyncset.done $0x0  }
0x24: {  	s15 =	simm.s32 $0x880;
	s10 =	rddreg [dreg:$0x9];
	[sflag:s12] =	ssyncadd.s32 $0xFFFFFF80  }
0x25: {  	[tilespmem:s15], [sflag:$0x7] =	stream.linear.gather [hbm4b:s10+s3], $0x80, $0x38;
	[tilespmem:$0x1F900] =	vst v63  }
0x26: {  	_ =	swait.ge [sflag:s12], $0x80  }
0x27: {  	[sflag:s12] =	ssyncset.done $0x0  }
0x28: {  	s15 =	rddreg [dreg:$0xa];
	[sflag:s12] =	ssyncadd.s32 $0xFFFFFF80  }
0x29: {  	[spmem:s14], [sflag:s24] =	dma.local [hbm:s15], $0x2780  }
0x2a: {  	_ =	swait.ge [sflag:s12], $0x2780  }
0x2b: {  	[sflag:s12] =	ssyncset.done $0x0  }
0x2c: {  	[sflag:s12] =	ssyncadd.s32 $0xFFFFD880  }
0x2d: {  	[bflag:$0x0] =	sbarrier.arrive $0xFFFF  }
0x2e: {  	s24 =	rddreg [dreg:$0x5]  }
0x2f: {  	s10 =	sadd.s32 $0x0, s24  }
0x30: {  	[tilespmem:s3], [sflag:$0x7] =	stream.linear.gather [hbm4b:s10+s3], $0x400, $0x38;
	[tilespmem:$0x1F900] =	vst v63  }
0x31: {  	_ =	swait.ge [sflag:s12], $0x400  }
0x32: {  	s14 =	rddreg [dreg:$0x4];
	[sflag:s12] =	ssyncset.done $0x0  }
0x33: {  	[sflag:s12] =	ssyncadd.s32 $0xFFFFFC00;
	s10 =	sadd.s32 $0x0, s14  }
0x34: {  	[tilespmem:s16], [sflag:$0x7] =	stream.linear.gather [hbm4b:s10+s3], $0x400, $0x38;
	[tilespmem:$0x1F900] =	vst v63  }
0x35: {  	_ =	swait.ge [sflag:s12], $0x400  }
0x36: {  	[sflag:s12] =	ssyncset.done $0x0  }
0x37: {  	[sflag:s12] =	ssyncadd.s32 $0xFFFFFC00  }
0x38: {  	[tilespmem:s18], [sflag:$0x1] =	stream.indirect.gather [hbm4b:s4+s17], $0x80, s3, s17, $0xb8;
	[tilespmem:$0x1F900] =	vst v63  }
0x39: {  	_ = 	snop  }
0x3a: {  	[tilespmem:s20], [sflag:$0x2] =	stream.indirect.gather [hbm4b:s4+s17], $0x80, s19, s17, $0xb8;
	[tilespmem:$0x1F900] =	vst v63  }
0x3b: {  	_ = 	snop  }
0x3c: {  	[tilespmem:s22], [sflag:$0x3] =	stream.indirect.gather [hbm4b:s4+s17], $0x80, s21, s17, $0xb8;
	[tilespmem:$0x1F900] =	vst v63  }
0x3d: {  	_ =	swait.ge [sflag:s23], $0x3C00  }
0x3e: {  	[sflag:s23] =	ssyncset.done $0x0  }
0x3f: {  	[sflag:s23] =	ssyncadd.s32 $0xFFFFC400  }
0x40: {  	[spmem:s1] =	stream.indirect.scatter.add.f32 [tilespmem:s18], [sflag:$0x4], $0x80, s16, s17, $0xb8;
	[tilespmem:$0x1F900] =	vst v63  }
0x41: {  	_ =	swait.ge [sflag:s25], $0x3C00  }
0x42: {  	[sflag:s25] =	ssyncset.done $0x0  }
0x43: {  	s15 =	rddreg [dreg:$0x6];
	[sflag:s25] =	ssyncadd.s32 $0xFFFFC400  }
0x44: {  	[tilespmem:s18], [sflag:$0x1] =	stream.indirect.gather [hbm4b:s4+s17], $0x80, s15, s17, $0xb8;
	[tilespmem:$0x1F900] =	vst v63  }
0x45: {  	_ =	swait.ge [sflag:s26], $0x3C00  }
0x46: {  	[sflag:s26] =	ssyncset.done $0x0  }
0x47: {  	[sflag:s26] =	ssyncadd.s32 $0xFFFFC400  }
0x48: {  	[spmem:s1] =	stream.indirect.scatter.add.f32 [tilespmem:s20], [sflag:$0x5], $0x80, s28, s17, $0xb8;
	[tilespmem:$0x1F900] =	vst v63  }
0x49: {  	_ =	swait.ge [sflag:s29], $0x3C00  }
0x4a: {  	[sflag:s29] =	ssyncset.done $0x0  }
0x4b: {  	s24 =	rddreg [dreg:$0x7];
	[sflag:s29] =	ssyncadd.s32 $0xFFFFC400  }
0x4c: {  	[tilespmem:s20], [sflag:$0x2] =	stream.indirect.gather [hbm4b:s4+s17], $0x80, s24, s17, $0xb8;
	[tilespmem:$0x1F900] =	vst v63  }
0x4d: {  	_ =	swait.ge [sflag:s30], $0x3C00  }
0x4e: {  	[sflag:s30] =	ssyncset.done $0x0  }
0x4f: {  	[sflag:s30] =	ssyncadd.s32 $0xFFFFC400  }
0x50: {  	[spmem:s1] =	stream.indirect.scatter.add.f32 [tilespmem:s22], [sflag:$0x6], $0x80, s31, s17, $0xb8;
	[tilespmem:$0x1F900] =	vst v63  }
0x51: {  	_ =	swait.ge [sflag:s0], $0x3C00  }
0x52: {  	[sflag:s0] =	ssyncset.done $0x0  }
0x53: {  	[sflag:s0] =	ssyncadd.s32 $0xFFFFC400  }
0x54: {  	[tilespmem:s22], [sflag:$0x3] =	stream.indirect.gather [hbm4b:s4+s17], $0x80, s2, s17, $0xb8;
	[tilespmem:$0x1F900] =	vst v63  }
0x55: {  	_ =	swait.ge [sflag:s23], $0x3C00  }
0x56: {  	[sflag:s23] =	ssyncset.done $0x0  }
0x57: {  	[sflag:s23] =	ssyncadd.s32 $0xFFFFC400  }
0x58: {  	[spmem:s1] =	stream.indirect.scatter.add.f32 [tilespmem:s18], [sflag:$0x4], $0x80, s5, s17, $0xb8;
	[tilespmem:$0x1F900] =	vst v63  }
0x59: {  	_ =	swait.ge [sflag:s25], $0x3C00  }
0x5a: {  	[sflag:s25] =	ssyncset.done $0x0  }
0x5b: {  	[sflag:s25] =	ssyncadd.s32 $0xFFFFC400  }
0x5c: {  	[tilespmem:s18], [sflag:$0x1] =	stream.indirect.gather [hbm4b:s4+s17], $0x80, s6, s17, $0xb8;
	[tilespmem:$0x1F900] =	vst v63  }
0x5d: {  	_ =	swait.ge [sflag:s26], $0x3C00  }
0x5e: {  	[sflag:s26] =	ssyncset.done $0x0  }
0x5f: {  	[sflag:s26] =	ssyncadd.s32 $0xFFFFC400  }
0x60: {  	[spmem:s1] =	stream.indirect.scatter.add.f32 [tilespmem:s20], [sflag:$0x5], $0x80, s7, s17, $0xb8;
	[tilespmem:$0x1F900] =	vst v63  }
0x61: {  	_ =	swait.ge [sflag:s29], $0x3C00  }
0x62: {  	[sflag:s29] =	ssyncset.done $0x0  }
0x63: {  	[sflag:s29] =	ssyncadd.s32 $0xFFFFC400  }
0x64: {  	[tilespmem:s20], [sflag:$0x2] =	stream.indirect.gather [hbm4b:s4+s17], $0x80, s8, s17, $0xb8;
	[tilespmem:$0x1F900] =	vst v63  }
0x65: {  	_ =	swait.ge [sflag:s30], $0x3C00  }
0x66: {  	[sflag:s30] =	ssyncset.done $0x0  }
0x67: {  	[sflag:s30] =	ssyncadd.s32 $0xFFFFC400  }
0x68: {  	[spmem:s1] =	stream.indirect.scatter.add.f32 [tilespmem:s22], [sflag:$0x6], $0x80, s9, s17, $0xb8;
	[tilespmem:$0x1F900] =	vst v63  }
0x69: {  	_ =	swait.ge [sflag:s23], $0x3C00  }
0x6a: {  	[sflag:s23] =	ssyncset.done $0x0  }
0x6b: {  	[sflag:s23] =	ssyncadd.s32 $0xFFFFC400  }
0x6c: {  	[spmem:s1] =	stream.indirect.scatter.add.f32 [tilespmem:s18], [sflag:$0x4], $0x80, s11, s17, $0xb8;
	[tilespmem:$0x1F900] =	vst v63  }
0x6d: {  	_ =	swait.ge [sflag:s26], $0x3C00  }
0x6e: {  	[sflag:s26] =	ssyncset.done $0x0  }
0x6f: {  	[sflag:s26] =	ssyncadd.s32 $0xFFFFC400  }
0x70: {  	[spmem:s1] =	stream.indirect.scatter.add.f32 [tilespmem:s20], [sflag:$0x5], $0x80, s13, s17, $0xb8;
	[tilespmem:$0x1F900] =	vst v63  }
0x71: {  	_ =	swait.ge [sflag:s25], $0x3C00  }
0x72: {  	[sflag:s25] =	ssyncset.done $0x0  }
0x73: {  	[sflag:s25] =	ssyncadd.s32 $0xFFFFC400  }
0x74: {  	_ =	swait.ge [sflag:s29], $0x3C00  }
0x75: {  	[sflag:s29] =	ssyncset.done $0x0  }
0x76: {  	[sflag:s29] =	ssyncadd.s32 $0xFFFFC400  }
0x77: {  	s10 =	simm.s32 $0x80;
	_ =	swait.ge [sflag:s0], $0x3C00  }
.LBB2_2:
0x78: {  	s14 =	rddreg [dreg:$0x5];
	s15 =	smov.u32 s10;
	[sflag:s0] =	ssyncset.done $0x0  }
0x79: {  	s14 =	sadd.s32 s15, s14;
	[sflag:s0] =	ssyncadd.s32 $0xFFFFC400  }
0x7a: {  	[tilespmem:s3], [sflag:$0x7] =	stream.linear.gather [hbm4b:s14+s3], $0x400, $0x38;
	[tilespmem:$0x1F900] =	vst v63  }
0x7b: {  	_ =	swait.ge [sflag:s12], $0x400  }
0x7c: {  	s24 =	rddreg [dreg:$0x4];
	[sflag:s12] =	ssyncset.done $0x0  }
0x7d: {  	[sflag:s12] =	ssyncadd.s32 $0xFFFFFC00;
	s14 =	sadd.s32 s15, s24  }
0x7e: {  	[tilespmem:s16], [sflag:$0x7] =	stream.linear.gather [hbm4b:s14+s3], $0x400, $0x38;
	[tilespmem:$0x1F900] =	vst v63  }
0x7f: {  	_ =	swait.ge [sflag:s12], $0x400  }
0x80: {  	[sflag:s12] =	ssyncset.done $0x0  }
0x81: {  	[sflag:s12] =	ssyncadd.s32 $0xFFFFFC00  }
0x82: {  	[tilespmem:s18], [sflag:$0x1] =	stream.indirect.gather [hbm4b:s4+s17], $0x80, s3, s17, $0xb8;
	[tilespmem:$0x1F900] =	vst v63  }
0x83: {  	_ = 	snop  }
0x84: {  	[tilespmem:s20], [sflag:$0x2] =	stream.indirect.gather [hbm4b:s4+s17], $0x80, s19, s17, $0xb8;
	[tilespmem:$0x1F900] =	vst v63  }
0x85: {  	_ = 	snop  }
0x86: {  	[tilespmem:s22], [sflag:$0x3] =	stream.indirect.gather [hbm4b:s4+s17], $0x80, s21, s17, $0xb8;
	[tilespmem:$0x1F900] =	vst v63  }
0x87: {  	_ =	swait.ge [sflag:s23], $0x3C00  }
0x88: {  	[sflag:s23] =	ssyncset.done $0x0  }
0x89: {  	[sflag:s23] =	ssyncadd.s32 $0xFFFFC400  }
0x8a: {  	[spmem:s1] =	stream.indirect.scatter.add.f32 [tilespmem:s18], [sflag:$0x4], $0x80, s16, s17, $0xb8;
	[tilespmem:$0x1F900] =	vst v63  }
0x8b: {  	_ =	swait.ge [sflag:s25], $0x3C00  }
0x8c: {  	[sflag:s25] =	ssyncset.done $0x0  }
0x8d: {  	s15 =	rddreg [dreg:$0x6];
	[sflag:s25] =	ssyncadd.s32 $0xFFFFC400  }
0x8e: {  	[tilespmem:s18], [sflag:$0x1] =	stream.indirect.gather [hbm4b:s4+s17], $0x80, s15, s17, $0xb8;
	[tilespmem:$0x1F900] =	vst v63  }
0x8f: {  	_ =	swait.ge [sflag:s26], $0x3C00  }
0x90: {  	[sflag:s26] =	ssyncset.done $0x0  }
0x91: {  	[sflag:s26] =	ssyncadd.s32 $0xFFFFC400  }
0x92: {  	[spmem:s1] =	stream.indirect.scatter.add.f32 [tilespmem:s20], [sflag:$0x5], $0x80, s28, s17, $0xb8;
	[tilespmem:$0x1F900] =	vst v63  }
0x93: {  	_ =	swait.ge [sflag:s29], $0x3C00  }
0x94: {  	[sflag:s29] =	ssyncset.done $0x0  }
0x95: {  	s24 =	rddreg [dreg:$0x7];
	[sflag:s29] =	ssyncadd.s32 $0xFFFFC400  }
0x96: {  	[tilespmem:s20], [sflag:$0x2] =	stream.indirect.gather [hbm4b:s4+s17], $0x80, s24, s17, $0xb8;
	[tilespmem:$0x1F900] =	vst v63  }
0x97: {  	_ =	swait.ge [sflag:s30], $0x3C00  }
0x98: {  	[sflag:s30] =	ssyncset.done $0x0  }
0x99: {  	[sflag:s30] =	ssyncadd.s32 $0xFFFFC400  }
0x9a: {  	[spmem:s1] =	stream.indirect.scatter.add.f32 [tilespmem:s22], [sflag:$0x6], $0x80, s31, s17, $0xb8;
	[tilespmem:$0x1F900] =	vst v63  }
0x9b: {  	_ =	swait.ge [sflag:s0], $0x3C00  }
0x9c: {  	[sflag:s0] =	ssyncset.done $0x0  }
0x9d: {  	[sflag:s0] =	ssyncadd.s32 $0xFFFFC400  }
0x9e: {  	[tilespmem:s22], [sflag:$0x3] =	stream.indirect.gather [hbm4b:s4+s17], $0x80, s2, s17, $0xb8;
	[tilespmem:$0x1F900] =	vst v63  }
0x9f: {  	_ =	swait.ge [sflag:s23], $0x3C00  }
0xa0: {  	[sflag:s23] =	ssyncset.done $0x0  }
0xa1: {  	[sflag:s23] =	ssyncadd.s32 $0xFFFFC400  }
0xa2: {  	[spmem:s1] =	stream.indirect.scatter.add.f32 [tilespmem:s18], [sflag:$0x4], $0x80, s5, s17, $0xb8;
	[tilespmem:$0x1F900] =	vst v63  }
0xa3: {  	_ =	swait.ge [sflag:s25], $0x3C00  }
0xa4: {  	[sflag:s25] =	ssyncset.done $0x0  }
0xa5: {  	[sflag:s25] =	ssyncadd.s32 $0xFFFFC400  }
0xa6: {  	[tilespmem:s18], [sflag:$0x1] =	stream.indirect.gather [hbm4b:s4+s17], $0x80, s6, s17, $0xb8;
	[tilespmem:$0x1F900] =	vst v63  }
0xa7: {  	_ =	swait.ge [sflag:s26], $0x3C00  }
0xa8: {  	[sflag:s26] =	ssyncset.done $0x0  }
0xa9: {  	[sflag:s26] =	ssyncadd.s32 $0xFFFFC400  }
0xaa: {  	[spmem:s1] =	stream.indirect.scatter.add.f32 [tilespmem:s20], [sflag:$0x5], $0x80, s7, s17, $0xb8;
	[tilespmem:$0x1F900] =	vst v63  }
0xab: {  	_ =	swait.ge [sflag:s29], $0x3C00  }
0xac: {  	[sflag:s29] =	ssyncset.done $0x0  }
0xad: {  	[sflag:s29] =	ssyncadd.s32 $0xFFFFC400  }
0xae: {  	[tilespmem:s20], [sflag:$0x2] =	stream.indirect.gather [hbm4b:s4+s17], $0x80, s8, s17, $0xb8;
	[tilespmem:$0x1F900] =	vst v63  }
0xaf: {  	_ =	swait.ge [sflag:s30], $0x3C00  }
0xb0: {  	[sflag:s30] =	ssyncset.done $0x0  }
0xb1: {  	[sflag:s30] =	ssyncadd.s32 $0xFFFFC400  }
0xb2: {  	[spmem:s1] =	stream.indirect.scatter.add.f32 [tilespmem:s22], [sflag:$0x6], $0x80, s9, s17, $0xb8;
	[tilespmem:$0x1F900] =	vst v63  }
0xb3: {  	_ =	swait.ge [sflag:s23], $0x3C00  }
0xb4: {  	[sflag:s23] =	ssyncset.done $0x0  }
0xb5: {  	[sflag:s23] =	ssyncadd.s32 $0xFFFFC400  }
0xb6: {  	[spmem:s1] =	stream.indirect.scatter.add.f32 [tilespmem:s18], [sflag:$0x4], $0x80, s11, s17, $0xb8;
	[tilespmem:$0x1F900] =	vst v63  }
0xb7: {  	_ =	swait.ge [sflag:s26], $0x3C00  }
0xb8: {  	[sflag:s26] =	ssyncset.done $0x0  }
0xb9: {  	[sflag:s26] =	ssyncadd.s32 $0xFFFFC400  }
0xba: {  	[spmem:s1] =	stream.indirect.scatter.add.f32 [tilespmem:s20], [sflag:$0x5], $0x80, s13, s17, $0xb8;
	[tilespmem:$0x1F900] =	vst v63  }
0xbb: {  	_ =	swait.ge [sflag:s25], $0x3C00  }
0xbc: {  	p0 =	sne.s32 s10, $0x480;
	[sflag:s25] =	ssyncset.done $0x0  }
.Ltmp0:
0xbd: {  	[sflag:s25] =	ssyncadd.s32 $0xFFFFC400;
	(pc) =	sbr.rel @p0 .LBB2_2-.Ltmp0, $4  }
0xbe: {  	_ =	swait.ge [sflag:s29], $0x3C00  }
0xbf: {  	[sflag:s29] =	ssyncset.done $0x0  }
0xc0: {  	[sflag:s29] =	ssyncadd.s32 $0xFFFFC400  }
0xc1: {  	s10 =	sadd.s32 $0x80, s10;
	_ =	swait.ge [sflag:s0], $0x3C00  }
0xc2: {  	[sflag:s0] =	ssyncset.done $0x0  }
0xc3: {  	s10 =	rddreg [dreg:$0xb];
	[sflag:s0] =	ssyncadd.s32 $0xFFFFC400  }
0xc4: {  	[tilespmem:s3], [sflag:$0x7] =	stream.linear.gather [hbm4b:s10+s3], $0x400, $0x38;
	[tilespmem:$0x1F900] =	vst v63  }
0xc5: {  	_ =	swait.ge [sflag:s12], $0x400  }
0xc6: {  	[sflag:s12] =	ssyncset.done $0x0  }
0xc7: {  	s14 =	rddreg [dreg:$0xc];
	[sflag:s12] =	ssyncadd.s32 $0xFFFFFC00  }
0xc8: {  	[tilespmem:s16], [sflag:$0x7] =	stream.linear.gather [hbm4b:s14+s3], $0x400, $0x38;
	[tilespmem:$0x1F900] =	vst v63  }
0xc9: {  	_ =	swait.ge [sflag:s12], $0x400  }
0xca: {  	[sflag:s12] =	ssyncset.done $0x0  }
0xcb: {  	[sflag:s12] =	ssyncadd.s32 $0xFFFFFC00  }
0xcc: {  	[tilespmem:s18], [sflag:$0x1] =	stream.indirect.gather [hbm4b:s4+s17], $0x80, s3, s17, $0xb8;
	[tilespmem:$0x1F900] =	vst v63  }
0xcd: {  	_ =	swait.ge [sflag:s23], $0x3C00  }
0xce: {  	[sflag:s23] =	ssyncset.done $0x0  }
0xcf: {  	[sflag:s23] =	ssyncadd.s32 $0xFFFFC400  }
0xd0: {  	[spmem:s1] =	stream.indirect.scatter.add.f32 [tilespmem:s18], [sflag:$0x7], $0x80, s16, s17, $0xb8;
	[tilespmem:$0x1F900] =	vst v63  }
0xd1: {  	_ =	swait.ge [sflag:s12], $0x3C00  }
0xd2: {  	[sflag:s12] =	ssyncset.done $0x0  }
0xd3: {  	[sflag:s12] =	ssyncadd.s32 $0xFFFFC400  }
0xd4: {  	[tilespmem:s18], [sflag:$0x1] =	stream.indirect.gather [hbm4b:s4+s17], $0x80, s19, s17, $0xb8;
	[tilespmem:$0x1F900] =	vst v63  }
0xd5: {  	_ =	swait.ge [sflag:s23], $0x3C00  }
0xd6: {  	[sflag:s23] =	ssyncset.done $0x0  }
0xd7: {  	[sflag:s23] =	ssyncadd.s32 $0xFFFFC400  }
0xd8: {  	[spmem:s1] =	stream.indirect.scatter.add.f32 [tilespmem:s18], [sflag:$0x7], $0x80, s28, s17, $0xb8;
	[tilespmem:$0x1F900] =	vst v63  }
0xd9: {  	_ =	swait.ge [sflag:s12], $0x3C00  }
0xda: {  	[sflag:s12] =	ssyncset.done $0x0  }
0xdb: {  	[sflag:s12] =	ssyncadd.s32 $0xFFFFC400  }
0xdc: {  	[tilespmem:s18], [sflag:$0x1] =	stream.indirect.gather [hbm4b:s4+s17], $0x80, s21, s17, $0xb8;
	[tilespmem:$0x1F900] =	vst v63  }
0xdd: {  	_ =	swait.ge [sflag:s23], $0x3C00  }
0xde: {  	[sflag:s23] =	ssyncset.done $0x0  }
0xdf: {  	[sflag:s23] =	ssyncadd.s32 $0xFFFFC400  }
0xe0: {  	[spmem:s1] =	stream.indirect.scatter.add.f32 [tilespmem:s18], [sflag:$0x7], $0x80, s31, s17, $0xb8;
	[tilespmem:$0x1F900] =	vst v63  }
0xe1: {  	_ =	swait.ge [sflag:s12], $0x3C00  }
0xe2: {  	[sflag:s12] =	ssyncset.done $0x0  }
0xe3: {  	s15 =	simm.s32 $0x28;
	s14 =	simm.s32 $0x800;
	[sflag:s12] =	ssyncadd.s32 $0xFFFFC400  }
0xe4: {  	[tilespmem:s18], [sflag:$0x1] =	stream.indirect.gather [hbm4b:s4+s15], $0x80, s14, s15, $0xb8;
	[tilespmem:$0x1F900] =	vst v63  }
0xe5: {  	_ =	swait.ge [sflag:s23], $0x1400  }
0xe6: {  	[sflag:s23] =	ssyncset.done $0x0  }
0xe7: {  	s24 =	simm.s32 $0x880;
	[sflag:s23] =	ssyncadd.s32 $0xFFFFEC00  }
0xe8: {  	[spmem:s1] =	stream.indirect.scatter.add.f32 [tilespmem:s18], [sflag:$0x7], $0x80, s24, s15, $0xb8;
	[tilespmem:$0x1F900] =	vst v63  }
0xe9: {  	_ =	swait.ge [sflag:s12], $0x1400  }
0xea: {  	[sflag:s12] =	ssyncset.done $0x0  }
0xeb: {  	[sflag:s12] =	ssyncadd.s32 $0xFFFFEC00  }
0xec: {  	[bflag:$0x0] =	sbarrier.arrive $0xFFFF  }
0xed: {  	s24 =	rddreg [dreg:$0xe]  }
0xee: {  	s14 =	rddreg [dreg:$0xf]  }
0xef: {  	s15 =	rddreg [dreg:$0x10]  }
0xf0: {  	[hbm:s15], [sflag:s24] =	dma.local [spmem:s14], $0x2780  }
0xf1: {  	_ =	swait.ge [sflag:s12], $0x2780  }
0xf2: {  	s15 =	rddreg [dreg:$0x11]  }
0xf3: {  	s10 =	rddreg [dreg:$0xd];
	s15 =	sadd.s32 $0x1, s15  }
0xf4: {  	p0 =	sne.s32 s15, s10  }
.Ltmp1:
0xf5: {  	_ = 	snop;
	(pc) =	sbr.rel @p0 .LBB2_1-.Ltmp1, $3  }
0xf6: {  	_ =	sdelay $0x1  }
0xf7: {  	[sflag:s12] =	ssyncset.done $0x0  }
0xf8: {  	[sflag:s12] =	ssyncadd.s32 $0xFFFFD880;
	[dreg:$0x11] =	wrdreg s15;
	s15 =	simm.s32 $0x800  }
0xf9: {  	_ =	sfence.sel $0x180000  }
0xfa: {  	[bflag:$0x0] =	sbarrier.arrive $0xFFFF  }
0xfb: {  	_ =	strace $0x90000050  }
0xfc: {  	s0 =	stileid.u32;
	[bflag:$0x2] =	sbarrier.arrive $0xFFFF  }
0xfd: {  	p0 =	sne.s32 s0, $0x0;
	s0 =	rddreg [dreg:$0x3]  }
0xfe: {  	s0 =	sadd.s32 @!p0 $0x100000, s0  }
0xff: {  	[sflag:s0] =	ssyncadd.tile.s32 @!p0 $0x1;
	_ =	shalt  }
.Lfunc_end2:
_tile_overlayer_lowered:
.L_overlay_start_2:
0x100: {  	(tag) =	ssettag $0x2  }
0x101: {  	s0 =	rddreg [dreg:$0x0];
	s2 =	stileid.u32  }
0x102: {  	s1 =	rddreg [dreg:$0x1];
	p0 =	sne.s32 s2, $0x0  }
0x103: {  	s3 =	rddreg [dreg:$0x2];
	[bflag:$0x3] =	sbarrier.arrive $0xFFFF;
	s2 =	simm.s32 @!p0 $0x1C07  }
0x104: {  	[timem:s3], [sflag:s2] =	dma.local @!p0 [hbm:s0], s1  }
0x105: {  	s0 =	simm.s32 @!p0 $0x7  }
0x106: {  	_ =	swait.ge @!p0 [sflag:s0], s1  }
0x107: {  	s1 =	ssub.s32 @!p0 $0x0, s1;
	[sflag:s0] =	ssyncset.done @!p0 $0x0  }
0x108: {  	[sflag:s0] =	ssyncadd.s32 @!p0 s1  }
0x109: {  	[bflag:$0x3] =	sbarrier.arrive $0xFFFF  }
0x10a: {  	_ =	shalt  }

// kernel: kernel.26.cloned.1.call-start
scs
__scs_entry_jumppad:
0x0: {  	(pc) =	sbr.rel $0x88, $3  }
0x1: {  	(tag) =	ssettag $0x0;
	lr =	simm.s32 $0x1  }
0x2: {  	[smem:$0x3F81] =	sst lr;
	_ =	strace $0xD0000000  }
0x3: {  	_ = 	snop  }
0x4: {  	_ = 	snop  }
0x5: {  	_ = 	snop  }
0x6: {  	_ = 	snop  }
0x7: {  	_ = 	snop  }
__scs_overlays_trampoline_lowered:
0x8: {  	[smem:$0x3F90] =	sst s0  }
0x9: {  	[smem:$0x3F91] =	sst s1  }
0xa: {  	[smem:$0x3F92] =	sst s2  }
0xb: {  	[smem:$0x3F93] =	sst s3  }
0xc: {  	[smem:$0x3F94] =	sst s4  }
0xd: {  	[smem:$0x3F95] =	sst s5  }
0xe: {  	[smem:$0x3F96] =	sst s6  }
0xf: {  	[smem:$0x3F97] =	sst s7  }
0x10: {  	[smem:$0x3F98] =	sst s8  }
0x11: {  	[smem:$0x3F99] =	sst s9;
	s0 =	simm.s32 @!p0 $0x0  }
0x12: {  	s1 =	sld [smem:$0x3F7F];
	s0 =	simm.s32 @p0 $0x1  }
0x13: {  	[smem:$0x3F9A] =	sst s0;
	s0 =	simm.s32 @!p1 $0x0  }
0x14: {  	s2 =	sld [smem:$0x3F7E];
	s0 =	simm.s32 @p1 $0x1  }
0x15: {  	[smem:$0x3F9B] =	sst s0;
	s0 =	simm.s32 @!p2 $0x0  }
0x16: {  	s3 =	sld [smem:$0x3FDB];
	s0 =	simm.s32 @p2 $0x1  }
0x17: {  	s4 =	simm.s32 $0x1BF5;
	[smem:$0x3F9D] =	sst s0  }
0x18: {  	s0 =	sld [smem:$0x3F80];
	_ =	swait.ge [sflag:s4], $0x0  }
0x19: {  	s7 =	sld [smem:$0x3F81]  }
0x1a: {  	s8 =	sadd.s32 $0xFFFFE003, lr  }
0x1b: {  	s9 =	sadd.s32 $0xFFFFFEF7, lr;
	s5 =	simm.s32 $0xFFFFFFFF;
	p2 =	slt.u32 s8, $0xFFFFF086  }
0x1c: {  	p1 =	slt.u32 s9, $0xF7A;
	s5 =	simm.s32 @!p2 $0x0  }
0x1d: {  	s5 =	simm.s32 @p1 $0x1;
	p0 =	seq.s32 s7, s2  }
0x1e: {  	s7 =	smul.u32 @!p0 $0xF7A, s2;
	p2 =	seq.s32 @!p0 s5, $0x0  }
0x1f: {  	s9 =	smul.u32 $0xF7A, s1;
	s8 =	simm.s32 @!p0 $0x1BF5;
	p2 =	por !p2, p0  }
0x20: {  	[sflag:s8] =	ssyncset.s32 @!p0 $0xFFFFF086;
	s6 =	sadd.s32 @!p0 s3, s7;
	s7 =	simm.s32 @!p0 $0x108  }
0x21: {  	s3 =	sadd.s32 s3, s9;
	s6 =	sadd.s32 @!p0 $0x88, s6;
	s7 =	simm.s32 @p2 $0x1082  }
0x22: {  	[simem:s7], [sflag:s8] =	dma.local @!p0 [hbm:s6], $0xF7A  }
0x23: {  	s9 =	sor.u32 $0xD0000000, s2;
	s6 =	simm.s32 $0x108;
	_ =	swait.ge @!p0 [sflag:s8], $0x0  }
0x24: {  	s3 =	sadd.s32 $0x88, s3;
	s6 =	simm.s32 @!p1 $0x1082;
	[sflag:s4] =	ssyncset.s32 $0xFFFFF086  }
0x25: {  	[simem:s6], [sflag:s4] =	dma.local [hbm:s3], $0xF7A  }
0x26: {  	[smem:$0x3F81] =	sst s1;
	(tag) =	ssettag s2;
	_ =	strace s9  }
0x27: {  	s1 =	sld [smem:$0x3F91]  }
0x28: {  	s2 =	sld [smem:$0x3F92]  }
0x29: {  	s4 =	sld [smem:$0x3F94]  }
0x2a: {  	p0 =	seq.s32 s5, $0x0;
	s5 =	sld [smem:$0x3F95]  }
0x2b: {  	s6 =	sld [smem:$0x3F96]  }
0x2c: {  	s7 =	sld [smem:$0x3F97]  }
0x2d: {  	s3 =	simm.s32 $0x108;
	s8 =	sld [smem:$0x3F98]  }
0x2e: {  	s3 =	simm.s32 @!p0 $0x1082;
	s9 =	sld [smem:$0x3F99]  }
0x2f: {  	lr =	sadd.s32 s0, s3;
	s0 =	sld [smem:$0x3F90]  }
0x30: {  	s3 =	sld [smem:$0x3F93]  }
0x31: {  	[smem:$0x3F9C] =	sst s10  }
0x32: {  	s10 =	sld [smem:$0x3F9A];
	_ =	sdelay $0x3  }
0x33: {  	p0 =	seq.s32 s10, $0x1;
	s10 =	sld [smem:$0x3F9C];
	_ =	sdelay $0x3  }
0x34: {  	[smem:$0x3F9C] =	sst s10  }
0x35: {  	s10 =	sld [smem:$0x3F9B];
	_ =	sdelay $0x3  }
0x36: {  	p1 =	seq.s32 s10, $0x1;
	s10 =	sld [smem:$0x3F9C];
	_ =	sdelay $0x3  }
0x37: {  	[smem:$0x3F9C] =	sst s10  }
0x38: {  	s10 =	sld [smem:$0x3F9D]  }
0x39: {  	_ = 	snop;
	(pc) =	sbr.ind lr, $3  }
0x3a: {  	_ = 	snop  }
0x3b: {  	_ = 	snop  }
0x3c: {  	p2 =	seq.s32 s10, $0x1;
	s10 =	sld [smem:$0x3F9C]  }
0x3d: {  	_ =	shalt  }
0x3e: {  	_ =	shalt  }
0x3f: {  	_ =	shalt  }
0x40: {  	_ =	shalt  }
0x41: {  	_ =	shalt  }
0x42: {  	_ =	shalt  }
0x43: {  	_ =	shalt  }
0x44: {  	_ =	shalt  }
0x45: {  	_ =	shalt  }
0x46: {  	_ =	shalt  }
0x47: {  	_ =	shalt  }
0x48: {  	_ =	shalt  }
0x49: {  	_ =	shalt  }
0x4a: {  	_ =	shalt  }
0x4b: {  	_ =	shalt  }
0x4c: {  	_ =	shalt  }
0x4d: {  	_ =	shalt  }
0x4e: {  	_ =	shalt  }
0x4f: {  	_ =	shalt  }
0x50: {  	_ =	shalt  }
0x51: {  	_ =	shalt  }
0x52: {  	_ =	shalt  }
0x53: {  	_ =	shalt  }
0x54: {  	_ =	shalt  }
0x55: {  	_ =	shalt  }
0x56: {  	_ =	shalt  }
0x57: {  	_ =	shalt  }
0x58: {  	_ =	shalt  }
0x59: {  	_ =	shalt  }
0x5a: {  	_ =	shalt  }
0x5b: {  	_ =	shalt  }
0x5c: {  	_ =	shalt  }
0x5d: {  	_ =	shalt  }
0x5e: {  	_ =	shalt  }
0x5f: {  	_ =	shalt  }
0x60: {  	_ =	shalt  }
0x61: {  	_ =	shalt  }
0x62: {  	_ =	shalt  }
0x63: {  	_ =	shalt  }
0x64: {  	_ =	shalt  }
0x65: {  	_ =	shalt  }
0x66: {  	_ =	shalt  }
0x67: {  	_ =	shalt  }
0x68: {  	_ =	shalt  }
0x69: {  	_ =	shalt  }
0x6a: {  	_ =	shalt  }
0x6b: {  	_ =	shalt  }
0x6c: {  	_ =	shalt  }
0x6d: {  	_ =	shalt  }
0x6e: {  	_ =	shalt  }
0x6f: {  	_ =	shalt  }
0x70: {  	_ =	shalt  }
0x71: {  	_ =	shalt  }
0x72: {  	_ =	shalt  }
0x73: {  	_ =	shalt  }
0x74: {  	_ =	shalt  }
0x75: {  	_ =	shalt  }
0x76: {  	_ =	shalt  }
0x77: {  	_ =	shalt  }
0x78: {  	_ =	shalt  }
0x79: {  	_ =	shalt  }
0x7a: {  	_ =	shalt  }
0x7b: {  	_ =	shalt  }
0x7c: {  	_ =	shalt  }
0x7d: {  	_ =	shalt  }
0x7e: {  	_ =	shalt  }
0x7f: {  	_ =	shalt  }
0x80: {  	_ =	shalt  }
0x81: {  	_ =	shalt  }
0x82: {  	_ =	shalt  }
0x83: {  	_ =	shalt  }
0x84: {  	_ =	shalt  }
0x85: {  	_ =	shalt  }
0x86: {  	_ =	shalt  }
0x87: {  	_ =	shalt  }
.Lfunc_end0:
.L_simem_size_0:
called_computation.4_lowered:
.L_overlay_start_0:
0x88: {  	s2 =	sld [smem:$0x3FD9]  }
0x89: {  	s3 =	sld [smem:$0x3FFE];
	_ =	sdelay $0x1  }
0x8a: {  	s1 =	srdreg.scid  }
0x8b: {  	s0 =	sand.u32 $0x1, s1  }
0x8c: {  	s17 =	sshll.u32 s0, $0xA;
	s2 =	sadd.s32 s3, s2  }
0x8d: {  	s2 =	sadd.s32 s2, s17  }
0x8e: {  	[smem:$0x3FA8] =	sst s2  }
0x8f: {  	_ = 	snop  }
0x90: {  	(tm) =	ssettm $0x1  }
0x91: {  	s18 =	sld [smem:$0x3FFB];
	_ =	sdelay $0x3  }
0x92: {  	_ =	strace s18  }
0x93: {  	s2 =	sld [smem:$0x3FFC];
	_ =	sdelay $0x3  }
0x94: {  	_ =	strace s2  }
0x95: {  	s2 =	sld [smem:$0x3FFD];
	_ =	sdelay $0x3  }
0x96: {  	_ =	strace s2  }
0x97: {  	_ =	strace $0x8FFFFFFF  }
0x98: {  	s19 =	sld [smem:$0x3FDB];
	_ =	sdelay $0x1  }
0x99: {  	s20 =	simm.s32 $_scs_section_size  }
0x9a: {  	s4 =	simm.s32 $_size__tile_overlayer_lowered;
	s5 =	simm.s32 $_tile_overlayer_lowered  }
0x9b: {  	s6 =	simm.s32 $0x1BFF;
	s21 =	sshll.u32 s5, $0x1;
	s3 =	sadd.s32 s20, s19  }
0x9c: {  	s22 =	simm.s32 $0x0;
	s4 =	sshll.u32 s4, $0x1;
	s5 =	sadd.s32 s21, s3  }
0x9d: {  	[timem:s22], [sflag:s6] =	dma.local [hbm:s5], s4  }
0x9e: {  	_ =	swait.ge [sflag:s6], s4  }
0x9f: {  	s4 =	ssub.s32 $0x0, s4;
	[sflag:s6] =	ssyncset.done $0x0  }
0xa0: {  	[sflag:s6] =	ssyncadd.s32 s4;
	_ =	sdelay $0x1  }
0xa1: {  	s23 =	simm.s32 $0x1B8B  }
0xa2: {  	_ =	swait.ge [sflag:s23], $0x1  }
0xa3: {  	[sflag:s23] =	ssyncset.done $0x0  }
0xa4: {  	[sflag:s23] =	ssyncadd.s32 $0xFFFFFFFF  }
0xa5: {  	s4 =	sld [smem:$0x0]  }
0xa6: {  	s5 =	sand.u32 $0xFFFFFFFE, s1  }
0xa7: {  	p0 =	sne.s32 s1, s5  }
0xa8: {  	s5 =	sshll.u32 @p0 s5, $0xE  }
0xa9: {  	s5 =	sadd.s32 @p0 $0x11B8D, s5;
	s6 =	sshll.u32 @p0 s4, $0x11  }
0xaa: {  	s5 =	sor.u32 @p0 s6, s5  }
0xab: {  	[sflag:s5] =	ssyncadd.remote.s32 @p0 $0x1;
	_ =	sdelay $0x1  }
0xac: {  	s5 =	simm.s32 @p0 $0x1B8D  }
0xad: {  	_ =	swait.eq @p0 [sflag:s5], $0x1  }
0xae: {  	[sflag:s5] =	ssyncadd.s32 @p0 $0xFFFFFFFF  }
0xaf: {  	s6 =	sshll.u32 @!p0 s1, $0xE  }
0xb0: {  	s6 =	sor.u32 @!p0 $0x4000, s6;
	s5 =	simm.s32 @!p0 $0x1B8D  }
0xb1: {  	s4 =	sshll.u32 @!p0 s4, $0x11;
	s6 =	sadd.s32 @!p0 $0x11B8D, s6;
	_ =	swait.eq @!p0 [sflag:s5], $0x1  }
0xb2: {  	s4 =	sor.u32 @!p0 s4, s6;
	[sflag:s5] =	ssyncadd.s32 @!p0 $0xFFFFFFFF  }
0xb3: {  	s25 =	simm.s32 $0x1B8E;
	s24 =	sld [smem:$0x3FFE];
	[sflag:s4] =	ssyncadd.remote.s32 @!p0 $0x1  }
0xb4: {  	s26 =	simm.s32 $execute0_lowered;
	[smem:$0x3FD2] =	sst s25  }
0xb5: {  	s5 =	sshll.u32 s26, $0x1;
	_ =	strace $0x80000052;
	[dreg:$0x1] =	wrdreg $0xFFFFFFFF  }
0xb6: {  	s28 =	simm.s32 $_size_execute0_lowered;
	s3 =	sadd.s32 s3, s5;
	[dreg:$0x0] =	wrdreg $0x0  }
0xb7: {  	s5 =	sshll.u32 s28, $0x1;
	[dreg:$0x2] =	wrdreg s3  }
0xb8: {  	[dreg:$0x3] =	wrdreg s5  }
0xb9: {  	[dreg:$0x4] =	wrdreg $0xC0  }
0xba: {  	_ =	task [dreg:s22], $0x5FFFF  }
0xbb: {  	[dreg:$0x1] =	wrdreg $0xFFFFFFFF  }
0xbc: {  	[dreg:$0x0] =	wrdreg $0x60  }
0xbd: {  	[dreg:$0x2] =	wrdreg s24  }
0xbe: {  	[dreg:$0x3] =	wrdreg $0xBD000  }
0xbf: {  	[dreg:$0x4] =	wrdreg $0x9  }
0xc0: {  	_ =	task.clear_ibuf [dreg:s22], $0x5FFFF;
	_ =	strace $0x90000052  }
0xc1: {  	s29 =	simm.s32 $0x9;
	_ =	strace $0x80000054  }
0xc2: {  	_ =	swait.ge [sflag:s29], $0x1  }
0xc3: {  	[sflag:s29] =	ssyncadd.s32 $0xFFFFFFFF  }
0xc4: {  	_ =	strace $0x90000054  }
0xc5: {  	_ =	sfence  }
0xc6: {  	s30 =	sld [smem:$0x0];
	_ =	sdelay $0x2  }
0xc7: {  	s31 =	sshll.u32 s1, $0xD;
	s1 =	sshrl.u32 s1, $0x2  }
0xc8: {  	s4 =	sand.u32 $0x4000, s31;
	s1 =	sadd.s32 s1, s30  }
0xc9: {  	s0 =	sor.u32 s4, s0;
	s1 =	sshll.u32 s1, $0x11  }
0xca: {  	s0 =	sor.u32 s1, s0  }
0xcb: {  	s0 =	sadd.s32 $0x8F2B, s0  }
0xcc: {  	[sflag:s0] =	ssyncadd.remote.s32 $0x1  }
0xcd: {  	_ =	sfence.sel $0xFFFF  }
0xce: {  	[dreg:$0x0] =	wrdreg $0xFFFFFFFF;
	(pc) =	sbr.abs _section_cstart, $3  }
0xcf: {  	[dreg:$0x1] =	wrdreg $0xFFFFFFFF  }
0xd0: {  	_ =	task.clear_ibuf [dreg:s22], $0x2FFFF;
	_ =	strace $0x9FFFFFFF  }
0xd1: {  	(tm) =	ssettm $0x7FFFFFFF  }
tec
execute0_lowered:
.L_overlay_start_1:
0x0: {  	(tag) =	ssettag $0x1  }
0x1: {  	s0 =	rddreg [dreg:$0x0]  }
0x2: {  	s1 =	rddreg [dreg:$0x1]  }
0x3: {  	s3 =	simm.s32 $0x0;
	s2 =	srdreg.scid;
	s14 =	stileid.u32  }
0x4: {  	s16 =	simm.s32 $0x400;
	s17 =	simm.s32 $0x78;
	s18 =	simm.s32 $0x900  }
0x5: {  	s19 =	simm.s32 $0x4500;
	s20 =	simm.s32 $0x8100;
	s28 =	simm.s32 $0x5  }
0x6: {  	s29 =	simm.s32 $0x200;
	s30 =	simm.s32 $0x3;
	s31 =	simm.s32 $0x500  }
0x7: {  	[smem:$0x7FF] =	sst s3;
	s4 =	sadd.s32 $0x85C00, s0;
	s7 =	smul.u32 $0x2780, s14  }
0x8: {  	s2 =	sand.u32 $0x1, s2;
	s5 =	sshll.u32 s14, $0x1;
	s13 =	smul.u32 $0x4F000, s14  }
0x9: {  	s6 =	sadd.s32 $0x8E00, s0;
	s8 =	sadd.s32 $0xEE00, s0;
	s24 =	smul.u32 $0x600, s14  }
0xa: {  	_ =	strace $0x80000053;
	s5 =	sor.u32 s2, s5;
	s10 =	smul.u32 $0x27800, s2  }
0xb: {  	s12 =	ssub.s32 $0x2, s2;
	s2 =	smul.u32 $0x300, s2;
	s9 =	sshll.u32 s5, $0x4  }
0xc: {  	s11 =	sadd.s32 s7, s0;
	s21 =	sshrl.u32 s12, $0x1;
	s5 =	smul.u32 $0x1800, s5  }
0xd: {  	s23 =	sshrl.u32 s13, $0x2;
	s25 =	sadd.s32 s24, s8;
	s13 =	simm.s32 $0x100  }
0xe: {  	s9 =	sadd.s32 s9, s0;
	s0 =	sadd.s32 s10, s0;
	s10 =	ssub.s32 s12, s21  }
0xf: {  	s11 =	sadd.s32 $0xD4000, s11;
	s12 =	simm.s32 $0x7;
	[dreg:$0x6] =	wrdreg s13  }
0x10: {  	s21 =	simm.s32 $0x1;
	s13 =	simm.s32 $0x780;
	s22 =	sadd.s32 $0x8A00, s9  }
0x11: {  	s9 =	sadd.s32 $0x8C00, s9;
	s5 =	sshrl.u32 s5, $0x3;
	[dreg:$0x9] =	wrdreg s11  }
0x12: {  	s11 =	sadd.s32 s2, s25;
	s0 =	sadd.s32 $0x14A800, s0;
	[dreg:$0x7] =	wrdreg s22  }
0x13: {  	s25 =	simm.s32 $0x2;
	[dreg:$0x8] =	wrdreg s9;
	s9 =	sadd.s32 s23, s1  }
0x14: {  	s5 =	sadd.s32 $0x280, s5;
	[dreg:$0x3] =	wrdreg s11;
	s11 =	simm.s32 $0x80  }
0x15: {  	s22 =	simm.s32 $0x4;
	s23 =	simm.s32 $0x180;
	s0 =	sadd.s32 s7, s0  }
0x16: {  	s7 =	simm.s32 $0x600;
	s26 =	sadd.s32 s6, s5;
	[dreg:$0x5] =	wrdreg s11  }
0x17: {  	s6 =	sadd.s32 s24, s6;
	s5 =	sadd.s32 s8, s5;
	[dreg:$0xf] =	wrdreg s0  }
0x18: {  	s8 =	smax.u32 s10, $0x1;
	s10 =	sshll.u32 s14, $0x6;
	[dreg:$0xa] =	wrdreg s26  }
0x19: {  	s15 =	sshrl.u32 s9, $0x3;
	s0 =	simm.s32 $0x6;
	[dreg:$0xb] =	wrdreg s5  }
0x1a: {  	s9 =	simm.s32 $0x680;
	s14 =	simm.s32 $0x0;
	[dreg:$0xc] =	wrdreg s8  }
0x1b: {  	s11 =	simm.s32 $0x700;
	s2 =	sadd.s32 s2, s6;
	[dreg:$0x10] =	wrdreg s14  }
0x1c: {  	s24 =	sor.u32 $0x1C07, s10;
	s26 =	simm.s32 $0x480;
	[dreg:$0xe] =	wrdreg s15  }
0x1d: {  	s5 =	simm.s32 $0x580;
	s6 =	simm.s32 $0x300;
	[dreg:$0x4] =	wrdreg s2  }
0x1e: {  	s8 =	simm.s32 $0x380;
	s2 =	simm.s32 $0x280;
	[dreg:$0xd] =	wrdreg s24  }
.LBB2_1:
0x1f: {  	s10 =	rddreg [dreg:$0x7];
	s14 =	simm.s32 $0x800  }
0x20: {  	[tilespmem:s14], [sflag:$0x7] =	stream.linear.gather [hbm4b:s10+s3], $0x80, $0x38;
	[tilespmem:$0x1F900] =	vst v63  }
0x21: {  	_ =	swait.ge [sflag:s12], $0x80  }
0x22: {  	[sflag:s12] =	ssyncset.done $0x0  }
0x23: {  	s14 =	simm.s32 $0x880;
	s10 =	rddreg [dreg:$0x8];
	[sflag:s12] =	ssyncadd.s32 $0xFFFFFF80  }
0x24: {  	[tilespmem:s14], [sflag:$0x7] =	stream.linear.gather [hbm4b:s10+s3], $0x80, $0x38;
	[tilespmem:$0x1F900] =	vst v63  }
0x25: {  	_ =	swait.ge [sflag:s12], $0x80  }
0x26: {  	[sflag:s12] =	ssyncset.done $0x0  }
0x27: {  	s14 =	rddreg [dreg:$0x9];
	[sflag:s12] =	ssyncadd.s32 $0xFFFFFF80  }
0x28: {  	[spmem:s15], [sflag:s24] =	dma.local [hbm:s14], $0x2780  }
0x29: {  	_ =	swait.ge [sflag:s12], $0x2780  }
0x2a: {  	[sflag:s12] =	ssyncset.done $0x0  }
0x2b: {  	[sflag:s12] =	ssyncadd.s32 $0xFFFFD880  }
0x2c: {  	[bflag:$0x0] =	sbarrier.arrive $0xFFFF  }
0x2d: {  	s24 =	rddreg [dreg:$0x4]  }
0x2e: {  	s10 =	sadd.s32 $0x0, s24  }
0x2f: {  	[tilespmem:s3], [sflag:$0x7] =	stream.linear.gather [hbm4b:s10+s3], $0x400, $0x38;
	[tilespmem:$0x1F900] =	vst v63  }
0x30: {  	_ =	swait.ge [sflag:s12], $0x400  }
0x31: {  	s14 =	rddreg [dreg:$0x3];
	[sflag:s12] =	ssyncset.done $0x0  }
0x32: {  	[sflag:s12] =	ssyncadd.s32 $0xFFFFFC00;
	s10 =	sadd.s32 $0x0, s14  }
0x33: {  	[tilespmem:s16], [sflag:$0x7] =	stream.linear.gather [hbm4b:s10+s3], $0x400, $0x38;
	[tilespmem:$0x1F900] =	vst v63  }
0x34: {  	_ =	swait.ge [sflag:s12], $0x400  }
0x35: {  	[sflag:s12] =	ssyncset.done $0x0  }
0x36: {  	[sflag:s12] =	ssyncadd.s32 $0xFFFFFC00  }
0x37: {  	[tilespmem:s18], [sflag:$0x1] =	stream.indirect.gather [hbm4b:s4+s17], $0x80, s3, s17, $0xb8;
	[tilespmem:$0x1F900] =	vst v63  }
0x38: {  	s15 =	rddreg [dreg:$0x5]  }
0x39: {  	[tilespmem:s19], [sflag:$0x2] =	stream.indirect.gather [hbm4b:s4+s17], $0x80, s15, s17, $0xb8;
	[tilespmem:$0x1F900] =	vst v63  }
0x3a: {  	s24 =	rddreg [dreg:$0x6]  }
0x3b: {  	[tilespmem:s20], [sflag:$0x3] =	stream.indirect.gather [hbm4b:s4+s17], $0x80, s24, s17, $0xb8;
	[tilespmem:$0x1F900] =	vst v63  }
0x3c: {  	_ =	swait.ge [sflag:s21], $0x3C00  }
0x3d: {  	[sflag:s21] =	ssyncset.done $0x0  }
0x3e: {  	[sflag:s21] =	ssyncadd.s32 $0xFFFFC400  }
0x3f: {  	[spmem:s1] =	stream.indirect.scatter.add.f32 [tilespmem:s18], [sflag:$0x4], $0x80, s16, s17, $0xb8;
	[tilespmem:$0x1F900] =	vst v63  }
0x40: {  	_ =	swait.ge [sflag:s22], $0x3C00  }
0x41: {  	[sflag:s22] =	ssyncset.done $0x0  }
0x42: {  	[sflag:s22] =	ssyncadd.s32 $0xFFFFC400  }
0x43: {  	[tilespmem:s18], [sflag:$0x1] =	stream.indirect.gather [hbm4b:s4+s17], $0x80, s23, s17, $0xb8;
	[tilespmem:$0x1F900] =	vst v63  }
0x44: {  	_ =	swait.ge [sflag:s25], $0x3C00  }
0x45: {  	[sflag:s25] =	ssyncset.done $0x0  }
0x46: {  	[sflag:s25] =	ssyncadd.s32 $0xFFFFC400  }
0x47: {  	[spmem:s1] =	stream.indirect.scatter.add.f32 [tilespmem:s19], [sflag:$0x5], $0x80, s26, s17, $0xb8;
	[tilespmem:$0x1F900] =	vst v63  }
0x48: {  	_ =	swait.ge [sflag:s28], $0x3C00  }
0x49: {  	[sflag:s28] =	ssyncset.done $0x0  }
0x4a: {  	[sflag:s28] =	ssyncadd.s32 $0xFFFFC400  }
0x4b: {  	[tilespmem:s19], [sflag:$0x2] =	stream.indirect.gather [hbm4b:s4+s17], $0x80, s29, s17, $0xb8;
	[tilespmem:$0x1F900] =	vst v63  }
0x4c: {  	_ =	swait.ge [sflag:s30], $0x3C00  }
0x4d: {  	[sflag:s30] =	ssyncset.done $0x0  }
0x4e: {  	[sflag:s30] =	ssyncadd.s32 $0xFFFFC400  }
0x4f: {  	[spmem:s1] =	stream.indirect.scatter.add.f32 [tilespmem:s20], [sflag:$0x6], $0x80, s31, s17, $0xb8;
	[tilespmem:$0x1F900] =	vst v63  }
0x50: {  	_ =	swait.ge [sflag:s0], $0x3C00  }
0x51: {  	[sflag:s0] =	ssyncset.done $0x0  }
0x52: {  	[sflag:s0] =	ssyncadd.s32 $0xFFFFC400  }
0x53: {  	[tilespmem:s20], [sflag:$0x3] =	stream.indirect.gather [hbm4b:s4+s17], $0x80, s2, s17, $0xb8;
	[tilespmem:$0x1F900] =	vst v63  }
0x54: {  	_ =	swait.ge [sflag:s21], $0x3C00  }
0x55: {  	[sflag:s21] =	ssyncset.done $0x0  }
0x56: {  	[sflag:s21] =	ssyncadd.s32 $0xFFFFC400  }
0x57: {  	[spmem:s1] =	stream.indirect.scatter.add.f32 [tilespmem:s18], [sflag:$0x4], $0x80, s5, s17, $0xb8;
	[tilespmem:$0x1F900] =	vst v63  }
0x58: {  	_ =	swait.ge [sflag:s22], $0x3C00  }
0x59: {  	[sflag:s22] =	ssyncset.done $0x0  }
0x5a: {  	[sflag:s22] =	ssyncadd.s32 $0xFFFFC400  }
0x5b: {  	[tilespmem:s18], [sflag:$0x1] =	stream.indirect.gather [hbm4b:s4+s17], $0x80, s6, s17, $0xb8;
	[tilespmem:$0x1F900] =	vst v63  }
0x5c: {  	_ =	swait.ge [sflag:s25], $0x3C00  }
0x5d: {  	[sflag:s25] =	ssyncset.done $0x0  }
0x5e: {  	[sflag:s25] =	ssyncadd.s32 $0xFFFFC400  }
0x5f: {  	[spmem:s1] =	stream.indirect.scatter.add.f32 [tilespmem:s19], [sflag:$0x5], $0x80, s7, s17, $0xb8;
	[tilespmem:$0x1F900] =	vst v63  }
0x60: {  	_ =	swait.ge [sflag:s28], $0x3C00  }
0x61: {  	[sflag:s28] =	ssyncset.done $0x0  }
0x62: {  	[sflag:s28] =	ssyncadd.s32 $0xFFFFC400  }
0x63: {  	[tilespmem:s19], [sflag:$0x2] =	stream.indirect.gather [hbm4b:s4+s17], $0x80, s8, s17, $0xb8;
	[tilespmem:$0x1F900] =	vst v63  }
0x64: {  	_ =	swait.ge [sflag:s30], $0x3C00  }
0x65: {  	[sflag:s30] =	ssyncset.done $0x0  }
0x66: {  	[sflag:s30] =	ssyncadd.s32 $0xFFFFC400  }
0x67: {  	[spmem:s1] =	stream.indirect.scatter.add.f32 [tilespmem:s20], [sflag:$0x6], $0x80, s9, s17, $0xb8;
	[tilespmem:$0x1F900] =	vst v63  }
0x68: {  	_ =	swait.ge [sflag:s21], $0x3C00  }
0x69: {  	[sflag:s21] =	ssyncset.done $0x0  }
0x6a: {  	[sflag:s21] =	ssyncadd.s32 $0xFFFFC400  }
0x6b: {  	[spmem:s1] =	stream.indirect.scatter.add.f32 [tilespmem:s18], [sflag:$0x4], $0x80, s11, s17, $0xb8;
	[tilespmem:$0x1F900] =	vst v63  }
0x6c: {  	_ =	swait.ge [sflag:s25], $0x3C00  }
0x6d: {  	[sflag:s25] =	ssyncset.done $0x0  }
0x6e: {  	[sflag:s25] =	ssyncadd.s32 $0xFFFFC400  }
0x6f: {  	[spmem:s1] =	stream.indirect.scatter.add.f32 [tilespmem:s19], [sflag:$0x5], $0x80, s13, s17, $0xb8;
	[tilespmem:$0x1F900] =	vst v63  }
0x70: {  	_ =	swait.ge [sflag:s22], $0x3C00  }
0x71: {  	[sflag:s22] =	ssyncset.done $0x0  }
0x72: {  	[sflag:s22] =	ssyncadd.s32 $0xFFFFC400  }
0x73: {  	_ =	swait.ge [sflag:s28], $0x3C00  }
0x74: {  	[sflag:s28] =	ssyncset.done $0x0  }
0x75: {  	[sflag:s28] =	ssyncadd.s32 $0xFFFFC400  }
0x76: {  	s10 =	simm.s32 $0x80;
	_ =	swait.ge [sflag:s0], $0x3C00  }
.LBB2_2:
0x77: {  	s14 =	rddreg [dreg:$0x4];
	s15 =	smov.u32 s10;
	[sflag:s0] =	ssyncset.done $0x0  }
0x78: {  	s14 =	sadd.s32 s15, s14;
	[sflag:s0] =	ssyncadd.s32 $0xFFFFC400  }
0x79: {  	[tilespmem:s3], [sflag:$0x7] =	stream.linear.gather [hbm4b:s14+s3], $0x400, $0x38;
	[tilespmem:$0x1F900] =	vst v63  }
0x7a: {  	_ =	swait.ge [sflag:s12], $0x400  }
0x7b: {  	s24 =	rddreg [dreg:$0x3];
	[sflag:s12] =	ssyncset.done $0x0  }
0x7c: {  	[sflag:s12] =	ssyncadd.s32 $0xFFFFFC00;
	s14 =	sadd.s32 s15, s24  }
0x7d: {  	[tilespmem:s16], [sflag:$0x7] =	stream.linear.gather [hbm4b:s14+s3], $0x400, $0x38;
	[tilespmem:$0x1F900] =	vst v63  }
0x7e: {  	_ =	swait.ge [sflag:s12], $0x400  }
0x7f: {  	[sflag:s12] =	ssyncset.done $0x0  }
0x80: {  	[sflag:s12] =	ssyncadd.s32 $0xFFFFFC00  }
0x81: {  	[tilespmem:s18], [sflag:$0x1] =	stream.indirect.gather [hbm4b:s4+s17], $0x80, s3, s17, $0xb8;
	[tilespmem:$0x1F900] =	vst v63  }
0x82: {  	s15 =	rddreg [dreg:$0x5]  }
0x83: {  	[tilespmem:s19], [sflag:$0x2] =	stream.indirect.gather [hbm4b:s4+s17], $0x80, s15, s17, $0xb8;
	[tilespmem:$0x1F900] =	vst v63  }
0x84: {  	s24 =	rddreg [dreg:$0x6]  }
0x85: {  	[tilespmem:s20], [sflag:$0x3] =	stream.indirect.gather [hbm4b:s4+s17], $0x80, s24, s17, $0xb8;
	[tilespmem:$0x1F900] =	vst v63  }
0x86: {  	_ =	swait.ge [sflag:s21], $0x3C00  }
0x87: {  	[sflag:s21] =	ssyncset.done $0x0  }
0x88: {  	[sflag:s21] =	ssyncadd.s32 $0xFFFFC400  }
0x89: {  	[spmem:s1] =	stream.indirect.scatter.add.f32 [tilespmem:s18], [sflag:$0x4], $0x80, s16, s17, $0xb8;
	[tilespmem:$0x1F900] =	vst v63  }
0x8a: {  	_ =	swait.ge [sflag:s22], $0x3C00  }
0x8b: {  	[sflag:s22] =	ssyncset.done $0x0  }
0x8c: {  	[sflag:s22] =	ssyncadd.s32 $0xFFFFC400  }
0x8d: {  	[tilespmem:s18], [sflag:$0x1] =	stream.indirect.gather [hbm4b:s4+s17], $0x80, s23, s17, $0xb8;
	[tilespmem:$0x1F900] =	vst v63  }
0x8e: {  	_ =	swait.ge [sflag:s25], $0x3C00  }
0x8f: {  	[sflag:s25] =	ssyncset.done $0x0  }
0x90: {  	[sflag:s25] =	ssyncadd.s32 $0xFFFFC400  }
0x91: {  	[spmem:s1] =	stream.indirect.scatter.add.f32 [tilespmem:s19], [sflag:$0x5], $0x80, s26, s17, $0xb8;
	[tilespmem:$0x1F900] =	vst v63  }
0x92: {  	_ =	swait.ge [sflag:s28], $0x3C00  }
0x93: {  	[sflag:s28] =	ssyncset.done $0x0  }
0x94: {  	[sflag:s28] =	ssyncadd.s32 $0xFFFFC400  }
0x95: {  	[tilespmem:s19], [sflag:$0x2] =	stream.indirect.gather [hbm4b:s4+s17], $0x80, s29, s17, $0xb8;
	[tilespmem:$0x1F900] =	vst v63  }
0x96: {  	_ =	swait.ge [sflag:s30], $0x3C00  }
0x97: {  	[sflag:s30] =	ssyncset.done $0x0  }
0x98: {  	[sflag:s30] =	ssyncadd.s32 $0xFFFFC400  }
0x99: {  	[spmem:s1] =	stream.indirect.scatter.add.f32 [tilespmem:s20], [sflag:$0x6], $0x80, s31, s17, $0xb8;
	[tilespmem:$0x1F900] =	vst v63  }
0x9a: {  	_ =	swait.ge [sflag:s0], $0x3C00  }
0x9b: {  	[sflag:s0] =	ssyncset.done $0x0  }
0x9c: {  	[sflag:s0] =	ssyncadd.s32 $0xFFFFC400  }
0x9d: {  	[tilespmem:s20], [sflag:$0x3] =	stream.indirect.gather [hbm4b:s4+s17], $0x80, s2, s17, $0xb8;
	[tilespmem:$0x1F900] =	vst v63  }
0x9e: {  	_ =	swait.ge [sflag:s21], $0x3C00  }
0x9f: {  	[sflag:s21] =	ssyncset.done $0x0  }
0xa0: {  	[sflag:s21] =	ssyncadd.s32 $0xFFFFC400  }
0xa1: {  	[spmem:s1] =	stream.indirect.scatter.add.f32 [tilespmem:s18], [sflag:$0x4], $0x80, s5, s17, $0xb8;
	[tilespmem:$0x1F900] =	vst v63  }
0xa2: {  	_ =	swait.ge [sflag:s22], $0x3C00  }
0xa3: {  	[sflag:s22] =	ssyncset.done $0x0  }
0xa4: {  	[sflag:s22] =	ssyncadd.s32 $0xFFFFC400  }
0xa5: {  	[tilespmem:s18], [sflag:$0x1] =	stream.indirect.gather [hbm4b:s4+s17], $0x80, s6, s17, $0xb8;
	[tilespmem:$0x1F900] =	vst v63  }
0xa6: {  	_ =	swait.ge [sflag:s25], $0x3C00  }
0xa7: {  	[sflag:s25] =	ssyncset.done $0x0  }
0xa8: {  	[sflag:s25] =	ssyncadd.s32 $0xFFFFC400  }
0xa9: {  	[spmem:s1] =	stream.indirect.scatter.add.f32 [tilespmem:s19], [sflag:$0x5], $0x80, s7, s17, $0xb8;
	[tilespmem:$0x1F900] =	vst v63  }
0xaa: {  	_ =	swait.ge [sflag:s28], $0x3C00  }
0xab: {  	[sflag:s28] =	ssyncset.done $0x0  }
0xac: {  	[sflag:s28] =	ssyncadd.s32 $0xFFFFC400  }
0xad: {  	[tilespmem:s19], [sflag:$0x2] =	stream.indirect.gather [hbm4b:s4+s17], $0x80, s8, s17, $0xb8;
	[tilespmem:$0x1F900] =	vst v63  }
0xae: {  	_ =	swait.ge [sflag:s30], $0x3C00  }
0xaf: {  	[sflag:s30] =	ssyncset.done $0x0  }
0xb0: {  	[sflag:s30] =	ssyncadd.s32 $0xFFFFC400  }
0xb1: {  	[spmem:s1] =	stream.indirect.scatter.add.f32 [tilespmem:s20], [sflag:$0x6], $0x80, s9, s17, $0xb8;
	[tilespmem:$0x1F900] =	vst v63  }
0xb2: {  	_ =	swait.ge [sflag:s21], $0x3C00  }
0xb3: {  	[sflag:s21] =	ssyncset.done $0x0  }
0xb4: {  	[sflag:s21] =	ssyncadd.s32 $0xFFFFC400  }
0xb5: {  	[spmem:s1] =	stream.indirect.scatter.add.f32 [tilespmem:s18], [sflag:$0x4], $0x80, s11, s17, $0xb8;
	[tilespmem:$0x1F900] =	vst v63  }
0xb6: {  	_ =	swait.ge [sflag:s25], $0x3C00  }
0xb7: {  	[sflag:s25] =	ssyncset.done $0x0  }
0xb8: {  	[sflag:s25] =	ssyncadd.s32 $0xFFFFC400  }
0xb9: {  	[spmem:s1] =	stream.indirect.scatter.add.f32 [tilespmem:s19], [sflag:$0x5], $0x80, s13, s17, $0xb8;
	[tilespmem:$0x1F900] =	vst v63  }
0xba: {  	_ =	swait.ge [sflag:s22], $0x3C00  }
0xbb: {  	p0 =	sne.s32 s10, $0x200;
	[sflag:s22] =	ssyncset.done $0x0  }
.Ltmp0:
0xbc: {  	[sflag:s22] =	ssyncadd.s32 $0xFFFFC400;
	(pc) =	sbr.rel @p0 .LBB2_2-.Ltmp0, $4  }
0xbd: {  	_ =	swait.ge [sflag:s28], $0x3C00  }
0xbe: {  	[sflag:s28] =	ssyncset.done $0x0  }
0xbf: {  	[sflag:s28] =	ssyncadd.s32 $0xFFFFC400  }
0xc0: {  	s10 =	sadd.s32 $0x80, s10;
	_ =	swait.ge [sflag:s0], $0x3C00  }
0xc1: {  	[sflag:s0] =	ssyncset.done $0x0  }
0xc2: {  	s10 =	rddreg [dreg:$0xa];
	[sflag:s0] =	ssyncadd.s32 $0xFFFFC400  }
0xc3: {  	[tilespmem:s3], [sflag:$0x7] =	stream.linear.gather [hbm4b:s10+s3], $0x400, $0x38;
	[tilespmem:$0x1F900] =	vst v63  }
0xc4: {  	_ =	swait.ge [sflag:s12], $0x400  }
0xc5: {  	[sflag:s12] =	ssyncset.done $0x0  }
0xc6: {  	s14 =	rddreg [dreg:$0xb];
	[sflag:s12] =	ssyncadd.s32 $0xFFFFFC00  }
0xc7: {  	[tilespmem:s16], [sflag:$0x7] =	stream.linear.gather [hbm4b:s14+s3], $0x400, $0x38;
	[tilespmem:$0x1F900] =	vst v63  }
0xc8: {  	_ =	swait.ge [sflag:s12], $0x400  }
0xc9: {  	[sflag:s12] =	ssyncset.done $0x0  }
0xca: {  	[sflag:s12] =	ssyncadd.s32 $0xFFFFFC00  }
0xcb: {  	[tilespmem:s18], [sflag:$0x1] =	stream.indirect.gather [hbm4b:s4+s17], $0x80, s3, s17, $0xb8;
	[tilespmem:$0x1F900] =	vst v63  }
0xcc: {  	_ =	swait.ge [sflag:s21], $0x3C00  }
0xcd: {  	[sflag:s21] =	ssyncset.done $0x0  }
0xce: {  	[sflag:s21] =	ssyncadd.s32 $0xFFFFC400  }
0xcf: {  	[spmem:s1] =	stream.indirect.scatter.add.f32 [tilespmem:s18], [sflag:$0x7], $0x80, s16, s17, $0xb8;
	[tilespmem:$0x1F900] =	vst v63  }
0xd0: {  	_ =	swait.ge [sflag:s12], $0x3C00  }
0xd1: {  	[sflag:s12] =	ssyncset.done $0x0  }
0xd2: {  	s15 =	simm.s32 $0x50;
	s14 =	simm.s32 $0x800;
	[sflag:s12] =	ssyncadd.s32 $0xFFFFC400  }
0xd3: {  	[tilespmem:s18], [sflag:$0x1] =	stream.indirect.gather [hbm4b:s4+s15], $0x80, s14, s15, $0xb8;
	[tilespmem:$0x1F900] =	vst v63  }
0xd4: {  	_ =	swait.ge [sflag:s21], $0x2800  }
0xd5: {  	[sflag:s21] =	ssyncset.done $0x0  }
0xd6: {  	s24 =	simm.s32 $0x880;
	[sflag:s21] =	ssyncadd.s32 $0xFFFFD800  }
0xd7: {  	[spmem:s1] =	stream.indirect.scatter.add.f32 [tilespmem:s18], [sflag:$0x7], $0x80, s24, s15, $0xb8;
	[tilespmem:$0x1F900] =	vst v63  }
0xd8: {  	_ =	swait.ge [sflag:s12], $0x2800  }
0xd9: {  	[sflag:s12] =	ssyncset.done $0x0  }
0xda: {  	[sflag:s12] =	ssyncadd.s32 $0xFFFFD800  }
0xdb: {  	[bflag:$0x0] =	sbarrier.arrive $0xFFFF  }
0xdc: {  	s24 =	rddreg [dreg:$0xd]  }
0xdd: {  	s15 =	rddreg [dreg:$0xe]  }
0xde: {  	s14 =	rddreg [dreg:$0xf]  }
0xdf: {  	[hbm:s14], [sflag:s24] =	dma.local [spmem:s15], $0x2780  }
0xe0: {  	_ =	swait.ge [sflag:s12], $0x2780  }
0xe1: {  	s10 =	rddreg [dreg:$0x10]  }
0xe2: {  	s14 =	sadd.s32 $0x1, s10;
	s10 =	rddreg [dreg:$0xc]  }
0xe3: {  	p0 =	sne.s32 s14, s10  }
.Ltmp1:
0xe4: {  	_ = 	snop;
	(pc) =	sbr.rel @p0 .LBB2_1-.Ltmp1, $3  }
0xe5: {  	_ =	sdelay $0x1  }
0xe6: {  	[sflag:s12] =	ssyncset.done $0x0  }
0xe7: {  	[sflag:s12] =	ssyncadd.s32 $0xFFFFD880;
	[dreg:$0x10] =	wrdreg s14  }
0xe8: {  	_ =	sfence.sel $0x180000  }
0xe9: {  	[bflag:$0x0] =	sbarrier.arrive $0xFFFF  }
0xea: {  	_ =	strace $0x90000053  }
0xeb: {  	s0 =	stileid.u32;
	[bflag:$0x2] =	sbarrier.arrive $0xFFFF  }
0xec: {  	p0 =	sne.s32 s0, $0x0;
	s0 =	rddreg [dreg:$0x2]  }
0xed: {  	s0 =	sadd.s32 @!p0 $0x100000, s0  }
0xee: {  	[sflag:s0] =	ssyncadd.tile.s32 @!p0 $0x1;
	_ =	shalt  }
.Lfunc_end2:
_tile_overlayer_lowered:
.L_overlay_start_2:
0xef: {  	(tag) =	ssettag $0x2  }
0xf0: {  	s0 =	rddreg [dreg:$0x0];
	s2 =	stileid.u32  }
0xf1: {  	s1 =	rddreg [dreg:$0x1];
	p0 =	sne.s32 s2, $0x0  }
0xf2: {  	s3 =	rddreg [dreg:$0x2];
	[bflag:$0x3] =	sbarrier.arrive $0xFFFF;
	s2 =	simm.s32 @!p0 $0x1C07  }
0xf3: {  	[timem:s3], [sflag:s2] =	dma.local @!p0 [hbm:s0], s1  }
0xf4: {  	s0 =	simm.s32 @!p0 $0x7  }
0xf5: {  	_ =	swait.ge @!p0 [sflag:s0], s1  }
0xf6: {  	s1 =	ssub.s32 @!p0 $0x0, s1;
	[sflag:s0] =	ssyncset.done @!p0 $0x0  }
0xf7: {  	[sflag:s0] =	ssyncadd.s32 @!p0 s1  }
0xf8: {  	[bflag:$0x3] =	sbarrier.arrive $0xFFFF  }
0xf9: {  	_ =	shalt  }

</sc_bundles>
